<compile_context>
chip_gen: v7x
topology: tpu7x:2x2x1
jax: 0.10.2.dev20260603
libtpu: 0.0.44.dev20260713+nightly
codegen_flags: <defaults>
</compile_context>

<pallas_src>
import functools

import jax
import jax.numpy as jnp
from jax import lax
from jax.experimental import pallas as pl
from jax.experimental.pallas import tpu as pltpu
from jax.experimental.pallas import tpu_sc as plsc

BATCH = 16384
DIM = 32
LANES = 16
TILE = 128
DEPTH = 8

_info = plsc.get_sparse_core_info()
_NC = _info.num_cores
_NS = _info.num_subcores
_NW = _NC * _NS
_BPW = BATCH // _NW
_NG = _BPW // LANES

_mesh = plsc.VectorSubcoreMesh(core_axis_name="c", subcore_axis_name="s")


@functools.partial(
    pl.kernel,
    mesh=_mesh,
    compiler_params=pltpu.CompilerParams(needs_layout_passes=False),
    out_type=jax.ShapeDtypeStruct((DIM, BATCH), jnp.float32),
    scratch_types=[
        pltpu.VMEM((_BPW,), jnp.int32),
        pltpu.VMEM((_BPW,), jnp.int32),
        pltpu.VMEM((DEPTH, DIM, TILE), jnp.float32),
        pltpu.VMEM((DEPTH, DIM, TILE), jnp.float32),
        pltpu.VMEM((DIM, _BPW), jnp.float32),
        [pltpu.SemaphoreType.DMA] * DEPTH,
        [pltpu.SemaphoreType.DMA] * DEPTH,
    ],
)
def _mf_sc(uidx_hbm, iidx_hbm, ut_hbm, it_hbm, out_hbm,
           uidx_v, iidx_v, ubufs, ibufs, ocols, semus, semis):
    wid = lax.axis_index("s") * _NC + lax.axis_index("c")
    base = wid * _BPW

    pltpu.sync_copy(uidx_hbm.at[pl.ds(base, _BPW)], uidx_v)
    pltpu.sync_copy(iidx_hbm.at[pl.ds(base, _BPW)], iidx_v)

    rows_lo = lax.iota(jnp.int32, LANES)
    rows_hi = rows_lo + LANES

    def fire(uvec, ivec, l):
        s = l % DEPTH
        off_u = pl.multiple_of((uvec[l] >> 7) << 7, TILE)
        off_i = pl.multiple_of((ivec[l] >> 7) << 7, TILE)
        pltpu.async_copy(ut_hbm.at[:, pl.ds(off_u, TILE)], ubufs.at[s],
                         semus[s])
        pltpu.async_copy(it_hbm.at[:, pl.ds(off_i, TILE)], ibufs.at[s],
                         semis[s])

    def drain_and_use(uvec, ivec, l, b):
        s = l % DEPTH
        pltpu.make_async_copy(ut_hbm.at[:, pl.ds(0, TILE)], ubufs.at[s],
                              semus[s]).wait()
        pltpu.make_async_copy(it_hbm.at[:, pl.ds(0, TILE)], ibufs.at[s],
                              semis[s]).wait()
        cu_vec = jnp.full((LANES,), uvec[l] & 127, dtype=jnp.int32)
        ci_vec = jnp.full((LANES,), ivec[l] & 127, dtype=jnp.int32)
        b_vec = jnp.full((LANES,), b, dtype=jnp.int32)
        for rows in (rows_lo, rows_hi):
            uv = plsc.load_gather(ubufs.at[s], [rows, cu_vec])
            iv = plsc.load_gather(ibufs.at[s], [rows, ci_vec])
            plsc.store_scatter(ocols, [rows, b_vec], uv * iv)

    uvec0 = uidx_v[pl.ds(0, LANES)]
    ivec0 = iidx_v[pl.ds(0, LANES)]
    for l in range(DEPTH):
        fire(uvec0, ivec0, l)

    def group(g, carry):
        uvec = uidx_v[pl.ds(g * LANES, LANES)]
        ivec = iidx_v[pl.ds(g * LANES, LANES)]
        uvec_n = uidx_v[pl.ds(g * LANES + LANES, LANES)]
        ivec_n = iidx_v[pl.ds(g * LANES + LANES, LANES)]
        for l in range(LANES):
            drain_and_use(uvec, ivec, l, g * LANES + l)
            if l < LANES - DEPTH:
                fire(uvec, ivec, l + DEPTH)
            else:
                fire(uvec_n, ivec_n, l + DEPTH - LANES)
        return carry

    lax.fori_loop(0, _NG - 1, group, 0)

    uvec = uidx_v[pl.ds((_NG - 1) * LANES, LANES)]
    ivec = iidx_v[pl.ds((_NG - 1) * LANES, LANES)]
    for l in range(LANES):
        drain_and_use(uvec, ivec, l, (_NG - 1) * LANES + l)
        if l < LANES - DEPTH:
            fire(uvec, ivec, l + DEPTH)

    pltpu.sync_copy(ocols, out_hbm.at[:, pl.ds(base, _BPW)])


def kernel(userIdx, itemIdx, uEmbd, iEmbd):
    out_t = _mf_sc(userIdx, itemIdx, uEmbd.T, iEmbd.T)
    return out_t.T

# --- scband reference (transcript-rebuilt; emitter-appended) ---
"""Pipeline reference for scband-mf-layer-75196287419112 (READ-ONLY COPY).

The authoritative reference and input builder live on the scoring server;
editing this copy changes nothing except your own understanding.
"""

import jax, jax.numpy as jnp
import numpy as np

USER_NUM = 1000000
ITEM_NUM = 1000000
DIM = 32
BATCH = 16384

def setup_inputs(seed: int = 0) -> dict:
    key = jax.random.key(seed)
    k1, k2, k3, k4 = jax.random.split(key, 4)
    userIdx = jax.random.randint(k1, (BATCH,), 0, USER_NUM, dtype=jnp.int64 if jax.config.jax_enable_x64 else jnp.int32).astype(jnp.int32)
    itemIdx = jax.random.randint(k2, (BATCH,), 0, ITEM_NUM, dtype=jnp.int64 if jax.config.jax_enable_x64 else jnp.int32).astype(jnp.int32)
    uEmbd = jax.random.normal(k3, (USER_NUM, DIM), dtype=jnp.float32)
    iEmbd = jax.random.normal(k4, (ITEM_NUM, DIM), dtype=jnp.float32)
    return {"userIdx": userIdx, "itemIdx": itemIdx, "uEmbd": uEmbd, "iEmbd": iEmbd}

def reference(userIdx, itemIdx, uEmbd, iEmbd):
    # uembd = self.uEmbd(userIdx); iembd = self.iEmbd(itemIdx); return uembd * iembd
    uembd = jnp.take(uEmbd, userIdx, axis=0)
    iembd = jnp.take(iEmbd, itemIdx, axis=0)
    return uembd * iembd

if __name__ == "__main__":
    import jax
    _d = setup_inputs()
    print(jax.jit(kernel)(*tuple(_d.values())))

</pallas_src>

<mosaic_0001>
#map = affine_map<(d0, d1) -> (0)>
#map1 = affine_map<(d0, d1) -> (0, 0)>
module attributes {stable_mosaic.version = 14 : i64} {
  func.func @_mf_sc(%arg0: i32, %arg1: i32, %arg2: memref<16384xi32, #tpu.memory_space<hbm>>, %arg3: memref<16384xi32, #tpu.memory_space<hbm>>, %arg4: memref<32x1000000xf32, #tpu.memory_space<hbm>>, %arg5: memref<32x1000000xf32, #tpu.memory_space<hbm>>, %arg6: memref<32x16384xf32, #tpu.memory_space<hbm>>, %arg7: memref<512xi32, #tpu.memory_space<vmem>>, %arg8: memref<512xi32, #tpu.memory_space<vmem>>, %arg9: memref<8x32x128xf32, #tpu.memory_space<vmem>>, %arg10: memref<8x32x128xf32, #tpu.memory_space<vmem>>, %arg11: memref<32x512xf32, #tpu.memory_space<vmem>>, %arg12: memref<!tpu.dma_semaphore, #tpu.memory_space<semaphore_mem>>, %arg13: memref<!tpu.dma_semaphore, #tpu.memory_space<semaphore_mem>>, %arg14: memref<!tpu.dma_semaphore, #tpu.memory_space<semaphore_mem>>, %arg15: memref<!tpu.dma_semaphore, #tpu.memory_space<semaphore_mem>>, %arg16: memref<!tpu.dma_semaphore, #tpu.memory_space<semaphore_mem>>, %arg17: memref<!tpu.dma_semaphore, #tpu.memory_space<semaphore_mem>>, %arg18: memref<!tpu.dma_semaphore, #tpu.memory_space<semaphore_mem>>, %arg19: memref<!tpu.dma_semaphore, #tpu.memory_space<semaphore_mem>>, %arg20: memref<!tpu.dma_semaphore, #tpu.memory_space<semaphore_mem>>, %arg21: memref<!tpu.dma_semaphore, #tpu.memory_space<semaphore_mem>>, %arg22: memref<!tpu.dma_semaphore, #tpu.memory_space<semaphore_mem>>, %arg23: memref<!tpu.dma_semaphore, #tpu.memory_space<semaphore_mem>>, %arg24: memref<!tpu.dma_semaphore, #tpu.memory_space<semaphore_mem>>, %arg25: memref<!tpu.dma_semaphore, #tpu.memory_space<semaphore_mem>>, %arg26: memref<!tpu.dma_semaphore, #tpu.memory_space<semaphore_mem>>, %arg27: memref<!tpu.dma_semaphore, #tpu.memory_space<semaphore_mem>>) attributes {dimension_semantics = [#tpu.dimension_semantics<core_parallel>, #tpu.dimension_semantics<subcore_parallel>], iteration_bounds = array<i64: 2, 16>, scalar_prefetch = 0 : i64, scratch_operands = 21 : i64, tpu.core_type = #tpu.core_type<sc_vector_subcore>, window_params = [{transform_indices = #map}, {transform_indices = #map}, {transform_indices = #map1}, {transform_indices = #map1}, {transform_indices = #map1}]} {
    %mul3A = arith.constant 2 : i32
    %mul3A_0 = arith.muli %arg1, %mul3A : i32
    %add3A = arith.addi %mul3A_0, %arg0 : i32
    %mul3A_1 = arith.constant 512 : i32
    %mul3A_2 = arith.muli %add3A, %mul3A_1 : i32
    "tpu.region"() ({
      %run_scoped3A = tpu.sem_alloc : memref<!tpu.dma_semaphore, #tpu.memory_space<semaphore_mem>>
      %dma_start3A_1736 = tpu.memref_slice %arg2[%mul3A_2] : memref<16384xi32, #tpu.memory_space<hbm>> -> memref<512xi32, #tpu.memory_space<hbm>>
      %dma_start3A_1737 = tpu.memref_slice %arg2[%mul3A_2] : memref<16384xi32, #tpu.memory_space<hbm>> -> memref<512xi32, #tpu.memory_space<hbm>>
      tpu.enqueue_dma source(%dma_start3A_1737 : memref<512xi32, #tpu.memory_space<hbm>>) target(%arg7 : memref<512xi32, #tpu.memory_space<vmem>>) target_semaphore(%run_scoped3A : memref<!tpu.dma_semaphore, #tpu.memory_space<semaphore_mem>>)
      %dma_wait3A_1738 = tpu.memref_slice %arg2[%mul3A_2] : memref<16384xi32, #tpu.memory_space<hbm>> -> memref<512xi32, #tpu.memory_space<hbm>>
      %dma_wait3A_1739 = tpu.memref_slice %arg2[%mul3A_2] : memref<16384xi32, #tpu.memory_space<hbm>> -> memref<512xi32, #tpu.memory_space<hbm>>
      tpu.wait_dma2 semaphore(%run_scoped3A : memref<!tpu.dma_semaphore, #tpu.memory_space<semaphore_mem>>) src(%dma_wait3A_1739 : memref<512xi32, #tpu.memory_space<hbm>>) dst(%arg7 : memref<512xi32, #tpu.memory_space<vmem>>)
      tpu.yield
    }) : () -> ()
    "tpu.region"() ({
      %run_scoped3A = tpu.sem_alloc : memref<!tpu.dma_semaphore, #tpu.memory_space<semaphore_mem>>
      %dma_start3A_1736 = tpu.memref_slice %arg3[%mul3A_2] : memref<16384xi32, #tpu.memory_space<hbm>> -> memref<512xi32, #tpu.memory_space<hbm>>
      %dma_start3A_1737 = tpu.memref_slice %arg3[%mul3A_2] : memref<16384xi32, #tpu.memory_space<hbm>> -> memref<512xi32, #tpu.memory_space<hbm>>
      tpu.enqueue_dma source(%dma_start3A_1737 : memref<512xi32, #tpu.memory_space<hbm>>) target(%arg8 : memref<512xi32, #tpu.memory_space<vmem>>) target_semaphore(%run_scoped3A : memref<!tpu.dma_semaphore, #tpu.memory_space<semaphore_mem>>)
      %dma_wait3A_1738 = tpu.memref_slice %arg3[%mul3A_2] : memref<16384xi32, #tpu.memory_space<hbm>> -> memref<512xi32, #tpu.memory_space<hbm>>
      %dma_wait3A_1739 = tpu.memref_slice %arg3[%mul3A_2] : memref<16384xi32, #tpu.memory_space<hbm>> -> memref<512xi32, #tpu.memory_space<hbm>>
      tpu.wait_dma2 semaphore(%run_scoped3A : memref<!tpu.dma_semaphore, #tpu.memory_space<semaphore_mem>>) src(%dma_wait3A_1739 : memref<512xi32, #tpu.memory_space<hbm>>) dst(%arg8 : memref<512xi32, #tpu.memory_space<vmem>>)
      tpu.yield
    }) : () -> ()
    %iota3A = tpu.iota {dimensions = array<i32: 0>} : vector<16xi32>
    %add3A_3 = arith.constant 16 : i32
    %add3A_4 = vector.broadcast %add3A_3 : i32 to vector<16xi32>
    %add3A_5 = arith.addi %iota3A, %add3A_4 : vector<16xi32>
    %get3A = arith.constant 0 : index
    %get3A_6 = tpu.vector_load %arg7[%get3A] {strides = array<i32>} : memref<512xi32, #tpu.memory_space<vmem>>, vector<16xi32>,
    %get3A_7 = arith.constant 0 : index
    %get3A_8 = tpu.vector_load %arg8[%get3A_7] {strides = array<i32>} : memref<512xi32, #tpu.memory_space<vmem>>, vector<16xi32>,
    %slice3A = vector.extract_strided_slice %get3A_6 {offsets = [0], sizes = [1], strides = [1]} : vector<16xi32> to vector<1xi32>
    %squeeze3A = vector.extract %slice3A[0] : i32 from vector<1xi32>
    %shift_right_arithmetic3A = arith.constant 7 : i32
    %shift_right_arithmetic3A_9 = arith.shrsi %squeeze3A, %shift_right_arithmetic3A : i32
    %shift_left3A = arith.constant 7 : i32
    %shift_left3A_10 = arith.shli %shift_right_arithmetic3A_9, %shift_left3A : i32
    %multiple_of3A = tpu.assume_multiple %shift_left3A_10, 128 : i32
    %slice3A_11 = vector.extract_strided_slice %get3A_8 {offsets = [0], sizes = [1], strides = [1]} : vector<16xi32> to vector<1xi32>
    %squeeze3A_12 = vector.extract %slice3A_11[0] : i32 from vector<1xi32>
    %shift_right_arithmetic3A_13 = arith.constant 7 : i32
    %shift_right_arithmetic3A_14 = arith.shrsi %squeeze3A_12, %shift_right_arithmetic3A_13 : i32
    %shift_left3A_15 = arith.constant 7 : i32
    %shift_left3A_16 = arith.shli %shift_right_arithmetic3A_14, %shift_left3A_15 : i32
    %multiple_of3A_17 = tpu.assume_multiple %shift_left3A_16, 128 : i32
    %dma_start3A = arith.constant 0 : i32
    %dma_start3A_18 = arith.constant 0 : i32
    %dma_start3A_19 = arith.constant 0 : i32
    %dma_start3A_20 = tpu.memref_slice %arg9[%dma_start3A, %dma_start3A_18, %dma_start3A_19] : memref<8x32x128xf32, #tpu.memory_space<vmem>> -> memref<1x32x128xf32, #tpu.memory_space<vmem>>
    %dma_start3A_21 = tpu.memref_squeeze %dma_start3A_20 : memref<1x32x128xf32, #tpu.memory_space<vmem>> -> memref<32x128xf32, #tpu.memory_space<vmem>>
    %dma_start3A_22 = arith.constant 0 : i32
    %dma_start3A_23 = tpu.memref_slice %arg4[%dma_start3A_22, %multiple_of3A] : memref<32x1000000xf32, #tpu.memory_space<hbm>> -> memref<32x128xf32, #tpu.memory_space<hbm>>
    %dma_start3A_24 = arith.constant 0 : i32
    %dma_start3A_25 = arith.constant 0 : i32
    %dma_start3A_26 = tpu.memref_slice %arg9[%dma_start3A, %dma_start3A_24, %dma_start3A_25] : memref<8x32x128xf32, #tpu.memory_space<vmem>> -> memref<1x32x128xf32, #tpu.memory_space<vmem>>
    %dma_start3A_27 = tpu.memref_squeeze %dma_start3A_26 : memref<1x32x128xf32, #tpu.memory_space<vmem>> -> memref<32x128xf32, #tpu.memory_space<vmem>>
    %dma_start3A_28 = arith.constant 0 : i32
    %dma_start3A_29 = tpu.memref_slice %arg4[%dma_start3A_28, %multiple_of3A] : memref<32x1000000xf32, #tpu.memory_space<hbm>> -> memref<32x128xf32, #tpu.memory_space<hbm>>
    tpu.enqueue_dma source(%dma_start3A_29 : memref<32x128xf32, #tpu.memory_space<hbm>>) target(%dma_start3A_27 : memref<32x128xf32, #tpu.memory_space<vmem>>) target_semaphore(%arg12 : memref<!tpu.dma_semaphore, #tpu.memory_space<semaphore_mem>>)
    %dma_start3A_30 = arith.constant 0 : i32
    %dma_start3A_31 = arith.constant 0 : i32
    %dma_start3A_32 = arith.constant 0 : i32
    %dma_start3A_33 = tpu.memref_slice %arg10[%dma_start3A_30, %dma_start3A_31, %dma_start3A_32] : memref<8x32x128xf32, #tpu.memory_space<vmem>> -> memref<1x32x128xf32, #tpu.memory_space<vmem>>
    %dma_start3A_34 = tpu.memref_squeeze %dma_start3A_33 : memref<1x32x128xf32, #tpu.memory_space<vmem>> -> memref<32x128xf32, #tpu.memory_space<vmem>>
    %dma_start3A_35 = arith.constant 0 : i32
    %dma_start3A_36 = tpu.memref_slice %arg5[%dma_start3A_35, %multiple_of3A_17] : memref<32x1000000xf32, #tpu.memory_space<hbm>> -> memref<32x128xf32, #tpu.memory_space<hbm>>
    %dma_start3A_37 = arith.constant 0 : i32
    %dma_start3A_38 = arith.constant 0 : i32
    %dma_start3A_39 = tpu.memref_slice %arg10[%dma_start3A_30, %dma_start3A_37, %dma_start3A_38] : memref<8x32x128xf32, #tpu.memory_space<vmem>> -> memref<1x32x128xf32, #tpu.memory_space<vmem>>
    %dma_start3A_40 = tpu.memref_squeeze %dma_start3A_39 : memref<1x32x128xf32, #tpu.memory_space<vmem>> -> memref<32x128xf32, #tpu.memory_space<vmem>>
    %dma_start3A_41 = arith.constant 0 : i32
    %dma_start3A_42 = tpu.memref_slice %arg5[%dma_start3A_41, %multiple_of3A_17] : memref<32x1000000xf32, #tpu.memory_space<hbm>> -> memref<32x128xf32, #tpu.memory_space<hbm>>
    tpu.enqueue_dma source(%dma_start3A_42 : memref<32x128xf32, #tpu.memory_space<hbm>>) target(%dma_start3A_40 : memref<32x128xf32, #tpu.memory_space<vmem>>) target_semaphore(%arg20 : memref<!tpu.dma_semaphore, #tpu.memory_space<semaphore_mem>>)
    %slice3A_43 = vector.extract_strided_slice %get3A_6 {offsets = [1], sizes = [1], strides = [1]} : vector<16xi32> to vector<1xi32>
    %squeeze3A_44 = vector.extract %slice3A_43[0] : i32 from vector<1xi32>
    %shift_right_arithmetic3A_45 = arith.constant 7 : i32
    %shift_right_arithmetic3A_46 = arith.shrsi %squeeze3A_44, %shift_right_arithmetic3A_45 : i32
    %shift_left3A_47 = arith.constant 7 : i32
    %shift_left3A_48 = arith.shli %shift_right_arithmetic3A_46, %shift_left3A_47 : i32
    %multiple_of3A_49 = tpu.assume_multiple %shift_left3A_48, 128 : i32
    %slice3A_50 = vector.extract_strided_slice %get3A_8 {offsets = [1], sizes = [1], strides = [1]} : vector<16xi32> to vector<1xi32>
    %squeeze3A_51 = vector.extract %slice3A_50[0] : i32 from vector<1xi32>
    %shift_right_arithmetic3A_52 = arith.constant 7 : i32
    %shift_right_arithmetic3A_53 = arith.shrsi %squeeze3A_51, %shift_right_arithmetic3A_52 : i32
    %shift_left3A_54 = arith.constant 7 : i32
    %shift_left3A_55 = arith.shli %shift_right_arithmetic3A_53, %shift_left3A_54 : i32
    %multiple_of3A_56 = tpu.assume_multiple %shift_left3A_55, 128 : i32
    %dma_start3A_57 = arith.constant 1 : i32
    %dma_start3A_58 = arith.constant 0 : i32
    %dma_start3A_59 = arith.constant 0 : i32
    %dma_start3A_60 = tpu.memref_slice %arg9[%dma_start3A_57, %dma_start3A_58, %dma_start3A_59] : memref<8x32x128xf32, #tpu.memory_space<vmem>> -> memref<1x32x128xf32, #tpu.memory_space<vmem>>
    %dma_start3A_61 = tpu.memref_squeeze %dma_start3A_60 : memref<1x32x128xf32, #tpu.memory_space<vmem>> -> memref<32x128xf32, #tpu.memory_space<vmem>>
    %dma_start3A_62 = arith.constant 0 : i32
    %dma_start3A_63 = tpu.memref_slice %arg4[%dma_start3A_62, %multiple_of3A_49] : memref<32x1000000xf32, #tpu.memory_space<hbm>> -> memref<32x128xf32, #tpu.memory_space<hbm>>
    %dma_start3A_64 = arith.constant 0 : i32
    %dma_start3A_65 = arith.constant 0 : i32
    %dma_start3A_66 = tpu.memref_slice %arg9[%dma_start3A_57, %dma_start3A_64, %dma_start3A_65] : memref<8x32x128xf32, #tpu.memory_space<vmem>> -> memref<1x32x128xf32, #tpu.memory_space<vmem>>
    %dma_start3A_67 = tpu.memref_squeeze %dma_start3A_66 : memref<1x32x128xf32, #tpu.memory_space<vmem>> -> memref<32x128xf32, #tpu.memory_space<vmem>>
    %dma_start3A_68 = arith.constant 0 : i32
    %dma_start3A_69 = tpu.memref_slice %arg4[%dma_start3A_68, %multiple_of3A_49] : memref<32x1000000xf32, #tpu.memory_space<hbm>> -> memref<32x128xf32, #tpu.memory_space<hbm>>
    tpu.enqueue_dma source(%dma_start3A_69 : memref<32x128xf32, #tpu.memory_space<hbm>>) target(%dma_start3A_67 : memref<32x128xf32, #tpu.memory_space<vmem>>) target_semaphore(%arg13 : memref<!tpu.dma_semaphore, #tpu.memory_space<semaphore_mem>>)
    %dma_start3A_70 = arith.constant 1 : i32
    %dma_start3A_71 = arith.constant 0 : i32
    %dma_start3A_72 = arith.constant 0 : i32
    %dma_start3A_73 = tpu.memref_slice %arg10[%dma_start3A_70, %dma_start3A_71, %dma_start3A_72] : memref<8x32x128xf32, #tpu.memory_space<vmem>> -> memref<1x32x128xf32, #tpu.memory_space<vmem>>
    %dma_start3A_74 = tpu.memref_squeeze %dma_start3A_73 : memref<1x32x128xf32, #tpu.memory_space<vmem>> -> memref<32x128xf32, #tpu.memory_space<vmem>>
    %dma_start3A_75 = arith.constant 0 : i32
    %dma_start3A_76 = tpu.memref_slice %arg5[%dma_start3A_75, %multiple_of3A_56] : memref<32x1000000xf32, #tpu.memory_space<hbm>> -> memref<32x128xf32, #tpu.memory_space<hbm>>
    %dma_start3A_77 = arith.constant 0 : i32
    %dma_start3A_78 = arith.constant 0 : i32
    %dma_start3A_79 = tpu.memref_slice %arg10[%dma_start3A_70, %dma_start3A_77, %dma_start3A_78] : memref<8x32x128xf32, #tpu.memory_space<vmem>> -> memref<1x32x128xf32, #tpu.memory_space<vmem>>
    %dma_start3A_80 = tpu.memref_squeeze %dma_start3A_79 : memref<1x32x128xf32, #tpu.memory_space<vmem>> -> memref<32x128xf32, #tpu.memory_space<vmem>>
    %dma_start3A_81 = arith.constant 0 : i32
    %dma_start3A_82 = tpu.memref_slice %arg5[%dma_start3A_81, %multiple_of3A_56] : memref<32x1000000xf32, #tpu.memory_space<hbm>> -> memref<32x128xf32, #tpu.memory_space<hbm>>
    tpu.enqueue_dma source(%dma_start3A_82 : memref<32x128xf32, #tpu.memory_space<hbm>>) target(%dma_start3A_80 : memref<32x128xf32, #tpu.memory_space<vmem>>) target_semaphore(%arg21 : memref<!tpu.dma_semaphore, #tpu.memory_space<semaphore_mem>>)
    %slice3A_83 = vector.extract_strided_slice %get3A_6 {offsets = [2], sizes = [1], strides = [1]} : vector<16xi32> to vector<1xi32>
    %squeeze3A_84 = vector.extract %slice3A_83[0] : i32 from vector<1xi32>
    %shift_right_arithmetic3A_85 = arith.constant 7 : i32
    %shift_right_arithmetic3A_86 = arith.shrsi %squeeze3A_84, %shift_right_arithmetic3A_85 : i32
    %shift_left3A_87 = arith.constant 7 : i32
    %shift_left3A_88 = arith.shli %shift_right_arithmetic3A_86, %shift_left3A_87 : i32
    %multiple_of3A_89 = tpu.assume_multiple %shift_left3A_88, 128 : i32
    %slice3A_90 = vector.extract_strided_slice %get3A_8 {offsets = [2], sizes = [1], strides = [1]} : vector<16xi32> to vector<1xi32>
    %squeeze3A_91 = vector.extract %slice3A_90[0] : i32 from vector<1xi32>
    %shift_right_arithmetic3A_92 = arith.constant 7 : i32
    %shift_right_arithmetic3A_93 = arith.shrsi %squeeze3A_91, %shift_right_arithmetic3A_92 : i32
    %shift_left3A_94 = arith.constant 7 : i32
    %shift_left3A_95 = arith.shli %shift_right_arithmetic3A_93, %shift_left3A_94 : i32
    %multiple_of3A_96 = tpu.assume_multiple %shift_left3A_95, 128 : i32
    %dma_start3A_97 = arith.constant 2 : i32
    %dma_start3A_98 = arith.constant 0 : i32
    %dma_start3A_99 = arith.constant 0 : i32
    %dma_start3A_100 = tpu.memref_slice %arg9[%dma_start3A_97, %dma_start3A_98, %dma_start3A_99] : memref<8x32x128xf32, #tpu.memory_space<vmem>> -> memref<1x32x128xf32, #tpu.memory_space<vmem>>
    %dma_start3A_101 = tpu.memref_squeeze %dma_start3A_100 : memref<1x32x128xf32, #tpu.memory_space<vmem>> -> memref<32x128xf32, #tpu.memory_space<vmem>>
    %dma_start3A_102 = arith.constant 0 : i32
    %dma_start3A_103 = tpu.memref_slice %arg4[%dma_start3A_102, %multiple_of3A_89] : memref<32x1000000xf32, #tpu.memory_space<hbm>> -> memref<32x128xf32, #tpu.memory_space<hbm>>
    %dma_start3A_104 = arith.constant 0 : i32
    %dma_start3A_105 = arith.constant 0 : i32
    %dma_start3A_106 = tpu.memref_slice %arg9[%dma_start3A_97, %dma_start3A_104, %dma_start3A_105] : memref<8x32x128xf32, #tpu.memory_space<vmem>> -> memref<1x32x128xf32, #tpu.memory_space<vmem>>
    %dma_start3A_107 = tpu.memref_squeeze %dma_start3A_106 : memref<1x32x128xf32, #tpu.memory_space<vmem>> -> memref<32x128xf32, #tpu.memory_space<vmem>>
    %dma_start3A_108 = arith.constant 0 : i32
    %dma_start3A_109 = tpu.memref_slice %arg4[%dma_start3A_108, %multiple_of3A_89] : memref<32x1000000xf32, #tpu.memory_space<hbm>> -> memref<32x128xf32, #tpu.memory_space<hbm>>
    tpu.enqueue_dma source(%dma_start3A_109 : memref<32x128xf32, #tpu.memory_space<hbm>>) target(%dma_start3A_107 : memref<32x128xf32, #tpu.memory_space<vmem>>) target_semaphore(%arg14 : memref<!tpu.dma_semaphore, #tpu.memory_space<semaphore_mem>>)
    %dma_start3A_110 = arith.constant 2 : i32
    %dma_start3A_111 = arith.constant 0 : i32
    %dma_start3A_112 = arith.constant 0 : i32
    %dma_start3A_113 = tpu.memref_slice %arg10[%dma_start3A_110, %dma_start3A_111, %dma_start3A_112] : memref<8x32x128xf32, #tpu.memory_space<vmem>> -> memref<1x32x128xf32, #tpu.memory_space<vmem>>
    %dma_start3A_114 = tpu.memref_squeeze %dma_start3A_113 : memref<1x32x128xf32, #tpu.memory_space<vmem>> -> memref<32x128xf32, #tpu.memory_space<vmem>>
    %dma_start3A_115 = arith.constant 0 : i32
    %dma_start3A_116 = tpu.memref_slice %arg5[%dma_start3A_115, %multiple_of3A_96] : memref<32x1000000xf32, #tpu.memory_space<hbm>> -> memref<32x128xf32, #tpu.memory_space<hbm>>
    %dma_start3A_117 = arith.constant 0 : i32
    %dma_start3A_118 = arith.constant 0 : i32
    %dma_start3A_119 = tpu.memref_slice %arg10[%dma_start3A_110, %dma_start3A_117, %dma_start3A_118] : memref<8x32x128xf32, #tpu.memory_space<vmem>> -> memref<1x32x128xf32, #tpu.memory_space<vmem>>
    %dma_start3A_120 = tpu.memref_squeeze %dma_start3A_119 : memref<1x32x128xf32, #tpu.memory_space<vmem>> -> memref<32x128xf32, #tpu.memory_space<vmem>>
    %dma_start3A_121 = arith.constant 0 : i32
    %dma_start3A_122 = tpu.memref_slice %arg5[%dma_start3A_121, %multiple_of3A_96] : memref<32x1000000xf32, #tpu.memory_space<hbm>> -> memref<32x128xf32, #tpu.memory_space<hbm>>
    tpu.enqueue_dma source(%dma_start3A_122 : memref<32x128xf32, #tpu.memory_space<hbm>>) target(%dma_start3A_120 : memref<32x128xf32, #tpu.memory_space<vmem>>) target_semaphore(%arg22 : memref<!tpu.dma_semaphore, #tpu.memory_space<semaphore_mem>>)
    %slice3A_123 = vector.extract_strided_slice %get3A_6 {offsets = [3], sizes = [1], strides = [1]} : vector<16xi32> to vector<1xi32>
    %squeeze3A_124 = vector.extract %slice3A_123[0] : i32 from vector<1xi32>
    %shift_right_arithmetic3A_125 = arith.constant 7 : i32
    %shift_right_arithmetic3A_126 = arith.shrsi %squeeze3A_124, %shift_right_arithmetic3A_125 : i32
    %shift_left3A_127 = arith.constant 7 : i32
    %shift_left3A_128 = arith.shli %shift_right_arithmetic3A_126, %shift_left3A_127 : i32
    %multiple_of3A_129 = tpu.assume_multiple %shift_left3A_128, 128 : i32
    %slice3A_130 = vector.extract_strided_slice %get3A_8 {offsets = [3], sizes = [1], strides = [1]} : vector<16xi32> to vector<1xi32>
    %squeeze3A_131 = vector.extract %slice3A_130[0] : i32 from vector<1xi32>
    %shift_right_arithmetic3A_132 = arith.constant 7 : i32
    %shift_right_arithmetic3A_133 = arith.shrsi %squeeze3A_131, %shift_right_arithmetic3A_132 : i32
    %shift_left3A_134 = arith.constant 7 : i32
    %shift_left3A_135 = arith.shli %shift_right_arithmetic3A_133, %shift_left3A_134 : i32
    %multiple_of3A_136 = tpu.assume_multiple %shift_left3A_135, 128 : i32
    %dma_start3A_137 = arith.constant 3 : i32
    %dma_start3A_138 = arith.constant 0 : i32
    %dma_start3A_139 = arith.constant 0 : i32
    %dma_start3A_140 = tpu.memref_slice %arg9[%dma_start3A_137, %dma_start3A_138, %dma_start3A_139] : memref<8x32x128xf32, #tpu.memory_space<vmem>> -> memref<1x32x128xf32, #tpu.memory_space<vmem>>
    %dma_start3A_141 = tpu.memref_squeeze %dma_start3A_140 : memref<1x32x128xf32, #tpu.memory_space<vmem>> -> memref<32x128xf32, #tpu.memory_space<vmem>>
    %dma_start3A_142 = arith.constant 0 : i32
    %dma_start3A_143 = tpu.memref_slice %arg4[%dma_start3A_142, %multiple_of3A_129] : memref<32x1000000xf32, #tpu.memory_space<hbm>> -> memref<32x128xf32, #tpu.memory_space<hbm>>
    %dma_start3A_144 = arith.constant 0 : i32
    %dma_start3A_145 = arith.constant 0 : i32
    %dma_start3A_146 = tpu.memref_slice %arg9[%dma_start3A_137, %dma_start3A_144, %dma_start3A_145] : memref<8x32x128xf32, #tpu.memory_space<vmem>> -> memref<1x32x128xf32, #tpu.memory_space<vmem>>
    %dma_start3A_147 = tpu.memref_squeeze %dma_start3A_146 : memref<1x32x128xf32, #tpu.memory_space<vmem>> -> memref<32x128xf32, #tpu.memory_space<vmem>>
    %dma_start3A_148 = arith.constant 0 : i32
    %dma_start3A_149 = tpu.memref_slice %arg4[%dma_start3A_148, %multiple_of3A_129] : memref<32x1000000xf32, #tpu.memory_space<hbm>> -> memref<32x128xf32, #tpu.memory_space<hbm>>
    tpu.enqueue_dma source(%dma_start3A_149 : memref<32x128xf32, #tpu.memory_space<hbm>>) target(%dma_start3A_147 : memref<32x128xf32, #tpu.memory_space<vmem>>) target_semaphore(%arg15 : memref<!tpu.dma_semaphore, #tpu.memory_space<semaphore_mem>>)
    %dma_start3A_150 = arith.constant 3 : i32
    %dma_start3A_151 = arith.constant 0 : i32
    %dma_start3A_152 = arith.constant 0 : i32
    %dma_start3A_153 = tpu.memref_slice %arg10[%dma_start3A_150, %dma_start3A_151, %dma_start3A_152] : memref<8x32x128xf32, #tpu.memory_space<vmem>> -> memref<1x32x128xf32, #tpu.memory_space<vmem>>
    %dma_start3A_154 = tpu.memref_squeeze %dma_start3A_153 : memref<1x32x128xf32, #tpu.memory_space<vmem>> -> memref<32x128xf32, #tpu.memory_space<vmem>>
    %dma_start3A_155 = arith.constant 0 : i32
    %dma_start3A_156 = tpu.memref_slice %arg5[%dma_start3A_155, %multiple_of3A_136] : memref<32x1000000xf32, #tpu.memory_space<hbm>> -> memref<32x128xf32, #tpu.memory_space<hbm>>
    %dma_start3A_157 = arith.constant 0 : i32
    %dma_start3A_158 = arith.constant 0 : i32
    %dma_start3A_159 = tpu.memref_slice %arg10[%dma_start3A_150, %dma_start3A_157, %dma_start3A_158] : memref<8x32x128xf32, #tpu.memory_space<vmem>> -> memref<1x32x128xf32, #tpu.memory_space<vmem>>
    %dma_start3A_160 = tpu.memref_squeeze %dma_start3A_159 : memref<1x32x128xf32, #tpu.memory_space<vmem>> -> memref<32x128xf32, #tpu.memory_space<vmem>>
    %dma_start3A_161 = arith.constant 0 : i32
    %dma_start3A_162 = tpu.memref_slice %arg5[%dma_start3A_161, %multiple_of3A_136] : memref<32x1000000xf32, #tpu.memory_space<hbm>> -> memref<32x128xf32, #tpu.memory_space<hbm>>
    tpu.enqueue_dma source(%dma_start3A_162 : memref<32x128xf32, #tpu.memory_space<hbm>>) target(%dma_start3A_160 : memref<32x128xf32, #tpu.memory_space<vmem>>) target_semaphore(%arg23 : memref<!tpu.dma_semaphore, #tpu.memory_space<semaphore_mem>>)
    %slice3A_163 = vector.extract_strided_slice %get3A_6 {offsets = [4], sizes = [1], strides = [1]} : vector<16xi32> to vector<1xi32>
    %squeeze3A_164 = vector.extract %slice3A_163[0] : i32 from vector<1xi32>
    %shift_right_arithmetic3A_165 = arith.constant 7 : i32
    %shift_right_arithmetic3A_166 = arith.shrsi %squeeze3A_164, %shift_right_arithmetic3A_165 : i32
    %shift_left3A_167 = arith.constant 7 : i32
    %shift_left3A_168 = arith.shli %shift_right_arithmetic3A_166, %shift_left3A_167 : i32
    %multiple_of3A_169 = tpu.assume_multiple %shift_left3A_168, 128 : i32
    %slice3A_170 = vector.extract_strided_slice %get3A_8 {offsets = [4], sizes = [1], strides = [1]} : vector<16xi32> to vector<1xi32>
    %squeeze3A_171 = vector.extract %slice3A_170[0] : i32 from vector<1xi32>
    %shift_right_arithmetic3A_172 = arith.constant 7 : i32
    %shift_right_arithmetic3A_173 = arith.shrsi %squeeze3A_171, %shift_right_arithmetic3A_172 : i32
    %shift_left3A_174 = arith.constant 7 : i32
    %shift_left3A_175 = arith.shli %shift_right_arithmetic3A_173, %shift_left3A_174 : i32
    %multiple_of3A_176 = tpu.assume_multiple %shift_left3A_175, 128 : i32
    %dma_start3A_177 = arith.constant 4 : i32
    %dma_start3A_178 = arith.constant 0 : i32
    %dma_start3A_179 = arith.constant 0 : i32
    %dma_start3A_180 = tpu.memref_slice %arg9[%dma_start3A_177, %dma_start3A_178, %dma_start3A_179] : memref<8x32x128xf32, #tpu.memory_space<vmem>> -> memref<1x32x128xf32, #tpu.memory_space<vmem>>
    %dma_start3A_181 = tpu.memref_squeeze %dma_start3A_180 : memref<1x32x128xf32, #tpu.memory_space<vmem>> -> memref<32x128xf32, #tpu.memory_space<vmem>>
    %dma_start3A_182 = arith.constant 0 : i32
    %dma_start3A_183 = tpu.memref_slice %arg4[%dma_start3A_182, %multiple_of3A_169] : memref<32x1000000xf32, #tpu.memory_space<hbm>> -> memref<32x128xf32, #tpu.memory_space<hbm>>
    %dma_start3A_184 = arith.constant 0 : i32
    %dma_start3A_185 = arith.constant 0 : i32
    %dma_start3A_186 = tpu.memref_slice %arg9[%dma_start3A_177, %dma_start3A_184, %dma_start3A_185] : memref<8x32x128xf32, #tpu.memory_space<vmem>> -> memref<1x32x128xf32, #tpu.memory_space<vmem>>
    %dma_start3A_187 = tpu.memref_squeeze %dma_start3A_186 : memref<1x32x128xf32, #tpu.memory_space<vmem>> -> memref<32x128xf32, #tpu.memory_space<vmem>>
    %dma_start3A_188 = arith.constant 0 : i32
    %dma_start3A_189 = tpu.memref_slice %arg4[%dma_start3A_188, %multiple_of3A_169] : memref<32x1000000xf32, #tpu.memory_space<hbm>> -> memref<32x128xf32, #tpu.memory_space<hbm>>
    tpu.enqueue_dma source(%dma_start3A_189 : memref<32x128xf32, #tpu.memory_space<hbm>>) target(%dma_start3A_187 : memref<32x128xf32, #tpu.memory_space<vmem>>) target_semaphore(%arg16 : memref<!tpu.dma_semaphore, #tpu.memory_space<semaphore_mem>>)
    %dma_start3A_190 = arith.constant 4 : i32
    %dma_start3A_191 = arith.constant 0 : i32
    %dma_start3A_192 = arith.constant 0 : i32
    %dma_start3A_193 = tpu.memref_slice %arg10[%dma_start3A_190, %dma_start3A_191, %dma_start3A_192] : memref<8x32x128xf32, #tpu.memory_space<vmem>> -> memref<1x32x128xf32, #tpu.memory_space<vmem>>
    %dma_start3A_194 = tpu.memref_squeeze %dma_start3A_193 : memref<1x32x128xf32, #tpu.memory_space<vmem>> -> memref<32x128xf32, #tpu.memory_space<vmem>>
    %dma_start3A_195 = arith.constant 0 : i32
    %dma_start3A_196 = tpu.memref_slice %arg5[%dma_start3A_195, %multiple_of3A_176] : memref<32x1000000xf32, #tpu.memory_space<hbm>> -> memref<32x128xf32, #tpu.memory_space<hbm>>
    %dma_start3A_197 = arith.constant 0 : i32
    %dma_start3A_198 = arith.constant 0 : i32
    %dma_start3A_199 = tpu.memref_slice %arg10[%dma_start3A_190, %dma_start3A_197, %dma_start3A_198] : memref<8x32x128xf32, #tpu.memory_space<vmem>> -> memref<1x32x128xf32, #tpu.memory_space<vmem>>
    %dma_start3A_200 = tpu.memref_squeeze %dma_start3A_199 : memref<1x32x128xf32, #tpu.memory_space<vmem>> -> memref<32x128xf32, #tpu.memory_space<vmem>>
    %dma_start3A_201 = arith.constant 0 : i32
    %dma_start3A_202 = tpu.memref_slice %arg5[%dma_start3A_201, %multiple_of3A_176] : memref<32x1000000xf32, #tpu.memory_space<hbm>> -> memref<32x128xf32, #tpu.memory_space<hbm>>
    tpu.enqueue_dma source(%dma_start3A_202 : memref<32x128xf32, #tpu.memory_space<hbm>>) target(%dma_start3A_200 : memref<32x128xf32, #tpu.memory_space<vmem>>) target_semaphore(%arg24 : memref<!tpu.dma_semaphore, #tpu.memory_space<semaphore_mem>>)
    %slice3A_203 = vector.extract_strided_slice %get3A_6 {offsets = [5], sizes = [1], strides = [1]} : vector<16xi32> to vector<1xi32>
    %squeeze3A_204 = vector.extract %slice3A_203[0] : i32 from vector<1xi32>
    %shift_right_arithmetic3A_205 = arith.constant 7 : i32
    %shift_right_arithmetic3A_206 = arith.shrsi %squeeze3A_204, %shift_right_arithmetic3A_205 : i32
    %shift_left3A_207 = arith.constant 7 : i32
    %shift_left3A_208 = arith.shli %shift_right_arithmetic3A_206, %shift_left3A_207 : i32
    %multiple_of3A_209 = tpu.assume_multiple %shift_left3A_208, 128 : i32
    %slice3A_210 = vector.extract_strided_slice %get3A_8 {offsets = [5], sizes = [1], strides = [1]} : vector<16xi32> to vector<1xi32>
    %squeeze3A_211 = vector.extract %slice3A_210[0] : i32 from vector<1xi32>
    %shift_right_arithmetic3A_212 = arith.constant 7 : i32
    %shift_right_arithmetic3A_213 = arith.shrsi %squeeze3A_211, %shift_right_arithmetic3A_212 : i32
    %shift_left3A_214 = arith.constant 7 : i32
    %shift_left3A_215 = arith.shli %shift_right_arithmetic3A_213, %shift_left3A_214 : i32
    %multiple_of3A_216 = tpu.assume_multiple %shift_left3A_215, 128 : i32
    %dma_start3A_217 = arith.constant 5 : i32
    %dma_start3A_218 = arith.constant 0 : i32
    %dma_start3A_219 = arith.constant 0 : i32
    %dma_start3A_220 = tpu.memref_slice %arg9[%dma_start3A_217, %dma_start3A_218, %dma_start3A_219] : memref<8x32x128xf32, #tpu.memory_space<vmem>> -> memref<1x32x128xf32, #tpu.memory_space<vmem>>
    %dma_start3A_221 = tpu.memref_squeeze %dma_start3A_220 : memref<1x32x128xf32, #tpu.memory_space<vmem>> -> memref<32x128xf32, #tpu.memory_space<vmem>>
    %dma_start3A_222 = arith.constant 0 : i32
    %dma_start3A_223 = tpu.memref_slice %arg4[%dma_start3A_222, %multiple_of3A_209] : memref<32x1000000xf32, #tpu.memory_space<hbm>> -> memref<32x128xf32, #tpu.memory_space<hbm>>
    %dma_start3A_224 = arith.constant 0 : i32
    %dma_start3A_225 = arith.constant 0 : i32
    %dma_start3A_226 = tpu.memref_slice %arg9[%dma_start3A_217, %dma_start3A_224, %dma_start3A_225] : memref<8x32x128xf32, #tpu.memory_space<vmem>> -> memref<1x32x128xf32, #tpu.memory_space<vmem>>
    %dma_start3A_227 = tpu.memref_squeeze %dma_start3A_226 : memref<1x32x128xf32, #tpu.memory_space<vmem>> -> memref<32x128xf32, #tpu.memory_space<vmem>>
    %dma_start3A_228 = arith.constant 0 : i32
    %dma_start3A_229 = tpu.memref_slice %arg4[%dma_start3A_228, %multiple_of3A_209] : memref<32x1000000xf32, #tpu.memory_space<hbm>> -> memref<32x128xf32, #tpu.memory_space<hbm>>
    tpu.enqueue_dma source(%dma_start3A_229 : memref<32x128xf32, #tpu.memory_space<hbm>>) target(%dma_start3A_227 : memref<32x128xf32, #tpu.memory_space<vmem>>) target_semaphore(%arg17 : memref<!tpu.dma_semaphore, #tpu.memory_space<semaphore_mem>>)
    %dma_start3A_230 = arith.constant 5 : i32
    %dma_start3A_231 = arith.constant 0 : i32
    %dma_start3A_232 = arith.constant 0 : i32
    %dma_start3A_233 = tpu.memref_slice %arg10[%dma_start3A_230, %dma_start3A_231, %dma_start3A_232] : memref<8x32x128xf32, #tpu.memory_space<vmem>> -> memref<1x32x128xf32, #tpu.memory_space<vmem>>
    %dma_start3A_234 = tpu.memref_squeeze %dma_start3A_233 : memref<1x32x128xf32, #tpu.memory_space<vmem>> -> memref<32x128xf32, #tpu.memory_space<vmem>>
    %dma_start3A_235 = arith.constant 0 : i32
    %dma_start3A_236 = tpu.memref_slice %arg5[%dma_start3A_235, %multiple_of3A_216] : memref<32x1000000xf32, #tpu.memory_space<hbm>> -> memref<32x128xf32, #tpu.memory_space<hbm>>
    %dma_start3A_237 = arith.constant 0 : i32
    %dma_start3A_238 = arith.constant 0 : i32
    %dma_start3A_239 = tpu.memref_slice %arg10[%dma_start3A_230, %dma_start3A_237, %dma_start3A_238] : memref<8x32x128xf32, #tpu.memory_space<vmem>> -> memref<1x32x128xf32, #tpu.memory_space<vmem>>
    %dma_start3A_240 = tpu.memref_squeeze %dma_start3A_239 : memref<1x32x128xf32, #tpu.memory_space<vmem>> -> memref<32x128xf32, #tpu.memory_space<vmem>>
    %dma_start3A_241 = arith.constant 0 : i32
    %dma_start3A_242 = tpu.memref_slice %arg5[%dma_start3A_241, %multiple_of3A_216] : memref<32x1000000xf32, #tpu.memory_space<hbm>> -> memref<32x128xf32, #tpu.memory_space<hbm>>
    tpu.enqueue_dma source(%dma_start3A_242 : memref<32x128xf32, #tpu.memory_space<hbm>>) target(%dma_start3A_240 : memref<32x128xf32, #tpu.memory_space<vmem>>) target_semaphore(%arg25 : memref<!tpu.dma_semaphore, #tpu.memory_space<semaphore_mem>>)
    %slice3A_243 = vector.extract_strided_slice %get3A_6 {offsets = [6], sizes = [1], strides = [1]} : vector<16xi32> to vector<1xi32>
    %squeeze3A_244 = vector.extract %slice3A_243[0] : i32 from vector<1xi32>
    %shift_right_arithmetic3A_245 = arith.constant 7 : i32
    %shift_right_arithmetic3A_246 = arith.shrsi %squeeze3A_244, %shift_right_arithmetic3A_245 : i32
    %shift_left3A_247 = arith.constant 7 : i32
    %shift_left3A_248 = arith.shli %shift_right_arithmetic3A_246, %shift_left3A_247 : i32
    %multiple_of3A_249 = tpu.assume_multiple %shift_left3A_248, 128 : i32
    %slice3A_250 = vector.extract_strided_slice %get3A_8 {offsets = [6], sizes = [1], strides = [1]} : vector<16xi32> to vector<1xi32>
    %squeeze3A_251 = vector.extract %slice3A_250[0] : i32 from vector<1xi32>
    %shift_right_arithmetic3A_252 = arith.constant 7 : i32
    %shift_right_arithmetic3A_253 = arith.shrsi %squeeze3A_251, %shift_right_arithmetic3A_252 : i32
    %shift_left3A_254 = arith.constant 7 : i32
    %shift_left3A_255 = arith.shli %shift_right_arithmetic3A_253, %shift_left3A_254 : i32
    %multiple_of3A_256 = tpu.assume_multiple %shift_left3A_255, 128 : i32
    %dma_start3A_257 = arith.constant 6 : i32
    %dma_start3A_258 = arith.constant 0 : i32
    %dma_start3A_259 = arith.constant 0 : i32
    %dma_start3A_260 = tpu.memref_slice %arg9[%dma_start3A_257, %dma_start3A_258, %dma_start3A_259] : memref<8x32x128xf32, #tpu.memory_space<vmem>> -> memref<1x32x128xf32, #tpu.memory_space<vmem>>
    %dma_start3A_261 = tpu.memref_squeeze %dma_start3A_260 : memref<1x32x128xf32, #tpu.memory_space<vmem>> -> memref<32x128xf32, #tpu.memory_space<vmem>>
    %dma_start3A_262 = arith.constant 0 : i32
    %dma_start3A_263 = tpu.memref_slice %arg4[%dma_start3A_262, %multiple_of3A_249] : memref<32x1000000xf32, #tpu.memory_space<hbm>> -> memref<32x128xf32, #tpu.memory_space<hbm>>
    %dma_start3A_264 = arith.constant 0 : i32
    %dma_start3A_265 = arith.constant 0 : i32
    %dma_start3A_266 = tpu.memref_slice %arg9[%dma_start3A_257, %dma_start3A_264, %dma_start3A_265] : memref<8x32x128xf32, #tpu.memory_space<vmem>> -> memref<1x32x128xf32, #tpu.memory_space<vmem>>
    %dma_start3A_267 = tpu.memref_squeeze %dma_start3A_266 : memref<1x32x128xf32, #tpu.memory_space<vmem>> -> memref<32x128xf32, #tpu.memory_space<vmem>>
    %dma_start3A_268 = arith.constant 0 : i32
    %dma_start3A_269 = tpu.memref_slice %arg4[%dma_start3A_268, %multiple_of3A_249] : memref<32x1000000xf32, #tpu.memory_space<hbm>> -> memref<32x128xf32, #tpu.memory_space<hbm>>
    tpu.enqueue_dma source(%dma_start3A_269 : memref<32x128xf32, #tpu.memory_space<hbm>>) target(%dma_start3A_267 : memref<32x128xf32, #tpu.memory_space<vmem>>) target_semaphore(%arg18 : memref<!tpu.dma_semaphore, #tpu.memory_space<semaphore_mem>>)
    %dma_start3A_270 = arith.constant 6 : i32
    %dma_start3A_271 = arith.constant 0 : i32
    %dma_start3A_272 = arith.constant 0 : i32
    %dma_start3A_273 = tpu.memref_slice %arg10[%dma_start3A_270, %dma_start3A_271, %dma_start3A_272] : memref<8x32x128xf32, #tpu.memory_space<vmem>> -> memref<1x32x128xf32, #tpu.memory_space<vmem>>
    %dma_start3A_274 = tpu.memref_squeeze %dma_start3A_273 : memref<1x32x128xf32, #tpu.memory_space<vmem>> -> memref<32x128xf32, #tpu.memory_space<vmem>>
    %dma_start3A_275 = arith.constant 0 : i32
    %dma_start3A_276 = tpu.memref_slice %arg5[%dma_start3A_275, %multiple_of3A_256] : memref<32x1000000xf32, #tpu.memory_space<hbm>> -> memref<32x128xf32, #tpu.memory_space<hbm>>
    %dma_start3A_277 = arith.constant 0 : i32
    %dma_start3A_278 = arith.constant 0 : i32
    %dma_start3A_279 = tpu.memref_slice %arg10[%dma_start3A_270, %dma_start3A_277, %dma_start3A_278] : memref<8x32x128xf32, #tpu.memory_space<vmem>> -> memref<1x32x128xf32, #tpu.memory_space<vmem>>
    %dma_start3A_280 = tpu.memref_squeeze %dma_start3A_279 : memref<1x32x128xf32, #tpu.memory_space<vmem>> -> memref<32x128xf32, #tpu.memory_space<vmem>>
    %dma_start3A_281 = arith.constant 0 : i32
    %dma_start3A_282 = tpu.memref_slice %arg5[%dma_start3A_281, %multiple_of3A_256] : memref<32x1000000xf32, #tpu.memory_space<hbm>> -> memref<32x128xf32, #tpu.memory_space<hbm>>
    tpu.enqueue_dma source(%dma_start3A_282 : memref<32x128xf32, #tpu.memory_space<hbm>>) target(%dma_start3A_280 : memref<32x128xf32, #tpu.memory_space<vmem>>) target_semaphore(%arg26 : memref<!tpu.dma_semaphore, #tpu.memory_space<semaphore_mem>>)
    %slice3A_283 = vector.extract_strided_slice %get3A_6 {offsets = [7], sizes = [1], strides = [1]} : vector<16xi32> to vector<1xi32>
    %squeeze3A_284 = vector.extract %slice3A_283[0] : i32 from vector<1xi32>
    %shift_right_arithmetic3A_285 = arith.constant 7 : i32
    %shift_right_arithmetic3A_286 = arith.shrsi %squeeze3A_284, %shift_right_arithmetic3A_285 : i32
    %shift_left3A_287 = arith.constant 7 : i32
    %shift_left3A_288 = arith.shli %shift_right_arithmetic3A_286, %shift_left3A_287 : i32
    %multiple_of3A_289 = tpu.assume_multiple %shift_left3A_288, 128 : i32
    %slice3A_290 = vector.extract_strided_slice %get3A_8 {offsets = [7], sizes = [1], strides = [1]} : vector<16xi32> to vector<1xi32>
    %squeeze3A_291 = vector.extract %slice3A_290[0] : i32 from vector<1xi32>
    %shift_right_arithmetic3A_292 = arith.constant 7 : i32
    %shift_right_arithmetic3A_293 = arith.shrsi %squeeze3A_291, %shift_right_arithmetic3A_292 : i32
    %shift_left3A_294 = arith.constant 7 : i32
    %shift_left3A_295 = arith.shli %shift_right_arithmetic3A_293, %shift_left3A_294 : i32
    %multiple_of3A_296 = tpu.assume_multiple %shift_left3A_295, 128 : i32
    %dma_start3A_297 = arith.constant 7 : i32
    %dma_start3A_298 = arith.constant 0 : i32
    %dma_start3A_299 = arith.constant 0 : i32
    %dma_start3A_300 = tpu.memref_slice %arg9[%dma_start3A_297, %dma_start3A_298, %dma_start3A_299] : memref<8x32x128xf32, #tpu.memory_space<vmem>> -> memref<1x32x128xf32, #tpu.memory_space<vmem>>
    %dma_start3A_301 = tpu.memref_squeeze %dma_start3A_300 : memref<1x32x128xf32, #tpu.memory_space<vmem>> -> memref<32x128xf32, #tpu.memory_space<vmem>>
    %dma_start3A_302 = arith.constant 0 : i32
    %dma_start3A_303 = tpu.memref_slice %arg4[%dma_start3A_302, %multiple_of3A_289] : memref<32x1000000xf32, #tpu.memory_space<hbm>> -> memref<32x128xf32, #tpu.memory_space<hbm>>
    %dma_start3A_304 = arith.constant 0 : i32
    %dma_start3A_305 = arith.constant 0 : i32
    %dma_start3A_306 = tpu.memref_slice %arg9[%dma_start3A_297, %dma_start3A_304, %dma_start3A_305] : memref<8x32x128xf32, #tpu.memory_space<vmem>> -> memref<1x32x128xf32, #tpu.memory_space<vmem>>
    %dma_start3A_307 = tpu.memref_squeeze %dma_start3A_306 : memref<1x32x128xf32, #tpu.memory_space<vmem>> -> memref<32x128xf32, #tpu.memory_space<vmem>>
    %dma_start3A_308 = arith.constant 0 : i32
    %dma_start3A_309 = tpu.memref_slice %arg4[%dma_start3A_308, %multiple_of3A_289] : memref<32x1000000xf32, #tpu.memory_space<hbm>> -> memref<32x128xf32, #tpu.memory_space<hbm>>
    tpu.enqueue_dma source(%dma_start3A_309 : memref<32x128xf32, #tpu.memory_space<hbm>>) target(%dma_start3A_307 : memref<32x128xf32, #tpu.memory_space<vmem>>) target_semaphore(%arg19 : memref<!tpu.dma_semaphore, #tpu.memory_space<semaphore_mem>>)
    %dma_start3A_310 = arith.constant 7 : i32
    %dma_start3A_311 = arith.constant 0 : i32
    %dma_start3A_312 = arith.constant 0 : i32
    %dma_start3A_313 = tpu.memref_slice %arg10[%dma_start3A_310, %dma_start3A_311, %dma_start3A_312] : memref<8x32x128xf32, #tpu.memory_space<vmem>> -> memref<1x32x128xf32, #tpu.memory_space<vmem>>
    %dma_start3A_314 = tpu.memref_squeeze %dma_start3A_313 : memref<1x32x128xf32, #tpu.memory_space<vmem>> -> memref<32x128xf32, #tpu.memory_space<vmem>>
    %dma_start3A_315 = arith.constant 0 : i32
    %dma_start3A_316 = tpu.memref_slice %arg5[%dma_start3A_315, %multiple_of3A_296] : memref<32x1000000xf32, #tpu.memory_space<hbm>> -> memref<32x128xf32, #tpu.memory_space<hbm>>
    %dma_start3A_317 = arith.constant 0 : i32
    %dma_start3A_318 = arith.constant 0 : i32
    %dma_start3A_319 = tpu.memref_slice %arg10[%dma_start3A_310, %dma_start3A_317, %dma_start3A_318] : memref<8x32x128xf32, #tpu.memory_space<vmem>> -> memref<1x32x128xf32, #tpu.memory_space<vmem>>
    %dma_start3A_320 = tpu.memref_squeeze %dma_start3A_319 : memref<1x32x128xf32, #tpu.memory_space<vmem>> -> memref<32x128xf32, #tpu.memory_space<vmem>>
    %dma_start3A_321 = arith.constant 0 : i32
    %dma_start3A_322 = tpu.memref_slice %arg5[%dma_start3A_321, %multiple_of3A_296] : memref<32x1000000xf32, #tpu.memory_space<hbm>> -> memref<32x128xf32, #tpu.memory_space<hbm>>
    tpu.enqueue_dma source(%dma_start3A_322 : memref<32x128xf32, #tpu.memory_space<hbm>>) target(%dma_start3A_320 : memref<32x128xf32, #tpu.memory_space<vmem>>) target_semaphore(%arg27 : memref<!tpu.dma_semaphore, #tpu.memory_space<semaphore_mem>>)
    %scan3A = arith.constant 0 : i32
    %scan3A_323 = arith.constant 0 : i32
    %scan3A_324 = arith.constant 31 : i32
    %scan3A_325 = arith.addi %scan3A_323, %scan3A_324 : i32
    %scan3A_326 = arith.constant 1 : i32
    scf.for %scan3A_1736 = %scan3A_323 to %scan3A_325 step %scan3A_326  : i32 {
      %mul3A_1737 = arith.constant 16 : i32
      %mul3A_1738 = arith.muli %scan3A_1736, %mul3A_1737 : i32
      %get3A_1739 = arith.index_cast %mul3A_1738 : i32 to index
      %get3A_1740 = tpu.vector_load %arg7[%get3A_1739] {strides = array<i32>} : memref<512xi32, #tpu.memory_space<vmem>>, vector<16xi32>,
      %mul3A_1741 = arith.constant 16 : i32
      %mul3A_1742 = arith.muli %scan3A_1736, %mul3A_1741 : i32
      %get3A_1743 = arith.index_cast %mul3A_1742 : i32 to index
      %get3A_1744 = tpu.vector_load %arg8[%get3A_1743] {strides = array<i32>} : memref<512xi32, #tpu.memory_space<vmem>>, vector<16xi32>,
      %mul3A_1745 = arith.constant 16 : i32
      %mul3A_1746 = arith.muli %scan3A_1736, %mul3A_1745 : i32
      %add3A_1747 = arith.constant 16 : i32
      %add3A_1748 = arith.addi %mul3A_1746, %add3A_1747 : i32
      %get3A_1749 = arith.index_cast %add3A_1748 : i32 to index
      %get3A_1750 = tpu.vector_load %arg7[%get3A_1749] {strides = array<i32>} : memref<512xi32, #tpu.memory_space<vmem>>, vector<16xi32>,
      %mul3A_1751 = arith.constant 16 : i32
      %mul3A_1752 = arith.muli %scan3A_1736, %mul3A_1751 : i32
      %add3A_1753 = arith.constant 16 : i32
      %add3A_1754 = arith.addi %mul3A_1752, %add3A_1753 : i32
      %get3A_1755 = arith.index_cast %add3A_1754 : i32 to index
      %get3A_1756 = tpu.vector_load %arg8[%get3A_1755] {strides = array<i32>} : memref<512xi32, #tpu.memory_space<vmem>>, vector<16xi32>,
      %mul3A_1757 = arith.constant 16 : i32
      %mul3A_1758 = arith.muli %scan3A_1736, %mul3A_1757 : i32
      %add3A_1759 = arith.constant 0 : i32
      %add3A_1760 = arith.addi %mul3A_1758, %add3A_1759 : i32
      %dma_wait3A_1761 = arith.constant 0 : i32
      %dma_wait3A_1762 = arith.constant 0 : i32
      %dma_wait3A_1763 = arith.constant 0 : i32
      %dma_wait3A_1764 = tpu.memref_slice %arg9[%dma_wait3A_1761, %dma_wait3A_1762, %dma_wait3A_1763] : memref<8x32x128xf32, #tpu.memory_space<vmem>> -> memref<1x32x128xf32, #tpu.memory_space<vmem>>
      %dma_wait3A_1765 = tpu.memref_squeeze %dma_wait3A_1764 : memref<1x32x128xf32, #tpu.memory_space<vmem>> -> memref<32x128xf32, #tpu.memory_space<vmem>>
      %dma_wait3A_1766 = arith.constant 0 : i32
      %dma_wait3A_1767 = arith.constant 0 : i32
      %dma_wait3A_1768 = tpu.memref_slice %arg4[%dma_wait3A_1766, %dma_wait3A_1767] : memref<32x1000000xf32, #tpu.memory_space<hbm>> -> memref<32x128xf32, #tpu.memory_space<hbm>>
      %dma_wait3A_1769 = arith.constant 0 : i32
      %dma_wait3A_1770 = arith.constant 0 : i32
      %dma_wait3A_1771 = tpu.memref_slice %arg9[%dma_wait3A_1761, %dma_wait3A_1769, %dma_wait3A_1770] : memref<8x32x128xf32, #tpu.memory_space<vmem>> -> memref<1x32x128xf32, #tpu.memory_space<vmem>>
      %dma_wait3A_1772 = tpu.memref_squeeze %dma_wait3A_1771 : memref<1x32x128xf32, #tpu.memory_space<vmem>> -> memref<32x128xf32, #tpu.memory_space<vmem>>
      %dma_wait3A_1773 = arith.constant 0 : i32
      %dma_wait3A_1774 = arith.constant 0 : i32
      %dma_wait3A_1775 = tpu.memref_slice %arg4[%dma_wait3A_1773, %dma_wait3A_1774] : memref<32x1000000xf32, #tpu.memory_space<hbm>> -> memref<32x128xf32, #tpu.memory_space<hbm>>
      tpu.wait_dma2 semaphore(%arg12 : memref<!tpu.dma_semaphore, #tpu.memory_space<semaphore_mem>>) src(%dma_wait3A_1775 : memref<32x128xf32, #tpu.memory_space<hbm>>) dst(%dma_wait3A_1772 : memref<32x128xf32, #tpu.memory_space<vmem>>)
      %dma_wait3A_1776 = arith.constant 0 : i32
      %dma_wait3A_1777 = arith.constant 0 : i32
      %dma_wait3A_1778 = arith.constant 0 : i32
      %dma_wait3A_1779 = tpu.memref_slice %arg10[%dma_wait3A_1776, %dma_wait3A_1777, %dma_wait3A_1778] : memref<8x32x128xf32, #tpu.memory_space<vmem>> -> memref<1x32x128xf32, #tpu.memory_space<vmem>>
      %dma_wait3A_1780 = tpu.memref_squeeze %dma_wait3A_1779 : memref<1x32x128xf32, #tpu.memory_space<vmem>> -> memref<32x128xf32, #tpu.memory_space<vmem>>
      %dma_wait3A_1781 = arith.constant 0 : i32
      %dma_wait3A_1782 = arith.constant 0 : i32
      %dma_wait3A_1783 = tpu.memref_slice %arg5[%dma_wait3A_1781, %dma_wait3A_1782] : memref<32x1000000xf32, #tpu.memory_space<hbm>> -> memref<32x128xf32, #tpu.memory_space<hbm>>
      %dma_wait3A_1784 = arith.constant 0 : i32
      %dma_wait3A_1785 = arith.constant 0 : i32
      %dma_wait3A_1786 = tpu.memref_slice %arg10[%dma_wait3A_1776, %dma_wait3A_1784, %dma_wait3A_1785] : memref<8x32x128xf32, #tpu.memory_space<vmem>> -> memref<1x32x128xf32, #tpu.memory_space<vmem>>
      %dma_wait3A_1787 = tpu.memref_squeeze %dma_wait3A_1786 : memref<1x32x128xf32, #tpu.memory_space<vmem>> -> memref<32x128xf32, #tpu.memory_space<vmem>>
      %dma_wait3A_1788 = arith.constant 0 : i32
      %dma_wait3A_1789 = arith.constant 0 : i32
      %dma_wait3A_1790 = tpu.memref_slice %arg5[%dma_wait3A_1788, %dma_wait3A_1789] : memref<32x1000000xf32, #tpu.memory_space<hbm>> -> memref<32x128xf32, #tpu.memory_space<hbm>>
      tpu.wait_dma2 semaphore(%arg20 : memref<!tpu.dma_semaphore, #tpu.memory_space<semaphore_mem>>) src(%dma_wait3A_1790 : memref<32x128xf32, #tpu.memory_space<hbm>>) dst(%dma_wait3A_1787 : memref<32x128xf32, #tpu.memory_space<vmem>>)
      %slice3A_1791 = vector.extract_strided_slice %get3A_1740 {offsets = [0], sizes = [1], strides = [1]} : vector<16xi32> to vector<1xi32>
      %squeeze3A_1792 = vector.extract %slice3A_1791[0] : i32 from vector<1xi32>
      %and3A_1793 = arith.constant 127 : i32
      %and3A_1794 = arith.andi %squeeze3A_1792, %and3A_1793 : i32
      %broadcast_in_dim3A_1795 = vector.broadcast %and3A_1794 : i32 to vector<16xi32>
      %slice3A_1796 = vector.extract_strided_slice %get3A_1744 {offsets = [0], sizes = [1], strides = [1]} : vector<16xi32> to vector<1xi32>
      %squeeze3A_1797 = vector.extract %slice3A_1796[0] : i32 from vector<1xi32>
      %and3A_1798 = arith.constant 127 : i32
      %and3A_1799 = arith.andi %squeeze3A_1797, %and3A_1798 : i32
      %broadcast_in_dim3A_1800 = vector.broadcast %and3A_1799 : i32 to vector<16xi32>
      %broadcast_in_dim3A_1801 = vector.broadcast %add3A_1760 : i32 to vector<16xi32>
      %gather3A_1802 = arith.constant 0 : i32
      %gather3A_1803 = arith.constant 0 : i32
      %gather3A_1804 = arith.constant 0 : i32
      %gather3A_1805 = tpu.memref_slice %arg9[%gather3A_1802, %gather3A_1803, %gather3A_1804] : memref<8x32x128xf32, #tpu.memory_space<vmem>> -> memref<1x32x128xf32, #tpu.memory_space<vmem>>
      %gather3A_1806 = tpu.memref_squeeze %gather3A_1805 : memref<1x32x128xf32, #tpu.memory_space<vmem>> -> memref<32x128xf32, #tpu.memory_space<vmem>>
      %gather3A_1807 = tpu.vector_load_idx %gather3A_1806[%iota3A, %broadcast_in_dim3A_1795] : memref<32x128xf32, #tpu.memory_space<vmem>>[vector<16xi32>, vector<16xi32>], vector<16xf32>,
      %gather3A_1808 = arith.constant 0 : i32
      %gather3A_1809 = arith.constant 0 : i32
      %gather3A_1810 = arith.constant 0 : i32
      %gather3A_1811 = tpu.memref_slice %arg10[%gather3A_1808, %gather3A_1809, %gather3A_1810] : memref<8x32x128xf32, #tpu.memory_space<vmem>> -> memref<1x32x128xf32, #tpu.memory_space<vmem>>
      %gather3A_1812 = tpu.memref_squeeze %gather3A_1811 : memref<1x32x128xf32, #tpu.memory_space<vmem>> -> memref<32x128xf32, #tpu.memory_space<vmem>>
      %gather3A_1813 = tpu.vector_load_idx %gather3A_1812[%iota3A, %broadcast_in_dim3A_1800] : memref<32x128xf32, #tpu.memory_space<vmem>>[vector<16xi32>, vector<16xi32>], vector<16xf32>,
      %mul3A_1814 = arith.mulf %gather3A_1807, %gather3A_1813 : vector<16xf32>
      tpu.vector_store_idx %arg11[%iota3A, %broadcast_in_dim3A_1801], %mul3A_1814 : memref<32x512xf32, #tpu.memory_space<vmem>>[vector<16xi32>, vector<16xi32>], vector<16xf32>,
      %gather3A_1815 = arith.constant 0 : i32
      %gather3A_1816 = arith.constant 0 : i32
      %gather3A_1817 = arith.constant 0 : i32
      %gather3A_1818 = tpu.memref_slice %arg9[%gather3A_1815, %gather3A_1816, %gather3A_1817] : memref<8x32x128xf32, #tpu.memory_space<vmem>> -> memref<1x32x128xf32, #tpu.memory_space<vmem>>
      %gather3A_1819 = tpu.memref_squeeze %gather3A_1818 : memref<1x32x128xf32, #tpu.memory_space<vmem>> -> memref<32x128xf32, #tpu.memory_space<vmem>>
      %gather3A_1820 = tpu.vector_load_idx %gather3A_1819[%add3A_5, %broadcast_in_dim3A_1795] : memref<32x128xf32, #tpu.memory_space<vmem>>[vector<16xi32>, vector<16xi32>], vector<16xf32>,
      %gather3A_1821 = arith.constant 0 : i32
      %gather3A_1822 = arith.constant 0 : i32
      %gather3A_1823 = arith.constant 0 : i32
      %gather3A_1824 = tpu.memref_slice %arg10[%gather3A_1821, %gather3A_1822, %gather3A_1823] : memref<8x32x128xf32, #tpu.memory_space<vmem>> -> memref<1x32x128xf32, #tpu.memory_space<vmem>>
      %gather3A_1825 = tpu.memref_squeeze %gather3A_1824 : memref<1x32x128xf32, #tpu.memory_space<vmem>> -> memref<32x128xf32, #tpu.memory_space<vmem>>
      %gather3A_1826 = tpu.vector_load_idx %gather3A_1825[%add3A_5, %broadcast_in_dim3A_1800] : memref<32x128xf32, #tpu.memory_space<vmem>>[vector<16xi32>, vector<16xi32>], vector<16xf32>,
      %mul3A_1827 = arith.mulf %gather3A_1820, %gather3A_1826 : vector<16xf32>
      tpu.vector_store_idx %arg11[%add3A_5, %broadcast_in_dim3A_1801], %mul3A_1827 : memref<32x512xf32, #tpu.memory_space<vmem>>[vector<16xi32>, vector<16xi32>], vector<16xf32>,
      %slice3A_1828 = vector.extract_strided_slice %get3A_1740 {offsets = [8], sizes = [1], strides = [1]} : vector<16xi32> to vector<1xi32>
      %squeeze3A_1829 = vector.extract %slice3A_1828[0] : i32 from vector<1xi32>
      %shift_right_arithmetic3A_1830 = arith.constant 7 : i32
      %shift_right_arithmetic3A_1831 = arith.shrsi %squeeze3A_1829, %shift_right_arithmetic3A_1830 : i32
      %shift_left3A_1832 = arith.constant 7 : i32
      %shift_left3A_1833 = arith.shli %shift_right_arithmetic3A_1831, %shift_left3A_1832 : i32
      %multiple_of3A_1834 = tpu.assume_multiple %shift_left3A_1833, 128 : i32
      %slice3A_1835 = vector.extract_strided_slice %get3A_1744 {offsets = [8], sizes = [1], strides = [1]} : vector<16xi32> to vector<1xi32>
      %squeeze3A_1836 = vector.extract %slice3A_1835[0] : i32 from vector<1xi32>
      %shift_right_arithmetic3A_1837 = arith.constant 7 : i32
      %shift_right_arithmetic3A_1838 = arith.shrsi %squeeze3A_1836, %shift_right_arithmetic3A_1837 : i32
      %shift_left3A_1839 = arith.constant 7 : i32
      %shift_left3A_1840 = arith.shli %shift_right_arithmetic3A_1838, %shift_left3A_1839 : i32
      %multiple_of3A_1841 = tpu.assume_multiple %shift_left3A_1840, 128 : i32
      %dma_start3A_1842 = arith.constant 0 : i32
      %dma_start3A_1843 = arith.constant 0 : i32
      %dma_start3A_1844 = arith.constant 0 : i32
      %dma_start3A_1845 = tpu.memref_slice %arg9[%dma_start3A_1842, %dma_start3A_1843, %dma_start3A_1844] : memref<8x32x128xf32, #tpu.memory_space<vmem>> -> memref<1x32x128xf32, #tpu.memory_space<vmem>>
      %dma_start3A_1846 = tpu.memref_squeeze %dma_start3A_1845 : memref<1x32x128xf32, #tpu.memory_space<vmem>> -> memref<32x128xf32, #tpu.memory_space<vmem>>
      %dma_start3A_1847 = arith.constant 0 : i32
      %dma_start3A_1848 = tpu.memref_slice %arg4[%dma_start3A_1847, %multiple_of3A_1834] : memref<32x1000000xf32, #tpu.memory_space<hbm>> -> memref<32x128xf32, #tpu.memory_space<hbm>>
      %dma_start3A_1849 = arith.constant 0 : i32
      %dma_start3A_1850 = arith.constant 0 : i32
      %dma_start3A_1851 = tpu.memref_slice %arg9[%dma_start3A_1842, %dma_start3A_1849, %dma_start3A_1850] : memref<8x32x128xf32, #tpu.memory_space<vmem>> -> memref<1x32x128xf32, #tpu.memory_space<vmem>>
      %dma_start3A_1852 = tpu.memref_squeeze %dma_start3A_1851 : memref<1x32x128xf32, #tpu.memory_space<vmem>> -> memref<32x128xf32, #tpu.memory_space<vmem>>
      %dma_start3A_1853 = arith.constant 0 : i32
      %dma_start3A_1854 = tpu.memref_slice %arg4[%dma_start3A_1853, %multiple_of3A_1834] : memref<32x1000000xf32, #tpu.memory_space<hbm>> -> memref<32x128xf32, #tpu.memory_space<hbm>>
      tpu.enqueue_dma source(%dma_start3A_1854 : memref<32x128xf32, #tpu.memory_space<hbm>>) target(%dma_start3A_1852 : memref<32x128xf32, #tpu.memory_space<vmem>>) target_semaphore(%arg12 : memref<!tpu.dma_semaphore, #tpu.memory_space<semaphore_mem>>)
      %dma_start3A_1855 = arith.constant 0 : i32
      %dma_start3A_1856 = arith.constant 0 : i32
      %dma_start3A_1857 = arith.constant 0 : i32
      %dma_start3A_1858 = tpu.memref_slice %arg10[%dma_start3A_1855, %dma_start3A_1856, %dma_start3A_1857] : memref<8x32x128xf32, #tpu.memory_space<vmem>> -> memref<1x32x128xf32, #tpu.memory_space<vmem>>
      %dma_start3A_1859 = tpu.memref_squeeze %dma_start3A_1858 : memref<1x32x128xf32, #tpu.memory_space<vmem>> -> memref<32x128xf32, #tpu.memory_space<vmem>>
      %dma_start3A_1860 = arith.constant 0 : i32
      %dma_start3A_1861 = tpu.memref_slice %arg5[%dma_start3A_1860, %multiple_of3A_1841] : memref<32x1000000xf32, #tpu.memory_space<hbm>> -> memref<32x128xf32, #tpu.memory_space<hbm>>
      %dma_start3A_1862 = arith.constant 0 : i32
      %dma_start3A_1863 = arith.constant 0 : i32
      %dma_start3A_1864 = tpu.memref_slice %arg10[%dma_start3A_1855, %dma_start3A_1862, %dma_start3A_1863] : memref<8x32x128xf32, #tpu.memory_space<vmem>> -> memref<1x32x128xf32, #tpu.memory_space<vmem>>
      %dma_start3A_1865 = tpu.memref_squeeze %dma_start3A_1864 : memref<1x32x128xf32, #tpu.memory_space<vmem>> -> memref<32x128xf32, #tpu.memory_space<vmem>>
      %dma_start3A_1866 = arith.constant 0 : i32
      %dma_start3A_1867 = tpu.memref_slice %arg5[%dma_start3A_1866, %multiple_of3A_1841] : memref<32x1000000xf32, #tpu.memory_space<hbm>> -> memref<32x128xf32, #tpu.memory_space<hbm>>
      tpu.enqueue_dma source(%dma_start3A_1867 : memref<32x128xf32, #tpu.memory_space<hbm>>) target(%dma_start3A_1865 : memref<32x128xf32, #tpu.memory_space<vmem>>) target_semaphore(%arg20 : memref<!tpu.dma_semaphore, #tpu.memory_space<semaphore_mem>>)
      %mul3A_1868 = arith.constant 16 : i32
      %mul3A_1869 = arith.muli %scan3A_1736, %mul3A_1868 : i32
      %add3A_1870 = arith.constant 1 : i32
      %add3A_1871 = arith.addi %mul3A_1869, %add3A_1870 : i32
      %dma_wait3A_1872 = arith.constant 1 : i32
      %dma_wait3A_1873 = arith.constant 0 : i32
      %dma_wait3A_1874 = arith.constant 0 : i32
      %dma_wait3A_1875 = tpu.memref_slice %arg9[%dma_wait3A_1872, %dma_wait3A_1873, %dma_wait3A_1874] : memref<8x32x128xf32, #tpu.memory_space<vmem>> -> memref<1x32x128xf32, #tpu.memory_space<vmem>>
      %dma_wait3A_1876 = tpu.memref_squeeze %dma_wait3A_1875 : memref<1x32x128xf32, #tpu.memory_space<vmem>> -> memref<32x128xf32, #tpu.memory_space<vmem>>
      %dma_wait3A_1877 = arith.constant 0 : i32
      %dma_wait3A_1878 = arith.constant 0 : i32
      %dma_wait3A_1879 = tpu.memref_slice %arg4[%dma_wait3A_1877, %dma_wait3A_1878] : memref<32x1000000xf32, #tpu.memory_space<hbm>> -> memref<32x128xf32, #tpu.memory_space<hbm>>
      %dma_wait3A_1880 = arith.constant 0 : i32
      %dma_wait3A_1881 = arith.constant 0 : i32
      %dma_wait3A_1882 = tpu.memref_slice %arg9[%dma_wait3A_1872, %dma_wait3A_1880, %dma_wait3A_1881] : memref<8x32x128xf32, #tpu.memory_space<vmem>> -> memref<1x32x128xf32, #tpu.memory_space<vmem>>
      %dma_wait3A_1883 = tpu.memref_squeeze %dma_wait3A_1882 : memref<1x32x128xf32, #tpu.memory_space<vmem>> -> memref<32x128xf32, #tpu.memory_space<vmem>>
      %dma_wait3A_1884 = arith.constant 0 : i32
      %dma_wait3A_1885 = arith.constant 0 : i32
      %dma_wait3A_1886 = tpu.memref_slice %arg4[%dma_wait3A_1884, %dma_wait3A_1885] : memref<32x1000000xf32, #tpu.memory_space<hbm>> -> memref<32x128xf32, #tpu.memory_space<hbm>>
      tpu.wait_dma2 semaphore(%arg13 : memref<!tpu.dma_semaphore, #tpu.memory_space<semaphore_mem>>) src(%dma_wait3A_1886 : memref<32x128xf32, #tpu.memory_space<hbm>>) dst(%dma_wait3A_1883 : memref<32x128xf32, #tpu.memory_space<vmem>>)
      %dma_wait3A_1887 = arith.constant 1 : i32
      %dma_wait3A_1888 = arith.constant 0 : i32
      %dma_wait3A_1889 = arith.constant 0 : i32
      %dma_wait3A_1890 = tpu.memref_slice %arg10[%dma_wait3A_1887, %dma_wait3A_1888, %dma_wait3A_1889] : memref<8x32x128xf32, #tpu.memory_space<vmem>> -> memref<1x32x128xf32, #tpu.memory_space<vmem>>
      %dma_wait3A_1891 = tpu.memref_squeeze %dma_wait3A_1890 : memref<1x32x128xf32, #tpu.memory_space<vmem>> -> memref<32x128xf32, #tpu.memory_space<vmem>>
      %dma_wait3A_1892 = arith.constant 0 : i32
      %dma_wait3A_1893 = arith.constant 0 : i32
      %dma_wait3A_1894 = tpu.memref_slice %arg5[%dma_wait3A_1892, %dma_wait3A_1893] : memref<32x1000000xf32, #tpu.memory_space<hbm>> -> memref<32x128xf32, #tpu.memory_space<hbm>>
      %dma_wait3A_1895 = arith.constant 0 : i32
      %dma_wait3A_1896 = arith.constant 0 : i32
      %dma_wait3A_1897 = tpu.memref_slice %arg10[%dma_wait3A_1887, %dma_wait3A_1895, %dma_wait3A_1896] : memref<8x32x128xf32, #tpu.memory_space<vmem>> -> memref<1x32x128xf32, #tpu.memory_space<vmem>>
      %dma_wait3A_1898 = tpu.memref_squeeze %dma_wait3A_1897 : memref<1x32x128xf32, #tpu.memory_space<vmem>> -> memref<32x128xf32, #tpu.memory_space<vmem>>
      %dma_wait3A_1899 = arith.constant 0 : i32
      %dma_wait3A_1900 = arith.constant 0 : i32
      %dma_wait3A_1901 = tpu.memref_slice %arg5[%dma_wait3A_1899, %dma_wait3A_1900] : memref<32x1000000xf32, #tpu.memory_space<hbm>> -> memref<32x128xf32, #tpu.memory_space<hbm>>
      tpu.wait_dma2 semaphore(%arg21 : memref<!tpu.dma_semaphore, #tpu.memory_space<semaphore_mem>>) src(%dma_wait3A_1901 : memref<32x128xf32, #tpu.memory_space<hbm>>) dst(%dma_wait3A_1898 : memref<32x128xf32, #tpu.memory_space<vmem>>)
      %slice3A_1902 = vector.extract_strided_slice %get3A_1740 {offsets = [1], sizes = [1], strides = [1]} : vector<16xi32> to vector<1xi32>
      %squeeze3A_1903 = vector.extract %slice3A_1902[0] : i32 from vector<1xi32>
      %and3A_1904 = arith.constant 127 : i32
      %and3A_1905 = arith.andi %squeeze3A_1903, %and3A_1904 : i32
      %broadcast_in_dim3A_1906 = vector.broadcast %and3A_1905 : i32 to vector<16xi32>
      %slice3A_1907 = vector.extract_strided_slice %get3A_1744 {offsets = [1], sizes = [1], strides = [1]} : vector<16xi32> to vector<1xi32>
      %squeeze3A_1908 = vector.extract %slice3A_1907[0] : i32 from vector<1xi32>
      %and3A_1909 = arith.constant 127 : i32
      %and3A_1910 = arith.andi %squeeze3A_1908, %and3A_1909 : i32
      %broadcast_in_dim3A_1911 = vector.broadcast %and3A_1910 : i32 to vector<16xi32>
      %broadcast_in_dim3A_1912 = vector.broadcast %add3A_1871 : i32 to vector<16xi32>
      %gather3A_1913 = arith.constant 1 : i32
      %gather3A_1914 = arith.constant 0 : i32
      %gather3A_1915 = arith.constant 0 : i32
      %gather3A_1916 = tpu.memref_slice %arg9[%gather3A_1913, %gather3A_1914, %gather3A_1915] : memref<8x32x128xf32, #tpu.memory_space<vmem>> -> memref<1x32x128xf32, #tpu.memory_space<vmem>>
      %gather3A_1917 = tpu.memref_squeeze %gather3A_1916 : memref<1x32x128xf32, #tpu.memory_space<vmem>> -> memref<32x128xf32, #tpu.memory_space<vmem>>
      %gather3A_1918 = tpu.vector_load_idx %gather3A_1917[%iota3A, %broadcast_in_dim3A_1906] : memref<32x128xf32, #tpu.memory_space<vmem>>[vector<16xi32>, vector<16xi32>], vector<16xf32>,
      %gather3A_1919 = arith.constant 1 : i32
      %gather3A_1920 = arith.constant 0 : i32
      %gather3A_1921 = arith.constant 0 : i32
      %gather3A_1922 = tpu.memref_slice %arg10[%gather3A_1919, %gather3A_1920, %gather3A_1921] : memref<8x32x128xf32, #tpu.memory_space<vmem>> -> memref<1x32x128xf32, #tpu.memory_space<vmem>>
      %gather3A_1923 = tpu.memref_squeeze %gather3A_1922 : memref<1x32x128xf32, #tpu.memory_space<vmem>> -> memref<32x128xf32, #tpu.memory_space<vmem>>
      %gather3A_1924 = tpu.vector_load_idx %gather3A_1923[%iota3A, %broadcast_in_dim3A_1911] : memref<32x128xf32, #tpu.memory_space<vmem>>[vector<16xi32>, vector<16xi32>], vector<16xf32>,
      %mul3A_1925 = arith.mulf %gather3A_1918, %gather3A_1924 : vector<16xf32>
      tpu.vector_store_idx %arg11[%iota3A, %broadcast_in_dim3A_1912], %mul3A_1925 : memref<32x512xf32, #tpu.memory_space<vmem>>[vector<16xi32>, vector<16xi32>], vector<16xf32>,
      %gather3A_1926 = arith.constant 1 : i32
      %gather3A_1927 = arith.constant 0 : i32
      %gather3A_1928 = arith.constant 0 : i32
      %gather3A_1929 = tpu.memref_slice %arg9[%gather3A_1926, %gather3A_1927, %gather3A_1928] : memref<8x32x128xf32, #tpu.memory_space<vmem>> -> memref<1x32x128xf32, #tpu.memory_space<vmem>>
      %gather3A_1930 = tpu.memref_squeeze %gather3A_1929 : memref<1x32x128xf32, #tpu.memory_space<vmem>> -> memref<32x128xf32, #tpu.memory_space<vmem>>
      %gather3A_1931 = tpu.vector_load_idx %gather3A_1930[%add3A_5, %broadcast_in_dim3A_1906] : memref<32x128xf32, #tpu.memory_space<vmem>>[vector<16xi32>, vector<16xi32>], vector<16xf32>,
      %gather3A_1932 = arith.constant 1 : i32
      %gather3A_1933 = arith.constant 0 : i32
      %gather3A_1934 = arith.constant 0 : i32
      %gather3A_1935 = tpu.memref_slice %arg10[%gather3A_1932, %gather3A_1933, %gather3A_1934] : memref<8x32x128xf32, #tpu.memory_space<vmem>> -> memref<1x32x128xf32, #tpu.memory_space<vmem>>
      %gather3A_1936 = tpu.memref_squeeze %gather3A_1935 : memref<1x32x128xf32, #tpu.memory_space<vmem>> -> memref<32x128xf32, #tpu.memory_space<vmem>>
      %gather3A_1937 = tpu.vector_load_idx %gather3A_1936[%add3A_5, %broadcast_in_dim3A_1911] : memref<32x128xf32, #tpu.memory_space<vmem>>[vector<16xi32>, vector<16xi32>], vector<16xf32>,
      %mul3A_1938 = arith.mulf %gather3A_1931, %gather3A_1937 : vector<16xf32>
      tpu.vector_store_idx %arg11[%add3A_5, %broadcast_in_dim3A_1912], %mul3A_1938 : memref<32x512xf32, #tpu.memory_space<vmem>>[vector<16xi32>, vector<16xi32>], vector<16xf32>,
      %slice3A_1939 = vector.extract_strided_slice %get3A_1740 {offsets = [9], sizes = [1], strides = [1]} : vector<16xi32> to vector<1xi32>
      %squeeze3A_1940 = vector.extract %slice3A_1939[0] : i32 from vector<1xi32>
      %shift_right_arithmetic3A_1941 = arith.constant 7 : i32
      %shift_right_arithmetic3A_1942 = arith.shrsi %squeeze3A_1940, %shift_right_arithmetic3A_1941 : i32
      %shift_left3A_1943 = arith.constant 7 : i32
      %shift_left3A_1944 = arith.shli %shift_right_arithmetic3A_1942, %shift_left3A_1943 : i32
      %multiple_of3A_1945 = tpu.assume_multiple %shift_left3A_1944, 128 : i32
      %slice3A_1946 = vector.extract_strided_slice %get3A_1744 {offsets = [9], sizes = [1], strides = [1]} : vector<16xi32> to vector<1xi32>
      %squeeze3A_1947 = vector.extract %slice3A_1946[0] : i32 from vector<1xi32>
      %shift_right_arithmetic3A_1948 = arith.constant 7 : i32
      %shift_right_arithmetic3A_1949 = arith.shrsi %squeeze3A_1947, %shift_right_arithmetic3A_1948 : i32
      %shift_left3A_1950 = arith.constant 7 : i32
      %shift_left3A_1951 = arith.shli %shift_right_arithmetic3A_1949, %shift_left3A_1950 : i32
      %multiple_of3A_1952 = tpu.assume_multiple %shift_left3A_1951, 128 : i32
      %dma_start3A_1953 = arith.constant 1 : i32
      %dma_start3A_1954 = arith.constant 0 : i32
      %dma_start3A_1955 = arith.constant 0 : i32
      %dma_start3A_1956 = tpu.memref_slice %arg9[%dma_start3A_1953, %dma_start3A_1954, %dma_start3A_1955] : memref<8x32x128xf32, #tpu.memory_space<vmem>> -> memref<1x32x128xf32, #tpu.memory_space<vmem>>
      %dma_start3A_1957 = tpu.memref_squeeze %dma_start3A_1956 : memref<1x32x128xf32, #tpu.memory_space<vmem>> -> memref<32x128xf32, #tpu.memory_space<vmem>>
      %dma_start3A_1958 = arith.constant 0 : i32
      %dma_start3A_1959 = tpu.memref_slice %arg4[%dma_start3A_1958, %multiple_of3A_1945] : memref<32x1000000xf32, #tpu.memory_space<hbm>> -> memref<32x128xf32, #tpu.memory_space<hbm>>
      %dma_start3A_1960 = arith.constant 0 : i32
      %dma_start3A_1961 = arith.constant 0 : i32
      %dma_start3A_1962 = tpu.memref_slice %arg9[%dma_start3A_1953, %dma_start3A_1960, %dma_start3A_1961] : memref<8x32x128xf32, #tpu.memory_space<vmem>> -> memref<1x32x128xf32, #tpu.memory_space<vmem>>
      %dma_start3A_1963 = tpu.memref_squeeze %dma_start3A_1962 : memref<1x32x128xf32, #tpu.memory_space<vmem>> -> memref<32x128xf32, #tpu.memory_space<vmem>>
      %dma_start3A_1964 = arith.constant 0 : i32
      %dma_start3A_1965 = tpu.memref_slice %arg4[%dma_start3A_1964, %multiple_of3A_1945] : memref<32x1000000xf32, #tpu.memory_space<hbm>> -> memref<32x128xf32, #tpu.memory_space<hbm>>
      tpu.enqueue_dma source(%dma_start3A_1965 : memref<32x128xf32, #tpu.memory_space<hbm>>) target(%dma_start3A_1963 : memref<32x128xf32, #tpu.memory_space<vmem>>) target_semaphore(%arg13 : memref<!tpu.dma_semaphore, #tpu.memory_space<semaphore_mem>>)
      %dma_start3A_1966 = arith.constant 1 : i32
      %dma_start3A_1967 = arith.constant 0 : i32
      %dma_start3A_1968 = arith.constant 0 : i32
      %dma_start3A_1969 = tpu.memref_slice %arg10[%dma_start3A_1966, %dma_start3A_1967, %dma_start3A_1968] : memref<8x32x128xf32, #tpu.memory_space<vmem>> -> memref<1x32x128xf32, #tpu.memory_space<vmem>>
      %dma_start3A_1970 = tpu.memref_squeeze %dma_start3A_1969 : memref<1x32x128xf32, #tpu.memory_space<vmem>> -> memref<32x128xf32, #tpu.memory_space<vmem>>
      %dma_start3A_1971 = arith.constant 0 : i32
      %dma_start3A_1972 = tpu.memref_slice %arg5[%dma_start3A_1971, %multiple_of3A_1952] : memref<32x1000000xf32, #tpu.memory_space<hbm>> -> memref<32x128xf32, #tpu.memory_space<hbm>>
      %dma_start3A_1973 = arith.constant 0 : i32
      %dma_start3A_1974 = arith.constant 0 : i32
      %dma_start3A_1975 = tpu.memref_slice %arg10[%dma_start3A_1966, %dma_start3A_1973, %dma_start3A_1974] : memref<8x32x128xf32, #tpu.memory_space<vmem>> -> memref<1x32x128xf32, #tpu.memory_space<vmem>>
      %dma_start3A_1976 = tpu.memref_squeeze %dma_start3A_1975 : memref<1x32x128xf32, #tpu.memory_space<vmem>> -> memref<32x128xf32, #tpu.memory_space<vmem>>
      %dma_start3A_1977 = arith.constant 0 : i32
      %dma_start3A_1978 = tpu.memref_slice %arg5[%dma_start3A_1977, %multiple_of3A_1952] : memref<32x1000000xf32, #tpu.memory_space<hbm>> -> memref<32x128xf32, #tpu.memory_space<hbm>>
      tpu.enqueue_dma source(%dma_start3A_1978 : memref<32x128xf32, #tpu.memory_space<hbm>>) target(%dma_start3A_1976 : memref<32x128xf32, #tpu.memory_space<vmem>>) target_semaphore(%arg21 : memref<!tpu.dma_semaphore, #tpu.memory_space<semaphore_mem>>)
      %mul3A_1979 = arith.constant 16 : i32
      %mul3A_1980 = arith.muli %scan3A_1736, %mul3A_1979 : i32
      %add3A_1981 = arith.constant 2 : i32
      %add3A_1982 = arith.addi %mul3A_1980, %add3A_1981 : i32
      %dma_wait3A_1983 = arith.constant 2 : i32
      %dma_wait3A_1984 = arith.constant 0 : i32
      %dma_wait3A_1985 = arith.constant 0 : i32
      %dma_wait3A_1986 = tpu.memref_slice %arg9[%dma_wait3A_1983, %dma_wait3A_1984, %dma_wait3A_1985] : memref<8x32x128xf32, #tpu.memory_space<vmem>> -> memref<1x32x128xf32, #tpu.memory_space<vmem>>
      %dma_wait3A_1987 = tpu.memref_squeeze %dma_wait3A_1986 : memref<1x32x128xf32, #tpu.memory_space<vmem>> -> memref<32x128xf32, #tpu.memory_space<vmem>>
      %dma_wait3A_1988 = arith.constant 0 : i32
      %dma_wait3A_1989 = arith.constant 0 : i32
      %dma_wait3A_1990 = tpu.memref_slice %arg4[%dma_wait3A_1988, %dma_wait3A_1989] : memref<32x1000000xf32, #tpu.memory_space<hbm>> -> memref<32x128xf32, #tpu.memory_space<hbm>>
      %dma_wait3A_1991 = arith.constant 0 : i32
      %dma_wait3A_1992 = arith.constant 0 : i32
      %dma_wait3A_1993 = tpu.memref_slice %arg9[%dma_wait3A_1983, %dma_wait3A_1991, %dma_wait3A_1992] : memref<8x32x128xf32, #tpu.memory_space<vmem>> -> memref<1x32x128xf32, #tpu.memory_space<vmem>>
      %dma_wait3A_1994 = tpu.memref_squeeze %dma_wait3A_1993 : memref<1x32x128xf32, #tpu.memory_space<vmem>> -> memref<32x128xf32, #tpu.memory_space<vmem>>
      %dma_wait3A_1995 = arith.constant 0 : i32
      %dma_wait3A_1996 = arith.constant 0 : i32
      %dma_wait3A_1997 = tpu.memref_slice %arg4[%dma_wait3A_1995, %dma_wait3A_1996] : memref<32x1000000xf32, #tpu.memory_space<hbm>> -> memref<32x128xf32, #tpu.memory_space<hbm>>
      tpu.wait_dma2 semaphore(%arg14 : memref<!tpu.dma_semaphore, #tpu.memory_space<semaphore_mem>>) src(%dma_wait3A_1997 : memref<32x128xf32, #tpu.memory_space<hbm>>) dst(%dma_wait3A_1994 : memref<32x128xf32, #tpu.memory_space<vmem>>)
      %dma_wait3A_1998 = arith.constant 2 : i32
      %dma_wait3A_1999 = arith.constant 0 : i32
      %dma_wait3A_2000 = arith.constant 0 : i32
      %dma_wait3A_2001 = tpu.memref_slice %arg10[%dma_wait3A_1998, %dma_wait3A_1999, %dma_wait3A_2000] : memref<8x32x128xf32, #tpu.memory_space<vmem>> -> memref<1x32x128xf32, #tpu.memory_space<vmem>>
      %dma_wait3A_2002 = tpu.memref_squeeze %dma_wait3A_2001 : memref<1x32x128xf32, #tpu.memory_space<vmem>> -> memref<32x128xf32, #tpu.memory_space<vmem>>
      %dma_wait3A_2003 = arith.constant 0 : i32
      %dma_wait3A_2004 = arith.constant 0 : i32
      %dma_wait3A_2005 = tpu.memref_slice %arg5[%dma_wait3A_2003, %dma_wait3A_2004] : memref<32x1000000xf32, #tpu.memory_space<hbm>> -> memref<32x128xf32, #tpu.memory_space<hbm>>
      %dma_wait3A_2006 = arith.constant 0 : i32
      %dma_wait3A_2007 = arith.constant 0 : i32
      %dma_wait3A_2008 = tpu.memref_slice %arg10[%dma_wait3A_1998, %dma_wait3A_2006, %dma_wait3A_2007] : memref<8x32x128xf32, #tpu.memory_space<vmem>> -> memref<1x32x128xf32, #tpu.memory_space<vmem>>
      %dma_wait3A_2009 = tpu.memref_squeeze %dma_wait3A_2008 : memref<1x32x128xf32, #tpu.memory_space<vmem>> -> memref<32x128xf32, #tpu.memory_space<vmem>>
      %dma_wait3A_2010 = arith.constant 0 : i32
      %dma_wait3A_2011 = arith.constant 0 : i32
      %dma_wait3A_2012 = tpu.memref_slice %arg5[%dma_wait3A_2010, %dma_wait3A_2011] : memref<32x1000000xf32, #tpu.memory_space<hbm>> -> memref<32x128xf32, #tpu.memory_space<hbm>>
      tpu.wait_dma2 semaphore(%arg22 : memref<!tpu.dma_semaphore, #tpu.memory_space<semaphore_mem>>) src(%dma_wait3A_2012 : memref<32x128xf32, #tpu.memory_space<hbm>>) dst(%dma_wait3A_2009 : memref<32x128xf32, #tpu.memory_space<vmem>>)
      %slice3A_2013 = vector.extract_strided_slice %get3A_1740 {offsets = [2], sizes = [1], strides = [1]} : vector<16xi32> to vector<1xi32>
      %squeeze3A_2014 = vector.extract %slice3A_2013[0] : i32 from vector<1xi32>
      %and3A_2015 = arith.constant 127 : i32
      %and3A_2016 = arith.andi %squeeze3A_2014, %and3A_2015 : i32
      %broadcast_in_dim3A_2017 = vector.broadcast %and3A_2016 : i32 to vector<16xi32>
      %slice3A_2018 = vector.extract_strided_slice %get3A_1744 {offsets = [2], sizes = [1], strides = [1]} : vector<16xi32> to vector<1xi32>
      %squeeze3A_2019 = vector.extract %slice3A_2018[0] : i32 from vector<1xi32>
      %and3A_2020 = arith.constant 127 : i32
      %and3A_2021 = arith.andi %squeeze3A_2019, %and3A_2020 : i32
      %broadcast_in_dim3A_2022 = vector.broadcast %and3A_2021 : i32 to vector<16xi32>
      %broadcast_in_dim3A_2023 = vector.broadcast %add3A_1982 : i32 to vector<16xi32>
      %gather3A_2024 = arith.constant 2 : i32
      %gather3A_2025 = arith.constant 0 : i32
      %gather3A_2026 = arith.constant 0 : i32
      %gather3A_2027 = tpu.memref_slice %arg9[%gather3A_2024, %gather3A_2025, %gather3A_2026] : memref<8x32x128xf32, #tpu.memory_space<vmem>> -> memref<1x32x128xf32, #tpu.memory_space<vmem>>
      %gather3A_2028 = tpu.memref_squeeze %gather3A_2027 : memref<1x32x128xf32, #tpu.memory_space<vmem>> -> memref<32x128xf32, #tpu.memory_space<vmem>>
      %gather3A_2029 = tpu.vector_load_idx %gather3A_2028[%iota3A, %broadcast_in_dim3A_2017] : memref<32x128xf32, #tpu.memory_space<vmem>>[vector<16xi32>, vector<16xi32>], vector<16xf32>,
      %gather3A_2030 = arith.constant 2 : i32
      %gather3A_2031 = arith.constant 0 : i32
      %gather3A_2032 = arith.constant 0 : i32
      %gather3A_2033 = tpu.memref_slice %arg10[%gather3A_2030, %gather3A_2031, %gather3A_2032] : memref<8x32x128xf32, #tpu.memory_space<vmem>> -> memref<1x32x128xf32, #tpu.memory_space<vmem>>
      %gather3A_2034 = tpu.memref_squeeze %gather3A_2033 : memref<1x32x128xf32, #tpu.memory_space<vmem>> -> memref<32x128xf32, #tpu.memory_space<vmem>>
      %gather3A_2035 = tpu.vector_load_idx %gather3A_2034[%iota3A, %broadcast_in_dim3A_2022] : memref<32x128xf32, #tpu.memory_space<vmem>>[vector<16xi32>, vector<16xi32>], vector<16xf32>,
      %mul3A_2036 = arith.mulf %gather3A_2029, %gather3A_2035 : vector<16xf32>
      tpu.vector_store_idx %arg11[%iota3A, %broadcast_in_dim3A_2023], %mul3A_2036 : memref<32x512xf32, #tpu.memory_space<vmem>>[vector<16xi32>, vector<16xi32>], vector<16xf32>,
      %gather3A_2037 = arith.constant 2 : i32
      %gather3A_2038 = arith.constant 0 : i32
      %gather3A_2039 = arith.constant 0 : i32
      %gather3A_2040 = tpu.memref_slice %arg9[%gather3A_2037, %gather3A_2038, %gather3A_2039] : memref<8x32x128xf32, #tpu.memory_space<vmem>> -> memref<1x32x128xf32, #tpu.memory_space<vmem>>
      %gather3A_2041 = tpu.memref_squeeze %gather3A_2040 : memref<1x32x128xf32, #tpu.memory_space<vmem>> -> memref<32x128xf32, #tpu.memory_space<vmem>>
      %gather3A_2042 = tpu.vector_load_idx %gather3A_2041[%add3A_5, %broadcast_in_dim3A_2017] : memref<32x128xf32, #tpu.memory_space<vmem>>[vector<16xi32>, vector<16xi32>], vector<16xf32>,
      %gather3A_2043 = arith.constant 2 : i32
      %gather3A_2044 = arith.constant 0 : i32
      %gather3A_2045 = arith.constant 0 : i32
      %gather3A_2046 = tpu.memref_slice %arg10[%gather3A_2043, %gather3A_2044, %gather3A_2045] : memref<8x32x128xf32, #tpu.memory_space<vmem>> -> memref<1x32x128xf32, #tpu.memory_space<vmem>>
      %gather3A_2047 = tpu.memref_squeeze %gather3A_2046 : memref<1x32x128xf32, #tpu.memory_space<vmem>> -> memref<32x128xf32, #tpu.memory_space<vmem>>
      %gather3A_2048 = tpu.vector_load_idx %gather3A_2047[%add3A_5, %broadcast_in_dim3A_2022] : memref<32x128xf32, #tpu.memory_space<vmem>>[vector<16xi32>, vector<16xi32>], vector<16xf32>,
      %mul3A_2049 = arith.mulf %gather3A_2042, %gather3A_2048 : vector<16xf32>
      tpu.vector_store_idx %arg11[%add3A_5, %broadcast_in_dim3A_2023], %mul3A_2049 : memref<32x512xf32, #tpu.memory_space<vmem>>[vector<16xi32>, vector<16xi32>], vector<16xf32>,
      %slice3A_2050 = vector.extract_strided_slice %get3A_1740 {offsets = [10], sizes = [1], strides = [1]} : vector<16xi32> to vector<1xi32>
      %squeeze3A_2051 = vector.extract %slice3A_2050[0] : i32 from vector<1xi32>
      %shift_right_arithmetic3A_2052 = arith.constant 7 : i32
      %shift_right_arithmetic3A_2053 = arith.shrsi %squeeze3A_2051, %shift_right_arithmetic3A_2052 : i32
      %shift_left3A_2054 = arith.constant 7 : i32
      %shift_left3A_2055 = arith.shli %shift_right_arithmetic3A_2053, %shift_left3A_2054 : i32
      %multiple_of3A_2056 = tpu.assume_multiple %shift_left3A_2055, 128 : i32
      %slice3A_2057 = vector.extract_strided_slice %get3A_1744 {offsets = [10], sizes = [1], strides = [1]} : vector<16xi32> to vector<1xi32>
      %squeeze3A_2058 = vector.extract %slice3A_2057[0] : i32 from vector<1xi32>
      %shift_right_arithmetic3A_2059 = arith.constant 7 : i32
      %shift_right_arithmetic3A_2060 = arith.shrsi %squeeze3A_2058, %shift_right_arithmetic3A_2059 : i32
      %shift_left3A_2061 = arith.constant 7 : i32
      %shift_left3A_2062 = arith.shli %shift_right_arithmetic3A_2060, %shift_left3A_2061 : i32
      %multiple_of3A_2063 = tpu.assume_multiple %shift_left3A_2062, 128 : i32
      %dma_start3A_2064 = arith.constant 2 : i32
      %dma_start3A_2065 = arith.constant 0 : i32
      %dma_start3A_2066 = arith.constant 0 : i32
      %dma_start3A_2067 = tpu.memref_slice %arg9[%dma_start3A_2064, %dma_start3A_2065, %dma_start3A_2066] : memref<8x32x128xf32, #tpu.memory_space<vmem>> -> memref<1x32x128xf32, #tpu.memory_space<vmem>>
      %dma_start3A_2068 = tpu.memref_squeeze %dma_start3A_2067 : memref<1x32x128xf32, #tpu.memory_space<vmem>> -> memref<32x128xf32, #tpu.memory_space<vmem>>
      %dma_start3A_2069 = arith.constant 0 : i32
      %dma_start3A_2070 = tpu.memref_slice %arg4[%dma_start3A_2069, %multiple_of3A_2056] : memref<32x1000000xf32, #tpu.memory_space<hbm>> -> memref<32x128xf32, #tpu.memory_space<hbm>>
      %dma_start3A_2071 = arith.constant 0 : i32
      %dma_start3A_2072 = arith.constant 0 : i32
      %dma_start3A_2073 = tpu.memref_slice %arg9[%dma_start3A_2064, %dma_start3A_2071, %dma_start3A_2072] : memref<8x32x128xf32, #tpu.memory_space<vmem>> -> memref<1x32x128xf32, #tpu.memory_space<vmem>>
      %dma_start3A_2074 = tpu.memref_squeeze %dma_start3A_2073 : memref<1x32x128xf32, #tpu.memory_space<vmem>> -> memref<32x128xf32, #tpu.memory_space<vmem>>
      %dma_start3A_2075 = arith.constant 0 : i32
      %dma_start3A_2076 = tpu.memref_slice %arg4[%dma_start3A_2075, %multiple_of3A_2056] : memref<32x1000000xf32, #tpu.memory_space<hbm>> -> memref<32x128xf32, #tpu.memory_space<hbm>>
      tpu.enqueue_dma source(%dma_start3A_2076 : memref<32x128xf32, #tpu.memory_space<hbm>>) target(%dma_start3A_2074 : memref<32x128xf32, #tpu.memory_space<vmem>>) target_semaphore(%arg14 : memref<!tpu.dma_semaphore, #tpu.memory_space<semaphore_mem>>)
      %dma_start3A_2077 = arith.constant 2 : i32
      %dma_start3A_2078 = arith.constant 0 : i32
      %dma_start3A_2079 = arith.constant 0 : i32
      %dma_start3A_2080 = tpu.memref_slice %arg10[%dma_start3A_2077, %dma_start3A_2078, %dma_start3A_2079] : memref<8x32x128xf32, #tpu.memory_space<vmem>> -> memref<1x32x128xf32, #tpu.memory_space<vmem>>
      %dma_start3A_2081 = tpu.memref_squeeze %dma_start3A_2080 : memref<1x32x128xf32, #tpu.memory_space<vmem>> -> memref<32x128xf32, #tpu.memory_space<vmem>>
      %dma_start3A_2082 = arith.constant 0 : i32
      %dma_start3A_2083 = tpu.memref_slice %arg5[%dma_start3A_2082, %multiple_of3A_2063] : memref<32x1000000xf32, #tpu.memory_space<hbm>> -> memref<32x128xf32, #tpu.memory_space<hbm>>
      %dma_start3A_2084 = arith.constant 0 : i32
      %dma_start3A_2085 = arith.constant 0 : i32
      %dma_start3A_2086 = tpu.memref_slice %arg10[%dma_start3A_2077, %dma_start3A_2084, %dma_start3A_2085] : memref<8x32x128xf32, #tpu.memory_space<vmem>> -> memref<1x32x128xf32, #tpu.memory_space<vmem>>
      %dma_start3A_2087 = tpu.memref_squeeze %dma_start3A_2086 : memref<1x32x128xf32, #tpu.memory_space<vmem>> -> memref<32x128xf32, #tpu.memory_space<vmem>>
      %dma_start3A_2088 = arith.constant 0 : i32
      %dma_start3A_2089 = tpu.memref_slice %arg5[%dma_start3A_2088, %multiple_of3A_2063] : memref<32x1000000xf32, #tpu.memory_space<hbm>> -> memref<32x128xf32, #tpu.memory_space<hbm>>
      tpu.enqueue_dma source(%dma_start3A_2089 : memref<32x128xf32, #tpu.memory_space<hbm>>) target(%dma_start3A_2087 : memref<32x128xf32, #tpu.memory_space<vmem>>) target_semaphore(%arg22 : memref<!tpu.dma_semaphore, #tpu.memory_space<semaphore_mem>>)
      %mul3A_2090 = arith.constant 16 : i32
      %mul3A_2091 = arith.muli %scan3A_1736, %mul3A_2090 : i32
      %add3A_2092 = arith.constant 3 : i32
      %add3A_2093 = arith.addi %mul3A_2091, %add3A_2092 : i32
      %dma_wait3A_2094 = arith.constant 3 : i32
      %dma_wait3A_2095 = arith.constant 0 : i32
      %dma_wait3A_2096 = arith.constant 0 : i32
      %dma_wait3A_2097 = tpu.memref_slice %arg9[%dma_wait3A_2094, %dma_wait3A_2095, %dma_wait3A_2096] : memref<8x32x128xf32, #tpu.memory_space<vmem>> -> memref<1x32x128xf32, #tpu.memory_space<vmem>>
      %dma_wait3A_2098 = tpu.memref_squeeze %dma_wait3A_2097 : memref<1x32x128xf32, #tpu.memory_space<vmem>> -> memref<32x128xf32, #tpu.memory_space<vmem>>
      %dma_wait3A_2099 = arith.constant 0 : i32
      %dma_wait3A_2100 = arith.constant 0 : i32
      %dma_wait3A_2101 = tpu.memref_slice %arg4[%dma_wait3A_2099, %dma_wait3A_2100] : memref<32x1000000xf32, #tpu.memory_space<hbm>> -> memref<32x128xf32, #tpu.memory_space<hbm>>
      %dma_wait3A_2102 = arith.constant 0 : i32
      %dma_wait3A_2103 = arith.constant 0 : i32
      %dma_wait3A_2104 = tpu.memref_slice %arg9[%dma_wait3A_2094, %dma_wait3A_2102, %dma_wait3A_2103] : memref<8x32x128xf32, #tpu.memory_space<vmem>> -> memref<1x32x128xf32, #tpu.memory_space<vmem>>
      %dma_wait3A_2105 = tpu.memref_squeeze %dma_wait3A_2104 : memref<1x32x128xf32, #tpu.memory_space<vmem>> -> memref<32x128xf32, #tpu.memory_space<vmem>>
      %dma_wait3A_2106 = arith.constant 0 : i32
      %dma_wait3A_2107 = arith.constant 0 : i32
      %dma_wait3A_2108 = tpu.memref_slice %arg4[%dma_wait3A_2106, %dma_wait3A_2107] : memref<32x1000000xf32, #tpu.memory_space<hbm>> -> memref<32x128xf32, #tpu.memory_space<hbm>>
      tpu.wait_dma2 semaphore(%arg15 : memref<!tpu.dma_semaphore, #tpu.memory_space<semaphore_mem>>) src(%dma_wait3A_2108 : memref<32x128xf32, #tpu.memory_space<hbm>>) dst(%dma_wait3A_2105 : memref<32x128xf32, #tpu.memory_space<vmem>>)
      %dma_wait3A_2109 = arith.constant 3 : i32
      %dma_wait3A_2110 = arith.constant 0 : i32
      %dma_wait3A_2111 = arith.constant 0 : i32
      %dma_wait3A_2112 = tpu.memref_slice %arg10[%dma_wait3A_2109, %dma_wait3A_2110, %dma_wait3A_2111] : memref<8x32x128xf32, #tpu.memory_space<vmem>> -> memref<1x32x128xf32, #tpu.memory_space<vmem>>
      %dma_wait3A_2113 = tpu.memref_squeeze %dma_wait3A_2112 : memref<1x32x128xf32, #tpu.memory_space<vmem>> -> memref<32x128xf32, #tpu.memory_space<vmem>>
      %dma_wait3A_2114 = arith.constant 0 : i32
      %dma_wait3A_2115 = arith.constant 0 : i32
      %dma_wait3A_2116 = tpu.memref_slice %arg5[%dma_wait3A_2114, %dma_wait3A_2115] : memref<32x1000000xf32, #tpu.memory_space<hbm>> -> memref<32x128xf32, #tpu.memory_space<hbm>>
      %dma_wait3A_2117 = arith.constant 0 : i32
      %dma_wait3A_2118 = arith.constant 0 : i32
      %dma_wait3A_2119 = tpu.memref_slice %arg10[%dma_wait3A_2109, %dma_wait3A_2117, %dma_wait3A_2118] : memref<8x32x128xf32, #tpu.memory_space<vmem>> -> memref<1x32x128xf32, #tpu.memory_space<vmem>>
      %dma_wait3A_2120 = tpu.memref_squeeze %dma_wait3A_2119 : memref<1x32x128xf32, #tpu.memory_space<vmem>> -> memref<32x128xf32, #tpu.memory_space<vmem>>
      %dma_wait3A_2121 = arith.constant 0 : i32
      %dma_wait3A_2122 = arith.constant 0 : i32
      %dma_wait3A_2123 = tpu.memref_slice %arg5[%dma_wait3A_2121, %dma_wait3A_2122] : memref<32x1000000xf32, #tpu.memory_space<hbm>> -> memref<32x128xf32, #tpu.memory_space<hbm>>
      tpu.wait_dma2 semaphore(%arg23 : memref<!tpu.dma_semaphore, #tpu.memory_space<semaphore_mem>>) src(%dma_wait3A_2123 : memref<32x128xf32, #tpu.memory_space<hbm>>) dst(%dma_wait3A_2120 : memref<32x128xf32, #tpu.memory_space<vmem>>)
      %slice3A_2124 = vector.extract_strided_slice %get3A_1740 {offsets = [3], sizes = [1], strides = [1]} : vector<16xi32> to vector<1xi32>
      %squeeze3A_2125 = vector.extract %slice3A_2124[0] : i32 from vector<1xi32>
      %and3A_2126 = arith.constant 127 : i32
      %and3A_2127 = arith.andi %squeeze3A_2125, %and3A_2126 : i32
      %broadcast_in_dim3A_2128 = vector.broadcast %and3A_2127 : i32 to vector<16xi32>
      %slice3A_2129 = vector.extract_strided_slice %get3A_1744 {offsets = [3], sizes = [1], strides = [1]} : vector<16xi32> to vector<1xi32>
      %squeeze3A_2130 = vector.extract %slice3A_2129[0] : i32 from vector<1xi32>
      %and3A_2131 = arith.constant 127 : i32
      %and3A_2132 = arith.andi %squeeze3A_2130, %and3A_2131 : i32
      %broadcast_in_dim3A_2133 = vector.broadcast %and3A_2132 : i32 to vector<16xi32>
      %broadcast_in_dim3A_2134 = vector.broadcast %add3A_2093 : i32 to vector<16xi32>
      %gather3A_2135 = arith.constant 3 : i32
      %gather3A_2136 = arith.constant 0 : i32
      %gather3A_2137 = arith.constant 0 : i32
      %gather3A_2138 = tpu.memref_slice %arg9[%gather3A_2135, %gather3A_2136, %gather3A_2137] : memref<8x32x128xf32, #tpu.memory_space<vmem>> -> memref<1x32x128xf32, #tpu.memory_space<vmem>>
      %gather3A_2139 = tpu.memref_squeeze %gather3A_2138 : memref<1x32x128xf32, #tpu.memory_space<vmem>> -> memref<32x128xf32, #tpu.memory_space<vmem>>
      %gather3A_2140 = tpu.vector_load_idx %gather3A_2139[%iota3A, %broadcast_in_dim3A_2128] : memref<32x128xf32, #tpu.memory_space<vmem>>[vector<16xi32>, vector<16xi32>], vector<16xf32>,
      %gather3A_2141 = arith.constant 3 : i32
      %gather3A_2142 = arith.constant 0 : i32
      %gather3A_2143 = arith.constant 0 : i32
      %gather3A_2144 = tpu.memref_slice %arg10[%gather3A_2141, %gather3A_2142, %gather3A_2143] : memref<8x32x128xf32, #tpu.memory_space<vmem>> -> memref<1x32x128xf32, #tpu.memory_space<vmem>>
      %gather3A_2145 = tpu.memref_squeeze %gather3A_2144 : memref<1x32x128xf32, #tpu.memory_space<vmem>> -> memref<32x128xf32, #tpu.memory_space<vmem>>
      %gather3A_2146 = tpu.vector_load_idx %gather3A_2145[%iota3A, %broadcast_in_dim3A_2133] : memref<32x128xf32, #tpu.memory_space<vmem>>[vector<16xi32>, vector<16xi32>], vector<16xf32>,
      %mul3A_2147 = arith.mulf %gather3A_2140, %gather3A_2146 : vector<16xf32>
      tpu.vector_store_idx %arg11[%iota3A, %broadcast_in_dim3A_2134], %mul3A_2147 : memref<32x512xf32, #tpu.memory_space<vmem>>[vector<16xi32>, vector<16xi32>], vector<16xf32>,
      %gather3A_2148 = arith.constant 3 : i32
      %gather3A_2149 = arith.constant 0 : i32
      %gather3A_2150 = arith.constant 0 : i32
      %gather3A_2151 = tpu.memref_slice %arg9[%gather3A_2148, %gather3A_2149, %gather3A_2150] : memref<8x32x128xf32, #tpu.memory_space<vmem>> -> memref<1x32x128xf32, #tpu.memory_space<vmem>>
      %gather3A_2152 = tpu.memref_squeeze %gather3A_2151 : memref<1x32x128xf32, #tpu.memory_space<vmem>> -> memref<32x128xf32, #tpu.memory_space<vmem>>
      %gather3A_2153 = tpu.vector_load_idx %gather3A_2152[%add3A_5, %broadcast_in_dim3A_2128] : memref<32x128xf32, #tpu.memory_space<vmem>>[vector<16xi32>, vector<16xi32>], vector<16xf32>,
      %gather3A_2154 = arith.constant 3 : i32
      %gather3A_2155 = arith.constant 0 : i32
      %gather3A_2156 = arith.constant 0 : i32
      %gather3A_2157 = tpu.memref_slice %arg10[%gather3A_2154, %gather3A_2155, %gather3A_2156] : memref<8x32x128xf32, #tpu.memory_space<vmem>> -> memref<1x32x128xf32, #tpu.memory_space<vmem>>
      %gather3A_2158 = tpu.memref_squeeze %gather3A_2157 : memref<1x32x128xf32, #tpu.memory_space<vmem>> -> memref<32x128xf32, #tpu.memory_space<vmem>>
      %gather3A_2159 = tpu.vector_load_idx %gather3A_2158[%add3A_5, %broadcast_in_dim3A_2133] : memref<32x128xf32, #tpu.memory_space<vmem>>[vector<16xi32>, vector<16xi32>], vector<16xf32>,
      %mul3A_2160 = arith.mulf %gather3A_2153, %gather3A_2159 : vector<16xf32>
      tpu.vector_store_idx %arg11[%add3A_5, %broadcast_in_dim3A_2134], %mul3A_2160 : memref<32x512xf32, #tpu.memory_space<vmem>>[vector<16xi32>, vector<16xi32>], vector<16xf32>,
      %slice3A_2161 = vector.extract_strided_slice %get3A_1740 {offsets = [11], sizes = [1], strides = [1]} : vector<16xi32> to vector<1xi32>
      %squeeze3A_2162 = vector.extract %slice3A_2161[0] : i32 from vector<1xi32>
      %shift_right_arithmetic3A_2163 = arith.constant 7 : i32
      %shift_right_arithmetic3A_2164 = arith.shrsi %squeeze3A_2162, %shift_right_arithmetic3A_2163 : i32
      %shift_left3A_2165 = arith.constant 7 : i32
      %shift_left3A_2166 = arith.shli %shift_right_arithmetic3A_2164, %shift_left3A_2165 : i32
      %multiple_of3A_2167 = tpu.assume_multiple %shift_left3A_2166, 128 : i32
      %slice3A_2168 = vector.extract_strided_slice %get3A_1744 {offsets = [11], sizes = [1], strides = [1]} : vector<16xi32> to vector<1xi32>
      %squeeze3A_2169 = vector.extract %slice3A_2168[0] : i32 from vector<1xi32>
      %shift_right_arithmetic3A_2170 = arith.constant 7 : i32
      %shift_right_arithmetic3A_2171 = arith.shrsi %squeeze3A_2169, %shift_right_arithmetic3A_2170 : i32
      %shift_left3A_2172 = arith.constant 7 : i32
      %shift_left3A_2173 = arith.shli %shift_right_arithmetic3A_2171, %shift_left3A_2172 : i32
      %multiple_of3A_2174 = tpu.assume_multiple %shift_left3A_2173, 128 : i32
      %dma_start3A_2175 = arith.constant 3 : i32
      %dma_start3A_2176 = arith.constant 0 : i32
      %dma_start3A_2177 = arith.constant 0 : i32
      %dma_start3A_2178 = tpu.memref_slice %arg9[%dma_start3A_2175, %dma_start3A_2176, %dma_start3A_2177] : memref<8x32x128xf32, #tpu.memory_space<vmem>> -> memref<1x32x128xf32, #tpu.memory_space<vmem>>
      %dma_start3A_2179 = tpu.memref_squeeze %dma_start3A_2178 : memref<1x32x128xf32, #tpu.memory_space<vmem>> -> memref<32x128xf32, #tpu.memory_space<vmem>>
      %dma_start3A_2180 = arith.constant 0 : i32
      %dma_start3A_2181 = tpu.memref_slice %arg4[%dma_start3A_2180, %multiple_of3A_2167] : memref<32x1000000xf32, #tpu.memory_space<hbm>> -> memref<32x128xf32, #tpu.memory_space<hbm>>
      %dma_start3A_2182 = arith.constant 0 : i32
      %dma_start3A_2183 = arith.constant 0 : i32
      %dma_start3A_2184 = tpu.memref_slice %arg9[%dma_start3A_2175, %dma_start3A_2182, %dma_start3A_2183] : memref<8x32x128xf32, #tpu.memory_space<vmem>> -> memref<1x32x128xf32, #tpu.memory_space<vmem>>
      %dma_start3A_2185 = tpu.memref_squeeze %dma_start3A_2184 : memref<1x32x128xf32, #tpu.memory_space<vmem>> -> memref<32x128xf32, #tpu.memory_space<vmem>>
      %dma_start3A_2186 = arith.constant 0 : i32
      %dma_start3A_2187 = tpu.memref_slice %arg4[%dma_start3A_2186, %multiple_of3A_2167] : memref<32x1000000xf32, #tpu.memory_space<hbm>> -> memref<32x128xf32, #tpu.memory_space<hbm>>
      tpu.enqueue_dma source(%dma_start3A_2187 : memref<32x128xf32, #tpu.memory_space<hbm>>) target(%dma_start3A_2185 : memref<32x128xf32, #tpu.memory_space<vmem>>) target_semaphore(%arg15 : memref<!tpu.dma_semaphore, #tpu.memory_space<semaphore_mem>>)
      %dma_start3A_2188 = arith.constant 3 : i32
      %dma_start3A_2189 = arith.constant 0 : i32
      %dma_start3A_2190 = arith.constant 0 : i32
      %dma_start3A_2191 = tpu.memref_slice %arg10[%dma_start3A_2188, %dma_start3A_2189, %dma_start3A_2190] : memref<8x32x128xf32, #tpu.memory_space<vmem>> -> memref<1x32x128xf32, #tpu.memory_space<vmem>>
      %dma_start3A_2192 = tpu.memref_squeeze %dma_start3A_2191 : memref<1x32x128xf32, #tpu.memory_space<vmem>> -> memref<32x128xf32, #tpu.memory_space<vmem>>
      %dma_start3A_2193 = arith.constant 0 : i32
      %dma_start3A_2194 = tpu.memref_slice %arg5[%dma_start3A_2193, %multiple_of3A_2174] : memref<32x1000000xf32, #tpu.memory_space<hbm>> -> memref<32x128xf32, #tpu.memory_space<hbm>>
      %dma_start3A_2195 = arith.constant 0 : i32
      %dma_start3A_2196 = arith.constant 0 : i32
      %dma_start3A_2197 = tpu.memref_slice %arg10[%dma_start3A_2188, %dma_start3A_2195, %dma_start3A_2196] : memref<8x32x128xf32, #tpu.memory_space<vmem>> -> memref<1x32x128xf32, #tpu.memory_space<vmem>>
      %dma_start3A_2198 = tpu.memref_squeeze %dma_start3A_2197 : memref<1x32x128xf32, #tpu.memory_space<vmem>> -> memref<32x128xf32, #tpu.memory_space<vmem>>
      %dma_start3A_2199 = arith.constant 0 : i32
      %dma_start3A_2200 = tpu.memref_slice %arg5[%dma_start3A_2199, %multiple_of3A_2174] : memref<32x1000000xf32, #tpu.memory_space<hbm>> -> memref<32x128xf32, #tpu.memory_space<hbm>>
      tpu.enqueue_dma source(%dma_start3A_2200 : memref<32x128xf32, #tpu.memory_space<hbm>>) target(%dma_start3A_2198 : memref<32x128xf32, #tpu.memory_space<vmem>>) target_semaphore(%arg23 : memref<!tpu.dma_semaphore, #tpu.memory_space<semaphore_mem>>)
      %mul3A_2201 = arith.constant 16 : i32
      %mul3A_2202 = arith.muli %scan3A_1736, %mul3A_2201 : i32
      %add3A_2203 = arith.constant 4 : i32
      %add3A_2204 = arith.addi %mul3A_2202, %add3A_2203 : i32
      %dma_wait3A_2205 = arith.constant 4 : i32
      %dma_wait3A_2206 = arith.constant 0 : i32
      %dma_wait3A_2207 = arith.constant 0 : i32
      %dma_wait3A_2208 = tpu.memref_slice %arg9[%dma_wait3A_2205, %dma_wait3A_2206, %dma_wait3A_2207] : memref<8x32x128xf32, #tpu.memory_space<vmem>> -> memref<1x32x128xf32, #tpu.memory_space<vmem>>
      %dma_wait3A_2209 = tpu.memref_squeeze %dma_wait3A_2208 : memref<1x32x128xf32, #tpu.memory_space<vmem>> -> memref<32x128xf32, #tpu.memory_space<vmem>>
      %dma_wait3A_2210 = arith.constant 0 : i32
      %dma_wait3A_2211 = arith.constant 0 : i32
      %dma_wait3A_2212 = tpu.memref_slice %arg4[%dma_wait3A_2210, %dma_wait3A_2211] : memref<32x1000000xf32, #tpu.memory_space<hbm>> -> memref<32x128xf32, #tpu.memory_space<hbm>>
      %dma_wait3A_2213 = arith.constant 0 : i32
      %dma_wait3A_2214 = arith.constant 0 : i32
      %dma_wait3A_2215 = tpu.memref_slice %arg9[%dma_wait3A_2205, %dma_wait3A_2213, %dma_wait3A_2214] : memref<8x32x128xf32, #tpu.memory_space<vmem>> -> memref<1x32x128xf32, #tpu.memory_space<vmem>>
      %dma_wait3A_2216 = tpu.memref_squeeze %dma_wait3A_2215 : memref<1x32x128xf32, #tpu.memory_space<vmem>> -> memref<32x128xf32, #tpu.memory_space<vmem>>
      %dma_wait3A_2217 = arith.constant 0 : i32
      %dma_wait3A_2218 = arith.constant 0 : i32
      %dma_wait3A_2219 = tpu.memref_slice %arg4[%dma_wait3A_2217, %dma_wait3A_2218] : memref<32x1000000xf32, #tpu.memory_space<hbm>> -> memref<32x128xf32, #tpu.memory_space<hbm>>
      tpu.wait_dma2 semaphore(%arg16 : memref<!tpu.dma_semaphore, #tpu.memory_space<semaphore_mem>>) src(%dma_wait3A_2219 : memref<32x128xf32, #tpu.memory_space<hbm>>) dst(%dma_wait3A_2216 : memref<32x128xf32, #tpu.memory_space<vmem>>)
      %dma_wait3A_2220 = arith.constant 4 : i32
      %dma_wait3A_2221 = arith.constant 0 : i32
      %dma_wait3A_2222 = arith.constant 0 : i32
      %dma_wait3A_2223 = tpu.memref_slice %arg10[%dma_wait3A_2220, %dma_wait3A_2221, %dma_wait3A_2222] : memref<8x32x128xf32, #tpu.memory_space<vmem>> -> memref<1x32x128xf32, #tpu.memory_space<vmem>>
      %dma_wait3A_2224 = tpu.memref_squeeze %dma_wait3A_2223 : memref<1x32x128xf32, #tpu.memory_space<vmem>> -> memref<32x128xf32, #tpu.memory_space<vmem>>
      %dma_wait3A_2225 = arith.constant 0 : i32
      %dma_wait3A_2226 = arith.constant 0 : i32
      %dma_wait3A_2227 = tpu.memref_slice %arg5[%dma_wait3A_2225, %dma_wait3A_2226] : memref<32x1000000xf32, #tpu.memory_space<hbm>> -> memref<32x128xf32, #tpu.memory_space<hbm>>
      %dma_wait3A_2228 = arith.constant 0 : i32
      %dma_wait3A_2229 = arith.constant 0 : i32
      %dma_wait3A_2230 = tpu.memref_slice %arg10[%dma_wait3A_2220, %dma_wait3A_2228, %dma_wait3A_2229] : memref<8x32x128xf32, #tpu.memory_space<vmem>> -> memref<1x32x128xf32, #tpu.memory_space<vmem>>
      %dma_wait3A_2231 = tpu.memref_squeeze %dma_wait3A_2230 : memref<1x32x128xf32, #tpu.memory_space<vmem>> -> memref<32x128xf32, #tpu.memory_space<vmem>>
      %dma_wait3A_2232 = arith.constant 0 : i32
      %dma_wait3A_2233 = arith.constant 0 : i32
      %dma_wait3A_2234 = tpu.memref_slice %arg5[%dma_wait3A_2232, %dma_wait3A_2233] : memref<32x1000000xf32, #tpu.memory_space<hbm>> -> memref<32x128xf32, #tpu.memory_space<hbm>>
      tpu.wait_dma2 semaphore(%arg24 : memref<!tpu.dma_semaphore, #tpu.memory_space<semaphore_mem>>) src(%dma_wait3A_2234 : memref<32x128xf32, #tpu.memory_space<hbm>>) dst(%dma_wait3A_2231 : memref<32x128xf32, #tpu.memory_space<vmem>>)
      %slice3A_2235 = vector.extract_strided_slice %get3A_1740 {offsets = [4], sizes = [1], strides = [1]} : vector<16xi32> to vector<1xi32>
      %squeeze3A_2236 = vector.extract %slice3A_2235[0] : i32 from vector<1xi32>
      %and3A_2237 = arith.constant 127 : i32
      %and3A_2238 = arith.andi %squeeze3A_2236, %and3A_2237 : i32
      %broadcast_in_dim3A_2239 = vector.broadcast %and3A_2238 : i32 to vector<16xi32>
      %slice3A_2240 = vector.extract_strided_slice %get3A_1744 {offsets = [4], sizes = [1], strides = [1]} : vector<16xi32> to vector<1xi32>
      %squeeze3A_2241 = vector.extract %slice3A_2240[0] : i32 from vector<1xi32>
      %and3A_2242 = arith.constant 127 : i32
      %and3A_2243 = arith.andi %squeeze3A_2241, %and3A_2242 : i32
      %broadcast_in_dim3A_2244 = vector.broadcast %and3A_2243 : i32 to vector<16xi32>
      %broadcast_in_dim3A_2245 = vector.broadcast %add3A_2204 : i32 to vector<16xi32>
      %gather3A_2246 = arith.constant 4 : i32
      %gather3A_2247 = arith.constant 0 : i32
      %gather3A_2248 = arith.constant 0 : i32
      %gather3A_2249 = tpu.memref_slice %arg9[%gather3A_2246, %gather3A_2247, %gather3A_2248] : memref<8x32x128xf32, #tpu.memory_space<vmem>> -> memref<1x32x128xf32, #tpu.memory_space<vmem>>
      %gather3A_2250 = tpu.memref_squeeze %gather3A_2249 : memref<1x32x128xf32, #tpu.memory_space<vmem>> -> memref<32x128xf32, #tpu.memory_space<vmem>>
      %gather3A_2251 = tpu.vector_load_idx %gather3A_2250[%iota3A, %broadcast_in_dim3A_2239] : memref<32x128xf32, #tpu.memory_space<vmem>>[vector<16xi32>, vector<16xi32>], vector<16xf32>,
      %gather3A_2252 = arith.constant 4 : i32
      %gather3A_2253 = arith.constant 0 : i32
      %gather3A_2254 = arith.constant 0 : i32
      %gather3A_2255 = tpu.memref_slice %arg10[%gather3A_2252, %gather3A_2253, %gather3A_2254] : memref<8x32x128xf32, #tpu.memory_space<vmem>> -> memref<1x32x128xf32, #tpu.memory_space<vmem>>
      %gather3A_2256 = tpu.memref_squeeze %gather3A_2255 : memref<1x32x128xf32, #tpu.memory_space<vmem>> -> memref<32x128xf32, #tpu.memory_space<vmem>>
      %gather3A_2257 = tpu.vector_load_idx %gather3A_2256[%iota3A, %broadcast_in_dim3A_2244] : memref<32x128xf32, #tpu.memory_space<vmem>>[vector<16xi32>, vector<16xi32>], vector<16xf32>,
      %mul3A_2258 = arith.mulf %gather3A_2251, %gather3A_2257 : vector<16xf32>
      tpu.vector_store_idx %arg11[%iota3A, %broadcast_in_dim3A_2245], %mul3A_2258 : memref<32x512xf32, #tpu.memory_space<vmem>>[vector<16xi32>, vector<16xi32>], vector<16xf32>,
      %gather3A_2259 = arith.constant 4 : i32
      %gather3A_2260 = arith.constant 0 : i32
      %gather3A_2261 = arith.constant 0 : i32
      %gather3A_2262 = tpu.memref_slice %arg9[%gather3A_2259, %gather3A_2260, %gather3A_2261] : memref<8x32x128xf32, #tpu.memory_space<vmem>> -> memref<1x32x128xf32, #tpu.memory_space<vmem>>
      %gather3A_2263 = tpu.memref_squeeze %gather3A_2262 : memref<1x32x128xf32, #tpu.memory_space<vmem>> -> memref<32x128xf32, #tpu.memory_space<vmem>>
      %gather3A_2264 = tpu.vector_load_idx %gather3A_2263[%add3A_5, %broadcast_in_dim3A_2239] : memref<32x128xf32, #tpu.memory_space<vmem>>[vector<16xi32>, vector<16xi32>], vector<16xf32>,
      %gather3A_2265 = arith.constant 4 : i32
      %gather3A_2266 = arith.constant 0 : i32
      %gather3A_2267 = arith.constant 0 : i32
      %gather3A_2268 = tpu.memref_slice %arg10[%gather3A_2265, %gather3A_2266, %gather3A_2267] : memref<8x32x128xf32, #tpu.memory_space<vmem>> -> memref<1x32x128xf32, #tpu.memory_space<vmem>>
      %gather3A_2269 = tpu.memref_squeeze %gather3A_2268 : memref<1x32x128xf32, #tpu.memory_space<vmem>> -> memref<32x128xf32, #tpu.memory_space<vmem>>
      %gather3A_2270 = tpu.vector_load_idx %gather3A_2269[%add3A_5, %broadcast_in_dim3A_2244] : memref<32x128xf32, #tpu.memory_space<vmem>>[vector<16xi32>, vector<16xi32>], vector<16xf32>,
      %mul3A_2271 = arith.mulf %gather3A_2264, %gather3A_2270 : vector<16xf32>
      tpu.vector_store_idx %arg11[%add3A_5, %broadcast_in_dim3A_2245], %mul3A_2271 : memref<32x512xf32, #tpu.memory_space<vmem>>[vector<16xi32>, vector<16xi32>], vector<16xf32>,
      %slice3A_2272 = vector.extract_strided_slice %get3A_1740 {offsets = [12], sizes = [1], strides = [1]} : vector<16xi32> to vector<1xi32>
      %squeeze3A_2273 = vector.extract %slice3A_2272[0] : i32 from vector<1xi32>
      %shift_right_arithmetic3A_2274 = arith.constant 7 : i32
      %shift_right_arithmetic3A_2275 = arith.shrsi %squeeze3A_2273, %shift_right_arithmetic3A_2274 : i32
      %shift_left3A_2276 = arith.constant 7 : i32
      %shift_left3A_2277 = arith.shli %shift_right_arithmetic3A_2275, %shift_left3A_2276 : i32
      %multiple_of3A_2278 = tpu.assume_multiple %shift_left3A_2277, 128 : i32
      %slice3A_2279 = vector.extract_strided_slice %get3A_1744 {offsets = [12], sizes = [1], strides = [1]} : vector<16xi32> to vector<1xi32>
      %squeeze3A_2280 = vector.extract %slice3A_2279[0] : i32 from vector<1xi32>
      %shift_right_arithmetic3A_2281 = arith.constant 7 : i32
      %shift_right_arithmetic3A_2282 = arith.shrsi %squeeze3A_2280, %shift_right_arithmetic3A_2281 : i32
      %shift_left3A_2283 = arith.constant 7 : i32
      %shift_left3A_2284 = arith.shli %shift_right_arithmetic3A_2282, %shift_left3A_2283 : i32
      %multiple_of3A_2285 = tpu.assume_multiple %shift_left3A_2284, 128 : i32
      %dma_start3A_2286 = arith.constant 4 : i32
      %dma_start3A_2287 = arith.constant 0 : i32
      %dma_start3A_2288 = arith.constant 0 : i32
      %dma_start3A_2289 = tpu.memref_slice %arg9[%dma_start3A_2286, %dma_start3A_2287, %dma_start3A_2288] : memref<8x32x128xf32, #tpu.memory_space<vmem>> -> memref<1x32x128xf32, #tpu.memory_space<vmem>>
      %dma_start3A_2290 = tpu.memref_squeeze %dma_start3A_2289 : memref<1x32x128xf32, #tpu.memory_space<vmem>> -> memref<32x128xf32, #tpu.memory_space<vmem>>
      %dma_start3A_2291 = arith.constant 0 : i32
      %dma_start3A_2292 = tpu.memref_slice %arg4[%dma_start3A_2291, %multiple_of3A_2278] : memref<32x1000000xf32, #tpu.memory_space<hbm>> -> memref<32x128xf32, #tpu.memory_space<hbm>>
      %dma_start3A_2293 = arith.constant 0 : i32
      %dma_start3A_2294 = arith.constant 0 : i32
      %dma_start3A_2295 = tpu.memref_slice %arg9[%dma_start3A_2286, %dma_start3A_2293, %dma_start3A_2294] : memref<8x32x128xf32, #tpu.memory_space<vmem>> -> memref<1x32x128xf32, #tpu.memory_space<vmem>>
      %dma_start3A_2296 = tpu.memref_squeeze %dma_start3A_2295 : memref<1x32x128xf32, #tpu.memory_space<vmem>> -> memref<32x128xf32, #tpu.memory_space<vmem>>
      %dma_start3A_2297 = arith.constant 0 : i32
      %dma_start3A_2298 = tpu.memref_slice %arg4[%dma_start3A_2297, %multiple_of3A_2278] : memref<32x1000000xf32, #tpu.memory_space<hbm>> -> memref<32x128xf32, #tpu.memory_space<hbm>>
      tpu.enqueue_dma source(%dma_start3A_2298 : memref<32x128xf32, #tpu.memory_space<hbm>>) target(%dma_start3A_2296 : memref<32x128xf32, #tpu.memory_space<vmem>>) target_semaphore(%arg16 : memref<!tpu.dma_semaphore, #tpu.memory_space<semaphore_mem>>)
      %dma_start3A_2299 = arith.constant 4 : i32
      %dma_start3A_2300 = arith.constant 0 : i32
      %dma_start3A_2301 = arith.constant 0 : i32
      %dma_start3A_2302 = tpu.memref_slice %arg10[%dma_start3A_2299, %dma_start3A_2300, %dma_start3A_2301] : memref<8x32x128xf32, #tpu.memory_space<vmem>> -> memref<1x32x128xf32, #tpu.memory_space<vmem>>
      %dma_start3A_2303 = tpu.memref_squeeze %dma_start3A_2302 : memref<1x32x128xf32, #tpu.memory_space<vmem>> -> memref<32x128xf32, #tpu.memory_space<vmem>>
      %dma_start3A_2304 = arith.constant 0 : i32
      %dma_start3A_2305 = tpu.memref_slice %arg5[%dma_start3A_2304, %multiple_of3A_2285] : memref<32x1000000xf32, #tpu.memory_space<hbm>> -> memref<32x128xf32, #tpu.memory_space<hbm>>
      %dma_start3A_2306 = arith.constant 0 : i32
      %dma_start3A_2307 = arith.constant 0 : i32
      %dma_start3A_2308 = tpu.memref_slice %arg10[%dma_start3A_2299, %dma_start3A_2306, %dma_start3A_2307] : memref<8x32x128xf32, #tpu.memory_space<vmem>> -> memref<1x32x128xf32, #tpu.memory_space<vmem>>
      %dma_start3A_2309 = tpu.memref_squeeze %dma_start3A_2308 : memref<1x32x128xf32, #tpu.memory_space<vmem>> -> memref<32x128xf32, #tpu.memory_space<vmem>>
      %dma_start3A_2310 = arith.constant 0 : i32
      %dma_start3A_2311 = tpu.memref_slice %arg5[%dma_start3A_2310, %multiple_of3A_2285] : memref<32x1000000xf32, #tpu.memory_space<hbm>> -> memref<32x128xf32, #tpu.memory_space<hbm>>
      tpu.enqueue_dma source(%dma_start3A_2311 : memref<32x128xf32, #tpu.memory_space<hbm>>) target(%dma_start3A_2309 : memref<32x128xf32, #tpu.memory_space<vmem>>) target_semaphore(%arg24 : memref<!tpu.dma_semaphore, #tpu.memory_space<semaphore_mem>>)
      %mul3A_2312 = arith.constant 16 : i32
      %mul3A_2313 = arith.muli %scan3A_1736, %mul3A_2312 : i32
      %add3A_2314 = arith.constant 5 : i32
      %add3A_2315 = arith.addi %mul3A_2313, %add3A_2314 : i32
      %dma_wait3A_2316 = arith.constant 5 : i32
      %dma_wait3A_2317 = arith.constant 0 : i32
      %dma_wait3A_2318 = arith.constant 0 : i32
      %dma_wait3A_2319 = tpu.memref_slice %arg9[%dma_wait3A_2316, %dma_wait3A_2317, %dma_wait3A_2318] : memref<8x32x128xf32, #tpu.memory_space<vmem>> -> memref<1x32x128xf32, #tpu.memory_space<vmem>>
      %dma_wait3A_2320 = tpu.memref_squeeze %dma_wait3A_2319 : memref<1x32x128xf32, #tpu.memory_space<vmem>> -> memref<32x128xf32, #tpu.memory_space<vmem>>
      %dma_wait3A_2321 = arith.constant 0 : i32
      %dma_wait3A_2322 = arith.constant 0 : i32
      %dma_wait3A_2323 = tpu.memref_slice %arg4[%dma_wait3A_2321, %dma_wait3A_2322] : memref<32x1000000xf32, #tpu.memory_space<hbm>> -> memref<32x128xf32, #tpu.memory_space<hbm>>
      %dma_wait3A_2324 = arith.constant 0 : i32
      %dma_wait3A_2325 = arith.constant 0 : i32
      %dma_wait3A_2326 = tpu.memref_slice %arg9[%dma_wait3A_2316, %dma_wait3A_2324, %dma_wait3A_2325] : memref<8x32x128xf32, #tpu.memory_space<vmem>> -> memref<1x32x128xf32, #tpu.memory_space<vmem>>
      %dma_wait3A_2327 = tpu.memref_squeeze %dma_wait3A_2326 : memref<1x32x128xf32, #tpu.memory_space<vmem>> -> memref<32x128xf32, #tpu.memory_space<vmem>>
      %dma_wait3A_2328 = arith.constant 0 : i32
      %dma_wait3A_2329 = arith.constant 0 : i32
      %dma_wait3A_2330 = tpu.memref_slice %arg4[%dma_wait3A_2328, %dma_wait3A_2329] : memref<32x1000000xf32, #tpu.memory_space<hbm>> -> memref<32x128xf32, #tpu.memory_space<hbm>>
      tpu.wait_dma2 semaphore(%arg17 : memref<!tpu.dma_semaphore, #tpu.memory_space<semaphore_mem>>) src(%dma_wait3A_2330 : memref<32x128xf32, #tpu.memory_space<hbm>>) dst(%dma_wait3A_2327 : memref<32x128xf32, #tpu.memory_space<vmem>>)
      %dma_wait3A_2331 = arith.constant 5 : i32
      %dma_wait3A_2332 = arith.constant 0 : i32
      %dma_wait3A_2333 = arith.constant 0 : i32
      %dma_wait3A_2334 = tpu.memref_slice %arg10[%dma_wait3A_2331, %dma_wait3A_2332, %dma_wait3A_2333] : memref<8x32x128xf32, #tpu.memory_space<vmem>> -> memref<1x32x128xf32, #tpu.memory_space<vmem>>
      %dma_wait3A_2335 = tpu.memref_squeeze %dma_wait3A_2334 : memref<1x32x128xf32, #tpu.memory_space<vmem>> -> memref<32x128xf32, #tpu.memory_space<vmem>>
      %dma_wait3A_2336 = arith.constant 0 : i32
      %dma_wait3A_2337 = arith.constant 0 : i32
      %dma_wait3A_2338 = tpu.memref_slice %arg5[%dma_wait3A_2336, %dma_wait3A_2337] : memref<32x1000000xf32, #tpu.memory_space<hbm>> -> memref<32x128xf32, #tpu.memory_space<hbm>>
      %dma_wait3A_2339 = arith.constant 0 : i32
      %dma_wait3A_2340 = arith.constant 0 : i32
      %dma_wait3A_2341 = tpu.memref_slice %arg10[%dma_wait3A_2331, %dma_wait3A_2339, %dma_wait3A_2340] : memref<8x32x128xf32, #tpu.memory_space<vmem>> -> memref<1x32x128xf32, #tpu.memory_space<vmem>>
      %dma_wait3A_2342 = tpu.memref_squeeze %dma_wait3A_2341 : memref<1x32x128xf32, #tpu.memory_space<vmem>> -> memref<32x128xf32, #tpu.memory_space<vmem>>
      %dma_wait3A_2343 = arith.constant 0 : i32
      %dma_wait3A_2344 = arith.constant 0 : i32
      %dma_wait3A_2345 = tpu.memref_slice %arg5[%dma_wait3A_2343, %dma_wait3A_2344] : memref<32x1000000xf32, #tpu.memory_space<hbm>> -> memref<32x128xf32, #tpu.memory_space<hbm>>
      tpu.wait_dma2 semaphore(%arg25 : memref<!tpu.dma_semaphore, #tpu.memory_space<semaphore_mem>>) src(%dma_wait3A_2345 : memref<32x128xf32, #tpu.memory_space<hbm>>) dst(%dma_wait3A_2342 : memref<32x128xf32, #tpu.memory_space<vmem>>)
      %slice3A_2346 = vector.extract_strided_slice %get3A_1740 {offsets = [5], sizes = [1], strides = [1]} : vector<16xi32> to vector<1xi32>
      %squeeze3A_2347 = vector.extract %slice3A_2346[0] : i32 from vector<1xi32>
      %and3A_2348 = arith.constant 127 : i32
      %and3A_2349 = arith.andi %squeeze3A_2347, %and3A_2348 : i32
      %broadcast_in_dim3A_2350 = vector.broadcast %and3A_2349 : i32 to vector<16xi32>
      %slice3A_2351 = vector.extract_strided_slice %get3A_1744 {offsets = [5], sizes = [1], strides = [1]} : vector<16xi32> to vector<1xi32>
      %squeeze3A_2352 = vector.extract %slice3A_2351[0] : i32 from vector<1xi32>
      %and3A_2353 = arith.constant 127 : i32
      %and3A_2354 = arith.andi %squeeze3A_2352, %and3A_2353 : i32
      %broadcast_in_dim3A_2355 = vector.broadcast %and3A_2354 : i32 to vector<16xi32>
      %broadcast_in_dim3A_2356 = vector.broadcast %add3A_2315 : i32 to vector<16xi32>
      %gather3A_2357 = arith.constant 5 : i32
      %gather3A_2358 = arith.constant 0 : i32
      %gather3A_2359 = arith.constant 0 : i32
      %gather3A_2360 = tpu.memref_slice %arg9[%gather3A_2357, %gather3A_2358, %gather3A_2359] : memref<8x32x128xf32, #tpu.memory_space<vmem>> -> memref<1x32x128xf32, #tpu.memory_space<vmem>>
      %gather3A_2361 = tpu.memref_squeeze %gather3A_2360 : memref<1x32x128xf32, #tpu.memory_space<vmem>> -> memref<32x128xf32, #tpu.memory_space<vmem>>
      %gather3A_2362 = tpu.vector_load_idx %gather3A_2361[%iota3A, %broadcast_in_dim3A_2350] : memref<32x128xf32, #tpu.memory_space<vmem>>[vector<16xi32>, vector<16xi32>], vector<16xf32>,
      %gather3A_2363 = arith.constant 5 : i32
      %gather3A_2364 = arith.constant 0 : i32
      %gather3A_2365 = arith.constant 0 : i32
      %gather3A_2366 = tpu.memref_slice %arg10[%gather3A_2363, %gather3A_2364, %gather3A_2365] : memref<8x32x128xf32, #tpu.memory_space<vmem>> -> memref<1x32x128xf32, #tpu.memory_space<vmem>>
      %gather3A_2367 = tpu.memref_squeeze %gather3A_2366 : memref<1x32x128xf32, #tpu.memory_space<vmem>> -> memref<32x128xf32, #tpu.memory_space<vmem>>
      %gather3A_2368 = tpu.vector_load_idx %gather3A_2367[%iota3A, %broadcast_in_dim3A_2355] : memref<32x128xf32, #tpu.memory_space<vmem>>[vector<16xi32>, vector<16xi32>], vector<16xf32>,
      %mul3A_2369 = arith.mulf %gather3A_2362, %gather3A_2368 : vector<16xf32>
      tpu.vector_store_idx %arg11[%iota3A, %broadcast_in_dim3A_2356], %mul3A_2369 : memref<32x512xf32, #tpu.memory_space<vmem>>[vector<16xi32>, vector<16xi32>], vector<16xf32>,
      %gather3A_2370 = arith.constant 5 : i32
      %gather3A_2371 = arith.constant 0 : i32
      %gather3A_2372 = arith.constant 0 : i32
      %gather3A_2373 = tpu.memref_slice %arg9[%gather3A_2370, %gather3A_2371, %gather3A_2372] : memref<8x32x128xf32, #tpu.memory_space<vmem>> -> memref<1x32x128xf32, #tpu.memory_space<vmem>>
      %gather3A_2374 = tpu.memref_squeeze %gather3A_2373 : memref<1x32x128xf32, #tpu.memory_space<vmem>> -> memref<32x128xf32, #tpu.memory_space<vmem>>
      %gather3A_2375 = tpu.vector_load_idx %gather3A_2374[%add3A_5, %broadcast_in_dim3A_2350] : memref<32x128xf32, #tpu.memory_space<vmem>>[vector<16xi32>, vector<16xi32>], vector<16xf32>,
      %gather3A_2376 = arith.constant 5 : i32
      %gather3A_2377 = arith.constant 0 : i32
      %gather3A_2378 = arith.constant 0 : i32
      %gather3A_2379 = tpu.memref_slice %arg10[%gather3A_2376, %gather3A_2377, %gather3A_2378] : memref<8x32x128xf32, #tpu.memory_space<vmem>> -> memref<1x32x128xf32, #tpu.memory_space<vmem>>
      %gather3A_2380 = tpu.memref_squeeze %gather3A_2379 : memref<1x32x128xf32, #tpu.memory_space<vmem>> -> memref<32x128xf32, #tpu.memory_space<vmem>>
      %gather3A_2381 = tpu.vector_load_idx %gather3A_2380[%add3A_5, %broadcast_in_dim3A_2355] : memref<32x128xf32, #tpu.memory_space<vmem>>[vector<16xi32>, vector<16xi32>], vector<16xf32>,
      %mul3A_2382 = arith.mulf %gather3A_2375, %gather3A_2381 : vector<16xf32>
      tpu.vector_store_idx %arg11[%add3A_5, %broadcast_in_dim3A_2356], %mul3A_2382 : memref<32x512xf32, #tpu.memory_space<vmem>>[vector<16xi32>, vector<16xi32>], vector<16xf32>,
      %slice3A_2383 = vector.extract_strided_slice %get3A_1740 {offsets = [13], sizes = [1], strides = [1]} : vector<16xi32> to vector<1xi32>
      %squeeze3A_2384 = vector.extract %slice3A_2383[0] : i32 from vector<1xi32>
      %shift_right_arithmetic3A_2385 = arith.constant 7 : i32
      %shift_right_arithmetic3A_2386 = arith.shrsi %squeeze3A_2384, %shift_right_arithmetic3A_2385 : i32
      %shift_left3A_2387 = arith.constant 7 : i32
      %shift_left3A_2388 = arith.shli %shift_right_arithmetic3A_2386, %shift_left3A_2387 : i32
      %multiple_of3A_2389 = tpu.assume_multiple %shift_left3A_2388, 128 : i32
      %slice3A_2390 = vector.extract_strided_slice %get3A_1744 {offsets = [13], sizes = [1], strides = [1]} : vector<16xi32> to vector<1xi32>
      %squeeze3A_2391 = vector.extract %slice3A_2390[0] : i32 from vector<1xi32>
      %shift_right_arithmetic3A_2392 = arith.constant 7 : i32
      %shift_right_arithmetic3A_2393 = arith.shrsi %squeeze3A_2391, %shift_right_arithmetic3A_2392 : i32
      %shift_left3A_2394 = arith.constant 7 : i32
      %shift_left3A_2395 = arith.shli %shift_right_arithmetic3A_2393, %shift_left3A_2394 : i32
      %multiple_of3A_2396 = tpu.assume_multiple %shift_left3A_2395, 128 : i32
      %dma_start3A_2397 = arith.constant 5 : i32
      %dma_start3A_2398 = arith.constant 0 : i32
      %dma_start3A_2399 = arith.constant 0 : i32
      %dma_start3A_2400 = tpu.memref_slice %arg9[%dma_start3A_2397, %dma_start3A_2398, %dma_start3A_2399] : memref<8x32x128xf32, #tpu.memory_space<vmem>> -> memref<1x32x128xf32, #tpu.memory_space<vmem>>
      %dma_start3A_2401 = tpu.memref_squeeze %dma_start3A_2400 : memref<1x32x128xf32, #tpu.memory_space<vmem>> -> memref<32x128xf32, #tpu.memory_space<vmem>>
      %dma_start3A_2402 = arith.constant 0 : i32
      %dma_start3A_2403 = tpu.memref_slice %arg4[%dma_start3A_2402, %multiple_of3A_2389] : memref<32x1000000xf32, #tpu.memory_space<hbm>> -> memref<32x128xf32, #tpu.memory_space<hbm>>
      %dma_start3A_2404 = arith.constant 0 : i32
      %dma_start3A_2405 = arith.constant 0 : i32
      %dma_start3A_2406 = tpu.memref_slice %arg9[%dma_start3A_2397, %dma_start3A_2404, %dma_start3A_2405] : memref<8x32x128xf32, #tpu.memory_space<vmem>> -> memref<1x32x128xf32, #tpu.memory_space<vmem>>
      %dma_start3A_2407 = tpu.memref_squeeze %dma_start3A_2406 : memref<1x32x128xf32, #tpu.memory_space<vmem>> -> memref<32x128xf32, #tpu.memory_space<vmem>>
      %dma_start3A_2408 = arith.constant 0 : i32
      %dma_start3A_2409 = tpu.memref_slice %arg4[%dma_start3A_2408, %multiple_of3A_2389] : memref<32x1000000xf32, #tpu.memory_space<hbm>> -> memref<32x128xf32, #tpu.memory_space<hbm>>
      tpu.enqueue_dma source(%dma_start3A_2409 : memref<32x128xf32, #tpu.memory_space<hbm>>) target(%dma_start3A_2407 : memref<32x128xf32, #tpu.memory_space<vmem>>) target_semaphore(%arg17 : memref<!tpu.dma_semaphore, #tpu.memory_space<semaphore_mem>>)
      %dma_start3A_2410 = arith.constant 5 : i32
      %dma_start3A_2411 = arith.constant 0 : i32
      %dma_start3A_2412 = arith.constant 0 : i32
      %dma_start3A_2413 = tpu.memref_slice %arg10[%dma_start3A_2410, %dma_start3A_2411, %dma_start3A_2412] : memref<8x32x128xf32, #tpu.memory_space<vmem>> -> memref<1x32x128xf32, #tpu.memory_space<vmem>>
      %dma_start3A_2414 = tpu.memref_squeeze %dma_start3A_2413 : memref<1x32x128xf32, #tpu.memory_space<vmem>> -> memref<32x128xf32, #tpu.memory_space<vmem>>
      %dma_start3A_2415 = arith.constant 0 : i32
      %dma_start3A_2416 = tpu.memref_slice %arg5[%dma_start3A_2415, %multiple_of3A_2396] : memref<32x1000000xf32, #tpu.memory_space<hbm>> -> memref<32x128xf32, #tpu.memory_space<hbm>>
      %dma_start3A_2417 = arith.constant 0 : i32
      %dma_start3A_2418 = arith.constant 0 : i32
      %dma_start3A_2419 = tpu.memref_slice %arg10[%dma_start3A_2410, %dma_start3A_2417, %dma_start3A_2418] : memref<8x32x128xf32, #tpu.memory_space<vmem>> -> memref<1x32x128xf32, #tpu.memory_space<vmem>>
      %dma_start3A_2420 = tpu.memref_squeeze %dma_start3A_2419 : memref<1x32x128xf32, #tpu.memory_space<vmem>> -> memref<32x128xf32, #tpu.memory_space<vmem>>
      %dma_start3A_2421 = arith.constant 0 : i32
      %dma_start3A_2422 = tpu.memref_slice %arg5[%dma_start3A_2421, %multiple_of3A_2396] : memref<32x1000000xf32, #tpu.memory_space<hbm>> -> memref<32x128xf32, #tpu.memory_space<hbm>>
      tpu.enqueue_dma source(%dma_start3A_2422 : memref<32x128xf32, #tpu.memory_space<hbm>>) target(%dma_start3A_2420 : memref<32x128xf32, #tpu.memory_space<vmem>>) target_semaphore(%arg25 : memref<!tpu.dma_semaphore, #tpu.memory_space<semaphore_mem>>)
      %mul3A_2423 = arith.constant 16 : i32
      %mul3A_2424 = arith.muli %scan3A_1736, %mul3A_2423 : i32
      %add3A_2425 = arith.constant 6 : i32
      %add3A_2426 = arith.addi %mul3A_2424, %add3A_2425 : i32
      %dma_wait3A_2427 = arith.constant 6 : i32
      %dma_wait3A_2428 = arith.constant 0 : i32
      %dma_wait3A_2429 = arith.constant 0 : i32
      %dma_wait3A_2430 = tpu.memref_slice %arg9[%dma_wait3A_2427, %dma_wait3A_2428, %dma_wait3A_2429] : memref<8x32x128xf32, #tpu.memory_space<vmem>> -> memref<1x32x128xf32, #tpu.memory_space<vmem>>
      %dma_wait3A_2431 = tpu.memref_squeeze %dma_wait3A_2430 : memref<1x32x128xf32, #tpu.memory_space<vmem>> -> memref<32x128xf32, #tpu.memory_space<vmem>>
      %dma_wait3A_2432 = arith.constant 0 : i32
      %dma_wait3A_2433 = arith.constant 0 : i32
      %dma_wait3A_2434 = tpu.memref_slice %arg4[%dma_wait3A_2432, %dma_wait3A_2433] : memref<32x1000000xf32, #tpu.memory_space<hbm>> -> memref<32x128xf32, #tpu.memory_space<hbm>>
      %dma_wait3A_2435 = arith.constant 0 : i32
      %dma_wait3A_2436 = arith.constant 0 : i32
      %dma_wait3A_2437 = tpu.memref_slice %arg9[%dma_wait3A_2427, %dma_wait3A_2435, %dma_wait3A_2436] : memref<8x32x128xf32, #tpu.memory_space<vmem>> -> memref<1x32x128xf32, #tpu.memory_space<vmem>>
      %dma_wait3A_2438 = tpu.memref_squeeze %dma_wait3A_2437 : memref<1x32x128xf32, #tpu.memory_space<vmem>> -> memref<32x128xf32, #tpu.memory_space<vmem>>
      %dma_wait3A_2439 = arith.constant 0 : i32
      %dma_wait3A_2440 = arith.constant 0 : i32
      %dma_wait3A_2441 = tpu.memref_slice %arg4[%dma_wait3A_2439, %dma_wait3A_2440] : memref<32x1000000xf32, #tpu.memory_space<hbm>> -> memref<32x128xf32, #tpu.memory_space<hbm>>
      tpu.wait_dma2 semaphore(%arg18 : memref<!tpu.dma_semaphore, #tpu.memory_space<semaphore_mem>>) src(%dma_wait3A_2441 : memref<32x128xf32, #tpu.memory_space<hbm>>) dst(%dma_wait3A_2438 : memref<32x128xf32, #tpu.memory_space<vmem>>)
      %dma_wait3A_2442 = arith.constant 6 : i32
      %dma_wait3A_2443 = arith.constant 0 : i32
      %dma_wait3A_2444 = arith.constant 0 : i32
      %dma_wait3A_2445 = tpu.memref_slice %arg10[%dma_wait3A_2442, %dma_wait3A_2443, %dma_wait3A_2444] : memref<8x32x128xf32, #tpu.memory_space<vmem>> -> memref<1x32x128xf32, #tpu.memory_space<vmem>>
      %dma_wait3A_2446 = tpu.memref_squeeze %dma_wait3A_2445 : memref<1x32x128xf32, #tpu.memory_space<vmem>> -> memref<32x128xf32, #tpu.memory_space<vmem>>
      %dma_wait3A_2447 = arith.constant 0 : i32
      %dma_wait3A_2448 = arith.constant 0 : i32
      %dma_wait3A_2449 = tpu.memref_slice %arg5[%dma_wait3A_2447, %dma_wait3A_2448] : memref<32x1000000xf32, #tpu.memory_space<hbm>> -> memref<32x128xf32, #tpu.memory_space<hbm>>
      %dma_wait3A_2450 = arith.constant 0 : i32
      %dma_wait3A_2451 = arith.constant 0 : i32
      %dma_wait3A_2452 = tpu.memref_slice %arg10[%dma_wait3A_2442, %dma_wait3A_2450, %dma_wait3A_2451] : memref<8x32x128xf32, #tpu.memory_space<vmem>> -> memref<1x32x128xf32, #tpu.memory_space<vmem>>
      %dma_wait3A_2453 = tpu.memref_squeeze %dma_wait3A_2452 : memref<1x32x128xf32, #tpu.memory_space<vmem>> -> memref<32x128xf32, #tpu.memory_space<vmem>>
      %dma_wait3A_2454 = arith.constant 0 : i32
      %dma_wait3A_2455 = arith.constant 0 : i32
      %dma_wait3A_2456 = tpu.memref_slice %arg5[%dma_wait3A_2454, %dma_wait3A_2455] : memref<32x1000000xf32, #tpu.memory_space<hbm>> -> memref<32x128xf32, #tpu.memory_space<hbm>>
      tpu.wait_dma2 semaphore(%arg26 : memref<!tpu.dma_semaphore, #tpu.memory_space<semaphore_mem>>) src(%dma_wait3A_2456 : memref<32x128xf32, #tpu.memory_space<hbm>>) dst(%dma_wait3A_2453 : memref<32x128xf32, #tpu.memory_space<vmem>>)
      %slice3A_2457 = vector.extract_strided_slice %get3A_1740 {offsets = [6], sizes = [1], strides = [1]} : vector<16xi32> to vector<1xi32>
      %squeeze3A_2458 = vector.extract %slice3A_2457[0] : i32 from vector<1xi32>
      %and3A_2459 = arith.constant 127 : i32
      %and3A_2460 = arith.andi %squeeze3A_2458, %and3A_2459 : i32
      %broadcast_in_dim3A_2461 = vector.broadcast %and3A_2460 : i32 to vector<16xi32>
      %slice3A_2462 = vector.extract_strided_slice %get3A_1744 {offsets = [6], sizes = [1], strides = [1]} : vector<16xi32> to vector<1xi32>
      %squeeze3A_2463 = vector.extract %slice3A_2462[0] : i32 from vector<1xi32>
      %and3A_2464 = arith.constant 127 : i32
      %and3A_2465 = arith.andi %squeeze3A_2463, %and3A_2464 : i32
      %broadcast_in_dim3A_2466 = vector.broadcast %and3A_2465 : i32 to vector<16xi32>
      %broadcast_in_dim3A_2467 = vector.broadcast %add3A_2426 : i32 to vector<16xi32>
      %gather3A_2468 = arith.constant 6 : i32
      %gather3A_2469 = arith.constant 0 : i32
      %gather3A_2470 = arith.constant 0 : i32
      %gather3A_2471 = tpu.memref_slice %arg9[%gather3A_2468, %gather3A_2469, %gather3A_2470] : memref<8x32x128xf32, #tpu.memory_space<vmem>> -> memref<1x32x128xf32, #tpu.memory_space<vmem>>
      %gather3A_2472 = tpu.memref_squeeze %gather3A_2471 : memref<1x32x128xf32, #tpu.memory_space<vmem>> -> memref<32x128xf32, #tpu.memory_space<vmem>>
      %gather3A_2473 = tpu.vector_load_idx %gather3A_2472[%iota3A, %broadcast_in_dim3A_2461] : memref<32x128xf32, #tpu.memory_space<vmem>>[vector<16xi32>, vector<16xi32>], vector<16xf32>,
      %gather3A_2474 = arith.constant 6 : i32
      %gather3A_2475 = arith.constant 0 : i32
      %gather3A_2476 = arith.constant 0 : i32
      %gather3A_2477 = tpu.memref_slice %arg10[%gather3A_2474, %gather3A_2475, %gather3A_2476] : memref<8x32x128xf32, #tpu.memory_space<vmem>> -> memref<1x32x128xf32, #tpu.memory_space<vmem>>
      %gather3A_2478 = tpu.memref_squeeze %gather3A_2477 : memref<1x32x128xf32, #tpu.memory_space<vmem>> -> memref<32x128xf32, #tpu.memory_space<vmem>>
      %gather3A_2479 = tpu.vector_load_idx %gather3A_2478[%iota3A, %broadcast_in_dim3A_2466] : memref<32x128xf32, #tpu.memory_space<vmem>>[vector<16xi32>, vector<16xi32>], vector<16xf32>,
      %mul3A_2480 = arith.mulf %gather3A_2473, %gather3A_2479 : vector<16xf32>
      tpu.vector_store_idx %arg11[%iota3A, %broadcast_in_dim3A_2467], %mul3A_2480 : memref<32x512xf32, #tpu.memory_space<vmem>>[vector<16xi32>, vector<16xi32>], vector<16xf32>,
      %gather3A_2481 = arith.constant 6 : i32
      %gather3A_2482 = arith.constant 0 : i32
      %gather3A_2483 = arith.constant 0 : i32
      %gather3A_2484 = tpu.memref_slice %arg9[%gather3A_2481, %gather3A_2482, %gather3A_2483] : memref<8x32x128xf32, #tpu.memory_space<vmem>> -> memref<1x32x128xf32, #tpu.memory_space<vmem>>
      %gather3A_2485 = tpu.memref_squeeze %gather3A_2484 : memref<1x32x128xf32, #tpu.memory_space<vmem>> -> memref<32x128xf32, #tpu.memory_space<vmem>>
      %gather3A_2486 = tpu.vector_load_idx %gather3A_2485[%add3A_5, %broadcast_in_dim3A_2461] : memref<32x128xf32, #tpu.memory_space<vmem>>[vector<16xi32>, vector<16xi32>], vector<16xf32>,
      %gather3A_2487 = arith.constant 6 : i32
      %gather3A_2488 = arith.constant 0 : i32
      %gather3A_2489 = arith.constant 0 : i32
      %gather3A_2490 = tpu.memref_slice %arg10[%gather3A_2487, %gather3A_2488, %gather3A_2489] : memref<8x32x128xf32, #tpu.memory_space<vmem>> -> memref<1x32x128xf32, #tpu.memory_space<vmem>>
      %gather3A_2491 = tpu.memref_squeeze %gather3A_2490 : memref<1x32x128xf32, #tpu.memory_space<vmem>> -> memref<32x128xf32, #tpu.memory_space<vmem>>
      %gather3A_2492 = tpu.vector_load_idx %gather3A_2491[%add3A_5, %broadcast_in_dim3A_2466] : memref<32x128xf32, #tpu.memory_space<vmem>>[vector<16xi32>, vector<16xi32>], vector<16xf32>,
      %mul3A_2493 = arith.mulf %gather3A_2486, %gather3A_2492 : vector<16xf32>
      tpu.vector_store_idx %arg11[%add3A_5, %broadcast_in_dim3A_2467], %mul3A_2493 : memref<32x512xf32, #tpu.memory_space<vmem>>[vector<16xi32>, vector<16xi32>], vector<16xf32>,
      %slice3A_2494 = vector.extract_strided_slice %get3A_1740 {offsets = [14], sizes = [1], strides = [1]} : vector<16xi32> to vector<1xi32>
      %squeeze3A_2495 = vector.extract %slice3A_2494[0] : i32 from vector<1xi32>
      %shift_right_arithmetic3A_2496 = arith.constant 7 : i32
      %shift_right_arithmetic3A_2497 = arith.shrsi %squeeze3A_2495, %shift_right_arithmetic3A_2496 : i32
      %shift_left3A_2498 = arith.constant 7 : i32
      %shift_left3A_2499 = arith.shli %shift_right_arithmetic3A_2497, %shift_left3A_2498 : i32
      %multiple_of3A_2500 = tpu.assume_multiple %shift_left3A_2499, 128 : i32
      %slice3A_2501 = vector.extract_strided_slice %get3A_1744 {offsets = [14], sizes = [1], strides = [1]} : vector<16xi32> to vector<1xi32>
      %squeeze3A_2502 = vector.extract %slice3A_2501[0] : i32 from vector<1xi32>
      %shift_right_arithmetic3A_2503 = arith.constant 7 : i32
      %shift_right_arithmetic3A_2504 = arith.shrsi %squeeze3A_2502, %shift_right_arithmetic3A_2503 : i32
      %shift_left3A_2505 = arith.constant 7 : i32
      %shift_left3A_2506 = arith.shli %shift_right_arithmetic3A_2504, %shift_left3A_2505 : i32
      %multiple_of3A_2507 = tpu.assume_multiple %shift_left3A_2506, 128 : i32
      %dma_start3A_2508 = arith.constant 6 : i32
      %dma_start3A_2509 = arith.constant 0 : i32
      %dma_start3A_2510 = arith.constant 0 : i32
      %dma_start3A_2511 = tpu.memref_slice %arg9[%dma_start3A_2508, %dma_start3A_2509, %dma_start3A_2510] : memref<8x32x128xf32, #tpu.memory_space<vmem>> -> memref<1x32x128xf32, #tpu.memory_space<vmem>>
      %dma_start3A_2512 = tpu.memref_squeeze %dma_start3A_2511 : memref<1x32x128xf32, #tpu.memory_space<vmem>> -> memref<32x128xf32, #tpu.memory_space<vmem>>
      %dma_start3A_2513 = arith.constant 0 : i32
      %dma_start3A_2514 = tpu.memref_slice %arg4[%dma_start3A_2513, %multiple_of3A_2500] : memref<32x1000000xf32, #tpu.memory_space<hbm>> -> memref<32x128xf32, #tpu.memory_space<hbm>>
      %dma_start3A_2515 = arith.constant 0 : i32
      %dma_start3A_2516 = arith.constant 0 : i32
      %dma_start3A_2517 = tpu.memref_slice %arg9[%dma_start3A_2508, %dma_start3A_2515, %dma_start3A_2516] : memref<8x32x128xf32, #tpu.memory_space<vmem>> -> memref<1x32x128xf32, #tpu.memory_space<vmem>>
      %dma_start3A_2518 = tpu.memref_squeeze %dma_start3A_2517 : memref<1x32x128xf32, #tpu.memory_space<vmem>> -> memref<32x128xf32, #tpu.memory_space<vmem>>
      %dma_start3A_2519 = arith.constant 0 : i32
      %dma_start3A_2520 = tpu.memref_slice %arg4[%dma_start3A_2519, %multiple_of3A_2500] : memref<32x1000000xf32, #tpu.memory_space<hbm>> -> memref<32x128xf32, #tpu.memory_space<hbm>>
      tpu.enqueue_dma source(%dma_start3A_2520 : memref<32x128xf32, #tpu.memory_space<hbm>>) target(%dma_start3A_2518 : memref<32x128xf32, #tpu.memory_space<vmem>>) target_semaphore(%arg18 : memref<!tpu.dma_semaphore, #tpu.memory_space<semaphore_mem>>)
      %dma_start3A_2521 = arith.constant 6 : i32
      %dma_start3A_2522 = arith.constant 0 : i32
      %dma_start3A_2523 = arith.constant 0 : i32
      %dma_start3A_2524 = tpu.memref_slice %arg10[%dma_start3A_2521, %dma_start3A_2522, %dma_start3A_2523] : memref<8x32x128xf32, #tpu.memory_space<vmem>> -> memref<1x32x128xf32, #tpu.memory_space<vmem>>
      %dma_start3A_2525 = tpu.memref_squeeze %dma_start3A_2524 : memref<1x32x128xf32, #tpu.memory_space<vmem>> -> memref<32x128xf32, #tpu.memory_space<vmem>>
      %dma_start3A_2526 = arith.constant 0 : i32
      %dma_start3A_2527 = tpu.memref_slice %arg5[%dma_start3A_2526, %multiple_of3A_2507] : memref<32x1000000xf32, #tpu.memory_space<hbm>> -> memref<32x128xf32, #tpu.memory_space<hbm>>
      %dma_start3A_2528 = arith.constant 0 : i32
      %dma_start3A_2529 = arith.constant 0 : i32
      %dma_start3A_2530 = tpu.memref_slice %arg10[%dma_start3A_2521, %dma_start3A_2528, %dma_start3A_2529] : memref<8x32x128xf32, #tpu.memory_space<vmem>> -> memref<1x32x128xf32, #tpu.memory_space<vmem>>
      %dma_start3A_2531 = tpu.memref_squeeze %dma_start3A_2530 : memref<1x32x128xf32, #tpu.memory_space<vmem>> -> memref<32x128xf32, #tpu.memory_space<vmem>>
      %dma_start3A_2532 = arith.constant 0 : i32
      %dma_start3A_2533 = tpu.memref_slice %arg5[%dma_start3A_2532, %multiple_of3A_2507] : memref<32x1000000xf32, #tpu.memory_space<hbm>> -> memref<32x128xf32, #tpu.memory_space<hbm>>
      tpu.enqueue_dma source(%dma_start3A_2533 : memref<32x128xf32, #tpu.memory_space<hbm>>) target(%dma_start3A_2531 : memref<32x128xf32, #tpu.memory_space<vmem>>) target_semaphore(%arg26 : memref<!tpu.dma_semaphore, #tpu.memory_space<semaphore_mem>>)
      %mul3A_2534 = arith.constant 16 : i32
      %mul3A_2535 = arith.muli %scan3A_1736, %mul3A_2534 : i32
      %add3A_2536 = arith.constant 7 : i32
      %add3A_2537 = arith.addi %mul3A_2535, %add3A_2536 : i32
      %dma_wait3A_2538 = arith.constant 7 : i32
      %dma_wait3A_2539 = arith.constant 0 : i32
      %dma_wait3A_2540 = arith.constant 0 : i32
      %dma_wait3A_2541 = tpu.memref_slice %arg9[%dma_wait3A_2538, %dma_wait3A_2539, %dma_wait3A_2540] : memref<8x32x128xf32, #tpu.memory_space<vmem>> -> memref<1x32x128xf32, #tpu.memory_space<vmem>>
      %dma_wait3A_2542 = tpu.memref_squeeze %dma_wait3A_2541 : memref<1x32x128xf32, #tpu.memory_space<vmem>> -> memref<32x128xf32, #tpu.memory_space<vmem>>
      %dma_wait3A_2543 = arith.constant 0 : i32
      %dma_wait3A_2544 = arith.constant 0 : i32
      %dma_wait3A_2545 = tpu.memref_slice %arg4[%dma_wait3A_2543, %dma_wait3A_2544] : memref<32x1000000xf32, #tpu.memory_space<hbm>> -> memref<32x128xf32, #tpu.memory_space<hbm>>
      %dma_wait3A_2546 = arith.constant 0 : i32
      %dma_wait3A_2547 = arith.constant 0 : i32
      %dma_wait3A_2548 = tpu.memref_slice %arg9[%dma_wait3A_2538, %dma_wait3A_2546, %dma_wait3A_2547] : memref<8x32x128xf32, #tpu.memory_space<vmem>> -> memref<1x32x128xf32, #tpu.memory_space<vmem>>
      %dma_wait3A_2549 = tpu.memref_squeeze %dma_wait3A_2548 : memref<1x32x128xf32, #tpu.memory_space<vmem>> -> memref<32x128xf32, #tpu.memory_space<vmem>>
      %dma_wait3A_2550 = arith.constant 0 : i32
      %dma_wait3A_2551 = arith.constant 0 : i32
      %dma_wait3A_2552 = tpu.memref_slice %arg4[%dma_wait3A_2550, %dma_wait3A_2551] : memref<32x1000000xf32, #tpu.memory_space<hbm>> -> memref<32x128xf32, #tpu.memory_space<hbm>>
      tpu.wait_dma2 semaphore(%arg19 : memref<!tpu.dma_semaphore, #tpu.memory_space<semaphore_mem>>) src(%dma_wait3A_2552 : memref<32x128xf32, #tpu.memory_space<hbm>>) dst(%dma_wait3A_2549 : memref<32x128xf32, #tpu.memory_space<vmem>>)
      %dma_wait3A_2553 = arith.constant 7 : i32
      %dma_wait3A_2554 = arith.constant 0 : i32
      %dma_wait3A_2555 = arith.constant 0 : i32
      %dma_wait3A_2556 = tpu.memref_slice %arg10[%dma_wait3A_2553, %dma_wait3A_2554, %dma_wait3A_2555] : memref<8x32x128xf32, #tpu.memory_space<vmem>> -> memref<1x32x128xf32, #tpu.memory_space<vmem>>
      %dma_wait3A_2557 = tpu.memref_squeeze %dma_wait3A_2556 : memref<1x32x128xf32, #tpu.memory_space<vmem>> -> memref<32x128xf32, #tpu.memory_space<vmem>>
      %dma_wait3A_2558 = arith.constant 0 : i32
      %dma_wait3A_2559 = arith.constant 0 : i32
      %dma_wait3A_2560 = tpu.memref_slice %arg5[%dma_wait3A_2558, %dma_wait3A_2559] : memref<32x1000000xf32, #tpu.memory_space<hbm>> -> memref<32x128xf32, #tpu.memory_space<hbm>>
      %dma_wait3A_2561 = arith.constant 0 : i32
      %dma_wait3A_2562 = arith.constant 0 : i32
      %dma_wait3A_2563 = tpu.memref_slice %arg10[%dma_wait3A_2553, %dma_wait3A_2561, %dma_wait3A_2562] : memref<8x32x128xf32, #tpu.memory_space<vmem>> -> memref<1x32x128xf32, #tpu.memory_space<vmem>>
      %dma_wait3A_2564 = tpu.memref_squeeze %dma_wait3A_2563 : memref<1x32x128xf32, #tpu.memory_space<vmem>> -> memref<32x128xf32, #tpu.memory_space<vmem>>
      %dma_wait3A_2565 = arith.constant 0 : i32
      %dma_wait3A_2566 = arith.constant 0 : i32
      %dma_wait3A_2567 = tpu.memref_slice %arg5[%dma_wait3A_2565, %dma_wait3A_2566] : memref<32x1000000xf32, #tpu.memory_space<hbm>> -> memref<32x128xf32, #tpu.memory_space<hbm>>
      tpu.wait_dma2 semaphore(%arg27 : memref<!tpu.dma_semaphore, #tpu.memory_space<semaphore_mem>>) src(%dma_wait3A_2567 : memref<32x128xf32, #tpu.memory_space<hbm>>) dst(%dma_wait3A_2564 : memref<32x128xf32, #tpu.memory_space<vmem>>)
      %slice3A_2568 = vector.extract_strided_slice %get3A_1740 {offsets = [7], sizes = [1], strides = [1]} : vector<16xi32> to vector<1xi32>
      %squeeze3A_2569 = vector.extract %slice3A_2568[0] : i32 from vector<1xi32>
      %and3A_2570 = arith.constant 127 : i32
      %and3A_2571 = arith.andi %squeeze3A_2569, %and3A_2570 : i32
      %broadcast_in_dim3A_2572 = vector.broadcast %and3A_2571 : i32 to vector<16xi32>
      %slice3A_2573 = vector.extract_strided_slice %get3A_1744 {offsets = [7], sizes = [1], strides = [1]} : vector<16xi32> to vector<1xi32>
      %squeeze3A_2574 = vector.extract %slice3A_2573[0] : i32 from vector<1xi32>
      %and3A_2575 = arith.constant 127 : i32
      %and3A_2576 = arith.andi %squeeze3A_2574, %and3A_2575 : i32
      %broadcast_in_dim3A_2577 = vector.broadcast %and3A_2576 : i32 to vector<16xi32>
      %broadcast_in_dim3A_2578 = vector.broadcast %add3A_2537 : i32 to vector<16xi32>
      %gather3A_2579 = arith.constant 7 : i32
      %gather3A_2580 = arith.constant 0 : i32
      %gather3A_2581 = arith.constant 0 : i32
      %gather3A_2582 = tpu.memref_slice %arg9[%gather3A_2579, %gather3A_2580, %gather3A_2581] : memref<8x32x128xf32, #tpu.memory_space<vmem>> -> memref<1x32x128xf32, #tpu.memory_space<vmem>>
      %gather3A_2583 = tpu.memref_squeeze %gather3A_2582 : memref<1x32x128xf32, #tpu.memory_space<vmem>> -> memref<32x128xf32, #tpu.memory_space<vmem>>
      %gather3A_2584 = tpu.vector_load_idx %gather3A_2583[%iota3A, %broadcast_in_dim3A_2572] : memref<32x128xf32, #tpu.memory_space<vmem>>[vector<16xi32>, vector<16xi32>], vector<16xf32>,
      %gather3A_2585 = arith.constant 7 : i32
      %gather3A_2586 = arith.constant 0 : i32
      %gather3A_2587 = arith.constant 0 : i32
      %gather3A_2588 = tpu.memref_slice %arg10[%gather3A_2585, %gather3A_2586, %gather3A_2587] : memref<8x32x128xf32, #tpu.memory_space<vmem>> -> memref<1x32x128xf32, #tpu.memory_space<vmem>>
      %gather3A_2589 = tpu.memref_squeeze %gather3A_2588 : memref<1x32x128xf32, #tpu.memory_space<vmem>> -> memref<32x128xf32, #tpu.memory_space<vmem>>
      %gather3A_2590 = tpu.vector_load_idx %gather3A_2589[%iota3A, %broadcast_in_dim3A_2577] : memref<32x128xf32, #tpu.memory_space<vmem>>[vector<16xi32>, vector<16xi32>], vector<16xf32>,
      %mul3A_2591 = arith.mulf %gather3A_2584, %gather3A_2590 : vector<16xf32>
      tpu.vector_store_idx %arg11[%iota3A, %broadcast_in_dim3A_2578], %mul3A_2591 : memref<32x512xf32, #tpu.memory_space<vmem>>[vector<16xi32>, vector<16xi32>], vector<16xf32>,
      %gather3A_2592 = arith.constant 7 : i32
      %gather3A_2593 = arith.constant 0 : i32
      %gather3A_2594 = arith.constant 0 : i32
      %gather3A_2595 = tpu.memref_slice %arg9[%gather3A_2592, %gather3A_2593, %gather3A_2594] : memref<8x32x128xf32, #tpu.memory_space<vmem>> -> memref<1x32x128xf32, #tpu.memory_space<vmem>>
      %gather3A_2596 = tpu.memref_squeeze %gather3A_2595 : memref<1x32x128xf32, #tpu.memory_space<vmem>> -> memref<32x128xf32, #tpu.memory_space<vmem>>
      %gather3A_2597 = tpu.vector_load_idx %gather3A_2596[%add3A_5, %broadcast_in_dim3A_2572] : memref<32x128xf32, #tpu.memory_space<vmem>>[vector<16xi32>, vector<16xi32>], vector<16xf32>,
      %gather3A_2598 = arith.constant 7 : i32
      %gather3A_2599 = arith.constant 0 : i32
      %gather3A_2600 = arith.constant 0 : i32
      %gather3A_2601 = tpu.memref_slice %arg10[%gather3A_2598, %gather3A_2599, %gather3A_2600] : memref<8x32x128xf32, #tpu.memory_space<vmem>> -> memref<1x32x128xf32, #tpu.memory_space<vmem>>
      %gather3A_2602 = tpu.memref_squeeze %gather3A_2601 : memref<1x32x128xf32, #tpu.memory_space<vmem>> -> memref<32x128xf32, #tpu.memory_space<vmem>>
      %gather3A_2603 = tpu.vector_load_idx %gather3A_2602[%add3A_5, %broadcast_in_dim3A_2577] : memref<32x128xf32, #tpu.memory_space<vmem>>[vector<16xi32>, vector<16xi32>], vector<16xf32>,
      %mul3A_2604 = arith.mulf %gather3A_2597, %gather3A_2603 : vector<16xf32>
      tpu.vector_store_idx %arg11[%add3A_5, %broadcast_in_dim3A_2578], %mul3A_2604 : memref<32x512xf32, #tpu.memory_space<vmem>>[vector<16xi32>, vector<16xi32>], vector<16xf32>,
      %slice3A_2605 = vector.extract_strided_slice %get3A_1740 {offsets = [15], sizes = [1], strides = [1]} : vector<16xi32> to vector<1xi32>
      %squeeze3A_2606 = vector.extract %slice3A_2605[0] : i32 from vector<1xi32>
      %shift_right_arithmetic3A_2607 = arith.constant 7 : i32
      %shift_right_arithmetic3A_2608 = arith.shrsi %squeeze3A_2606, %shift_right_arithmetic3A_2607 : i32
      %shift_left3A_2609 = arith.constant 7 : i32
      %shift_left3A_2610 = arith.shli %shift_right_arithmetic3A_2608, %shift_left3A_2609 : i32
      %multiple_of3A_2611 = tpu.assume_multiple %shift_left3A_2610, 128 : i32
      %slice3A_2612 = vector.extract_strided_slice %get3A_1744 {offsets = [15], sizes = [1], strides = [1]} : vector<16xi32> to vector<1xi32>
      %squeeze3A_2613 = vector.extract %slice3A_2612[0] : i32 from vector<1xi32>
      %shift_right_arithmetic3A_2614 = arith.constant 7 : i32
      %shift_right_arithmetic3A_2615 = arith.shrsi %squeeze3A_2613, %shift_right_arithmetic3A_2614 : i32
      %shift_left3A_2616 = arith.constant 7 : i32
      %shift_left3A_2617 = arith.shli %shift_right_arithmetic3A_2615, %shift_left3A_2616 : i32
      %multiple_of3A_2618 = tpu.assume_multiple %shift_left3A_2617, 128 : i32
      %dma_start3A_2619 = arith.constant 7 : i32
      %dma_start3A_2620 = arith.constant 0 : i32
      %dma_start3A_2621 = arith.constant 0 : i32
      %dma_start3A_2622 = tpu.memref_slice %arg9[%dma_start3A_2619, %dma_start3A_2620, %dma_start3A_2621] : memref<8x32x128xf32, #tpu.memory_space<vmem>> -> memref<1x32x128xf32, #tpu.memory_space<vmem>>
      %dma_start3A_2623 = tpu.memref_squeeze %dma_start3A_2622 : memref<1x32x128xf32, #tpu.memory_space<vmem>> -> memref<32x128xf32, #tpu.memory_space<vmem>>
      %dma_start3A_2624 = arith.constant 0 : i32
      %dma_start3A_2625 = tpu.memref_slice %arg4[%dma_start3A_2624, %multiple_of3A_2611] : memref<32x1000000xf32, #tpu.memory_space<hbm>> -> memref<32x128xf32, #tpu.memory_space<hbm>>
      %dma_start3A_2626 = arith.constant 0 : i32
      %dma_start3A_2627 = arith.constant 0 : i32
      %dma_start3A_2628 = tpu.memref_slice %arg9[%dma_start3A_2619, %dma_start3A_2626, %dma_start3A_2627] : memref<8x32x128xf32, #tpu.memory_space<vmem>> -> memref<1x32x128xf32, #tpu.memory_space<vmem>>
      %dma_start3A_2629 = tpu.memref_squeeze %dma_start3A_2628 : memref<1x32x128xf32, #tpu.memory_space<vmem>> -> memref<32x128xf32, #tpu.memory_space<vmem>>
      %dma_start3A_2630 = arith.constant 0 : i32
      %dma_start3A_2631 = tpu.memref_slice %arg4[%dma_start3A_2630, %multiple_of3A_2611] : memref<32x1000000xf32, #tpu.memory_space<hbm>> -> memref<32x128xf32, #tpu.memory_space<hbm>>
      tpu.enqueue_dma source(%dma_start3A_2631 : memref<32x128xf32, #tpu.memory_space<hbm>>) target(%dma_start3A_2629 : memref<32x128xf32, #tpu.memory_space<vmem>>) target_semaphore(%arg19 : memref<!tpu.dma_semaphore, #tpu.memory_space<semaphore_mem>>)
      %dma_start3A_2632 = arith.constant 7 : i32
      %dma_start3A_2633 = arith.constant 0 : i32
      %dma_start3A_2634 = arith.constant 0 : i32
      %dma_start3A_2635 = tpu.memref_slice %arg10[%dma_start3A_2632, %dma_start3A_2633, %dma_start3A_2634] : memref<8x32x128xf32, #tpu.memory_space<vmem>> -> memref<1x32x128xf32, #tpu.memory_space<vmem>>
      %dma_start3A_2636 = tpu.memref_squeeze %dma_start3A_2635 : memref<1x32x128xf32, #tpu.memory_space<vmem>> -> memref<32x128xf32, #tpu.memory_space<vmem>>
      %dma_start3A_2637 = arith.constant 0 : i32
      %dma_start3A_2638 = tpu.memref_slice %arg5[%dma_start3A_2637, %multiple_of3A_2618] : memref<32x1000000xf32, #tpu.memory_space<hbm>> -> memref<32x128xf32, #tpu.memory_space<hbm>>
      %dma_start3A_2639 = arith.constant 0 : i32
      %dma_start3A_2640 = arith.constant 0 : i32
      %dma_start3A_2641 = tpu.memref_slice %arg10[%dma_start3A_2632, %dma_start3A_2639, %dma_start3A_2640] : memref<8x32x128xf32, #tpu.memory_space<vmem>> -> memref<1x32x128xf32, #tpu.memory_space<vmem>>
      %dma_start3A_2642 = tpu.memref_squeeze %dma_start3A_2641 : memref<1x32x128xf32, #tpu.memory_space<vmem>> -> memref<32x128xf32, #tpu.memory_space<vmem>>
      %dma_start3A_2643 = arith.constant 0 : i32
      %dma_start3A_2644 = tpu.memref_slice %arg5[%dma_start3A_2643, %multiple_of3A_2618] : memref<32x1000000xf32, #tpu.memory_space<hbm>> -> memref<32x128xf32, #tpu.memory_space<hbm>>
      tpu.enqueue_dma source(%dma_start3A_2644 : memref<32x128xf32, #tpu.memory_space<hbm>>) target(%dma_start3A_2642 : memref<32x128xf32, #tpu.memory_space<vmem>>) target_semaphore(%arg27 : memref<!tpu.dma_semaphore, #tpu.memory_space<semaphore_mem>>)
      %mul3A_2645 = arith.constant 16 : i32
      %mul3A_2646 = arith.muli %scan3A_1736, %mul3A_2645 : i32
      %add3A_2647 = arith.constant 8 : i32
      %add3A_2648 = arith.addi %mul3A_2646, %add3A_2647 : i32
      %dma_wait3A_2649 = arith.constant 0 : i32
      %dma_wait3A_2650 = arith.constant 0 : i32
      %dma_wait3A_2651 = arith.constant 0 : i32
      %dma_wait3A_2652 = tpu.memref_slice %arg9[%dma_wait3A_2649, %dma_wait3A_2650, %dma_wait3A_2651] : memref<8x32x128xf32, #tpu.memory_space<vmem>> -> memref<1x32x128xf32, #tpu.memory_space<vmem>>
      %dma_wait3A_2653 = tpu.memref_squeeze %dma_wait3A_2652 : memref<1x32x128xf32, #tpu.memory_space<vmem>> -> memref<32x128xf32, #tpu.memory_space<vmem>>
      %dma_wait3A_2654 = arith.constant 0 : i32
      %dma_wait3A_2655 = arith.constant 0 : i32
      %dma_wait3A_2656 = tpu.memref_slice %arg4[%dma_wait3A_2654, %dma_wait3A_2655] : memref<32x1000000xf32, #tpu.memory_space<hbm>> -> memref<32x128xf32, #tpu.memory_space<hbm>>
      %dma_wait3A_2657 = arith.constant 0 : i32
      %dma_wait3A_2658 = arith.constant 0 : i32
      %dma_wait3A_2659 = tpu.memref_slice %arg9[%dma_wait3A_2649, %dma_wait3A_2657, %dma_wait3A_2658] : memref<8x32x128xf32, #tpu.memory_space<vmem>> -> memref<1x32x128xf32, #tpu.memory_space<vmem>>
      %dma_wait3A_2660 = tpu.memref_squeeze %dma_wait3A_2659 : memref<1x32x128xf32, #tpu.memory_space<vmem>> -> memref<32x128xf32, #tpu.memory_space<vmem>>
      %dma_wait3A_2661 = arith.constant 0 : i32
      %dma_wait3A_2662 = arith.constant 0 : i32
      %dma_wait3A_2663 = tpu.memref_slice %arg4[%dma_wait3A_2661, %dma_wait3A_2662] : memref<32x1000000xf32, #tpu.memory_space<hbm>> -> memref<32x128xf32, #tpu.memory_space<hbm>>
      tpu.wait_dma2 semaphore(%arg12 : memref<!tpu.dma_semaphore, #tpu.memory_space<semaphore_mem>>) src(%dma_wait3A_2663 : memref<32x128xf32, #tpu.memory_space<hbm>>) dst(%dma_wait3A_2660 : memref<32x128xf32, #tpu.memory_space<vmem>>)
      %dma_wait3A_2664 = arith.constant 0 : i32
      %dma_wait3A_2665 = arith.constant 0 : i32
      %dma_wait3A_2666 = arith.constant 0 : i32
      %dma_wait3A_2667 = tpu.memref_slice %arg10[%dma_wait3A_2664, %dma_wait3A_2665, %dma_wait3A_2666] : memref<8x32x128xf32, #tpu.memory_space<vmem>> -> memref<1x32x128xf32, #tpu.memory_space<vmem>>
      %dma_wait3A_2668 = tpu.memref_squeeze %dma_wait3A_2667 : memref<1x32x128xf32, #tpu.memory_space<vmem>> -> memref<32x128xf32, #tpu.memory_space<vmem>>
      %dma_wait3A_2669 = arith.constant 0 : i32
      %dma_wait3A_2670 = arith.constant 0 : i32
      %dma_wait3A_2671 = tpu.memref_slice %arg5[%dma_wait3A_2669, %dma_wait3A_2670] : memref<32x1000000xf32, #tpu.memory_space<hbm>> -> memref<32x128xf32, #tpu.memory_space<hbm>>
      %dma_wait3A_2672 = arith.constant 0 : i32
      %dma_wait3A_2673 = arith.constant 0 : i32
      %dma_wait3A_2674 = tpu.memref_slice %arg10[%dma_wait3A_2664, %dma_wait3A_2672, %dma_wait3A_2673] : memref<8x32x128xf32, #tpu.memory_space<vmem>> -> memref<1x32x128xf32, #tpu.memory_space<vmem>>
      %dma_wait3A_2675 = tpu.memref_squeeze %dma_wait3A_2674 : memref<1x32x128xf32, #tpu.memory_space<vmem>> -> memref<32x128xf32, #tpu.memory_space<vmem>>
      %dma_wait3A_2676 = arith.constant 0 : i32
      %dma_wait3A_2677 = arith.constant 0 : i32
      %dma_wait3A_2678 = tpu.memref_slice %arg5[%dma_wait3A_2676, %dma_wait3A_2677] : memref<32x1000000xf32, #tpu.memory_space<hbm>> -> memref<32x128xf32, #tpu.memory_space<hbm>>
      tpu.wait_dma2 semaphore(%arg20 : memref<!tpu.dma_semaphore, #tpu.memory_space<semaphore_mem>>) src(%dma_wait3A_2678 : memref<32x128xf32, #tpu.memory_space<hbm>>) dst(%dma_wait3A_2675 : memref<32x128xf32, #tpu.memory_space<vmem>>)
      %slice3A_2679 = vector.extract_strided_slice %get3A_1740 {offsets = [8], sizes = [1], strides = [1]} : vector<16xi32> to vector<1xi32>
      %squeeze3A_2680 = vector.extract %slice3A_2679[0] : i32 from vector<1xi32>
      %and3A_2681 = arith.constant 127 : i32
      %and3A_2682 = arith.andi %squeeze3A_2680, %and3A_2681 : i32
      %broadcast_in_dim3A_2683 = vector.broadcast %and3A_2682 : i32 to vector<16xi32>
      %slice3A_2684 = vector.extract_strided_slice %get3A_1744 {offsets = [8], sizes = [1], strides = [1]} : vector<16xi32> to vector<1xi32>
      %squeeze3A_2685 = vector.extract %slice3A_2684[0] : i32 from vector<1xi32>
      %and3A_2686 = arith.constant 127 : i32
      %and3A_2687 = arith.andi %squeeze3A_2685, %and3A_2686 : i32
      %broadcast_in_dim3A_2688 = vector.broadcast %and3A_2687 : i32 to vector<16xi32>
      %broadcast_in_dim3A_2689 = vector.broadcast %add3A_2648 : i32 to vector<16xi32>
      %gather3A_2690 = arith.constant 0 : i32
      %gather3A_2691 = arith.constant 0 : i32
      %gather3A_2692 = arith.constant 0 : i32
      %gather3A_2693 = tpu.memref_slice %arg9[%gather3A_2690, %gather3A_2691, %gather3A_2692] : memref<8x32x128xf32, #tpu.memory_space<vmem>> -> memref<1x32x128xf32, #tpu.memory_space<vmem>>
      %gather3A_2694 = tpu.memref_squeeze %gather3A_2693 : memref<1x32x128xf32, #tpu.memory_space<vmem>> -> memref<32x128xf32, #tpu.memory_space<vmem>>
      %gather3A_2695 = tpu.vector_load_idx %gather3A_2694[%iota3A, %broadcast_in_dim3A_2683] : memref<32x128xf32, #tpu.memory_space<vmem>>[vector<16xi32>, vector<16xi32>], vector<16xf32>,
      %gather3A_2696 = arith.constant 0 : i32
      %gather3A_2697 = arith.constant 0 : i32
      %gather3A_2698 = arith.constant 0 : i32
      %gather3A_2699 = tpu.memref_slice %arg10[%gather3A_2696, %gather3A_2697, %gather3A_2698] : memref<8x32x128xf32, #tpu.memory_space<vmem>> -> memref<1x32x128xf32, #tpu.memory_space<vmem>>
      %gather3A_2700 = tpu.memref_squeeze %gather3A_2699 : memref<1x32x128xf32, #tpu.memory_space<vmem>> -> memref<32x128xf32, #tpu.memory_space<vmem>>
      %gather3A_2701 = tpu.vector_load_idx %gather3A_2700[%iota3A, %broadcast_in_dim3A_2688] : memref<32x128xf32, #tpu.memory_space<vmem>>[vector<16xi32>, vector<16xi32>], vector<16xf32>,
      %mul3A_2702 = arith.mulf %gather3A_2695, %gather3A_2701 : vector<16xf32>
      tpu.vector_store_idx %arg11[%iota3A, %broadcast_in_dim3A_2689], %mul3A_2702 : memref<32x512xf32, #tpu.memory_space<vmem>>[vector<16xi32>, vector<16xi32>], vector<16xf32>,
      %gather3A_2703 = arith.constant 0 : i32
      %gather3A_2704 = arith.constant 0 : i32
      %gather3A_2705 = arith.constant 0 : i32
      %gather3A_2706 = tpu.memref_slice %arg9[%gather3A_2703, %gather3A_2704, %gather3A_2705] : memref<8x32x128xf32, #tpu.memory_space<vmem>> -> memref<1x32x128xf32, #tpu.memory_space<vmem>>
      %gather3A_2707 = tpu.memref_squeeze %gather3A_2706 : memref<1x32x128xf32, #tpu.memory_space<vmem>> -> memref<32x128xf32, #tpu.memory_space<vmem>>
      %gather3A_2708 = tpu.vector_load_idx %gather3A_2707[%add3A_5, %broadcast_in_dim3A_2683] : memref<32x128xf32, #tpu.memory_space<vmem>>[vector<16xi32>, vector<16xi32>], vector<16xf32>,
      %gather3A_2709 = arith.constant 0 : i32
      %gather3A_2710 = arith.constant 0 : i32
      %gather3A_2711 = arith.constant 0 : i32
      %gather3A_2712 = tpu.memref_slice %arg10[%gather3A_2709, %gather3A_2710, %gather3A_2711] : memref<8x32x128xf32, #tpu.memory_space<vmem>> -> memref<1x32x128xf32, #tpu.memory_space<vmem>>
      %gather3A_2713 = tpu.memref_squeeze %gather3A_2712 : memref<1x32x128xf32, #tpu.memory_space<vmem>> -> memref<32x128xf32, #tpu.memory_space<vmem>>
      %gather3A_2714 = tpu.vector_load_idx %gather3A_2713[%add3A_5, %broadcast_in_dim3A_2688] : memref<32x128xf32, #tpu.memory_space<vmem>>[vector<16xi32>, vector<16xi32>], vector<16xf32>,
      %mul3A_2715 = arith.mulf %gather3A_2708, %gather3A_2714 : vector<16xf32>
      tpu.vector_store_idx %arg11[%add3A_5, %broadcast_in_dim3A_2689], %mul3A_2715 : memref<32x512xf32, #tpu.memory_space<vmem>>[vector<16xi32>, vector<16xi32>], vector<16xf32>,
      %slice3A_2716 = vector.extract_strided_slice %get3A_1750 {offsets = [0], sizes = [1], strides = [1]} : vector<16xi32> to vector<1xi32>
      %squeeze3A_2717 = vector.extract %slice3A_2716[0] : i32 from vector<1xi32>
      %shift_right_arithmetic3A_2718 = arith.constant 7 : i32
      %shift_right_arithmetic3A_2719 = arith.shrsi %squeeze3A_2717, %shift_right_arithmetic3A_2718 : i32
      %shift_left3A_2720 = arith.constant 7 : i32
      %shift_left3A_2721 = arith.shli %shift_right_arithmetic3A_2719, %shift_left3A_2720 : i32
      %multiple_of3A_2722 = tpu.assume_multiple %shift_left3A_2721, 128 : i32
      %slice3A_2723 = vector.extract_strided_slice %get3A_1756 {offsets = [0], sizes = [1], strides = [1]} : vector<16xi32> to vector<1xi32>
      %squeeze3A_2724 = vector.extract %slice3A_2723[0] : i32 from vector<1xi32>
      %shift_right_arithmetic3A_2725 = arith.constant 7 : i32
      %shift_right_arithmetic3A_2726 = arith.shrsi %squeeze3A_2724, %shift_right_arithmetic3A_2725 : i32
      %shift_left3A_2727 = arith.constant 7 : i32
      %shift_left3A_2728 = arith.shli %shift_right_arithmetic3A_2726, %shift_left3A_2727 : i32
      %multiple_of3A_2729 = tpu.assume_multiple %shift_left3A_2728, 128 : i32
      %dma_start3A_2730 = arith.constant 0 : i32
      %dma_start3A_2731 = arith.constant 0 : i32
      %dma_start3A_2732 = arith.constant 0 : i32
      %dma_start3A_2733 = tpu.memref_slice %arg9[%dma_start3A_2730, %dma_start3A_2731, %dma_start3A_2732] : memref<8x32x128xf32, #tpu.memory_space<vmem>> -> memref<1x32x128xf32, #tpu.memory_space<vmem>>
      %dma_start3A_2734 = tpu.memref_squeeze %dma_start3A_2733 : memref<1x32x128xf32, #tpu.memory_space<vmem>> -> memref<32x128xf32, #tpu.memory_space<vmem>>
      %dma_start3A_2735 = arith.constant 0 : i32
      %dma_start3A_2736 = tpu.memref_slice %arg4[%dma_start3A_2735, %multiple_of3A_2722] : memref<32x1000000xf32, #tpu.memory_space<hbm>> -> memref<32x128xf32, #tpu.memory_space<hbm>>
      %dma_start3A_2737 = arith.constant 0 : i32
      %dma_start3A_2738 = arith.constant 0 : i32
      %dma_start3A_2739 = tpu.memref_slice %arg9[%dma_start3A_2730, %dma_start3A_2737, %dma_start3A_2738] : memref<8x32x128xf32, #tpu.memory_space<vmem>> -> memref<1x32x128xf32, #tpu.memory_space<vmem>>
      %dma_start3A_2740 = tpu.memref_squeeze %dma_start3A_2739 : memref<1x32x128xf32, #tpu.memory_space<vmem>> -> memref<32x128xf32, #tpu.memory_space<vmem>>
      %dma_start3A_2741 = arith.constant 0 : i32
      %dma_start3A_2742 = tpu.memref_slice %arg4[%dma_start3A_2741, %multiple_of3A_2722] : memref<32x1000000xf32, #tpu.memory_space<hbm>> -> memref<32x128xf32, #tpu.memory_space<hbm>>
      tpu.enqueue_dma source(%dma_start3A_2742 : memref<32x128xf32, #tpu.memory_space<hbm>>) target(%dma_start3A_2740 : memref<32x128xf32, #tpu.memory_space<vmem>>) target_semaphore(%arg12 : memref<!tpu.dma_semaphore, #tpu.memory_space<semaphore_mem>>)
      %dma_start3A_2743 = arith.constant 0 : i32
      %dma_start3A_2744 = arith.constant 0 : i32
      %dma_start3A_2745 = arith.constant 0 : i32
      %dma_start3A_2746 = tpu.memref_slice %arg10[%dma_start3A_2743, %dma_start3A_2744, %dma_start3A_2745] : memref<8x32x128xf32, #tpu.memory_space<vmem>> -> memref<1x32x128xf32, #tpu.memory_space<vmem>>
      %dma_start3A_2747 = tpu.memref_squeeze %dma_start3A_2746 : memref<1x32x128xf32, #tpu.memory_space<vmem>> -> memref<32x128xf32, #tpu.memory_space<vmem>>
      %dma_start3A_2748 = arith.constant 0 : i32
      %dma_start3A_2749 = tpu.memref_slice %arg5[%dma_start3A_2748, %multiple_of3A_2729] : memref<32x1000000xf32, #tpu.memory_space<hbm>> -> memref<32x128xf32, #tpu.memory_space<hbm>>
      %dma_start3A_2750 = arith.constant 0 : i32
      %dma_start3A_2751 = arith.constant 0 : i32
      %dma_start3A_2752 = tpu.memref_slice %arg10[%dma_start3A_2743, %dma_start3A_2750, %dma_start3A_2751] : memref<8x32x128xf32, #tpu.memory_space<vmem>> -> memref<1x32x128xf32, #tpu.memory_space<vmem>>
      %dma_start3A_2753 = tpu.memref_squeeze %dma_start3A_2752 : memref<1x32x128xf32, #tpu.memory_space<vmem>> -> memref<32x128xf32, #tpu.memory_space<vmem>>
      %dma_start3A_2754 = arith.constant 0 : i32
      %dma_start3A_2755 = tpu.memref_slice %arg5[%dma_start3A_2754, %multiple_of3A_2729] : memref<32x1000000xf32, #tpu.memory_space<hbm>> -> memref<32x128xf32, #tpu.memory_space<hbm>>
      tpu.enqueue_dma source(%dma_start3A_2755 : memref<32x128xf32, #tpu.memory_space<hbm>>) target(%dma_start3A_2753 : memref<32x128xf32, #tpu.memory_space<vmem>>) target_semaphore(%arg20 : memref<!tpu.dma_semaphore, #tpu.memory_space<semaphore_mem>>)
      %mul3A_2756 = arith.constant 16 : i32
      %mul3A_2757 = arith.muli %scan3A_1736, %mul3A_2756 : i32
      %add3A_2758 = arith.constant 9 : i32
      %add3A_2759 = arith.addi %mul3A_2757, %add3A_2758 : i32
      %dma_wait3A_2760 = arith.constant 1 : i32
      %dma_wait3A_2761 = arith.constant 0 : i32
      %dma_wait3A_2762 = arith.constant 0 : i32
      %dma_wait3A_2763 = tpu.memref_slice %arg9[%dma_wait3A_2760, %dma_wait3A_2761, %dma_wait3A_2762] : memref<8x32x128xf32, #tpu.memory_space<vmem>> -> memref<1x32x128xf32, #tpu.memory_space<vmem>>
      %dma_wait3A_2764 = tpu.memref_squeeze %dma_wait3A_2763 : memref<1x32x128xf32, #tpu.memory_space<vmem>> -> memref<32x128xf32, #tpu.memory_space<vmem>>
      %dma_wait3A_2765 = arith.constant 0 : i32
      %dma_wait3A_2766 = arith.constant 0 : i32
      %dma_wait3A_2767 = tpu.memref_slice %arg4[%dma_wait3A_2765, %dma_wait3A_2766] : memref<32x1000000xf32, #tpu.memory_space<hbm>> -> memref<32x128xf32, #tpu.memory_space<hbm>>
      %dma_wait3A_2768 = arith.constant 0 : i32
      %dma_wait3A_2769 = arith.constant 0 : i32
      %dma_wait3A_2770 = tpu.memref_slice %arg9[%dma_wait3A_2760, %dma_wait3A_2768, %dma_wait3A_2769] : memref<8x32x128xf32, #tpu.memory_space<vmem>> -> memref<1x32x128xf32, #tpu.memory_space<vmem>>
      %dma_wait3A_2771 = tpu.memref_squeeze %dma_wait3A_2770 : memref<1x32x128xf32, #tpu.memory_space<vmem>> -> memref<32x128xf32, #tpu.memory_space<vmem>>
      %dma_wait3A_2772 = arith.constant 0 : i32
      %dma_wait3A_2773 = arith.constant 0 : i32
      %dma_wait3A_2774 = tpu.memref_slice %arg4[%dma_wait3A_2772, %dma_wait3A_2773] : memref<32x1000000xf32, #tpu.memory_space<hbm>> -> memref<32x128xf32, #tpu.memory_space<hbm>>
      tpu.wait_dma2 semaphore(%arg13 : memref<!tpu.dma_semaphore, #tpu.memory_space<semaphore_mem>>) src(%dma_wait3A_2774 : memref<32x128xf32, #tpu.memory_space<hbm>>) dst(%dma_wait3A_2771 : memref<32x128xf32, #tpu.memory_space<vmem>>)
      %dma_wait3A_2775 = arith.constant 1 : i32
      %dma_wait3A_2776 = arith.constant 0 : i32
      %dma_wait3A_2777 = arith.constant 0 : i32
      %dma_wait3A_2778 = tpu.memref_slice %arg10[%dma_wait3A_2775, %dma_wait3A_2776, %dma_wait3A_2777] : memref<8x32x128xf32, #tpu.memory_space<vmem>> -> memref<1x32x128xf32, #tpu.memory_space<vmem>>
      %dma_wait3A_2779 = tpu.memref_squeeze %dma_wait3A_2778 : memref<1x32x128xf32, #tpu.memory_space<vmem>> -> memref<32x128xf32, #tpu.memory_space<vmem>>
      %dma_wait3A_2780 = arith.constant 0 : i32
      %dma_wait3A_2781 = arith.constant 0 : i32
      %dma_wait3A_2782 = tpu.memref_slice %arg5[%dma_wait3A_2780, %dma_wait3A_2781] : memref<32x1000000xf32, #tpu.memory_space<hbm>> -> memref<32x128xf32, #tpu.memory_space<hbm>>
      %dma_wait3A_2783 = arith.constant 0 : i32
      %dma_wait3A_2784 = arith.constant 0 : i32
      %dma_wait3A_2785 = tpu.memref_slice %arg10[%dma_wait3A_2775, %dma_wait3A_2783, %dma_wait3A_2784] : memref<8x32x128xf32, #tpu.memory_space<vmem>> -> memref<1x32x128xf32, #tpu.memory_space<vmem>>
      %dma_wait3A_2786 = tpu.memref_squeeze %dma_wait3A_2785 : memref<1x32x128xf32, #tpu.memory_space<vmem>> -> memref<32x128xf32, #tpu.memory_space<vmem>>
      %dma_wait3A_2787 = arith.constant 0 : i32
      %dma_wait3A_2788 = arith.constant 0 : i32
      %dma_wait3A_2789 = tpu.memref_slice %arg5[%dma_wait3A_2787, %dma_wait3A_2788] : memref<32x1000000xf32, #tpu.memory_space<hbm>> -> memref<32x128xf32, #tpu.memory_space<hbm>>
      tpu.wait_dma2 semaphore(%arg21 : memref<!tpu.dma_semaphore, #tpu.memory_space<semaphore_mem>>) src(%dma_wait3A_2789 : memref<32x128xf32, #tpu.memory_space<hbm>>) dst(%dma_wait3A_2786 : memref<32x128xf32, #tpu.memory_space<vmem>>)
      %slice3A_2790 = vector.extract_strided_slice %get3A_1740 {offsets = [9], sizes = [1], strides = [1]} : vector<16xi32> to vector<1xi32>
      %squeeze3A_2791 = vector.extract %slice3A_2790[0] : i32 from vector<1xi32>
      %and3A_2792 = arith.constant 127 : i32
      %and3A_2793 = arith.andi %squeeze3A_2791, %and3A_2792 : i32
      %broadcast_in_dim3A_2794 = vector.broadcast %and3A_2793 : i32 to vector<16xi32>
      %slice3A_2795 = vector.extract_strided_slice %get3A_1744 {offsets = [9], sizes = [1], strides = [1]} : vector<16xi32> to vector<1xi32>
      %squeeze3A_2796 = vector.extract %slice3A_2795[0] : i32 from vector<1xi32>
      %and3A_2797 = arith.constant 127 : i32
      %and3A_2798 = arith.andi %squeeze3A_2796, %and3A_2797 : i32
      %broadcast_in_dim3A_2799 = vector.broadcast %and3A_2798 : i32 to vector<16xi32>
      %broadcast_in_dim3A_2800 = vector.broadcast %add3A_2759 : i32 to vector<16xi32>
      %gather3A_2801 = arith.constant 1 : i32
      %gather3A_2802 = arith.constant 0 : i32
      %gather3A_2803 = arith.constant 0 : i32
      %gather3A_2804 = tpu.memref_slice %arg9[%gather3A_2801, %gather3A_2802, %gather3A_2803] : memref<8x32x128xf32, #tpu.memory_space<vmem>> -> memref<1x32x128xf32, #tpu.memory_space<vmem>>
      %gather3A_2805 = tpu.memref_squeeze %gather3A_2804 : memref<1x32x128xf32, #tpu.memory_space<vmem>> -> memref<32x128xf32, #tpu.memory_space<vmem>>
      %gather3A_2806 = tpu.vector_load_idx %gather3A_2805[%iota3A, %broadcast_in_dim3A_2794] : memref<32x128xf32, #tpu.memory_space<vmem>>[vector<16xi32>, vector<16xi32>], vector<16xf32>,
      %gather3A_2807 = arith.constant 1 : i32
      %gather3A_2808 = arith.constant 0 : i32
      %gather3A_2809 = arith.constant 0 : i32
      %gather3A_2810 = tpu.memref_slice %arg10[%gather3A_2807, %gather3A_2808, %gather3A_2809] : memref<8x32x128xf32, #tpu.memory_space<vmem>> -> memref<1x32x128xf32, #tpu.memory_space<vmem>>
      %gather3A_2811 = tpu.memref_squeeze %gather3A_2810 : memref<1x32x128xf32, #tpu.memory_space<vmem>> -> memref<32x128xf32, #tpu.memory_space<vmem>>
      %gather3A_2812 = tpu.vector_load_idx %gather3A_2811[%iota3A, %broadcast_in_dim3A_2799] : memref<32x128xf32, #tpu.memory_space<vmem>>[vector<16xi32>, vector<16xi32>], vector<16xf32>,
      %mul3A_2813 = arith.mulf %gather3A_2806, %gather3A_2812 : vector<16xf32>
      tpu.vector_store_idx %arg11[%iota3A, %broadcast_in_dim3A_2800], %mul3A_2813 : memref<32x512xf32, #tpu.memory_space<vmem>>[vector<16xi32>, vector<16xi32>], vector<16xf32>,
      %gather3A_2814 = arith.constant 1 : i32
      %gather3A_2815 = arith.constant 0 : i32
      %gather3A_2816 = arith.constant 0 : i32
      %gather3A_2817 = tpu.memref_slice %arg9[%gather3A_2814, %gather3A_2815, %gather3A_2816] : memref<8x32x128xf32, #tpu.memory_space<vmem>> -> memref<1x32x128xf32, #tpu.memory_space<vmem>>
      %gather3A_2818 = tpu.memref_squeeze %gather3A_2817 : memref<1x32x128xf32, #tpu.memory_space<vmem>> -> memref<32x128xf32, #tpu.memory_space<vmem>>
      %gather3A_2819 = tpu.vector_load_idx %gather3A_2818[%add3A_5, %broadcast_in_dim3A_2794] : memref<32x128xf32, #tpu.memory_space<vmem>>[vector<16xi32>, vector<16xi32>], vector<16xf32>,
      %gather3A_2820 = arith.constant 1 : i32
      %gather3A_2821 = arith.constant 0 : i32
      %gather3A_2822 = arith.constant 0 : i32
      %gather3A_2823 = tpu.memref_slice %arg10[%gather3A_2820, %gather3A_2821, %gather3A_2822] : memref<8x32x128xf32, #tpu.memory_space<vmem>> -> memref<1x32x128xf32, #tpu.memory_space<vmem>>
      %gather3A_2824 = tpu.memref_squeeze %gather3A_2823 : memref<1x32x128xf32, #tpu.memory_space<vmem>> -> memref<32x128xf32, #tpu.memory_space<vmem>>
      %gather3A_2825 = tpu.vector_load_idx %gather3A_2824[%add3A_5, %broadcast_in_dim3A_2799] : memref<32x128xf32, #tpu.memory_space<vmem>>[vector<16xi32>, vector<16xi32>], vector<16xf32>,
      %mul3A_2826 = arith.mulf %gather3A_2819, %gather3A_2825 : vector<16xf32>
      tpu.vector_store_idx %arg11[%add3A_5, %broadcast_in_dim3A_2800], %mul3A_2826 : memref<32x512xf32, #tpu.memory_space<vmem>>[vector<16xi32>, vector<16xi32>], vector<16xf32>,
      %slice3A_2827 = vector.extract_strided_slice %get3A_1750 {offsets = [1], sizes = [1], strides = [1]} : vector<16xi32> to vector<1xi32>
      %squeeze3A_2828 = vector.extract %slice3A_2827[0] : i32 from vector<1xi32>
      %shift_right_arithmetic3A_2829 = arith.constant 7 : i32
      %shift_right_arithmetic3A_2830 = arith.shrsi %squeeze3A_2828, %shift_right_arithmetic3A_2829 : i32
      %shift_left3A_2831 = arith.constant 7 : i32
      %shift_left3A_2832 = arith.shli %shift_right_arithmetic3A_2830, %shift_left3A_2831 : i32
      %multiple_of3A_2833 = tpu.assume_multiple %shift_left3A_2832, 128 : i32
      %slice3A_2834 = vector.extract_strided_slice %get3A_1756 {offsets = [1], sizes = [1], strides = [1]} : vector<16xi32> to vector<1xi32>
      %squeeze3A_2835 = vector.extract %slice3A_2834[0] : i32 from vector<1xi32>
      %shift_right_arithmetic3A_2836 = arith.constant 7 : i32
      %shift_right_arithmetic3A_2837 = arith.shrsi %squeeze3A_2835, %shift_right_arithmetic3A_2836 : i32
      %shift_left3A_2838 = arith.constant 7 : i32
      %shift_left3A_2839 = arith.shli %shift_right_arithmetic3A_2837, %shift_left3A_2838 : i32
      %multiple_of3A_2840 = tpu.assume_multiple %shift_left3A_2839, 128 : i32
      %dma_start3A_2841 = arith.constant 1 : i32
      %dma_start3A_2842 = arith.constant 0 : i32
      %dma_start3A_2843 = arith.constant 0 : i32
      %dma_start3A_2844 = tpu.memref_slice %arg9[%dma_start3A_2841, %dma_start3A_2842, %dma_start3A_2843] : memref<8x32x128xf32, #tpu.memory_space<vmem>> -> memref<1x32x128xf32, #tpu.memory_space<vmem>>
      %dma_start3A_2845 = tpu.memref_squeeze %dma_start3A_2844 : memref<1x32x128xf32, #tpu.memory_space<vmem>> -> memref<32x128xf32, #tpu.memory_space<vmem>>
      %dma_start3A_2846 = arith.constant 0 : i32
      %dma_start3A_2847 = tpu.memref_slice %arg4[%dma_start3A_2846, %multiple_of3A_2833] : memref<32x1000000xf32, #tpu.memory_space<hbm>> -> memref<32x128xf32, #tpu.memory_space<hbm>>
      %dma_start3A_2848 = arith.constant 0 : i32
      %dma_start3A_2849 = arith.constant 0 : i32
      %dma_start3A_2850 = tpu.memref_slice %arg9[%dma_start3A_2841, %dma_start3A_2848, %dma_start3A_2849] : memref<8x32x128xf32, #tpu.memory_space<vmem>> -> memref<1x32x128xf32, #tpu.memory_space<vmem>>
      %dma_start3A_2851 = tpu.memref_squeeze %dma_start3A_2850 : memref<1x32x128xf32, #tpu.memory_space<vmem>> -> memref<32x128xf32, #tpu.memory_space<vmem>>
      %dma_start3A_2852 = arith.constant 0 : i32
      %dma_start3A_2853 = tpu.memref_slice %arg4[%dma_start3A_2852, %multiple_of3A_2833] : memref<32x1000000xf32, #tpu.memory_space<hbm>> -> memref<32x128xf32, #tpu.memory_space<hbm>>
      tpu.enqueue_dma source(%dma_start3A_2853 : memref<32x128xf32, #tpu.memory_space<hbm>>) target(%dma_start3A_2851 : memref<32x128xf32, #tpu.memory_space<vmem>>) target_semaphore(%arg13 : memref<!tpu.dma_semaphore, #tpu.memory_space<semaphore_mem>>)
      %dma_start3A_2854 = arith.constant 1 : i32
      %dma_start3A_2855 = arith.constant 0 : i32
      %dma_start3A_2856 = arith.constant 0 : i32
      %dma_start3A_2857 = tpu.memref_slice %arg10[%dma_start3A_2854, %dma_start3A_2855, %dma_start3A_2856] : memref<8x32x128xf32, #tpu.memory_space<vmem>> -> memref<1x32x128xf32, #tpu.memory_space<vmem>>
      %dma_start3A_2858 = tpu.memref_squeeze %dma_start3A_2857 : memref<1x32x128xf32, #tpu.memory_space<vmem>> -> memref<32x128xf32, #tpu.memory_space<vmem>>
      %dma_start3A_2859 = arith.constant 0 : i32
      %dma_start3A_2860 = tpu.memref_slice %arg5[%dma_start3A_2859, %multiple_of3A_2840] : memref<32x1000000xf32, #tpu.memory_space<hbm>> -> memref<32x128xf32, #tpu.memory_space<hbm>>
      %dma_start3A_2861 = arith.constant 0 : i32
      %dma_start3A_2862 = arith.constant 0 : i32
      %dma_start3A_2863 = tpu.memref_slice %arg10[%dma_start3A_2854, %dma_start3A_2861, %dma_start3A_2862] : memref<8x32x128xf32, #tpu.memory_space<vmem>> -> memref<1x32x128xf32, #tpu.memory_space<vmem>>
      %dma_start3A_2864 = tpu.memref_squeeze %dma_start3A_2863 : memref<1x32x128xf32, #tpu.memory_space<vmem>> -> memref<32x128xf32, #tpu.memory_space<vmem>>
      %dma_start3A_2865 = arith.constant 0 : i32
      %dma_start3A_2866 = tpu.memref_slice %arg5[%dma_start3A_2865, %multiple_of3A_2840] : memref<32x1000000xf32, #tpu.memory_space<hbm>> -> memref<32x128xf32, #tpu.memory_space<hbm>>
      tpu.enqueue_dma source(%dma_start3A_2866 : memref<32x128xf32, #tpu.memory_space<hbm>>) target(%dma_start3A_2864 : memref<32x128xf32, #tpu.memory_space<vmem>>) target_semaphore(%arg21 : memref<!tpu.dma_semaphore, #tpu.memory_space<semaphore_mem>>)
      %mul3A_2867 = arith.constant 16 : i32
      %mul3A_2868 = arith.muli %scan3A_1736, %mul3A_2867 : i32
      %add3A_2869 = arith.constant 10 : i32
      %add3A_2870 = arith.addi %mul3A_2868, %add3A_2869 : i32
      %dma_wait3A_2871 = arith.constant 2 : i32
      %dma_wait3A_2872 = arith.constant 0 : i32
      %dma_wait3A_2873 = arith.constant 0 : i32
      %dma_wait3A_2874 = tpu.memref_slice %arg9[%dma_wait3A_2871, %dma_wait3A_2872, %dma_wait3A_2873] : memref<8x32x128xf32, #tpu.memory_space<vmem>> -> memref<1x32x128xf32, #tpu.memory_space<vmem>>
      %dma_wait3A_2875 = tpu.memref_squeeze %dma_wait3A_2874 : memref<1x32x128xf32, #tpu.memory_space<vmem>> -> memref<32x128xf32, #tpu.memory_space<vmem>>
      %dma_wait3A_2876 = arith.constant 0 : i32
      %dma_wait3A_2877 = arith.constant 0 : i32
      %dma_wait3A_2878 = tpu.memref_slice %arg4[%dma_wait3A_2876, %dma_wait3A_2877] : memref<32x1000000xf32, #tpu.memory_space<hbm>> -> memref<32x128xf32, #tpu.memory_space<hbm>>
      %dma_wait3A_2879 = arith.constant 0 : i32
      %dma_wait3A_2880 = arith.constant 0 : i32
      %dma_wait3A_2881 = tpu.memref_slice %arg9[%dma_wait3A_2871, %dma_wait3A_2879, %dma_wait3A_2880] : memref<8x32x128xf32, #tpu.memory_space<vmem>> -> memref<1x32x128xf32, #tpu.memory_space<vmem>>
      %dma_wait3A_2882 = tpu.memref_squeeze %dma_wait3A_2881 : memref<1x32x128xf32, #tpu.memory_space<vmem>> -> memref<32x128xf32, #tpu.memory_space<vmem>>
      %dma_wait3A_2883 = arith.constant 0 : i32
      %dma_wait3A_2884 = arith.constant 0 : i32
      %dma_wait3A_2885 = tpu.memref_slice %arg4[%dma_wait3A_2883, %dma_wait3A_2884] : memref<32x1000000xf32, #tpu.memory_space<hbm>> -> memref<32x128xf32, #tpu.memory_space<hbm>>
      tpu.wait_dma2 semaphore(%arg14 : memref<!tpu.dma_semaphore, #tpu.memory_space<semaphore_mem>>) src(%dma_wait3A_2885 : memref<32x128xf32, #tpu.memory_space<hbm>>) dst(%dma_wait3A_2882 : memref<32x128xf32, #tpu.memory_space<vmem>>)
      %dma_wait3A_2886 = arith.constant 2 : i32
      %dma_wait3A_2887 = arith.constant 0 : i32
      %dma_wait3A_2888 = arith.constant 0 : i32
      %dma_wait3A_2889 = tpu.memref_slice %arg10[%dma_wait3A_2886, %dma_wait3A_2887, %dma_wait3A_2888] : memref<8x32x128xf32, #tpu.memory_space<vmem>> -> memref<1x32x128xf32, #tpu.memory_space<vmem>>
      %dma_wait3A_2890 = tpu.memref_squeeze %dma_wait3A_2889 : memref<1x32x128xf32, #tpu.memory_space<vmem>> -> memref<32x128xf32, #tpu.memory_space<vmem>>
      %dma_wait3A_2891 = arith.constant 0 : i32
      %dma_wait3A_2892 = arith.constant 0 : i32
      %dma_wait3A_2893 = tpu.memref_slice %arg5[%dma_wait3A_2891, %dma_wait3A_2892] : memref<32x1000000xf32, #tpu.memory_space<hbm>> -> memref<32x128xf32, #tpu.memory_space<hbm>>
      %dma_wait3A_2894 = arith.constant 0 : i32
      %dma_wait3A_2895 = arith.constant 0 : i32
      %dma_wait3A_2896 = tpu.memref_slice %arg10[%dma_wait3A_2886, %dma_wait3A_2894, %dma_wait3A_2895] : memref<8x32x128xf32, #tpu.memory_space<vmem>> -> memref<1x32x128xf32, #tpu.memory_space<vmem>>
      %dma_wait3A_2897 = tpu.memref_squeeze %dma_wait3A_2896 : memref<1x32x128xf32, #tpu.memory_space<vmem>> -> memref<32x128xf32, #tpu.memory_space<vmem>>
      %dma_wait3A_2898 = arith.constant 0 : i32
      %dma_wait3A_2899 = arith.constant 0 : i32
      %dma_wait3A_2900 = tpu.memref_slice %arg5[%dma_wait3A_2898, %dma_wait3A_2899] : memref<32x1000000xf32, #tpu.memory_space<hbm>> -> memref<32x128xf32, #tpu.memory_space<hbm>>
      tpu.wait_dma2 semaphore(%arg22 : memref<!tpu.dma_semaphore, #tpu.memory_space<semaphore_mem>>) src(%dma_wait3A_2900 : memref<32x128xf32, #tpu.memory_space<hbm>>) dst(%dma_wait3A_2897 : memref<32x128xf32, #tpu.memory_space<vmem>>)
      %slice3A_2901 = vector.extract_strided_slice %get3A_1740 {offsets = [10], sizes = [1], strides = [1]} : vector<16xi32> to vector<1xi32>
      %squeeze3A_2902 = vector.extract %slice3A_2901[0] : i32 from vector<1xi32>
      %and3A_2903 = arith.constant 127 : i32
      %and3A_2904 = arith.andi %squeeze3A_2902, %and3A_2903 : i32
      %broadcast_in_dim3A_2905 = vector.broadcast %and3A_2904 : i32 to vector<16xi32>
      %slice3A_2906 = vector.extract_strided_slice %get3A_1744 {offsets = [10], sizes = [1], strides = [1]} : vector<16xi32> to vector<1xi32>
      %squeeze3A_2907 = vector.extract %slice3A_2906[0] : i32 from vector<1xi32>
      %and3A_2908 = arith.constant 127 : i32
      %and3A_2909 = arith.andi %squeeze3A_2907, %and3A_2908 : i32
      %broadcast_in_dim3A_2910 = vector.broadcast %and3A_2909 : i32 to vector<16xi32>
      %broadcast_in_dim3A_2911 = vector.broadcast %add3A_2870 : i32 to vector<16xi32>
      %gather3A_2912 = arith.constant 2 : i32
      %gather3A_2913 = arith.constant 0 : i32
      %gather3A_2914 = arith.constant 0 : i32
      %gather3A_2915 = tpu.memref_slice %arg9[%gather3A_2912, %gather3A_2913, %gather3A_2914] : memref<8x32x128xf32, #tpu.memory_space<vmem>> -> memref<1x32x128xf32, #tpu.memory_space<vmem>>
      %gather3A_2916 = tpu.memref_squeeze %gather3A_2915 : memref<1x32x128xf32, #tpu.memory_space<vmem>> -> memref<32x128xf32, #tpu.memory_space<vmem>>
      %gather3A_2917 = tpu.vector_load_idx %gather3A_2916[%iota3A, %broadcast_in_dim3A_2905] : memref<32x128xf32, #tpu.memory_space<vmem>>[vector<16xi32>, vector<16xi32>], vector<16xf32>,
      %gather3A_2918 = arith.constant 2 : i32
      %gather3A_2919 = arith.constant 0 : i32
      %gather3A_2920 = arith.constant 0 : i32
      %gather3A_2921 = tpu.memref_slice %arg10[%gather3A_2918, %gather3A_2919, %gather3A_2920] : memref<8x32x128xf32, #tpu.memory_space<vmem>> -> memref<1x32x128xf32, #tpu.memory_space<vmem>>
      %gather3A_2922 = tpu.memref_squeeze %gather3A_2921 : memref<1x32x128xf32, #tpu.memory_space<vmem>> -> memref<32x128xf32, #tpu.memory_space<vmem>>
      %gather3A_2923 = tpu.vector_load_idx %gather3A_2922[%iota3A, %broadcast_in_dim3A_2910] : memref<32x128xf32, #tpu.memory_space<vmem>>[vector<16xi32>, vector<16xi32>], vector<16xf32>,
      %mul3A_2924 = arith.mulf %gather3A_2917, %gather3A_2923 : vector<16xf32>
      tpu.vector_store_idx %arg11[%iota3A, %broadcast_in_dim3A_2911], %mul3A_2924 : memref<32x512xf32, #tpu.memory_space<vmem>>[vector<16xi32>, vector<16xi32>], vector<16xf32>,
      %gather3A_2925 = arith.constant 2 : i32
      %gather3A_2926 = arith.constant 0 : i32
      %gather3A_2927 = arith.constant 0 : i32
      %gather3A_2928 = tpu.memref_slice %arg9[%gather3A_2925, %gather3A_2926, %gather3A_2927] : memref<8x32x128xf32, #tpu.memory_space<vmem>> -> memref<1x32x128xf32, #tpu.memory_space<vmem>>
      %gather3A_2929 = tpu.memref_squeeze %gather3A_2928 : memref<1x32x128xf32, #tpu.memory_space<vmem>> -> memref<32x128xf32, #tpu.memory_space<vmem>>
      %gather3A_2930 = tpu.vector_load_idx %gather3A_2929[%add3A_5, %broadcast_in_dim3A_2905] : memref<32x128xf32, #tpu.memory_space<vmem>>[vector<16xi32>, vector<16xi32>], vector<16xf32>,
      %gather3A_2931 = arith.constant 2 : i32
      %gather3A_2932 = arith.constant 0 : i32
      %gather3A_2933 = arith.constant 0 : i32
      %gather3A_2934 = tpu.memref_slice %arg10[%gather3A_2931, %gather3A_2932, %gather3A_2933] : memref<8x32x128xf32, #tpu.memory_space<vmem>> -> memref<1x32x128xf32, #tpu.memory_space<vmem>>
      %gather3A_2935 = tpu.memref_squeeze %gather3A_2934 : memref<1x32x128xf32, #tpu.memory_space<vmem>> -> memref<32x128xf32, #tpu.memory_space<vmem>>
      %gather3A_2936 = tpu.vector_load_idx %gather3A_2935[%add3A_5, %broadcast_in_dim3A_2910] : memref<32x128xf32, #tpu.memory_space<vmem>>[vector<16xi32>, vector<16xi32>], vector<16xf32>,
      %mul3A_2937 = arith.mulf %gather3A_2930, %gather3A_2936 : vector<16xf32>
      tpu.vector_store_idx %arg11[%add3A_5, %broadcast_in_dim3A_2911], %mul3A_2937 : memref<32x512xf32, #tpu.memory_space<vmem>>[vector<16xi32>, vector<16xi32>], vector<16xf32>,
      %slice3A_2938 = vector.extract_strided_slice %get3A_1750 {offsets = [2], sizes = [1], strides = [1]} : vector<16xi32> to vector<1xi32>
      %squeeze3A_2939 = vector.extract %slice3A_2938[0] : i32 from vector<1xi32>
      %shift_right_arithmetic3A_2940 = arith.constant 7 : i32
      %shift_right_arithmetic3A_2941 = arith.shrsi %squeeze3A_2939, %shift_right_arithmetic3A_2940 : i32
      %shift_left3A_2942 = arith.constant 7 : i32
      %shift_left3A_2943 = arith.shli %shift_right_arithmetic3A_2941, %shift_left3A_2942 : i32
      %multiple_of3A_2944 = tpu.assume_multiple %shift_left3A_2943, 128 : i32
      %slice3A_2945 = vector.extract_strided_slice %get3A_1756 {offsets = [2], sizes = [1], strides = [1]} : vector<16xi32> to vector<1xi32>
      %squeeze3A_2946 = vector.extract %slice3A_2945[0] : i32 from vector<1xi32>
      %shift_right_arithmetic3A_2947 = arith.constant 7 : i32
      %shift_right_arithmetic3A_2948 = arith.shrsi %squeeze3A_2946, %shift_right_arithmetic3A_2947 : i32
      %shift_left3A_2949 = arith.constant 7 : i32
      %shift_left3A_2950 = arith.shli %shift_right_arithmetic3A_2948, %shift_left3A_2949 : i32
      %multiple_of3A_2951 = tpu.assume_multiple %shift_left3A_2950, 128 : i32
      %dma_start3A_2952 = arith.constant 2 : i32
      %dma_start3A_2953 = arith.constant 0 : i32
      %dma_start3A_2954 = arith.constant 0 : i32
      %dma_start3A_2955 = tpu.memref_slice %arg9[%dma_start3A_2952, %dma_start3A_2953, %dma_start3A_2954] : memref<8x32x128xf32, #tpu.memory_space<vmem>> -> memref<1x32x128xf32, #tpu.memory_space<vmem>>
      %dma_start3A_2956 = tpu.memref_squeeze %dma_start3A_2955 : memref<1x32x128xf32, #tpu.memory_space<vmem>> -> memref<32x128xf32, #tpu.memory_space<vmem>>
      %dma_start3A_2957 = arith.constant 0 : i32
      %dma_start3A_2958 = tpu.memref_slice %arg4[%dma_start3A_2957, %multiple_of3A_2944] : memref<32x1000000xf32, #tpu.memory_space<hbm>> -> memref<32x128xf32, #tpu.memory_space<hbm>>
      %dma_start3A_2959 = arith.constant 0 : i32
      %dma_start3A_2960 = arith.constant 0 : i32
      %dma_start3A_2961 = tpu.memref_slice %arg9[%dma_start3A_2952, %dma_start3A_2959, %dma_start3A_2960] : memref<8x32x128xf32, #tpu.memory_space<vmem>> -> memref<1x32x128xf32, #tpu.memory_space<vmem>>
      %dma_start3A_2962 = tpu.memref_squeeze %dma_start3A_2961 : memref<1x32x128xf32, #tpu.memory_space<vmem>> -> memref<32x128xf32, #tpu.memory_space<vmem>>
      %dma_start3A_2963 = arith.constant 0 : i32
      %dma_start3A_2964 = tpu.memref_slice %arg4[%dma_start3A_2963, %multiple_of3A_2944] : memref<32x1000000xf32, #tpu.memory_space<hbm>> -> memref<32x128xf32, #tpu.memory_space<hbm>>
      tpu.enqueue_dma source(%dma_start3A_2964 : memref<32x128xf32, #tpu.memory_space<hbm>>) target(%dma_start3A_2962 : memref<32x128xf32, #tpu.memory_space<vmem>>) target_semaphore(%arg14 : memref<!tpu.dma_semaphore, #tpu.memory_space<semaphore_mem>>)
      %dma_start3A_2965 = arith.constant 2 : i32
      %dma_start3A_2966 = arith.constant 0 : i32
      %dma_start3A_2967 = arith.constant 0 : i32
      %dma_start3A_2968 = tpu.memref_slice %arg10[%dma_start3A_2965, %dma_start3A_2966, %dma_start3A_2967] : memref<8x32x128xf32, #tpu.memory_space<vmem>> -> memref<1x32x128xf32, #tpu.memory_space<vmem>>
      %dma_start3A_2969 = tpu.memref_squeeze %dma_start3A_2968 : memref<1x32x128xf32, #tpu.memory_space<vmem>> -> memref<32x128xf32, #tpu.memory_space<vmem>>
      %dma_start3A_2970 = arith.constant 0 : i32
      %dma_start3A_2971 = tpu.memref_slice %arg5[%dma_start3A_2970, %multiple_of3A_2951] : memref<32x1000000xf32, #tpu.memory_space<hbm>> -> memref<32x128xf32, #tpu.memory_space<hbm>>
      %dma_start3A_2972 = arith.constant 0 : i32
      %dma_start3A_2973 = arith.constant 0 : i32
      %dma_start3A_2974 = tpu.memref_slice %arg10[%dma_start3A_2965, %dma_start3A_2972, %dma_start3A_2973] : memref<8x32x128xf32, #tpu.memory_space<vmem>> -> memref<1x32x128xf32, #tpu.memory_space<vmem>>
      %dma_start3A_2975 = tpu.memref_squeeze %dma_start3A_2974 : memref<1x32x128xf32, #tpu.memory_space<vmem>> -> memref<32x128xf32, #tpu.memory_space<vmem>>
      %dma_start3A_2976 = arith.constant 0 : i32
      %dma_start3A_2977 = tpu.memref_slice %arg5[%dma_start3A_2976, %multiple_of3A_2951] : memref<32x1000000xf32, #tpu.memory_space<hbm>> -> memref<32x128xf32, #tpu.memory_space<hbm>>
      tpu.enqueue_dma source(%dma_start3A_2977 : memref<32x128xf32, #tpu.memory_space<hbm>>) target(%dma_start3A_2975 : memref<32x128xf32, #tpu.memory_space<vmem>>) target_semaphore(%arg22 : memref<!tpu.dma_semaphore, #tpu.memory_space<semaphore_mem>>)
      %mul3A_2978 = arith.constant 16 : i32
      %mul3A_2979 = arith.muli %scan3A_1736, %mul3A_2978 : i32
      %add3A_2980 = arith.constant 11 : i32
      %add3A_2981 = arith.addi %mul3A_2979, %add3A_2980 : i32
      %dma_wait3A_2982 = arith.constant 3 : i32
      %dma_wait3A_2983 = arith.constant 0 : i32
      %dma_wait3A_2984 = arith.constant 0 : i32
      %dma_wait3A_2985 = tpu.memref_slice %arg9[%dma_wait3A_2982, %dma_wait3A_2983, %dma_wait3A_2984] : memref<8x32x128xf32, #tpu.memory_space<vmem>> -> memref<1x32x128xf32, #tpu.memory_space<vmem>>
      %dma_wait3A_2986 = tpu.memref_squeeze %dma_wait3A_2985 : memref<1x32x128xf32, #tpu.memory_space<vmem>> -> memref<32x128xf32, #tpu.memory_space<vmem>>
      %dma_wait3A_2987 = arith.constant 0 : i32
      %dma_wait3A_2988 = arith.constant 0 : i32
      %dma_wait3A_2989 = tpu.memref_slice %arg4[%dma_wait3A_2987, %dma_wait3A_2988] : memref<32x1000000xf32, #tpu.memory_space<hbm>> -> memref<32x128xf32, #tpu.memory_space<hbm>>
      %dma_wait3A_2990 = arith.constant 0 : i32
      %dma_wait3A_2991 = arith.constant 0 : i32
      %dma_wait3A_2992 = tpu.memref_slice %arg9[%dma_wait3A_2982, %dma_wait3A_2990, %dma_wait3A_2991] : memref<8x32x128xf32, #tpu.memory_space<vmem>> -> memref<1x32x128xf32, #tpu.memory_space<vmem>>
      %dma_wait3A_2993 = tpu.memref_squeeze %dma_wait3A_2992 : memref<1x32x128xf32, #tpu.memory_space<vmem>> -> memref<32x128xf32, #tpu.memory_space<vmem>>
      %dma_wait3A_2994 = arith.constant 0 : i32
      %dma_wait3A_2995 = arith.constant 0 : i32
      %dma_wait3A_2996 = tpu.memref_slice %arg4[%dma_wait3A_2994, %dma_wait3A_2995] : memref<32x1000000xf32, #tpu.memory_space<hbm>> -> memref<32x128xf32, #tpu.memory_space<hbm>>
      tpu.wait_dma2 semaphore(%arg15 : memref<!tpu.dma_semaphore, #tpu.memory_space<semaphore_mem>>) src(%dma_wait3A_2996 : memref<32x128xf32, #tpu.memory_space<hbm>>) dst(%dma_wait3A_2993 : memref<32x128xf32, #tpu.memory_space<vmem>>)
      %dma_wait3A_2997 = arith.constant 3 : i32
      %dma_wait3A_2998 = arith.constant 0 : i32
      %dma_wait3A_2999 = arith.constant 0 : i32
      %dma_wait3A_3000 = tpu.memref_slice %arg10[%dma_wait3A_2997, %dma_wait3A_2998, %dma_wait3A_2999] : memref<8x32x128xf32, #tpu.memory_space<vmem>> -> memref<1x32x128xf32, #tpu.memory_space<vmem>>
      %dma_wait3A_3001 = tpu.memref_squeeze %dma_wait3A_3000 : memref<1x32x128xf32, #tpu.memory_space<vmem>> -> memref<32x128xf32, #tpu.memory_space<vmem>>
      %dma_wait3A_3002 = arith.constant 0 : i32
      %dma_wait3A_3003 = arith.constant 0 : i32
      %dma_wait3A_3004 = tpu.memref_slice %arg5[%dma_wait3A_3002, %dma_wait3A_3003] : memref<32x1000000xf32, #tpu.memory_space<hbm>> -> memref<32x128xf32, #tpu.memory_space<hbm>>
      %dma_wait3A_3005 = arith.constant 0 : i32
      %dma_wait3A_3006 = arith.constant 0 : i32
      %dma_wait3A_3007 = tpu.memref_slice %arg10[%dma_wait3A_2997, %dma_wait3A_3005, %dma_wait3A_3006] : memref<8x32x128xf32, #tpu.memory_space<vmem>> -> memref<1x32x128xf32, #tpu.memory_space<vmem>>
      %dma_wait3A_3008 = tpu.memref_squeeze %dma_wait3A_3007 : memref<1x32x128xf32, #tpu.memory_space<vmem>> -> memref<32x128xf32, #tpu.memory_space<vmem>>
      %dma_wait3A_3009 = arith.constant 0 : i32
      %dma_wait3A_3010 = arith.constant 0 : i32
      %dma_wait3A_3011 = tpu.memref_slice %arg5[%dma_wait3A_3009, %dma_wait3A_3010] : memref<32x1000000xf32, #tpu.memory_space<hbm>> -> memref<32x128xf32, #tpu.memory_space<hbm>>
      tpu.wait_dma2 semaphore(%arg23 : memref<!tpu.dma_semaphore, #tpu.memory_space<semaphore_mem>>) src(%dma_wait3A_3011 : memref<32x128xf32, #tpu.memory_space<hbm>>) dst(%dma_wait3A_3008 : memref<32x128xf32, #tpu.memory_space<vmem>>)
      %slice3A_3012 = vector.extract_strided_slice %get3A_1740 {offsets = [11], sizes = [1], strides = [1]} : vector<16xi32> to vector<1xi32>
      %squeeze3A_3013 = vector.extract %slice3A_3012[0] : i32 from vector<1xi32>
      %and3A_3014 = arith.constant 127 : i32
      %and3A_3015 = arith.andi %squeeze3A_3013, %and3A_3014 : i32
      %broadcast_in_dim3A_3016 = vector.broadcast %and3A_3015 : i32 to vector<16xi32>
      %slice3A_3017 = vector.extract_strided_slice %get3A_1744 {offsets = [11], sizes = [1], strides = [1]} : vector<16xi32> to vector<1xi32>
      %squeeze3A_3018 = vector.extract %slice3A_3017[0] : i32 from vector<1xi32>
      %and3A_3019 = arith.constant 127 : i32
      %and3A_3020 = arith.andi %squeeze3A_3018, %and3A_3019 : i32
      %broadcast_in_dim3A_3021 = vector.broadcast %and3A_3020 : i32 to vector<16xi32>
      %broadcast_in_dim3A_3022 = vector.broadcast %add3A_2981 : i32 to vector<16xi32>
      %gather3A_3023 = arith.constant 3 : i32
      %gather3A_3024 = arith.constant 0 : i32
      %gather3A_3025 = arith.constant 0 : i32
      %gather3A_3026 = tpu.memref_slice %arg9[%gather3A_3023, %gather3A_3024, %gather3A_3025] : memref<8x32x128xf32, #tpu.memory_space<vmem>> -> memref<1x32x128xf32, #tpu.memory_space<vmem>>
      %gather3A_3027 = tpu.memref_squeeze %gather3A_3026 : memref<1x32x128xf32, #tpu.memory_space<vmem>> -> memref<32x128xf32, #tpu.memory_space<vmem>>
      %gather3A_3028 = tpu.vector_load_idx %gather3A_3027[%iota3A, %broadcast_in_dim3A_3016] : memref<32x128xf32, #tpu.memory_space<vmem>>[vector<16xi32>, vector<16xi32>], vector<16xf32>,
      %gather3A_3029 = arith.constant 3 : i32
      %gather3A_3030 = arith.constant 0 : i32
      %gather3A_3031 = arith.constant 0 : i32
      %gather3A_3032 = tpu.memref_slice %arg10[%gather3A_3029, %gather3A_3030, %gather3A_3031] : memref<8x32x128xf32, #tpu.memory_space<vmem>> -> memref<1x32x128xf32, #tpu.memory_space<vmem>>
      %gather3A_3033 = tpu.memref_squeeze %gather3A_3032 : memref<1x32x128xf32, #tpu.memory_space<vmem>> -> memref<32x128xf32, #tpu.memory_space<vmem>>
      %gather3A_3034 = tpu.vector_load_idx %gather3A_3033[%iota3A, %broadcast_in_dim3A_3021] : memref<32x128xf32, #tpu.memory_space<vmem>>[vector<16xi32>, vector<16xi32>], vector<16xf32>,
      %mul3A_3035 = arith.mulf %gather3A_3028, %gather3A_3034 : vector<16xf32>
      tpu.vector_store_idx %arg11[%iota3A, %broadcast_in_dim3A_3022], %mul3A_3035 : memref<32x512xf32, #tpu.memory_space<vmem>>[vector<16xi32>, vector<16xi32>], vector<16xf32>,
      %gather3A_3036 = arith.constant 3 : i32
      %gather3A_3037 = arith.constant 0 : i32
      %gather3A_3038 = arith.constant 0 : i32
      %gather3A_3039 = tpu.memref_slice %arg9[%gather3A_3036, %gather3A_3037, %gather3A_3038] : memref<8x32x128xf32, #tpu.memory_space<vmem>> -> memref<1x32x128xf32, #tpu.memory_space<vmem>>
      %gather3A_3040 = tpu.memref_squeeze %gather3A_3039 : memref<1x32x128xf32, #tpu.memory_space<vmem>> -> memref<32x128xf32, #tpu.memory_space<vmem>>
      %gather3A_3041 = tpu.vector_load_idx %gather3A_3040[%add3A_5, %broadcast_in_dim3A_3016] : memref<32x128xf32, #tpu.memory_space<vmem>>[vector<16xi32>, vector<16xi32>], vector<16xf32>,
      %gather3A_3042 = arith.constant 3 : i32
      %gather3A_3043 = arith.constant 0 : i32
      %gather3A_3044 = arith.constant 0 : i32
      %gather3A_3045 = tpu.memref_slice %arg10[%gather3A_3042, %gather3A_3043, %gather3A_3044] : memref<8x32x128xf32, #tpu.memory_space<vmem>> -> memref<1x32x128xf32, #tpu.memory_space<vmem>>
      %gather3A_3046 = tpu.memref_squeeze %gather3A_3045 : memref<1x32x128xf32, #tpu.memory_space<vmem>> -> memref<32x128xf32, #tpu.memory_space<vmem>>
      %gather3A_3047 = tpu.vector_load_idx %gather3A_3046[%add3A_5, %broadcast_in_dim3A_3021] : memref<32x128xf32, #tpu.memory_space<vmem>>[vector<16xi32>, vector<16xi32>], vector<16xf32>,
      %mul3A_3048 = arith.mulf %gather3A_3041, %gather3A_3047 : vector<16xf32>
      tpu.vector_store_idx %arg11[%add3A_5, %broadcast_in_dim3A_3022], %mul3A_3048 : memref<32x512xf32, #tpu.memory_space<vmem>>[vector<16xi32>, vector<16xi32>], vector<16xf32>,
      %slice3A_3049 = vector.extract_strided_slice %get3A_1750 {offsets = [3], sizes = [1], strides = [1]} : vector<16xi32> to vector<1xi32>
      %squeeze3A_3050 = vector.extract %slice3A_3049[0] : i32 from vector<1xi32>
      %shift_right_arithmetic3A_3051 = arith.constant 7 : i32
      %shift_right_arithmetic3A_3052 = arith.shrsi %squeeze3A_3050, %shift_right_arithmetic3A_3051 : i32
      %shift_left3A_3053 = arith.constant 7 : i32
      %shift_left3A_3054 = arith.shli %shift_right_arithmetic3A_3052, %shift_left3A_3053 : i32
      %multiple_of3A_3055 = tpu.assume_multiple %shift_left3A_3054, 128 : i32
      %slice3A_3056 = vector.extract_strided_slice %get3A_1756 {offsets = [3], sizes = [1], strides = [1]} : vector<16xi32> to vector<1xi32>
      %squeeze3A_3057 = vector.extract %slice3A_3056[0] : i32 from vector<1xi32>
      %shift_right_arithmetic3A_3058 = arith.constant 7 : i32
      %shift_right_arithmetic3A_3059 = arith.shrsi %squeeze3A_3057, %shift_right_arithmetic3A_3058 : i32
      %shift_left3A_3060 = arith.constant 7 : i32
      %shift_left3A_3061 = arith.shli %shift_right_arithmetic3A_3059, %shift_left3A_3060 : i32
      %multiple_of3A_3062 = tpu.assume_multiple %shift_left3A_3061, 128 : i32
      %dma_start3A_3063 = arith.constant 3 : i32
      %dma_start3A_3064 = arith.constant 0 : i32
      %dma_start3A_3065 = arith.constant 0 : i32
      %dma_start3A_3066 = tpu.memref_slice %arg9[%dma_start3A_3063, %dma_start3A_3064, %dma_start3A_3065] : memref<8x32x128xf32, #tpu.memory_space<vmem>> -> memref<1x32x128xf32, #tpu.memory_space<vmem>>
      %dma_start3A_3067 = tpu.memref_squeeze %dma_start3A_3066 : memref<1x32x128xf32, #tpu.memory_space<vmem>> -> memref<32x128xf32, #tpu.memory_space<vmem>>
      %dma_start3A_3068 = arith.constant 0 : i32
      %dma_start3A_3069 = tpu.memref_slice %arg4[%dma_start3A_3068, %multiple_of3A_3055] : memref<32x1000000xf32, #tpu.memory_space<hbm>> -> memref<32x128xf32, #tpu.memory_space<hbm>>
      %dma_start3A_3070 = arith.constant 0 : i32
      %dma_start3A_3071 = arith.constant 0 : i32
      %dma_start3A_3072 = tpu.memref_slice %arg9[%dma_start3A_3063, %dma_start3A_3070, %dma_start3A_3071] : memref<8x32x128xf32, #tpu.memory_space<vmem>> -> memref<1x32x128xf32, #tpu.memory_space<vmem>>
      %dma_start3A_3073 = tpu.memref_squeeze %dma_start3A_3072 : memref<1x32x128xf32, #tpu.memory_space<vmem>> -> memref<32x128xf32, #tpu.memory_space<vmem>>
      %dma_start3A_3074 = arith.constant 0 : i32
      %dma_start3A_3075 = tpu.memref_slice %arg4[%dma_start3A_3074, %multiple_of3A_3055] : memref<32x1000000xf32, #tpu.memory_space<hbm>> -> memref<32x128xf32, #tpu.memory_space<hbm>>
      tpu.enqueue_dma source(%dma_start3A_3075 : memref<32x128xf32, #tpu.memory_space<hbm>>) target(%dma_start3A_3073 : memref<32x128xf32, #tpu.memory_space<vmem>>) target_semaphore(%arg15 : memref<!tpu.dma_semaphore, #tpu.memory_space<semaphore_mem>>)
      %dma_start3A_3076 = arith.constant 3 : i32
      %dma_start3A_3077 = arith.constant 0 : i32
      %dma_start3A_3078 = arith.constant 0 : i32
      %dma_start3A_3079 = tpu.memref_slice %arg10[%dma_start3A_3076, %dma_start3A_3077, %dma_start3A_3078] : memref<8x32x128xf32, #tpu.memory_space<vmem>> -> memref<1x32x128xf32, #tpu.memory_space<vmem>>
      %dma_start3A_3080 = tpu.memref_squeeze %dma_start3A_3079 : memref<1x32x128xf32, #tpu.memory_space<vmem>> -> memref<32x128xf32, #tpu.memory_space<vmem>>
      %dma_start3A_3081 = arith.constant 0 : i32
      %dma_start3A_3082 = tpu.memref_slice %arg5[%dma_start3A_3081, %multiple_of3A_3062] : memref<32x1000000xf32, #tpu.memory_space<hbm>> -> memref<32x128xf32, #tpu.memory_space<hbm>>
      %dma_start3A_3083 = arith.constant 0 : i32
      %dma_start3A_3084 = arith.constant 0 : i32
      %dma_start3A_3085 = tpu.memref_slice %arg10[%dma_start3A_3076, %dma_start3A_3083, %dma_start3A_3084] : memref<8x32x128xf32, #tpu.memory_space<vmem>> -> memref<1x32x128xf32, #tpu.memory_space<vmem>>
      %dma_start3A_3086 = tpu.memref_squeeze %dma_start3A_3085 : memref<1x32x128xf32, #tpu.memory_space<vmem>> -> memref<32x128xf32, #tpu.memory_space<vmem>>
      %dma_start3A_3087 = arith.constant 0 : i32
      %dma_start3A_3088 = tpu.memref_slice %arg5[%dma_start3A_3087, %multiple_of3A_3062] : memref<32x1000000xf32, #tpu.memory_space<hbm>> -> memref<32x128xf32, #tpu.memory_space<hbm>>
      tpu.enqueue_dma source(%dma_start3A_3088 : memref<32x128xf32, #tpu.memory_space<hbm>>) target(%dma_start3A_3086 : memref<32x128xf32, #tpu.memory_space<vmem>>) target_semaphore(%arg23 : memref<!tpu.dma_semaphore, #tpu.memory_space<semaphore_mem>>)
      %mul3A_3089 = arith.constant 16 : i32
      %mul3A_3090 = arith.muli %scan3A_1736, %mul3A_3089 : i32
      %add3A_3091 = arith.constant 12 : i32
      %add3A_3092 = arith.addi %mul3A_3090, %add3A_3091 : i32
      %dma_wait3A_3093 = arith.constant 4 : i32
      %dma_wait3A_3094 = arith.constant 0 : i32
      %dma_wait3A_3095 = arith.constant 0 : i32
      %dma_wait3A_3096 = tpu.memref_slice %arg9[%dma_wait3A_3093, %dma_wait3A_3094, %dma_wait3A_3095] : memref<8x32x128xf32, #tpu.memory_space<vmem>> -> memref<1x32x128xf32, #tpu.memory_space<vmem>>
      %dma_wait3A_3097 = tpu.memref_squeeze %dma_wait3A_3096 : memref<1x32x128xf32, #tpu.memory_space<vmem>> -> memref<32x128xf32, #tpu.memory_space<vmem>>
      %dma_wait3A_3098 = arith.constant 0 : i32
      %dma_wait3A_3099 = arith.constant 0 : i32
      %dma_wait3A_3100 = tpu.memref_slice %arg4[%dma_wait3A_3098, %dma_wait3A_3099] : memref<32x1000000xf32, #tpu.memory_space<hbm>> -> memref<32x128xf32, #tpu.memory_space<hbm>>
      %dma_wait3A_3101 = arith.constant 0 : i32
      %dma_wait3A_3102 = arith.constant 0 : i32
      %dma_wait3A_3103 = tpu.memref_slice %arg9[%dma_wait3A_3093, %dma_wait3A_3101, %dma_wait3A_3102] : memref<8x32x128xf32, #tpu.memory_space<vmem>> -> memref<1x32x128xf32, #tpu.memory_space<vmem>>
      %dma_wait3A_3104 = tpu.memref_squeeze %dma_wait3A_3103 : memref<1x32x128xf32, #tpu.memory_space<vmem>> -> memref<32x128xf32, #tpu.memory_space<vmem>>
      %dma_wait3A_3105 = arith.constant 0 : i32
      %dma_wait3A_3106 = arith.constant 0 : i32
      %dma_wait3A_3107 = tpu.memref_slice %arg4[%dma_wait3A_3105, %dma_wait3A_3106] : memref<32x1000000xf32, #tpu.memory_space<hbm>> -> memref<32x128xf32, #tpu.memory_space<hbm>>
      tpu.wait_dma2 semaphore(%arg16 : memref<!tpu.dma_semaphore, #tpu.memory_space<semaphore_mem>>) src(%dma_wait3A_3107 : memref<32x128xf32, #tpu.memory_space<hbm>>) dst(%dma_wait3A_3104 : memref<32x128xf32, #tpu.memory_space<vmem>>)
      %dma_wait3A_3108 = arith.constant 4 : i32
      %dma_wait3A_3109 = arith.constant 0 : i32
      %dma_wait3A_3110 = arith.constant 0 : i32
      %dma_wait3A_3111 = tpu.memref_slice %arg10[%dma_wait3A_3108, %dma_wait3A_3109, %dma_wait3A_3110] : memref<8x32x128xf32, #tpu.memory_space<vmem>> -> memref<1x32x128xf32, #tpu.memory_space<vmem>>
      %dma_wait3A_3112 = tpu.memref_squeeze %dma_wait3A_3111 : memref<1x32x128xf32, #tpu.memory_space<vmem>> -> memref<32x128xf32, #tpu.memory_space<vmem>>
      %dma_wait3A_3113 = arith.constant 0 : i32
      %dma_wait3A_3114 = arith.constant 0 : i32
      %dma_wait3A_3115 = tpu.memref_slice %arg5[%dma_wait3A_3113, %dma_wait3A_3114] : memref<32x1000000xf32, #tpu.memory_space<hbm>> -> memref<32x128xf32, #tpu.memory_space<hbm>>
      %dma_wait3A_3116 = arith.constant 0 : i32
      %dma_wait3A_3117 = arith.constant 0 : i32
      %dma_wait3A_3118 = tpu.memref_slice %arg10[%dma_wait3A_3108, %dma_wait3A_3116, %dma_wait3A_3117] : memref<8x32x128xf32, #tpu.memory_space<vmem>> -> memref<1x32x128xf32, #tpu.memory_space<vmem>>
      %dma_wait3A_3119 = tpu.memref_squeeze %dma_wait3A_3118 : memref<1x32x128xf32, #tpu.memory_space<vmem>> -> memref<32x128xf32, #tpu.memory_space<vmem>>
      %dma_wait3A_3120 = arith.constant 0 : i32
      %dma_wait3A_3121 = arith.constant 0 : i32
      %dma_wait3A_3122 = tpu.memref_slice %arg5[%dma_wait3A_3120, %dma_wait3A_3121] : memref<32x1000000xf32, #tpu.memory_space<hbm>> -> memref<32x128xf32, #tpu.memory_space<hbm>>
      tpu.wait_dma2 semaphore(%arg24 : memref<!tpu.dma_semaphore, #tpu.memory_space<semaphore_mem>>) src(%dma_wait3A_3122 : memref<32x128xf32, #tpu.memory_space<hbm>>) dst(%dma_wait3A_3119 : memref<32x128xf32, #tpu.memory_space<vmem>>)
      %slice3A_3123 = vector.extract_strided_slice %get3A_1740 {offsets = [12], sizes = [1], strides = [1]} : vector<16xi32> to vector<1xi32>
      %squeeze3A_3124 = vector.extract %slice3A_3123[0] : i32 from vector<1xi32>
      %and3A_3125 = arith.constant 127 : i32
      %and3A_3126 = arith.andi %squeeze3A_3124, %and3A_3125 : i32
      %broadcast_in_dim3A_3127 = vector.broadcast %and3A_3126 : i32 to vector<16xi32>
      %slice3A_3128 = vector.extract_strided_slice %get3A_1744 {offsets = [12], sizes = [1], strides = [1]} : vector<16xi32> to vector<1xi32>
      %squeeze3A_3129 = vector.extract %slice3A_3128[0] : i32 from vector<1xi32>
      %and3A_3130 = arith.constant 127 : i32
      %and3A_3131 = arith.andi %squeeze3A_3129, %and3A_3130 : i32
      %broadcast_in_dim3A_3132 = vector.broadcast %and3A_3131 : i32 to vector<16xi32>
      %broadcast_in_dim3A_3133 = vector.broadcast %add3A_3092 : i32 to vector<16xi32>
      %gather3A_3134 = arith.constant 4 : i32
      %gather3A_3135 = arith.constant 0 : i32
      %gather3A_3136 = arith.constant 0 : i32
      %gather3A_3137 = tpu.memref_slice %arg9[%gather3A_3134, %gather3A_3135, %gather3A_3136] : memref<8x32x128xf32, #tpu.memory_space<vmem>> -> memref<1x32x128xf32, #tpu.memory_space<vmem>>
      %gather3A_3138 = tpu.memref_squeeze %gather3A_3137 : memref<1x32x128xf32, #tpu.memory_space<vmem>> -> memref<32x128xf32, #tpu.memory_space<vmem>>
      %gather3A_3139 = tpu.vector_load_idx %gather3A_3138[%iota3A, %broadcast_in_dim3A_3127] : memref<32x128xf32, #tpu.memory_space<vmem>>[vector<16xi32>, vector<16xi32>], vector<16xf32>,
      %gather3A_3140 = arith.constant 4 : i32
      %gather3A_3141 = arith.constant 0 : i32
      %gather3A_3142 = arith.constant 0 : i32
      %gather3A_3143 = tpu.memref_slice %arg10[%gather3A_3140, %gather3A_3141, %gather3A_3142] : memref<8x32x128xf32, #tpu.memory_space<vmem>> -> memref<1x32x128xf32, #tpu.memory_space<vmem>>
      %gather3A_3144 = tpu.memref_squeeze %gather3A_3143 : memref<1x32x128xf32, #tpu.memory_space<vmem>> -> memref<32x128xf32, #tpu.memory_space<vmem>>
      %gather3A_3145 = tpu.vector_load_idx %gather3A_3144[%iota3A, %broadcast_in_dim3A_3132] : memref<32x128xf32, #tpu.memory_space<vmem>>[vector<16xi32>, vector<16xi32>], vector<16xf32>,
      %mul3A_3146 = arith.mulf %gather3A_3139, %gather3A_3145 : vector<16xf32>
      tpu.vector_store_idx %arg11[%iota3A, %broadcast_in_dim3A_3133], %mul3A_3146 : memref<32x512xf32, #tpu.memory_space<vmem>>[vector<16xi32>, vector<16xi32>], vector<16xf32>,
      %gather3A_3147 = arith.constant 4 : i32
      %gather3A_3148 = arith.constant 0 : i32
      %gather3A_3149 = arith.constant 0 : i32
      %gather3A_3150 = tpu.memref_slice %arg9[%gather3A_3147, %gather3A_3148, %gather3A_3149] : memref<8x32x128xf32, #tpu.memory_space<vmem>> -> memref<1x32x128xf32, #tpu.memory_space<vmem>>
      %gather3A_3151 = tpu.memref_squeeze %gather3A_3150 : memref<1x32x128xf32, #tpu.memory_space<vmem>> -> memref<32x128xf32, #tpu.memory_space<vmem>>
      %gather3A_3152 = tpu.vector_load_idx %gather3A_3151[%add3A_5, %broadcast_in_dim3A_3127] : memref<32x128xf32, #tpu.memory_space<vmem>>[vector<16xi32>, vector<16xi32>], vector<16xf32>,
      %gather3A_3153 = arith.constant 4 : i32
      %gather3A_3154 = arith.constant 0 : i32
      %gather3A_3155 = arith.constant 0 : i32
      %gather3A_3156 = tpu.memref_slice %arg10[%gather3A_3153, %gather3A_3154, %gather3A_3155] : memref<8x32x128xf32, #tpu.memory_space<vmem>> -> memref<1x32x128xf32, #tpu.memory_space<vmem>>
      %gather3A_3157 = tpu.memref_squeeze %gather3A_3156 : memref<1x32x128xf32, #tpu.memory_space<vmem>> -> memref<32x128xf32, #tpu.memory_space<vmem>>
      %gather3A_3158 = tpu.vector_load_idx %gather3A_3157[%add3A_5, %broadcast_in_dim3A_3132] : memref<32x128xf32, #tpu.memory_space<vmem>>[vector<16xi32>, vector<16xi32>], vector<16xf32>,
      %mul3A_3159 = arith.mulf %gather3A_3152, %gather3A_3158 : vector<16xf32>
      tpu.vector_store_idx %arg11[%add3A_5, %broadcast_in_dim3A_3133], %mul3A_3159 : memref<32x512xf32, #tpu.memory_space<vmem>>[vector<16xi32>, vector<16xi32>], vector<16xf32>,
      %slice3A_3160 = vector.extract_strided_slice %get3A_1750 {offsets = [4], sizes = [1], strides = [1]} : vector<16xi32> to vector<1xi32>
      %squeeze3A_3161 = vector.extract %slice3A_3160[0] : i32 from vector<1xi32>
      %shift_right_arithmetic3A_3162 = arith.constant 7 : i32
      %shift_right_arithmetic3A_3163 = arith.shrsi %squeeze3A_3161, %shift_right_arithmetic3A_3162 : i32
      %shift_left3A_3164 = arith.constant 7 : i32
      %shift_left3A_3165 = arith.shli %shift_right_arithmetic3A_3163, %shift_left3A_3164 : i32
      %multiple_of3A_3166 = tpu.assume_multiple %shift_left3A_3165, 128 : i32
      %slice3A_3167 = vector.extract_strided_slice %get3A_1756 {offsets = [4], sizes = [1], strides = [1]} : vector<16xi32> to vector<1xi32>
      %squeeze3A_3168 = vector.extract %slice3A_3167[0] : i32 from vector<1xi32>
      %shift_right_arithmetic3A_3169 = arith.constant 7 : i32
      %shift_right_arithmetic3A_3170 = arith.shrsi %squeeze3A_3168, %shift_right_arithmetic3A_3169 : i32
      %shift_left3A_3171 = arith.constant 7 : i32
      %shift_left3A_3172 = arith.shli %shift_right_arithmetic3A_3170, %shift_left3A_3171 : i32
      %multiple_of3A_3173 = tpu.assume_multiple %shift_left3A_3172, 128 : i32
      %dma_start3A_3174 = arith.constant 4 : i32
      %dma_start3A_3175 = arith.constant 0 : i32
      %dma_start3A_3176 = arith.constant 0 : i32
      %dma_start3A_3177 = tpu.memref_slice %arg9[%dma_start3A_3174, %dma_start3A_3175, %dma_start3A_3176] : memref<8x32x128xf32, #tpu.memory_space<vmem>> -> memref<1x32x128xf32, #tpu.memory_space<vmem>>
      %dma_start3A_3178 = tpu.memref_squeeze %dma_start3A_3177 : memref<1x32x128xf32, #tpu.memory_space<vmem>> -> memref<32x128xf32, #tpu.memory_space<vmem>>
      %dma_start3A_3179 = arith.constant 0 : i32
      %dma_start3A_3180 = tpu.memref_slice %arg4[%dma_start3A_3179, %multiple_of3A_3166] : memref<32x1000000xf32, #tpu.memory_space<hbm>> -> memref<32x128xf32, #tpu.memory_space<hbm>>
      %dma_start3A_3181 = arith.constant 0 : i32
      %dma_start3A_3182 = arith.constant 0 : i32
      %dma_start3A_3183 = tpu.memref_slice %arg9[%dma_start3A_3174, %dma_start3A_3181, %dma_start3A_3182] : memref<8x32x128xf32, #tpu.memory_space<vmem>> -> memref<1x32x128xf32, #tpu.memory_space<vmem>>
      %dma_start3A_3184 = tpu.memref_squeeze %dma_start3A_3183 : memref<1x32x128xf32, #tpu.memory_space<vmem>> -> memref<32x128xf32, #tpu.memory_space<vmem>>
      %dma_start3A_3185 = arith.constant 0 : i32
      %dma_start3A_3186 = tpu.memref_slice %arg4[%dma_start3A_3185, %multiple_of3A_3166] : memref<32x1000000xf32, #tpu.memory_space<hbm>> -> memref<32x128xf32, #tpu.memory_space<hbm>>
      tpu.enqueue_dma source(%dma_start3A_3186 : memref<32x128xf32, #tpu.memory_space<hbm>>) target(%dma_start3A_3184 : memref<32x128xf32, #tpu.memory_space<vmem>>) target_semaphore(%arg16 : memref<!tpu.dma_semaphore, #tpu.memory_space<semaphore_mem>>)
      %dma_start3A_3187 = arith.constant 4 : i32
      %dma_start3A_3188 = arith.constant 0 : i32
      %dma_start3A_3189 = arith.constant 0 : i32
      %dma_start3A_3190 = tpu.memref_slice %arg10[%dma_start3A_3187, %dma_start3A_3188, %dma_start3A_3189] : memref<8x32x128xf32, #tpu.memory_space<vmem>> -> memref<1x32x128xf32, #tpu.memory_space<vmem>>
      %dma_start3A_3191 = tpu.memref_squeeze %dma_start3A_3190 : memref<1x32x128xf32, #tpu.memory_space<vmem>> -> memref<32x128xf32, #tpu.memory_space<vmem>>
      %dma_start3A_3192 = arith.constant 0 : i32
      %dma_start3A_3193 = tpu.memref_slice %arg5[%dma_start3A_3192, %multiple_of3A_3173] : memref<32x1000000xf32, #tpu.memory_space<hbm>> -> memref<32x128xf32, #tpu.memory_space<hbm>>
      %dma_start3A_3194 = arith.constant 0 : i32
      %dma_start3A_3195 = arith.constant 0 : i32
      %dma_start3A_3196 = tpu.memref_slice %arg10[%dma_start3A_3187, %dma_start3A_3194, %dma_start3A_3195] : memref<8x32x128xf32, #tpu.memory_space<vmem>> -> memref<1x32x128xf32, #tpu.memory_space<vmem>>
      %dma_start3A_3197 = tpu.memref_squeeze %dma_start3A_3196 : memref<1x32x128xf32, #tpu.memory_space<vmem>> -> memref<32x128xf32, #tpu.memory_space<vmem>>
      %dma_start3A_3198 = arith.constant 0 : i32
      %dma_start3A_3199 = tpu.memref_slice %arg5[%dma_start3A_3198, %multiple_of3A_3173] : memref<32x1000000xf32, #tpu.memory_space<hbm>> -> memref<32x128xf32, #tpu.memory_space<hbm>>
      tpu.enqueue_dma source(%dma_start3A_3199 : memref<32x128xf32, #tpu.memory_space<hbm>>) target(%dma_start3A_3197 : memref<32x128xf32, #tpu.memory_space<vmem>>) target_semaphore(%arg24 : memref<!tpu.dma_semaphore, #tpu.memory_space<semaphore_mem>>)
      %mul3A_3200 = arith.constant 16 : i32
      %mul3A_3201 = arith.muli %scan3A_1736, %mul3A_3200 : i32
      %add3A_3202 = arith.constant 13 : i32
      %add3A_3203 = arith.addi %mul3A_3201, %add3A_3202 : i32
      %dma_wait3A_3204 = arith.constant 5 : i32
      %dma_wait3A_3205 = arith.constant 0 : i32
      %dma_wait3A_3206 = arith.constant 0 : i32
      %dma_wait3A_3207 = tpu.memref_slice %arg9[%dma_wait3A_3204, %dma_wait3A_3205, %dma_wait3A_3206] : memref<8x32x128xf32, #tpu.memory_space<vmem>> -> memref<1x32x128xf32, #tpu.memory_space<vmem>>
      %dma_wait3A_3208 = tpu.memref_squeeze %dma_wait3A_3207 : memref<1x32x128xf32, #tpu.memory_space<vmem>> -> memref<32x128xf32, #tpu.memory_space<vmem>>
      %dma_wait3A_3209 = arith.constant 0 : i32
      %dma_wait3A_3210 = arith.constant 0 : i32
      %dma_wait3A_3211 = tpu.memref_slice %arg4[%dma_wait3A_3209, %dma_wait3A_3210] : memref<32x1000000xf32, #tpu.memory_space<hbm>> -> memref<32x128xf32, #tpu.memory_space<hbm>>
      %dma_wait3A_3212 = arith.constant 0 : i32
      %dma_wait3A_3213 = arith.constant 0 : i32
      %dma_wait3A_3214 = tpu.memref_slice %arg9[%dma_wait3A_3204, %dma_wait3A_3212, %dma_wait3A_3213] : memref<8x32x128xf32, #tpu.memory_space<vmem>> -> memref<1x32x128xf32, #tpu.memory_space<vmem>>
      %dma_wait3A_3215 = tpu.memref_squeeze %dma_wait3A_3214 : memref<1x32x128xf32, #tpu.memory_space<vmem>> -> memref<32x128xf32, #tpu.memory_space<vmem>>
      %dma_wait3A_3216 = arith.constant 0 : i32
      %dma_wait3A_3217 = arith.constant 0 : i32
      %dma_wait3A_3218 = tpu.memref_slice %arg4[%dma_wait3A_3216, %dma_wait3A_3217] : memref<32x1000000xf32, #tpu.memory_space<hbm>> -> memref<32x128xf32, #tpu.memory_space<hbm>>
      tpu.wait_dma2 semaphore(%arg17 : memref<!tpu.dma_semaphore, #tpu.memory_space<semaphore_mem>>) src(%dma_wait3A_3218 : memref<32x128xf32, #tpu.memory_space<hbm>>) dst(%dma_wait3A_3215 : memref<32x128xf32, #tpu.memory_space<vmem>>)
      %dma_wait3A_3219 = arith.constant 5 : i32
      %dma_wait3A_3220 = arith.constant 0 : i32
      %dma_wait3A_3221 = arith.constant 0 : i32
      %dma_wait3A_3222 = tpu.memref_slice %arg10[%dma_wait3A_3219, %dma_wait3A_3220, %dma_wait3A_3221] : memref<8x32x128xf32, #tpu.memory_space<vmem>> -> memref<1x32x128xf32, #tpu.memory_space<vmem>>
      %dma_wait3A_3223 = tpu.memref_squeeze %dma_wait3A_3222 : memref<1x32x128xf32, #tpu.memory_space<vmem>> -> memref<32x128xf32, #tpu.memory_space<vmem>>
      %dma_wait3A_3224 = arith.constant 0 : i32
      %dma_wait3A_3225 = arith.constant 0 : i32
      %dma_wait3A_3226 = tpu.memref_slice %arg5[%dma_wait3A_3224, %dma_wait3A_3225] : memref<32x1000000xf32, #tpu.memory_space<hbm>> -> memref<32x128xf32, #tpu.memory_space<hbm>>
      %dma_wait3A_3227 = arith.constant 0 : i32
      %dma_wait3A_3228 = arith.constant 0 : i32
      %dma_wait3A_3229 = tpu.memref_slice %arg10[%dma_wait3A_3219, %dma_wait3A_3227, %dma_wait3A_3228] : memref<8x32x128xf32, #tpu.memory_space<vmem>> -> memref<1x32x128xf32, #tpu.memory_space<vmem>>
      %dma_wait3A_3230 = tpu.memref_squeeze %dma_wait3A_3229 : memref<1x32x128xf32, #tpu.memory_space<vmem>> -> memref<32x128xf32, #tpu.memory_space<vmem>>
      %dma_wait3A_3231 = arith.constant 0 : i32
      %dma_wait3A_3232 = arith.constant 0 : i32
      %dma_wait3A_3233 = tpu.memref_slice %arg5[%dma_wait3A_3231, %dma_wait3A_3232] : memref<32x1000000xf32, #tpu.memory_space<hbm>> -> memref<32x128xf32, #tpu.memory_space<hbm>>
      tpu.wait_dma2 semaphore(%arg25 : memref<!tpu.dma_semaphore, #tpu.memory_space<semaphore_mem>>) src(%dma_wait3A_3233 : memref<32x128xf32, #tpu.memory_space<hbm>>) dst(%dma_wait3A_3230 : memref<32x128xf32, #tpu.memory_space<vmem>>)
      %slice3A_3234 = vector.extract_strided_slice %get3A_1740 {offsets = [13], sizes = [1], strides = [1]} : vector<16xi32> to vector<1xi32>
      %squeeze3A_3235 = vector.extract %slice3A_3234[0] : i32 from vector<1xi32>
      %and3A_3236 = arith.constant 127 : i32
      %and3A_3237 = arith.andi %squeeze3A_3235, %and3A_3236 : i32
      %broadcast_in_dim3A_3238 = vector.broadcast %and3A_3237 : i32 to vector<16xi32>
      %slice3A_3239 = vector.extract_strided_slice %get3A_1744 {offsets = [13], sizes = [1], strides = [1]} : vector<16xi32> to vector<1xi32>
      %squeeze3A_3240 = vector.extract %slice3A_3239[0] : i32 from vector<1xi32>
      %and3A_3241 = arith.constant 127 : i32
      %and3A_3242 = arith.andi %squeeze3A_3240, %and3A_3241 : i32
      %broadcast_in_dim3A_3243 = vector.broadcast %and3A_3242 : i32 to vector<16xi32>
      %broadcast_in_dim3A_3244 = vector.broadcast %add3A_3203 : i32 to vector<16xi32>
      %gather3A_3245 = arith.constant 5 : i32
      %gather3A_3246 = arith.constant 0 : i32
      %gather3A_3247 = arith.constant 0 : i32
      %gather3A_3248 = tpu.memref_slice %arg9[%gather3A_3245, %gather3A_3246, %gather3A_3247] : memref<8x32x128xf32, #tpu.memory_space<vmem>> -> memref<1x32x128xf32, #tpu.memory_space<vmem>>
      %gather3A_3249 = tpu.memref_squeeze %gather3A_3248 : memref<1x32x128xf32, #tpu.memory_space<vmem>> -> memref<32x128xf32, #tpu.memory_space<vmem>>
      %gather3A_3250 = tpu.vector_load_idx %gather3A_3249[%iota3A, %broadcast_in_dim3A_3238] : memref<32x128xf32, #tpu.memory_space<vmem>>[vector<16xi32>, vector<16xi32>], vector<16xf32>,
      %gather3A_3251 = arith.constant 5 : i32
      %gather3A_3252 = arith.constant 0 : i32
      %gather3A_3253 = arith.constant 0 : i32
      %gather3A_3254 = tpu.memref_slice %arg10[%gather3A_3251, %gather3A_3252, %gather3A_3253] : memref<8x32x128xf32, #tpu.memory_space<vmem>> -> memref<1x32x128xf32, #tpu.memory_space<vmem>>
      %gather3A_3255 = tpu.memref_squeeze %gather3A_3254 : memref<1x32x128xf32, #tpu.memory_space<vmem>> -> memref<32x128xf32, #tpu.memory_space<vmem>>
      %gather3A_3256 = tpu.vector_load_idx %gather3A_3255[%iota3A, %broadcast_in_dim3A_3243] : memref<32x128xf32, #tpu.memory_space<vmem>>[vector<16xi32>, vector<16xi32>], vector<16xf32>,
      %mul3A_3257 = arith.mulf %gather3A_3250, %gather3A_3256 : vector<16xf32>
      tpu.vector_store_idx %arg11[%iota3A, %broadcast_in_dim3A_3244], %mul3A_3257 : memref<32x512xf32, #tpu.memory_space<vmem>>[vector<16xi32>, vector<16xi32>], vector<16xf32>,
      %gather3A_3258 = arith.constant 5 : i32
      %gather3A_3259 = arith.constant 0 : i32
      %gather3A_3260 = arith.constant 0 : i32
      %gather3A_3261 = tpu.memref_slice %arg9[%gather3A_3258, %gather3A_3259, %gather3A_3260] : memref<8x32x128xf32, #tpu.memory_space<vmem>> -> memref<1x32x128xf32, #tpu.memory_space<vmem>>
      %gather3A_3262 = tpu.memref_squeeze %gather3A_3261 : memref<1x32x128xf32, #tpu.memory_space<vmem>> -> memref<32x128xf32, #tpu.memory_space<vmem>>
      %gather3A_3263 = tpu.vector_load_idx %gather3A_3262[%add3A_5, %broadcast_in_dim3A_3238] : memref<32x128xf32, #tpu.memory_space<vmem>>[vector<16xi32>, vector<16xi32>], vector<16xf32>,
      %gather3A_3264 = arith.constant 5 : i32
      %gather3A_3265 = arith.constant 0 : i32
      %gather3A_3266 = arith.constant 0 : i32
      %gather3A_3267 = tpu.memref_slice %arg10[%gather3A_3264, %gather3A_3265, %gather3A_3266] : memref<8x32x128xf32, #tpu.memory_space<vmem>> -> memref<1x32x128xf32, #tpu.memory_space<vmem>>
      %gather3A_3268 = tpu.memref_squeeze %gather3A_3267 : memref<1x32x128xf32, #tpu.memory_space<vmem>> -> memref<32x128xf32, #tpu.memory_space<vmem>>
      %gather3A_3269 = tpu.vector_load_idx %gather3A_3268[%add3A_5, %broadcast_in_dim3A_3243] : memref<32x128xf32, #tpu.memory_space<vmem>>[vector<16xi32>, vector<16xi32>], vector<16xf32>,
      %mul3A_3270 = arith.mulf %gather3A_3263, %gather3A_3269 : vector<16xf32>
      tpu.vector_store_idx %arg11[%add3A_5, %broadcast_in_dim3A_3244], %mul3A_3270 : memref<32x512xf32, #tpu.memory_space<vmem>>[vector<16xi32>, vector<16xi32>], vector<16xf32>,
      %slice3A_3271 = vector.extract_strided_slice %get3A_1750 {offsets = [5], sizes = [1], strides = [1]} : vector<16xi32> to vector<1xi32>
      %squeeze3A_3272 = vector.extract %slice3A_3271[0] : i32 from vector<1xi32>
      %shift_right_arithmetic3A_3273 = arith.constant 7 : i32
      %shift_right_arithmetic3A_3274 = arith.shrsi %squeeze3A_3272, %shift_right_arithmetic3A_3273 : i32
      %shift_left3A_3275 = arith.constant 7 : i32
      %shift_left3A_3276 = arith.shli %shift_right_arithmetic3A_3274, %shift_left3A_3275 : i32
      %multiple_of3A_3277 = tpu.assume_multiple %shift_left3A_3276, 128 : i32
      %slice3A_3278 = vector.extract_strided_slice %get3A_1756 {offsets = [5], sizes = [1], strides = [1]} : vector<16xi32> to vector<1xi32>
      %squeeze3A_3279 = vector.extract %slice3A_3278[0] : i32 from vector<1xi32>
      %shift_right_arithmetic3A_3280 = arith.constant 7 : i32
      %shift_right_arithmetic3A_3281 = arith.shrsi %squeeze3A_3279, %shift_right_arithmetic3A_3280 : i32
      %shift_left3A_3282 = arith.constant 7 : i32
      %shift_left3A_3283 = arith.shli %shift_right_arithmetic3A_3281, %shift_left3A_3282 : i32
      %multiple_of3A_3284 = tpu.assume_multiple %shift_left3A_3283, 128 : i32
      %dma_start3A_3285 = arith.constant 5 : i32
      %dma_start3A_3286 = arith.constant 0 : i32
      %dma_start3A_3287 = arith.constant 0 : i32
      %dma_start3A_3288 = tpu.memref_slice %arg9[%dma_start3A_3285, %dma_start3A_3286, %dma_start3A_3287] : memref<8x32x128xf32, #tpu.memory_space<vmem>> -> memref<1x32x128xf32, #tpu.memory_space<vmem>>
      %dma_start3A_3289 = tpu.memref_squeeze %dma_start3A_3288 : memref<1x32x128xf32, #tpu.memory_space<vmem>> -> memref<32x128xf32, #tpu.memory_space<vmem>>
      %dma_start3A_3290 = arith.constant 0 : i32
      %dma_start3A_3291 = tpu.memref_slice %arg4[%dma_start3A_3290, %multiple_of3A_3277] : memref<32x1000000xf32, #tpu.memory_space<hbm>> -> memref<32x128xf32, #tpu.memory_space<hbm>>
      %dma_start3A_3292 = arith.constant 0 : i32
      %dma_start3A_3293 = arith.constant 0 : i32
      %dma_start3A_3294 = tpu.memref_slice %arg9[%dma_start3A_3285, %dma_start3A_3292, %dma_start3A_3293] : memref<8x32x128xf32, #tpu.memory_space<vmem>> -> memref<1x32x128xf32, #tpu.memory_space<vmem>>
      %dma_start3A_3295 = tpu.memref_squeeze %dma_start3A_3294 : memref<1x32x128xf32, #tpu.memory_space<vmem>> -> memref<32x128xf32, #tpu.memory_space<vmem>>
      %dma_start3A_3296 = arith.constant 0 : i32
      %dma_start3A_3297 = tpu.memref_slice %arg4[%dma_start3A_3296, %multiple_of3A_3277] : memref<32x1000000xf32, #tpu.memory_space<hbm>> -> memref<32x128xf32, #tpu.memory_space<hbm>>
      tpu.enqueue_dma source(%dma_start3A_3297 : memref<32x128xf32, #tpu.memory_space<hbm>>) target(%dma_start3A_3295 : memref<32x128xf32, #tpu.memory_space<vmem>>) target_semaphore(%arg17 : memref<!tpu.dma_semaphore, #tpu.memory_space<semaphore_mem>>)
      %dma_start3A_3298 = arith.constant 5 : i32
      %dma_start3A_3299 = arith.constant 0 : i32
      %dma_start3A_3300 = arith.constant 0 : i32
      %dma_start3A_3301 = tpu.memref_slice %arg10[%dma_start3A_3298, %dma_start3A_3299, %dma_start3A_3300] : memref<8x32x128xf32, #tpu.memory_space<vmem>> -> memref<1x32x128xf32, #tpu.memory_space<vmem>>
      %dma_start3A_3302 = tpu.memref_squeeze %dma_start3A_3301 : memref<1x32x128xf32, #tpu.memory_space<vmem>> -> memref<32x128xf32, #tpu.memory_space<vmem>>
      %dma_start3A_3303 = arith.constant 0 : i32
      %dma_start3A_3304 = tpu.memref_slice %arg5[%dma_start3A_3303, %multiple_of3A_3284] : memref<32x1000000xf32, #tpu.memory_space<hbm>> -> memref<32x128xf32, #tpu.memory_space<hbm>>
      %dma_start3A_3305 = arith.constant 0 : i32
      %dma_start3A_3306 = arith.constant 0 : i32
      %dma_start3A_3307 = tpu.memref_slice %arg10[%dma_start3A_3298, %dma_start3A_3305, %dma_start3A_3306] : memref<8x32x128xf32, #tpu.memory_space<vmem>> -> memref<1x32x128xf32, #tpu.memory_space<vmem>>
      %dma_start3A_3308 = tpu.memref_squeeze %dma_start3A_3307 : memref<1x32x128xf32, #tpu.memory_space<vmem>> -> memref<32x128xf32, #tpu.memory_space<vmem>>
      %dma_start3A_3309 = arith.constant 0 : i32
      %dma_start3A_3310 = tpu.memref_slice %arg5[%dma_start3A_3309, %multiple_of3A_3284] : memref<32x1000000xf32, #tpu.memory_space<hbm>> -> memref<32x128xf32, #tpu.memory_space<hbm>>
      tpu.enqueue_dma source(%dma_start3A_3310 : memref<32x128xf32, #tpu.memory_space<hbm>>) target(%dma_start3A_3308 : memref<32x128xf32, #tpu.memory_space<vmem>>) target_semaphore(%arg25 : memref<!tpu.dma_semaphore, #tpu.memory_space<semaphore_mem>>)
      %mul3A_3311 = arith.constant 16 : i32
      %mul3A_3312 = arith.muli %scan3A_1736, %mul3A_3311 : i32
      %add3A_3313 = arith.constant 14 : i32
      %add3A_3314 = arith.addi %mul3A_3312, %add3A_3313 : i32
      %dma_wait3A_3315 = arith.constant 6 : i32
      %dma_wait3A_3316 = arith.constant 0 : i32
      %dma_wait3A_3317 = arith.constant 0 : i32
      %dma_wait3A_3318 = tpu.memref_slice %arg9[%dma_wait3A_3315, %dma_wait3A_3316, %dma_wait3A_3317] : memref<8x32x128xf32, #tpu.memory_space<vmem>> -> memref<1x32x128xf32, #tpu.memory_space<vmem>>
      %dma_wait3A_3319 = tpu.memref_squeeze %dma_wait3A_3318 : memref<1x32x128xf32, #tpu.memory_space<vmem>> -> memref<32x128xf32, #tpu.memory_space<vmem>>
      %dma_wait3A_3320 = arith.constant 0 : i32
      %dma_wait3A_3321 = arith.constant 0 : i32
      %dma_wait3A_3322 = tpu.memref_slice %arg4[%dma_wait3A_3320, %dma_wait3A_3321] : memref<32x1000000xf32, #tpu.memory_space<hbm>> -> memref<32x128xf32, #tpu.memory_space<hbm>>
      %dma_wait3A_3323 = arith.constant 0 : i32
      %dma_wait3A_3324 = arith.constant 0 : i32
      %dma_wait3A_3325 = tpu.memref_slice %arg9[%dma_wait3A_3315, %dma_wait3A_3323, %dma_wait3A_3324] : memref<8x32x128xf32, #tpu.memory_space<vmem>> -> memref<1x32x128xf32, #tpu.memory_space<vmem>>
      %dma_wait3A_3326 = tpu.memref_squeeze %dma_wait3A_3325 : memref<1x32x128xf32, #tpu.memory_space<vmem>> -> memref<32x128xf32, #tpu.memory_space<vmem>>
      %dma_wait3A_3327 = arith.constant 0 : i32
      %dma_wait3A_3328 = arith.constant 0 : i32
      %dma_wait3A_3329 = tpu.memref_slice %arg4[%dma_wait3A_3327, %dma_wait3A_3328] : memref<32x1000000xf32, #tpu.memory_space<hbm>> -> memref<32x128xf32, #tpu.memory_space<hbm>>
      tpu.wait_dma2 semaphore(%arg18 : memref<!tpu.dma_semaphore, #tpu.memory_space<semaphore_mem>>) src(%dma_wait3A_3329 : memref<32x128xf32, #tpu.memory_space<hbm>>) dst(%dma_wait3A_3326 : memref<32x128xf32, #tpu.memory_space<vmem>>)
      %dma_wait3A_3330 = arith.constant 6 : i32
      %dma_wait3A_3331 = arith.constant 0 : i32
      %dma_wait3A_3332 = arith.constant 0 : i32
      %dma_wait3A_3333 = tpu.memref_slice %arg10[%dma_wait3A_3330, %dma_wait3A_3331, %dma_wait3A_3332] : memref<8x32x128xf32, #tpu.memory_space<vmem>> -> memref<1x32x128xf32, #tpu.memory_space<vmem>>
      %dma_wait3A_3334 = tpu.memref_squeeze %dma_wait3A_3333 : memref<1x32x128xf32, #tpu.memory_space<vmem>> -> memref<32x128xf32, #tpu.memory_space<vmem>>
      %dma_wait3A_3335 = arith.constant 0 : i32
      %dma_wait3A_3336 = arith.constant 0 : i32
      %dma_wait3A_3337 = tpu.memref_slice %arg5[%dma_wait3A_3335, %dma_wait3A_3336] : memref<32x1000000xf32, #tpu.memory_space<hbm>> -> memref<32x128xf32, #tpu.memory_space<hbm>>
      %dma_wait3A_3338 = arith.constant 0 : i32
      %dma_wait3A_3339 = arith.constant 0 : i32
      %dma_wait3A_3340 = tpu.memref_slice %arg10[%dma_wait3A_3330, %dma_wait3A_3338, %dma_wait3A_3339] : memref<8x32x128xf32, #tpu.memory_space<vmem>> -> memref<1x32x128xf32, #tpu.memory_space<vmem>>
      %dma_wait3A_3341 = tpu.memref_squeeze %dma_wait3A_3340 : memref<1x32x128xf32, #tpu.memory_space<vmem>> -> memref<32x128xf32, #tpu.memory_space<vmem>>
      %dma_wait3A_3342 = arith.constant 0 : i32
      %dma_wait3A_3343 = arith.constant 0 : i32
      %dma_wait3A_3344 = tpu.memref_slice %arg5[%dma_wait3A_3342, %dma_wait3A_3343] : memref<32x1000000xf32, #tpu.memory_space<hbm>> -> memref<32x128xf32, #tpu.memory_space<hbm>>
      tpu.wait_dma2 semaphore(%arg26 : memref<!tpu.dma_semaphore, #tpu.memory_space<semaphore_mem>>) src(%dma_wait3A_3344 : memref<32x128xf32, #tpu.memory_space<hbm>>) dst(%dma_wait3A_3341 : memref<32x128xf32, #tpu.memory_space<vmem>>)
      %slice3A_3345 = vector.extract_strided_slice %get3A_1740 {offsets = [14], sizes = [1], strides = [1]} : vector<16xi32> to vector<1xi32>
      %squeeze3A_3346 = vector.extract %slice3A_3345[0] : i32 from vector<1xi32>
      %and3A_3347 = arith.constant 127 : i32
      %and3A_3348 = arith.andi %squeeze3A_3346, %and3A_3347 : i32
      %broadcast_in_dim3A_3349 = vector.broadcast %and3A_3348 : i32 to vector<16xi32>
      %slice3A_3350 = vector.extract_strided_slice %get3A_1744 {offsets = [14], sizes = [1], strides = [1]} : vector<16xi32> to vector<1xi32>
      %squeeze3A_3351 = vector.extract %slice3A_3350[0] : i32 from vector<1xi32>
      %and3A_3352 = arith.constant 127 : i32
      %and3A_3353 = arith.andi %squeeze3A_3351, %and3A_3352 : i32
      %broadcast_in_dim3A_3354 = vector.broadcast %and3A_3353 : i32 to vector<16xi32>
      %broadcast_in_dim3A_3355 = vector.broadcast %add3A_3314 : i32 to vector<16xi32>
      %gather3A_3356 = arith.constant 6 : i32
      %gather3A_3357 = arith.constant 0 : i32
      %gather3A_3358 = arith.constant 0 : i32
      %gather3A_3359 = tpu.memref_slice %arg9[%gather3A_3356, %gather3A_3357, %gather3A_3358] : memref<8x32x128xf32, #tpu.memory_space<vmem>> -> memref<1x32x128xf32, #tpu.memory_space<vmem>>
      %gather3A_3360 = tpu.memref_squeeze %gather3A_3359 : memref<1x32x128xf32, #tpu.memory_space<vmem>> -> memref<32x128xf32, #tpu.memory_space<vmem>>
      %gather3A_3361 = tpu.vector_load_idx %gather3A_3360[%iota3A, %broadcast_in_dim3A_3349] : memref<32x128xf32, #tpu.memory_space<vmem>>[vector<16xi32>, vector<16xi32>], vector<16xf32>,
      %gather3A_3362 = arith.constant 6 : i32
      %gather3A_3363 = arith.constant 0 : i32
      %gather3A_3364 = arith.constant 0 : i32
      %gather3A_3365 = tpu.memref_slice %arg10[%gather3A_3362, %gather3A_3363, %gather3A_3364] : memref<8x32x128xf32, #tpu.memory_space<vmem>> -> memref<1x32x128xf32, #tpu.memory_space<vmem>>
      %gather3A_3366 = tpu.memref_squeeze %gather3A_3365 : memref<1x32x128xf32, #tpu.memory_space<vmem>> -> memref<32x128xf32, #tpu.memory_space<vmem>>
      %gather3A_3367 = tpu.vector_load_idx %gather3A_3366[%iota3A, %broadcast_in_dim3A_3354] : memref<32x128xf32, #tpu.memory_space<vmem>>[vector<16xi32>, vector<16xi32>], vector<16xf32>,
      %mul3A_3368 = arith.mulf %gather3A_3361, %gather3A_3367 : vector<16xf32>
      tpu.vector_store_idx %arg11[%iota3A, %broadcast_in_dim3A_3355], %mul3A_3368 : memref<32x512xf32, #tpu.memory_space<vmem>>[vector<16xi32>, vector<16xi32>], vector<16xf32>,
      %gather3A_3369 = arith.constant 6 : i32
      %gather3A_3370 = arith.constant 0 : i32
      %gather3A_3371 = arith.constant 0 : i32
      %gather3A_3372 = tpu.memref_slice %arg9[%gather3A_3369, %gather3A_3370, %gather3A_3371] : memref<8x32x128xf32, #tpu.memory_space<vmem>> -> memref<1x32x128xf32, #tpu.memory_space<vmem>>
      %gather3A_3373 = tpu.memref_squeeze %gather3A_3372 : memref<1x32x128xf32, #tpu.memory_space<vmem>> -> memref<32x128xf32, #tpu.memory_space<vmem>>
      %gather3A_3374 = tpu.vector_load_idx %gather3A_3373[%add3A_5, %broadcast_in_dim3A_3349] : memref<32x128xf32, #tpu.memory_space<vmem>>[vector<16xi32>, vector<16xi32>], vector<16xf32>,
      %gather3A_3375 = arith.constant 6 : i32
      %gather3A_3376 = arith.constant 0 : i32
      %gather3A_3377 = arith.constant 0 : i32
      %gather3A_3378 = tpu.memref_slice %arg10[%gather3A_3375, %gather3A_3376, %gather3A_3377] : memref<8x32x128xf32, #tpu.memory_space<vmem>> -> memref<1x32x128xf32, #tpu.memory_space<vmem>>
      %gather3A_3379 = tpu.memref_squeeze %gather3A_3378 : memref<1x32x128xf32, #tpu.memory_space<vmem>> -> memref<32x128xf32, #tpu.memory_space<vmem>>
      %gather3A_3380 = tpu.vector_load_idx %gather3A_3379[%add3A_5, %broadcast_in_dim3A_3354] : memref<32x128xf32, #tpu.memory_space<vmem>>[vector<16xi32>, vector<16xi32>], vector<16xf32>,
      %mul3A_3381 = arith.mulf %gather3A_3374, %gather3A_3380 : vector<16xf32>
      tpu.vector_store_idx %arg11[%add3A_5, %broadcast_in_dim3A_3355], %mul3A_3381 : memref<32x512xf32, #tpu.memory_space<vmem>>[vector<16xi32>, vector<16xi32>], vector<16xf32>,
      %slice3A_3382 = vector.extract_strided_slice %get3A_1750 {offsets = [6], sizes = [1], strides = [1]} : vector<16xi32> to vector<1xi32>
      %squeeze3A_3383 = vector.extract %slice3A_3382[0] : i32 from vector<1xi32>
      %shift_right_arithmetic3A_3384 = arith.constant 7 : i32
      %shift_right_arithmetic3A_3385 = arith.shrsi %squeeze3A_3383, %shift_right_arithmetic3A_3384 : i32
      %shift_left3A_3386 = arith.constant 7 : i32
      %shift_left3A_3387 = arith.shli %shift_right_arithmetic3A_3385, %shift_left3A_3386 : i32
      %multiple_of3A_3388 = tpu.assume_multiple %shift_left3A_3387, 128 : i32
      %slice3A_3389 = vector.extract_strided_slice %get3A_1756 {offsets = [6], sizes = [1], strides = [1]} : vector<16xi32> to vector<1xi32>
      %squeeze3A_3390 = vector.extract %slice3A_3389[0] : i32 from vector<1xi32>
      %shift_right_arithmetic3A_3391 = arith.constant 7 : i32
      %shift_right_arithmetic3A_3392 = arith.shrsi %squeeze3A_3390, %shift_right_arithmetic3A_3391 : i32
      %shift_left3A_3393 = arith.constant 7 : i32
      %shift_left3A_3394 = arith.shli %shift_right_arithmetic3A_3392, %shift_left3A_3393 : i32
      %multiple_of3A_3395 = tpu.assume_multiple %shift_left3A_3394, 128 : i32
      %dma_start3A_3396 = arith.constant 6 : i32
      %dma_start3A_3397 = arith.constant 0 : i32
      %dma_start3A_3398 = arith.constant 0 : i32
      %dma_start3A_3399 = tpu.memref_slice %arg9[%dma_start3A_3396, %dma_start3A_3397, %dma_start3A_3398] : memref<8x32x128xf32, #tpu.memory_space<vmem>> -> memref<1x32x128xf32, #tpu.memory_space<vmem>>
      %dma_start3A_3400 = tpu.memref_squeeze %dma_start3A_3399 : memref<1x32x128xf32, #tpu.memory_space<vmem>> -> memref<32x128xf32, #tpu.memory_space<vmem>>
      %dma_start3A_3401 = arith.constant 0 : i32
      %dma_start3A_3402 = tpu.memref_slice %arg4[%dma_start3A_3401, %multiple_of3A_3388] : memref<32x1000000xf32, #tpu.memory_space<hbm>> -> memref<32x128xf32, #tpu.memory_space<hbm>>
      %dma_start3A_3403 = arith.constant 0 : i32
      %dma_start3A_3404 = arith.constant 0 : i32
      %dma_start3A_3405 = tpu.memref_slice %arg9[%dma_start3A_3396, %dma_start3A_3403, %dma_start3A_3404] : memref<8x32x128xf32, #tpu.memory_space<vmem>> -> memref<1x32x128xf32, #tpu.memory_space<vmem>>
      %dma_start3A_3406 = tpu.memref_squeeze %dma_start3A_3405 : memref<1x32x128xf32, #tpu.memory_space<vmem>> -> memref<32x128xf32, #tpu.memory_space<vmem>>
      %dma_start3A_3407 = arith.constant 0 : i32
      %dma_start3A_3408 = tpu.memref_slice %arg4[%dma_start3A_3407, %multiple_of3A_3388] : memref<32x1000000xf32, #tpu.memory_space<hbm>> -> memref<32x128xf32, #tpu.memory_space<hbm>>
      tpu.enqueue_dma source(%dma_start3A_3408 : memref<32x128xf32, #tpu.memory_space<hbm>>) target(%dma_start3A_3406 : memref<32x128xf32, #tpu.memory_space<vmem>>) target_semaphore(%arg18 : memref<!tpu.dma_semaphore, #tpu.memory_space<semaphore_mem>>)
      %dma_start3A_3409 = arith.constant 6 : i32
      %dma_start3A_3410 = arith.constant 0 : i32
      %dma_start3A_3411 = arith.constant 0 : i32
      %dma_start3A_3412 = tpu.memref_slice %arg10[%dma_start3A_3409, %dma_start3A_3410, %dma_start3A_3411] : memref<8x32x128xf32, #tpu.memory_space<vmem>> -> memref<1x32x128xf32, #tpu.memory_space<vmem>>
      %dma_start3A_3413 = tpu.memref_squeeze %dma_start3A_3412 : memref<1x32x128xf32, #tpu.memory_space<vmem>> -> memref<32x128xf32, #tpu.memory_space<vmem>>
      %dma_start3A_3414 = arith.constant 0 : i32
      %dma_start3A_3415 = tpu.memref_slice %arg5[%dma_start3A_3414, %multiple_of3A_3395] : memref<32x1000000xf32, #tpu.memory_space<hbm>> -> memref<32x128xf32, #tpu.memory_space<hbm>>
      %dma_start3A_3416 = arith.constant 0 : i32
      %dma_start3A_3417 = arith.constant 0 : i32
      %dma_start3A_3418 = tpu.memref_slice %arg10[%dma_start3A_3409, %dma_start3A_3416, %dma_start3A_3417] : memref<8x32x128xf32, #tpu.memory_space<vmem>> -> memref<1x32x128xf32, #tpu.memory_space<vmem>>
      %dma_start3A_3419 = tpu.memref_squeeze %dma_start3A_3418 : memref<1x32x128xf32, #tpu.memory_space<vmem>> -> memref<32x128xf32, #tpu.memory_space<vmem>>
      %dma_start3A_3420 = arith.constant 0 : i32
      %dma_start3A_3421 = tpu.memref_slice %arg5[%dma_start3A_3420, %multiple_of3A_3395] : memref<32x1000000xf32, #tpu.memory_space<hbm>> -> memref<32x128xf32, #tpu.memory_space<hbm>>
      tpu.enqueue_dma source(%dma_start3A_3421 : memref<32x128xf32, #tpu.memory_space<hbm>>) target(%dma_start3A_3419 : memref<32x128xf32, #tpu.memory_space<vmem>>) target_semaphore(%arg26 : memref<!tpu.dma_semaphore, #tpu.memory_space<semaphore_mem>>)
      %mul3A_3422 = arith.constant 16 : i32
      %mul3A_3423 = arith.muli %scan3A_1736, %mul3A_3422 : i32
      %add3A_3424 = arith.constant 15 : i32
      %add3A_3425 = arith.addi %mul3A_3423, %add3A_3424 : i32
      %dma_wait3A_3426 = arith.constant 7 : i32
      %dma_wait3A_3427 = arith.constant 0 : i32
      %dma_wait3A_3428 = arith.constant 0 : i32
      %dma_wait3A_3429 = tpu.memref_slice %arg9[%dma_wait3A_3426, %dma_wait3A_3427, %dma_wait3A_3428] : memref<8x32x128xf32, #tpu.memory_space<vmem>> -> memref<1x32x128xf32, #tpu.memory_space<vmem>>
      %dma_wait3A_3430 = tpu.memref_squeeze %dma_wait3A_3429 : memref<1x32x128xf32, #tpu.memory_space<vmem>> -> memref<32x128xf32, #tpu.memory_space<vmem>>
      %dma_wait3A_3431 = arith.constant 0 : i32
      %dma_wait3A_3432 = arith.constant 0 : i32
      %dma_wait3A_3433 = tpu.memref_slice %arg4[%dma_wait3A_3431, %dma_wait3A_3432] : memref<32x1000000xf32, #tpu.memory_space<hbm>> -> memref<32x128xf32, #tpu.memory_space<hbm>>
      %dma_wait3A_3434 = arith.constant 0 : i32
      %dma_wait3A_3435 = arith.constant 0 : i32
      %dma_wait3A_3436 = tpu.memref_slice %arg9[%dma_wait3A_3426, %dma_wait3A_3434, %dma_wait3A_3435] : memref<8x32x128xf32, #tpu.memory_space<vmem>> -> memref<1x32x128xf32, #tpu.memory_space<vmem>>
      %dma_wait3A_3437 = tpu.memref_squeeze %dma_wait3A_3436 : memref<1x32x128xf32, #tpu.memory_space<vmem>> -> memref<32x128xf32, #tpu.memory_space<vmem>>
      %dma_wait3A_3438 = arith.constant 0 : i32
      %dma_wait3A_3439 = arith.constant 0 : i32
      %dma_wait3A_3440 = tpu.memref_slice %arg4[%dma_wait3A_3438, %dma_wait3A_3439] : memref<32x1000000xf32, #tpu.memory_space<hbm>> -> memref<32x128xf32, #tpu.memory_space<hbm>>
      tpu.wait_dma2 semaphore(%arg19 : memref<!tpu.dma_semaphore, #tpu.memory_space<semaphore_mem>>) src(%dma_wait3A_3440 : memref<32x128xf32, #tpu.memory_space<hbm>>) dst(%dma_wait3A_3437 : memref<32x128xf32, #tpu.memory_space<vmem>>)
      %dma_wait3A_3441 = arith.constant 7 : i32
      %dma_wait3A_3442 = arith.constant 0 : i32
      %dma_wait3A_3443 = arith.constant 0 : i32
      %dma_wait3A_3444 = tpu.memref_slice %arg10[%dma_wait3A_3441, %dma_wait3A_3442, %dma_wait3A_3443] : memref<8x32x128xf32, #tpu.memory_space<vmem>> -> memref<1x32x128xf32, #tpu.memory_space<vmem>>
      %dma_wait3A_3445 = tpu.memref_squeeze %dma_wait3A_3444 : memref<1x32x128xf32, #tpu.memory_space<vmem>> -> memref<32x128xf32, #tpu.memory_space<vmem>>
      %dma_wait3A_3446 = arith.constant 0 : i32
      %dma_wait3A_3447 = arith.constant 0 : i32
      %dma_wait3A_3448 = tpu.memref_slice %arg5[%dma_wait3A_3446, %dma_wait3A_3447] : memref<32x1000000xf32, #tpu.memory_space<hbm>> -> memref<32x128xf32, #tpu.memory_space<hbm>>
      %dma_wait3A_3449 = arith.constant 0 : i32
      %dma_wait3A_3450 = arith.constant 0 : i32
      %dma_wait3A_3451 = tpu.memref_slice %arg10[%dma_wait3A_3441, %dma_wait3A_3449, %dma_wait3A_3450] : memref<8x32x128xf32, #tpu.memory_space<vmem>> -> memref<1x32x128xf32, #tpu.memory_space<vmem>>
      %dma_wait3A_3452 = tpu.memref_squeeze %dma_wait3A_3451 : memref<1x32x128xf32, #tpu.memory_space<vmem>> -> memref<32x128xf32, #tpu.memory_space<vmem>>
      %dma_wait3A_3453 = arith.constant 0 : i32
      %dma_wait3A_3454 = arith.constant 0 : i32
      %dma_wait3A_3455 = tpu.memref_slice %arg5[%dma_wait3A_3453, %dma_wait3A_3454] : memref<32x1000000xf32, #tpu.memory_space<hbm>> -> memref<32x128xf32, #tpu.memory_space<hbm>>
      tpu.wait_dma2 semaphore(%arg27 : memref<!tpu.dma_semaphore, #tpu.memory_space<semaphore_mem>>) src(%dma_wait3A_3455 : memref<32x128xf32, #tpu.memory_space<hbm>>) dst(%dma_wait3A_3452 : memref<32x128xf32, #tpu.memory_space<vmem>>)
      %slice3A_3456 = vector.extract_strided_slice %get3A_1740 {offsets = [15], sizes = [1], strides = [1]} : vector<16xi32> to vector<1xi32>
      %squeeze3A_3457 = vector.extract %slice3A_3456[0] : i32 from vector<1xi32>
      %and3A_3458 = arith.constant 127 : i32
      %and3A_3459 = arith.andi %squeeze3A_3457, %and3A_3458 : i32
      %broadcast_in_dim3A_3460 = vector.broadcast %and3A_3459 : i32 to vector<16xi32>
      %slice3A_3461 = vector.extract_strided_slice %get3A_1744 {offsets = [15], sizes = [1], strides = [1]} : vector<16xi32> to vector<1xi32>
      %squeeze3A_3462 = vector.extract %slice3A_3461[0] : i32 from vector<1xi32>
      %and3A_3463 = arith.constant 127 : i32
      %and3A_3464 = arith.andi %squeeze3A_3462, %and3A_3463 : i32
      %broadcast_in_dim3A_3465 = vector.broadcast %and3A_3464 : i32 to vector<16xi32>
      %broadcast_in_dim3A_3466 = vector.broadcast %add3A_3425 : i32 to vector<16xi32>
      %gather3A_3467 = arith.constant 7 : i32
      %gather3A_3468 = arith.constant 0 : i32
      %gather3A_3469 = arith.constant 0 : i32
      %gather3A_3470 = tpu.memref_slice %arg9[%gather3A_3467, %gather3A_3468, %gather3A_3469] : memref<8x32x128xf32, #tpu.memory_space<vmem>> -> memref<1x32x128xf32, #tpu.memory_space<vmem>>
      %gather3A_3471 = tpu.memref_squeeze %gather3A_3470 : memref<1x32x128xf32, #tpu.memory_space<vmem>> -> memref<32x128xf32, #tpu.memory_space<vmem>>
      %gather3A_3472 = tpu.vector_load_idx %gather3A_3471[%iota3A, %broadcast_in_dim3A_3460] : memref<32x128xf32, #tpu.memory_space<vmem>>[vector<16xi32>, vector<16xi32>], vector<16xf32>,
      %gather3A_3473 = arith.constant 7 : i32
      %gather3A_3474 = arith.constant 0 : i32
      %gather3A_3475 = arith.constant 0 : i32
      %gather3A_3476 = tpu.memref_slice %arg10[%gather3A_3473, %gather3A_3474, %gather3A_3475] : memref<8x32x128xf32, #tpu.memory_space<vmem>> -> memref<1x32x128xf32, #tpu.memory_space<vmem>>
      %gather3A_3477 = tpu.memref_squeeze %gather3A_3476 : memref<1x32x128xf32, #tpu.memory_space<vmem>> -> memref<32x128xf32, #tpu.memory_space<vmem>>
      %gather3A_3478 = tpu.vector_load_idx %gather3A_3477[%iota3A, %broadcast_in_dim3A_3465] : memref<32x128xf32, #tpu.memory_space<vmem>>[vector<16xi32>, vector<16xi32>], vector<16xf32>,
      %mul3A_3479 = arith.mulf %gather3A_3472, %gather3A_3478 : vector<16xf32>
      tpu.vector_store_idx %arg11[%iota3A, %broadcast_in_dim3A_3466], %mul3A_3479 : memref<32x512xf32, #tpu.memory_space<vmem>>[vector<16xi32>, vector<16xi32>], vector<16xf32>,
      %gather3A_3480 = arith.constant 7 : i32
      %gather3A_3481 = arith.constant 0 : i32
      %gather3A_3482 = arith.constant 0 : i32
      %gather3A_3483 = tpu.memref_slice %arg9[%gather3A_3480, %gather3A_3481, %gather3A_3482] : memref<8x32x128xf32, #tpu.memory_space<vmem>> -> memref<1x32x128xf32, #tpu.memory_space<vmem>>
      %gather3A_3484 = tpu.memref_squeeze %gather3A_3483 : memref<1x32x128xf32, #tpu.memory_space<vmem>> -> memref<32x128xf32, #tpu.memory_space<vmem>>
      %gather3A_3485 = tpu.vector_load_idx %gather3A_3484[%add3A_5, %broadcast_in_dim3A_3460] : memref<32x128xf32, #tpu.memory_space<vmem>>[vector<16xi32>, vector<16xi32>], vector<16xf32>,
      %gather3A_3486 = arith.constant 7 : i32
      %gather3A_3487 = arith.constant 0 : i32
      %gather3A_3488 = arith.constant 0 : i32
      %gather3A_3489 = tpu.memref_slice %arg10[%gather3A_3486, %gather3A_3487, %gather3A_3488] : memref<8x32x128xf32, #tpu.memory_space<vmem>> -> memref<1x32x128xf32, #tpu.memory_space<vmem>>
      %gather3A_3490 = tpu.memref_squeeze %gather3A_3489 : memref<1x32x128xf32, #tpu.memory_space<vmem>> -> memref<32x128xf32, #tpu.memory_space<vmem>>
      %gather3A_3491 = tpu.vector_load_idx %gather3A_3490[%add3A_5, %broadcast_in_dim3A_3465] : memref<32x128xf32, #tpu.memory_space<vmem>>[vector<16xi32>, vector<16xi32>], vector<16xf32>,
      %mul3A_3492 = arith.mulf %gather3A_3485, %gather3A_3491 : vector<16xf32>
      tpu.vector_store_idx %arg11[%add3A_5, %broadcast_in_dim3A_3466], %mul3A_3492 : memref<32x512xf32, #tpu.memory_space<vmem>>[vector<16xi32>, vector<16xi32>], vector<16xf32>,
      %slice3A_3493 = vector.extract_strided_slice %get3A_1750 {offsets = [7], sizes = [1], strides = [1]} : vector<16xi32> to vector<1xi32>
      %squeeze3A_3494 = vector.extract %slice3A_3493[0] : i32 from vector<1xi32>
      %shift_right_arithmetic3A_3495 = arith.constant 7 : i32
      %shift_right_arithmetic3A_3496 = arith.shrsi %squeeze3A_3494, %shift_right_arithmetic3A_3495 : i32
      %shift_left3A_3497 = arith.constant 7 : i32
      %shift_left3A_3498 = arith.shli %shift_right_arithmetic3A_3496, %shift_left3A_3497 : i32
      %multiple_of3A_3499 = tpu.assume_multiple %shift_left3A_3498, 128 : i32
      %slice3A_3500 = vector.extract_strided_slice %get3A_1756 {offsets = [7], sizes = [1], strides = [1]} : vector<16xi32> to vector<1xi32>
      %squeeze3A_3501 = vector.extract %slice3A_3500[0] : i32 from vector<1xi32>
      %shift_right_arithmetic3A_3502 = arith.constant 7 : i32
      %shift_right_arithmetic3A_3503 = arith.shrsi %squeeze3A_3501, %shift_right_arithmetic3A_3502 : i32
      %shift_left3A_3504 = arith.constant 7 : i32
      %shift_left3A_3505 = arith.shli %shift_right_arithmetic3A_3503, %shift_left3A_3504 : i32
      %multiple_of3A_3506 = tpu.assume_multiple %shift_left3A_3505, 128 : i32
      %dma_start3A_3507 = arith.constant 7 : i32
      %dma_start3A_3508 = arith.constant 0 : i32
      %dma_start3A_3509 = arith.constant 0 : i32
      %dma_start3A_3510 = tpu.memref_slice %arg9[%dma_start3A_3507, %dma_start3A_3508, %dma_start3A_3509] : memref<8x32x128xf32, #tpu.memory_space<vmem>> -> memref<1x32x128xf32, #tpu.memory_space<vmem>>
      %dma_start3A_3511 = tpu.memref_squeeze %dma_start3A_3510 : memref<1x32x128xf32, #tpu.memory_space<vmem>> -> memref<32x128xf32, #tpu.memory_space<vmem>>
      %dma_start3A_3512 = arith.constant 0 : i32
      %dma_start3A_3513 = tpu.memref_slice %arg4[%dma_start3A_3512, %multiple_of3A_3499] : memref<32x1000000xf32, #tpu.memory_space<hbm>> -> memref<32x128xf32, #tpu.memory_space<hbm>>
      %dma_start3A_3514 = arith.constant 0 : i32
      %dma_start3A_3515 = arith.constant 0 : i32
      %dma_start3A_3516 = tpu.memref_slice %arg9[%dma_start3A_3507, %dma_start3A_3514, %dma_start3A_3515] : memref<8x32x128xf32, #tpu.memory_space<vmem>> -> memref<1x32x128xf32, #tpu.memory_space<vmem>>
      %dma_start3A_3517 = tpu.memref_squeeze %dma_start3A_3516 : memref<1x32x128xf32, #tpu.memory_space<vmem>> -> memref<32x128xf32, #tpu.memory_space<vmem>>
      %dma_start3A_3518 = arith.constant 0 : i32
      %dma_start3A_3519 = tpu.memref_slice %arg4[%dma_start3A_3518, %multiple_of3A_3499] : memref<32x1000000xf32, #tpu.memory_space<hbm>> -> memref<32x128xf32, #tpu.memory_space<hbm>>
      tpu.enqueue_dma source(%dma_start3A_3519 : memref<32x128xf32, #tpu.memory_space<hbm>>) target(%dma_start3A_3517 : memref<32x128xf32, #tpu.memory_space<vmem>>) target_semaphore(%arg19 : memref<!tpu.dma_semaphore, #tpu.memory_space<semaphore_mem>>)
      %dma_start3A_3520 = arith.constant 7 : i32
      %dma_start3A_3521 = arith.constant 0 : i32
      %dma_start3A_3522 = arith.constant 0 : i32
      %dma_start3A_3523 = tpu.memref_slice %arg10[%dma_start3A_3520, %dma_start3A_3521, %dma_start3A_3522] : memref<8x32x128xf32, #tpu.memory_space<vmem>> -> memref<1x32x128xf32, #tpu.memory_space<vmem>>
      %dma_start3A_3524 = tpu.memref_squeeze %dma_start3A_3523 : memref<1x32x128xf32, #tpu.memory_space<vmem>> -> memref<32x128xf32, #tpu.memory_space<vmem>>
      %dma_start3A_3525 = arith.constant 0 : i32
      %dma_start3A_3526 = tpu.memref_slice %arg5[%dma_start3A_3525, %multiple_of3A_3506] : memref<32x1000000xf32, #tpu.memory_space<hbm>> -> memref<32x128xf32, #tpu.memory_space<hbm>>
      %dma_start3A_3527 = arith.constant 0 : i32
      %dma_start3A_3528 = arith.constant 0 : i32
      %dma_start3A_3529 = tpu.memref_slice %arg10[%dma_start3A_3520, %dma_start3A_3527, %dma_start3A_3528] : memref<8x32x128xf32, #tpu.memory_space<vmem>> -> memref<1x32x128xf32, #tpu.memory_space<vmem>>
      %dma_start3A_3530 = tpu.memref_squeeze %dma_start3A_3529 : memref<1x32x128xf32, #tpu.memory_space<vmem>> -> memref<32x128xf32, #tpu.memory_space<vmem>>
      %dma_start3A_3531 = arith.constant 0 : i32
      %dma_start3A_3532 = tpu.memref_slice %arg5[%dma_start3A_3531, %multiple_of3A_3506] : memref<32x1000000xf32, #tpu.memory_space<hbm>> -> memref<32x128xf32, #tpu.memory_space<hbm>>
      tpu.enqueue_dma source(%dma_start3A_3532 : memref<32x128xf32, #tpu.memory_space<hbm>>) target(%dma_start3A_3530 : memref<32x128xf32, #tpu.memory_space<vmem>>) target_semaphore(%arg27 : memref<!tpu.dma_semaphore, #tpu.memory_space<semaphore_mem>>)
    }
    %scan3A_327 = arith.constant 31 : i32
    %get3A_328 = arith.constant 496 : index
    %get3A_329 = tpu.vector_load %arg7[%get3A_328] {strides = array<i32>} : memref<512xi32, #tpu.memory_space<vmem>>, vector<16xi32>,
    %get3A_330 = arith.constant 496 : index
    %get3A_331 = tpu.vector_load %arg8[%get3A_330] {strides = array<i32>} : memref<512xi32, #tpu.memory_space<vmem>>, vector<16xi32>,
    %dma_wait3A = arith.constant 0 : i32
    %dma_wait3A_332 = arith.constant 0 : i32
    %dma_wait3A_333 = arith.constant 0 : i32
    %dma_wait3A_334 = tpu.memref_slice %arg9[%dma_wait3A, %dma_wait3A_332, %dma_wait3A_333] : memref<8x32x128xf32, #tpu.memory_space<vmem>> -> memref<1x32x128xf32, #tpu.memory_space<vmem>>
    %dma_wait3A_335 = tpu.memref_squeeze %dma_wait3A_334 : memref<1x32x128xf32, #tpu.memory_space<vmem>> -> memref<32x128xf32, #tpu.memory_space<vmem>>
    %dma_wait3A_336 = arith.constant 0 : i32
    %dma_wait3A_337 = arith.constant 0 : i32
    %dma_wait3A_338 = tpu.memref_slice %arg4[%dma_wait3A_336, %dma_wait3A_337] : memref<32x1000000xf32, #tpu.memory_space<hbm>> -> memref<32x128xf32, #tpu.memory_space<hbm>>
    %dma_wait3A_339 = arith.constant 0 : i32
    %dma_wait3A_340 = arith.constant 0 : i32
    %dma_wait3A_341 = tpu.memref_slice %arg9[%dma_wait3A, %dma_wait3A_339, %dma_wait3A_340] : memref<8x32x128xf32, #tpu.memory_space<vmem>> -> memref<1x32x128xf32, #tpu.memory_space<vmem>>
    %dma_wait3A_342 = tpu.memref_squeeze %dma_wait3A_341 : memref<1x32x128xf32, #tpu.memory_space<vmem>> -> memref<32x128xf32, #tpu.memory_space<vmem>>
    %dma_wait3A_343 = arith.constant 0 : i32
    %dma_wait3A_344 = arith.constant 0 : i32
    %dma_wait3A_345 = tpu.memref_slice %arg4[%dma_wait3A_343, %dma_wait3A_344] : memref<32x1000000xf32, #tpu.memory_space<hbm>> -> memref<32x128xf32, #tpu.memory_space<hbm>>
    tpu.wait_dma2 semaphore(%arg12 : memref<!tpu.dma_semaphore, #tpu.memory_space<semaphore_mem>>) src(%dma_wait3A_345 : memref<32x128xf32, #tpu.memory_space<hbm>>) dst(%dma_wait3A_342 : memref<32x128xf32, #tpu.memory_space<vmem>>)
    %dma_wait3A_346 = arith.constant 0 : i32
    %dma_wait3A_347 = arith.constant 0 : i32
    %dma_wait3A_348 = arith.constant 0 : i32
    %dma_wait3A_349 = tpu.memref_slice %arg10[%dma_wait3A_346, %dma_wait3A_347, %dma_wait3A_348] : memref<8x32x128xf32, #tpu.memory_space<vmem>> -> memref<1x32x128xf32, #tpu.memory_space<vmem>>
    %dma_wait3A_350 = tpu.memref_squeeze %dma_wait3A_349 : memref<1x32x128xf32, #tpu.memory_space<vmem>> -> memref<32x128xf32, #tpu.memory_space<vmem>>
    %dma_wait3A_351 = arith.constant 0 : i32
    %dma_wait3A_352 = arith.constant 0 : i32
    %dma_wait3A_353 = tpu.memref_slice %arg5[%dma_wait3A_351, %dma_wait3A_352] : memref<32x1000000xf32, #tpu.memory_space<hbm>> -> memref<32x128xf32, #tpu.memory_space<hbm>>
    %dma_wait3A_354 = arith.constant 0 : i32
    %dma_wait3A_355 = arith.constant 0 : i32
    %dma_wait3A_356 = tpu.memref_slice %arg10[%dma_wait3A_346, %dma_wait3A_354, %dma_wait3A_355] : memref<8x32x128xf32, #tpu.memory_space<vmem>> -> memref<1x32x128xf32, #tpu.memory_space<vmem>>
    %dma_wait3A_357 = tpu.memref_squeeze %dma_wait3A_356 : memref<1x32x128xf32, #tpu.memory_space<vmem>> -> memref<32x128xf32, #tpu.memory_space<vmem>>
    %dma_wait3A_358 = arith.constant 0 : i32
    %dma_wait3A_359 = arith.constant 0 : i32
    %dma_wait3A_360 = tpu.memref_slice %arg5[%dma_wait3A_358, %dma_wait3A_359] : memref<32x1000000xf32, #tpu.memory_space<hbm>> -> memref<32x128xf32, #tpu.memory_space<hbm>>
    tpu.wait_dma2 semaphore(%arg20 : memref<!tpu.dma_semaphore, #tpu.memory_space<semaphore_mem>>) src(%dma_wait3A_360 : memref<32x128xf32, #tpu.memory_space<hbm>>) dst(%dma_wait3A_357 : memref<32x128xf32, #tpu.memory_space<vmem>>)
    %slice3A_361 = vector.extract_strided_slice %get3A_329 {offsets = [0], sizes = [1], strides = [1]} : vector<16xi32> to vector<1xi32>
    %squeeze3A_362 = vector.extract %slice3A_361[0] : i32 from vector<1xi32>
    %and3A = arith.constant 127 : i32
    %and3A_363 = arith.andi %squeeze3A_362, %and3A : i32
    %broadcast_in_dim3A = vector.broadcast %and3A_363 : i32 to vector<16xi32>
    %slice3A_364 = vector.extract_strided_slice %get3A_331 {offsets = [0], sizes = [1], strides = [1]} : vector<16xi32> to vector<1xi32>
    %squeeze3A_365 = vector.extract %slice3A_364[0] : i32 from vector<1xi32>
    %and3A_366 = arith.constant 127 : i32
    %and3A_367 = arith.andi %squeeze3A_365, %and3A_366 : i32
    %broadcast_in_dim3A_368 = vector.broadcast %and3A_367 : i32 to vector<16xi32>
    %broadcast_in_dim3A_369 = arith.constant 496 : i32
    %broadcast_in_dim3A_370 = vector.broadcast %broadcast_in_dim3A_369 : i32 to vector<16xi32>
    %gather3A = arith.constant 0 : i32
    %gather3A_371 = arith.constant 0 : i32
    %gather3A_372 = arith.constant 0 : i32
    %gather3A_373 = tpu.memref_slice %arg9[%gather3A, %gather3A_371, %gather3A_372] : memref<8x32x128xf32, #tpu.memory_space<vmem>> -> memref<1x32x128xf32, #tpu.memory_space<vmem>>
    %gather3A_374 = tpu.memref_squeeze %gather3A_373 : memref<1x32x128xf32, #tpu.memory_space<vmem>> -> memref<32x128xf32, #tpu.memory_space<vmem>>
    %gather3A_375 = tpu.vector_load_idx %gather3A_374[%iota3A, %broadcast_in_dim3A] : memref<32x128xf32, #tpu.memory_space<vmem>>[vector<16xi32>, vector<16xi32>], vector<16xf32>,
    %gather3A_376 = arith.constant 0 : i32
    %gather3A_377 = arith.constant 0 : i32
    %gather3A_378 = arith.constant 0 : i32
    %gather3A_379 = tpu.memref_slice %arg10[%gather3A_376, %gather3A_377, %gather3A_378] : memref<8x32x128xf32, #tpu.memory_space<vmem>> -> memref<1x32x128xf32, #tpu.memory_space<vmem>>
    %gather3A_380 = tpu.memref_squeeze %gather3A_379 : memref<1x32x128xf32, #tpu.memory_space<vmem>> -> memref<32x128xf32, #tpu.memory_space<vmem>>
    %gather3A_381 = tpu.vector_load_idx %gather3A_380[%iota3A, %broadcast_in_dim3A_368] : memref<32x128xf32, #tpu.memory_space<vmem>>[vector<16xi32>, vector<16xi32>], vector<16xf32>,
    %mul3A_382 = arith.mulf %gather3A_375, %gather3A_381 : vector<16xf32>
    tpu.vector_store_idx %arg11[%iota3A, %broadcast_in_dim3A_370], %mul3A_382 : memref<32x512xf32, #tpu.memory_space<vmem>>[vector<16xi32>, vector<16xi32>], vector<16xf32>,
    %gather3A_383 = arith.constant 0 : i32
    %gather3A_384 = arith.constant 0 : i32
    %gather3A_385 = arith.constant 0 : i32
    %gather3A_386 = tpu.memref_slice %arg9[%gather3A_383, %gather3A_384, %gather3A_385] : memref<8x32x128xf32, #tpu.memory_space<vmem>> -> memref<1x32x128xf32, #tpu.memory_space<vmem>>
    %gather3A_387 = tpu.memref_squeeze %gather3A_386 : memref<1x32x128xf32, #tpu.memory_space<vmem>> -> memref<32x128xf32, #tpu.memory_space<vmem>>
    %gather3A_388 = tpu.vector_load_idx %gather3A_387[%add3A_5, %broadcast_in_dim3A] : memref<32x128xf32, #tpu.memory_space<vmem>>[vector<16xi32>, vector<16xi32>], vector<16xf32>,
    %gather3A_389 = arith.constant 0 : i32
    %gather3A_390 = arith.constant 0 : i32
    %gather3A_391 = arith.constant 0 : i32
    %gather3A_392 = tpu.memref_slice %arg10[%gather3A_389, %gather3A_390, %gather3A_391] : memref<8x32x128xf32, #tpu.memory_space<vmem>> -> memref<1x32x128xf32, #tpu.memory_space<vmem>>
    %gather3A_393 = tpu.memref_squeeze %gather3A_392 : memref<1x32x128xf32, #tpu.memory_space<vmem>> -> memref<32x128xf32, #tpu.memory_space<vmem>>
    %gather3A_394 = tpu.vector_load_idx %gather3A_393[%add3A_5, %broadcast_in_dim3A_368] : memref<32x128xf32, #tpu.memory_space<vmem>>[vector<16xi32>, vector<16xi32>], vector<16xf32>,
    %mul3A_395 = arith.mulf %gather3A_388, %gather3A_394 : vector<16xf32>
    tpu.vector_store_idx %arg11[%add3A_5, %broadcast_in_dim3A_370], %mul3A_395 : memref<32x512xf32, #tpu.memory_space<vmem>>[vector<16xi32>, vector<16xi32>], vector<16xf32>,
    %slice3A_396 = vector.extract_strided_slice %get3A_329 {offsets = [8], sizes = [1], strides = [1]} : vector<16xi32> to vector<1xi32>
    %squeeze3A_397 = vector.extract %slice3A_396[0] : i32 from vector<1xi32>
    %shift_right_arithmetic3A_398 = arith.constant 7 : i32
    %shift_right_arithmetic3A_399 = arith.shrsi %squeeze3A_397, %shift_right_arithmetic3A_398 : i32
    %shift_left3A_400 = arith.constant 7 : i32
    %shift_left3A_401 = arith.shli %shift_right_arithmetic3A_399, %shift_left3A_400 : i32
    %multiple_of3A_402 = tpu.assume_multiple %shift_left3A_401, 128 : i32
    %slice3A_403 = vector.extract_strided_slice %get3A_331 {offsets = [8], sizes = [1], strides = [1]} : vector<16xi32> to vector<1xi32>
    %squeeze3A_404 = vector.extract %slice3A_403[0] : i32 from vector<1xi32>
    %shift_right_arithmetic3A_405 = arith.constant 7 : i32
    %shift_right_arithmetic3A_406 = arith.shrsi %squeeze3A_404, %shift_right_arithmetic3A_405 : i32
    %shift_left3A_407 = arith.constant 7 : i32
    %shift_left3A_408 = arith.shli %shift_right_arithmetic3A_406, %shift_left3A_407 : i32
    %multiple_of3A_409 = tpu.assume_multiple %shift_left3A_408, 128 : i32
    %dma_start3A_410 = arith.constant 0 : i32
    %dma_start3A_411 = arith.constant 0 : i32
    %dma_start3A_412 = arith.constant 0 : i32
    %dma_start3A_413 = tpu.memref_slice %arg9[%dma_start3A_410, %dma_start3A_411, %dma_start3A_412] : memref<8x32x128xf32, #tpu.memory_space<vmem>> -> memref<1x32x128xf32, #tpu.memory_space<vmem>>
    %dma_start3A_414 = tpu.memref_squeeze %dma_start3A_413 : memref<1x32x128xf32, #tpu.memory_space<vmem>> -> memref<32x128xf32, #tpu.memory_space<vmem>>
    %dma_start3A_415 = arith.constant 0 : i32
    %dma_start3A_416 = tpu.memref_slice %arg4[%dma_start3A_415, %multiple_of3A_402] : memref<32x1000000xf32, #tpu.memory_space<hbm>> -> memref<32x128xf32, #tpu.memory_space<hbm>>
    %dma_start3A_417 = arith.constant 0 : i32
    %dma_start3A_418 = arith.constant 0 : i32
    %dma_start3A_419 = tpu.memref_slice %arg9[%dma_start3A_410, %dma_start3A_417, %dma_start3A_418] : memref<8x32x128xf32, #tpu.memory_space<vmem>> -> memref<1x32x128xf32, #tpu.memory_space<vmem>>
    %dma_start3A_420 = tpu.memref_squeeze %dma_start3A_419 : memref<1x32x128xf32, #tpu.memory_space<vmem>> -> memref<32x128xf32, #tpu.memory_space<vmem>>
    %dma_start3A_421 = arith.constant 0 : i32
    %dma_start3A_422 = tpu.memref_slice %arg4[%dma_start3A_421, %multiple_of3A_402] : memref<32x1000000xf32, #tpu.memory_space<hbm>> -> memref<32x128xf32, #tpu.memory_space<hbm>>
    tpu.enqueue_dma source(%dma_start3A_422 : memref<32x128xf32, #tpu.memory_space<hbm>>) target(%dma_start3A_420 : memref<32x128xf32, #tpu.memory_space<vmem>>) target_semaphore(%arg12 : memref<!tpu.dma_semaphore, #tpu.memory_space<semaphore_mem>>)
    %dma_start3A_423 = arith.constant 0 : i32
    %dma_start3A_424 = arith.constant 0 : i32
    %dma_start3A_425 = arith.constant 0 : i32
    %dma_start3A_426 = tpu.memref_slice %arg10[%dma_start3A_423, %dma_start3A_424, %dma_start3A_425] : memref<8x32x128xf32, #tpu.memory_space<vmem>> -> memref<1x32x128xf32, #tpu.memory_space<vmem>>
    %dma_start3A_427 = tpu.memref_squeeze %dma_start3A_426 : memref<1x32x128xf32, #tpu.memory_space<vmem>> -> memref<32x128xf32, #tpu.memory_space<vmem>>
    %dma_start3A_428 = arith.constant 0 : i32
    %dma_start3A_429 = tpu.memref_slice %arg5[%dma_start3A_428, %multiple_of3A_409] : memref<32x1000000xf32, #tpu.memory_space<hbm>> -> memref<32x128xf32, #tpu.memory_space<hbm>>
    %dma_start3A_430 = arith.constant 0 : i32
    %dma_start3A_431 = arith.constant 0 : i32
    %dma_start3A_432 = tpu.memref_slice %arg10[%dma_start3A_423, %dma_start3A_430, %dma_start3A_431] : memref<8x32x128xf32, #tpu.memory_space<vmem>> -> memref<1x32x128xf32, #tpu.memory_space<vmem>>
    %dma_start3A_433 = tpu.memref_squeeze %dma_start3A_432 : memref<1x32x128xf32, #tpu.memory_space<vmem>> -> memref<32x128xf32, #tpu.memory_space<vmem>>
    %dma_start3A_434 = arith.constant 0 : i32
    %dma_start3A_435 = tpu.memref_slice %arg5[%dma_start3A_434, %multiple_of3A_409] : memref<32x1000000xf32, #tpu.memory_space<hbm>> -> memref<32x128xf32, #tpu.memory_space<hbm>>
    tpu.enqueue_dma source(%dma_start3A_435 : memref<32x128xf32, #tpu.memory_space<hbm>>) target(%dma_start3A_433 : memref<32x128xf32, #tpu.memory_space<vmem>>) target_semaphore(%arg20 : memref<!tpu.dma_semaphore, #tpu.memory_space<semaphore_mem>>)
    %dma_wait3A_436 = arith.constant 1 : i32
    %dma_wait3A_437 = arith.constant 0 : i32
    %dma_wait3A_438 = arith.constant 0 : i32
    %dma_wait3A_439 = tpu.memref_slice %arg9[%dma_wait3A_436, %dma_wait3A_437, %dma_wait3A_438] : memref<8x32x128xf32, #tpu.memory_space<vmem>> -> memref<1x32x128xf32, #tpu.memory_space<vmem>>
    %dma_wait3A_440 = tpu.memref_squeeze %dma_wait3A_439 : memref<1x32x128xf32, #tpu.memory_space<vmem>> -> memref<32x128xf32, #tpu.memory_space<vmem>>
    %dma_wait3A_441 = arith.constant 0 : i32
    %dma_wait3A_442 = arith.constant 0 : i32
    %dma_wait3A_443 = tpu.memref_slice %arg4[%dma_wait3A_441, %dma_wait3A_442] : memref<32x1000000xf32, #tpu.memory_space<hbm>> -> memref<32x128xf32, #tpu.memory_space<hbm>>
    %dma_wait3A_444 = arith.constant 0 : i32
    %dma_wait3A_445 = arith.constant 0 : i32
    %dma_wait3A_446 = tpu.memref_slice %arg9[%dma_wait3A_436, %dma_wait3A_444, %dma_wait3A_445] : memref<8x32x128xf32, #tpu.memory_space<vmem>> -> memref<1x32x128xf32, #tpu.memory_space<vmem>>
    %dma_wait3A_447 = tpu.memref_squeeze %dma_wait3A_446 : memref<1x32x128xf32, #tpu.memory_space<vmem>> -> memref<32x128xf32, #tpu.memory_space<vmem>>
    %dma_wait3A_448 = arith.constant 0 : i32
    %dma_wait3A_449 = arith.constant 0 : i32
    %dma_wait3A_450 = tpu.memref_slice %arg4[%dma_wait3A_448, %dma_wait3A_449] : memref<32x1000000xf32, #tpu.memory_space<hbm>> -> memref<32x128xf32, #tpu.memory_space<hbm>>
    tpu.wait_dma2 semaphore(%arg13 : memref<!tpu.dma_semaphore, #tpu.memory_space<semaphore_mem>>) src(%dma_wait3A_450 : memref<32x128xf32, #tpu.memory_space<hbm>>) dst(%dma_wait3A_447 : memref<32x128xf32, #tpu.memory_space<vmem>>)
    %dma_wait3A_451 = arith.constant 1 : i32
    %dma_wait3A_452 = arith.constant 0 : i32
    %dma_wait3A_453 = arith.constant 0 : i32
    %dma_wait3A_454 = tpu.memref_slice %arg10[%dma_wait3A_451, %dma_wait3A_452, %dma_wait3A_453] : memref<8x32x128xf32, #tpu.memory_space<vmem>> -> memref<1x32x128xf32, #tpu.memory_space<vmem>>
    %dma_wait3A_455 = tpu.memref_squeeze %dma_wait3A_454 : memref<1x32x128xf32, #tpu.memory_space<vmem>> -> memref<32x128xf32, #tpu.memory_space<vmem>>
    %dma_wait3A_456 = arith.constant 0 : i32
    %dma_wait3A_457 = arith.constant 0 : i32
    %dma_wait3A_458 = tpu.memref_slice %arg5[%dma_wait3A_456, %dma_wait3A_457] : memref<32x1000000xf32, #tpu.memory_space<hbm>> -> memref<32x128xf32, #tpu.memory_space<hbm>>
    %dma_wait3A_459 = arith.constant 0 : i32
    %dma_wait3A_460 = arith.constant 0 : i32
    %dma_wait3A_461 = tpu.memref_slice %arg10[%dma_wait3A_451, %dma_wait3A_459, %dma_wait3A_460] : memref<8x32x128xf32, #tpu.memory_space<vmem>> -> memref<1x32x128xf32, #tpu.memory_space<vmem>>
    %dma_wait3A_462 = tpu.memref_squeeze %dma_wait3A_461 : memref<1x32x128xf32, #tpu.memory_space<vmem>> -> memref<32x128xf32, #tpu.memory_space<vmem>>
    %dma_wait3A_463 = arith.constant 0 : i32
    %dma_wait3A_464 = arith.constant 0 : i32
    %dma_wait3A_465 = tpu.memref_slice %arg5[%dma_wait3A_463, %dma_wait3A_464] : memref<32x1000000xf32, #tpu.memory_space<hbm>> -> memref<32x128xf32, #tpu.memory_space<hbm>>
    tpu.wait_dma2 semaphore(%arg21 : memref<!tpu.dma_semaphore, #tpu.memory_space<semaphore_mem>>) src(%dma_wait3A_465 : memref<32x128xf32, #tpu.memory_space<hbm>>) dst(%dma_wait3A_462 : memref<32x128xf32, #tpu.memory_space<vmem>>)
    %slice3A_466 = vector.extract_strided_slice %get3A_329 {offsets = [1], sizes = [1], strides = [1]} : vector<16xi32> to vector<1xi32>
    %squeeze3A_467 = vector.extract %slice3A_466[0] : i32 from vector<1xi32>
    %and3A_468 = arith.constant 127 : i32
    %and3A_469 = arith.andi %squeeze3A_467, %and3A_468 : i32
    %broadcast_in_dim3A_470 = vector.broadcast %and3A_469 : i32 to vector<16xi32>
    %slice3A_471 = vector.extract_strided_slice %get3A_331 {offsets = [1], sizes = [1], strides = [1]} : vector<16xi32> to vector<1xi32>
    %squeeze3A_472 = vector.extract %slice3A_471[0] : i32 from vector<1xi32>
    %and3A_473 = arith.constant 127 : i32
    %and3A_474 = arith.andi %squeeze3A_472, %and3A_473 : i32
    %broadcast_in_dim3A_475 = vector.broadcast %and3A_474 : i32 to vector<16xi32>
    %broadcast_in_dim3A_476 = arith.constant 497 : i32
    %broadcast_in_dim3A_477 = vector.broadcast %broadcast_in_dim3A_476 : i32 to vector<16xi32>
    %gather3A_478 = arith.constant 1 : i32
    %gather3A_479 = arith.constant 0 : i32
    %gather3A_480 = arith.constant 0 : i32
    %gather3A_481 = tpu.memref_slice %arg9[%gather3A_478, %gather3A_479, %gather3A_480] : memref<8x32x128xf32, #tpu.memory_space<vmem>> -> memref<1x32x128xf32, #tpu.memory_space<vmem>>
    %gather3A_482 = tpu.memref_squeeze %gather3A_481 : memref<1x32x128xf32, #tpu.memory_space<vmem>> -> memref<32x128xf32, #tpu.memory_space<vmem>>
    %gather3A_483 = tpu.vector_load_idx %gather3A_482[%iota3A, %broadcast_in_dim3A_470] : memref<32x128xf32, #tpu.memory_space<vmem>>[vector<16xi32>, vector<16xi32>], vector<16xf32>,
    %gather3A_484 = arith.constant 1 : i32
    %gather3A_485 = arith.constant 0 : i32
    %gather3A_486 = arith.constant 0 : i32
    %gather3A_487 = tpu.memref_slice %arg10[%gather3A_484, %gather3A_485, %gather3A_486] : memref<8x32x128xf32, #tpu.memory_space<vmem>> -> memref<1x32x128xf32, #tpu.memory_space<vmem>>
    %gather3A_488 = tpu.memref_squeeze %gather3A_487 : memref<1x32x128xf32, #tpu.memory_space<vmem>> -> memref<32x128xf32, #tpu.memory_space<vmem>>
    %gather3A_489 = tpu.vector_load_idx %gather3A_488[%iota3A, %broadcast_in_dim3A_475] : memref<32x128xf32, #tpu.memory_space<vmem>>[vector<16xi32>, vector<16xi32>], vector<16xf32>,
    %mul3A_490 = arith.mulf %gather3A_483, %gather3A_489 : vector<16xf32>
    tpu.vector_store_idx %arg11[%iota3A, %broadcast_in_dim3A_477], %mul3A_490 : memref<32x512xf32, #tpu.memory_space<vmem>>[vector<16xi32>, vector<16xi32>], vector<16xf32>,
    %gather3A_491 = arith.constant 1 : i32
    %gather3A_492 = arith.constant 0 : i32
    %gather3A_493 = arith.constant 0 : i32
    %gather3A_494 = tpu.memref_slice %arg9[%gather3A_491, %gather3A_492, %gather3A_493] : memref<8x32x128xf32, #tpu.memory_space<vmem>> -> memref<1x32x128xf32, #tpu.memory_space<vmem>>
    %gather3A_495 = tpu.memref_squeeze %gather3A_494 : memref<1x32x128xf32, #tpu.memory_space<vmem>> -> memref<32x128xf32, #tpu.memory_space<vmem>>
    %gather3A_496 = tpu.vector_load_idx %gather3A_495[%add3A_5, %broadcast_in_dim3A_470] : memref<32x128xf32, #tpu.memory_space<vmem>>[vector<16xi32>, vector<16xi32>], vector<16xf32>,
    %gather3A_497 = arith.constant 1 : i32
    %gather3A_498 = arith.constant 0 : i32
    %gather3A_499 = arith.constant 0 : i32
    %gather3A_500 = tpu.memref_slice %arg10[%gather3A_497, %gather3A_498, %gather3A_499] : memref<8x32x128xf32, #tpu.memory_space<vmem>> -> memref<1x32x128xf32, #tpu.memory_space<vmem>>
    %gather3A_501 = tpu.memref_squeeze %gather3A_500 : memref<1x32x128xf32, #tpu.memory_space<vmem>> -> memref<32x128xf32, #tpu.memory_space<vmem>>
    %gather3A_502 = tpu.vector_load_idx %gather3A_501[%add3A_5, %broadcast_in_dim3A_475] : memref<32x128xf32, #tpu.memory_space<vmem>>[vector<16xi32>, vector<16xi32>], vector<16xf32>,
    %mul3A_503 = arith.mulf %gather3A_496, %gather3A_502 : vector<16xf32>
    tpu.vector_store_idx %arg11[%add3A_5, %broadcast_in_dim3A_477], %mul3A_503 : memref<32x512xf32, #tpu.memory_space<vmem>>[vector<16xi32>, vector<16xi32>], vector<16xf32>,
    %slice3A_504 = vector.extract_strided_slice %get3A_329 {offsets = [9], sizes = [1], strides = [1]} : vector<16xi32> to vector<1xi32>
    %squeeze3A_505 = vector.extract %slice3A_504[0] : i32 from vector<1xi32>
    %shift_right_arithmetic3A_506 = arith.constant 7 : i32
    %shift_right_arithmetic3A_507 = arith.shrsi %squeeze3A_505, %shift_right_arithmetic3A_506 : i32
    %shift_left3A_508 = arith.constant 7 : i32
    %shift_left3A_509 = arith.shli %shift_right_arithmetic3A_507, %shift_left3A_508 : i32
    %multiple_of3A_510 = tpu.assume_multiple %shift_left3A_509, 128 : i32
    %slice3A_511 = vector.extract_strided_slice %get3A_331 {offsets = [9], sizes = [1], strides = [1]} : vector<16xi32> to vector<1xi32>
    %squeeze3A_512 = vector.extract %slice3A_511[0] : i32 from vector<1xi32>
    %shift_right_arithmetic3A_513 = arith.constant 7 : i32
    %shift_right_arithmetic3A_514 = arith.shrsi %squeeze3A_512, %shift_right_arithmetic3A_513 : i32
    %shift_left3A_515 = arith.constant 7 : i32
    %shift_left3A_516 = arith.shli %shift_right_arithmetic3A_514, %shift_left3A_515 : i32
    %multiple_of3A_517 = tpu.assume_multiple %shift_left3A_516, 128 : i32
    %dma_start3A_518 = arith.constant 1 : i32
    %dma_start3A_519 = arith.constant 0 : i32
    %dma_start3A_520 = arith.constant 0 : i32
    %dma_start3A_521 = tpu.memref_slice %arg9[%dma_start3A_518, %dma_start3A_519, %dma_start3A_520] : memref<8x32x128xf32, #tpu.memory_space<vmem>> -> memref<1x32x128xf32, #tpu.memory_space<vmem>>
    %dma_start3A_522 = tpu.memref_squeeze %dma_start3A_521 : memref<1x32x128xf32, #tpu.memory_space<vmem>> -> memref<32x128xf32, #tpu.memory_space<vmem>>
    %dma_start3A_523 = arith.constant 0 : i32
    %dma_start3A_524 = tpu.memref_slice %arg4[%dma_start3A_523, %multiple_of3A_510] : memref<32x1000000xf32, #tpu.memory_space<hbm>> -> memref<32x128xf32, #tpu.memory_space<hbm>>
    %dma_start3A_525 = arith.constant 0 : i32
    %dma_start3A_526 = arith.constant 0 : i32
    %dma_start3A_527 = tpu.memref_slice %arg9[%dma_start3A_518, %dma_start3A_525, %dma_start3A_526] : memref<8x32x128xf32, #tpu.memory_space<vmem>> -> memref<1x32x128xf32, #tpu.memory_space<vmem>>
    %dma_start3A_528 = tpu.memref_squeeze %dma_start3A_527 : memref<1x32x128xf32, #tpu.memory_space<vmem>> -> memref<32x128xf32, #tpu.memory_space<vmem>>
    %dma_start3A_529 = arith.constant 0 : i32
    %dma_start3A_530 = tpu.memref_slice %arg4[%dma_start3A_529, %multiple_of3A_510] : memref<32x1000000xf32, #tpu.memory_space<hbm>> -> memref<32x128xf32, #tpu.memory_space<hbm>>
    tpu.enqueue_dma source(%dma_start3A_530 : memref<32x128xf32, #tpu.memory_space<hbm>>) target(%dma_start3A_528 : memref<32x128xf32, #tpu.memory_space<vmem>>) target_semaphore(%arg13 : memref<!tpu.dma_semaphore, #tpu.memory_space<semaphore_mem>>)
    %dma_start3A_531 = arith.constant 1 : i32
    %dma_start3A_532 = arith.constant 0 : i32
    %dma_start3A_533 = arith.constant 0 : i32
    %dma_start3A_534 = tpu.memref_slice %arg10[%dma_start3A_531, %dma_start3A_532, %dma_start3A_533] : memref<8x32x128xf32, #tpu.memory_space<vmem>> -> memref<1x32x128xf32, #tpu.memory_space<vmem>>
    %dma_start3A_535 = tpu.memref_squeeze %dma_start3A_534 : memref<1x32x128xf32, #tpu.memory_space<vmem>> -> memref<32x128xf32, #tpu.memory_space<vmem>>
    %dma_start3A_536 = arith.constant 0 : i32
    %dma_start3A_537 = tpu.memref_slice %arg5[%dma_start3A_536, %multiple_of3A_517] : memref<32x1000000xf32, #tpu.memory_space<hbm>> -> memref<32x128xf32, #tpu.memory_space<hbm>>
    %dma_start3A_538 = arith.constant 0 : i32
    %dma_start3A_539 = arith.constant 0 : i32
    %dma_start3A_540 = tpu.memref_slice %arg10[%dma_start3A_531, %dma_start3A_538, %dma_start3A_539] : memref<8x32x128xf32, #tpu.memory_space<vmem>> -> memref<1x32x128xf32, #tpu.memory_space<vmem>>
    %dma_start3A_541 = tpu.memref_squeeze %dma_start3A_540 : memref<1x32x128xf32, #tpu.memory_space<vmem>> -> memref<32x128xf32, #tpu.memory_space<vmem>>
    %dma_start3A_542 = arith.constant 0 : i32
    %dma_start3A_543 = tpu.memref_slice %arg5[%dma_start3A_542, %multiple_of3A_517] : memref<32x1000000xf32, #tpu.memory_space<hbm>> -> memref<32x128xf32, #tpu.memory_space<hbm>>
    tpu.enqueue_dma source(%dma_start3A_543 : memref<32x128xf32, #tpu.memory_space<hbm>>) target(%dma_start3A_541 : memref<32x128xf32, #tpu.memory_space<vmem>>) target_semaphore(%arg21 : memref<!tpu.dma_semaphore, #tpu.memory_space<semaphore_mem>>)
    %dma_wait3A_544 = arith.constant 2 : i32
    %dma_wait3A_545 = arith.constant 0 : i32
    %dma_wait3A_546 = arith.constant 0 : i32
    %dma_wait3A_547 = tpu.memref_slice %arg9[%dma_wait3A_544, %dma_wait3A_545, %dma_wait3A_546] : memref<8x32x128xf32, #tpu.memory_space<vmem>> -> memref<1x32x128xf32, #tpu.memory_space<vmem>>
    %dma_wait3A_548 = tpu.memref_squeeze %dma_wait3A_547 : memref<1x32x128xf32, #tpu.memory_space<vmem>> -> memref<32x128xf32, #tpu.memory_space<vmem>>
    %dma_wait3A_549 = arith.constant 0 : i32
    %dma_wait3A_550 = arith.constant 0 : i32
    %dma_wait3A_551 = tpu.memref_slice %arg4[%dma_wait3A_549, %dma_wait3A_550] : memref<32x1000000xf32, #tpu.memory_space<hbm>> -> memref<32x128xf32, #tpu.memory_space<hbm>>
    %dma_wait3A_552 = arith.constant 0 : i32
    %dma_wait3A_553 = arith.constant 0 : i32
    %dma_wait3A_554 = tpu.memref_slice %arg9[%dma_wait3A_544, %dma_wait3A_552, %dma_wait3A_553] : memref<8x32x128xf32, #tpu.memory_space<vmem>> -> memref<1x32x128xf32, #tpu.memory_space<vmem>>
    %dma_wait3A_555 = tpu.memref_squeeze %dma_wait3A_554 : memref<1x32x128xf32, #tpu.memory_space<vmem>> -> memref<32x128xf32, #tpu.memory_space<vmem>>
    %dma_wait3A_556 = arith.constant 0 : i32
    %dma_wait3A_557 = arith.constant 0 : i32
    %dma_wait3A_558 = tpu.memref_slice %arg4[%dma_wait3A_556, %dma_wait3A_557] : memref<32x1000000xf32, #tpu.memory_space<hbm>> -> memref<32x128xf32, #tpu.memory_space<hbm>>
    tpu.wait_dma2 semaphore(%arg14 : memref<!tpu.dma_semaphore, #tpu.memory_space<semaphore_mem>>) src(%dma_wait3A_558 : memref<32x128xf32, #tpu.memory_space<hbm>>) dst(%dma_wait3A_555 : memref<32x128xf32, #tpu.memory_space<vmem>>)
    %dma_wait3A_559 = arith.constant 2 : i32
    %dma_wait3A_560 = arith.constant 0 : i32
    %dma_wait3A_561 = arith.constant 0 : i32
    %dma_wait3A_562 = tpu.memref_slice %arg10[%dma_wait3A_559, %dma_wait3A_560, %dma_wait3A_561] : memref<8x32x128xf32, #tpu.memory_space<vmem>> -> memref<1x32x128xf32, #tpu.memory_space<vmem>>
    %dma_wait3A_563 = tpu.memref_squeeze %dma_wait3A_562 : memref<1x32x128xf32, #tpu.memory_space<vmem>> -> memref<32x128xf32, #tpu.memory_space<vmem>>
    %dma_wait3A_564 = arith.constant 0 : i32
    %dma_wait3A_565 = arith.constant 0 : i32
    %dma_wait3A_566 = tpu.memref_slice %arg5[%dma_wait3A_564, %dma_wait3A_565] : memref<32x1000000xf32, #tpu.memory_space<hbm>> -> memref<32x128xf32, #tpu.memory_space<hbm>>
    %dma_wait3A_567 = arith.constant 0 : i32
    %dma_wait3A_568 = arith.constant 0 : i32
    %dma_wait3A_569 = tpu.memref_slice %arg10[%dma_wait3A_559, %dma_wait3A_567, %dma_wait3A_568] : memref<8x32x128xf32, #tpu.memory_space<vmem>> -> memref<1x32x128xf32, #tpu.memory_space<vmem>>
    %dma_wait3A_570 = tpu.memref_squeeze %dma_wait3A_569 : memref<1x32x128xf32, #tpu.memory_space<vmem>> -> memref<32x128xf32, #tpu.memory_space<vmem>>
    %dma_wait3A_571 = arith.constant 0 : i32
    %dma_wait3A_572 = arith.constant 0 : i32
    %dma_wait3A_573 = tpu.memref_slice %arg5[%dma_wait3A_571, %dma_wait3A_572] : memref<32x1000000xf32, #tpu.memory_space<hbm>> -> memref<32x128xf32, #tpu.memory_space<hbm>>
    tpu.wait_dma2 semaphore(%arg22 : memref<!tpu.dma_semaphore, #tpu.memory_space<semaphore_mem>>) src(%dma_wait3A_573 : memref<32x128xf32, #tpu.memory_space<hbm>>) dst(%dma_wait3A_570 : memref<32x128xf32, #tpu.memory_space<vmem>>)
    %slice3A_574 = vector.extract_strided_slice %get3A_329 {offsets = [2], sizes = [1], strides = [1]} : vector<16xi32> to vector<1xi32>
    %squeeze3A_575 = vector.extract %slice3A_574[0] : i32 from vector<1xi32>
    %and3A_576 = arith.constant 127 : i32
    %and3A_577 = arith.andi %squeeze3A_575, %and3A_576 : i32
    %broadcast_in_dim3A_578 = vector.broadcast %and3A_577 : i32 to vector<16xi32>
    %slice3A_579 = vector.extract_strided_slice %get3A_331 {offsets = [2], sizes = [1], strides = [1]} : vector<16xi32> to vector<1xi32>
    %squeeze3A_580 = vector.extract %slice3A_579[0] : i32 from vector<1xi32>
    %and3A_581 = arith.constant 127 : i32
    %and3A_582 = arith.andi %squeeze3A_580, %and3A_581 : i32
    %broadcast_in_dim3A_583 = vector.broadcast %and3A_582 : i32 to vector<16xi32>
    %broadcast_in_dim3A_584 = arith.constant 498 : i32
    %broadcast_in_dim3A_585 = vector.broadcast %broadcast_in_dim3A_584 : i32 to vector<16xi32>
    %gather3A_586 = arith.constant 2 : i32
    %gather3A_587 = arith.constant 0 : i32
    %gather3A_588 = arith.constant 0 : i32
    %gather3A_589 = tpu.memref_slice %arg9[%gather3A_586, %gather3A_587, %gather3A_588] : memref<8x32x128xf32, #tpu.memory_space<vmem>> -> memref<1x32x128xf32, #tpu.memory_space<vmem>>
    %gather3A_590 = tpu.memref_squeeze %gather3A_589 : memref<1x32x128xf32, #tpu.memory_space<vmem>> -> memref<32x128xf32, #tpu.memory_space<vmem>>
    %gather3A_591 = tpu.vector_load_idx %gather3A_590[%iota3A, %broadcast_in_dim3A_578] : memref<32x128xf32, #tpu.memory_space<vmem>>[vector<16xi32>, vector<16xi32>], vector<16xf32>,
    %gather3A_592 = arith.constant 2 : i32
    %gather3A_593 = arith.constant 0 : i32
    %gather3A_594 = arith.constant 0 : i32
    %gather3A_595 = tpu.memref_slice %arg10[%gather3A_592, %gather3A_593, %gather3A_594] : memref<8x32x128xf32, #tpu.memory_space<vmem>> -> memref<1x32x128xf32, #tpu.memory_space<vmem>>
    %gather3A_596 = tpu.memref_squeeze %gather3A_595 : memref<1x32x128xf32, #tpu.memory_space<vmem>> -> memref<32x128xf32, #tpu.memory_space<vmem>>
    %gather3A_597 = tpu.vector_load_idx %gather3A_596[%iota3A, %broadcast_in_dim3A_583] : memref<32x128xf32, #tpu.memory_space<vmem>>[vector<16xi32>, vector<16xi32>], vector<16xf32>,
    %mul3A_598 = arith.mulf %gather3A_591, %gather3A_597 : vector<16xf32>
    tpu.vector_store_idx %arg11[%iota3A, %broadcast_in_dim3A_585], %mul3A_598 : memref<32x512xf32, #tpu.memory_space<vmem>>[vector<16xi32>, vector<16xi32>], vector<16xf32>,
    %gather3A_599 = arith.constant 2 : i32
    %gather3A_600 = arith.constant 0 : i32
    %gather3A_601 = arith.constant 0 : i32
    %gather3A_602 = tpu.memref_slice %arg9[%gather3A_599, %gather3A_600, %gather3A_601] : memref<8x32x128xf32, #tpu.memory_space<vmem>> -> memref<1x32x128xf32, #tpu.memory_space<vmem>>
    %gather3A_603 = tpu.memref_squeeze %gather3A_602 : memref<1x32x128xf32, #tpu.memory_space<vmem>> -> memref<32x128xf32, #tpu.memory_space<vmem>>
    %gather3A_604 = tpu.vector_load_idx %gather3A_603[%add3A_5, %broadcast_in_dim3A_578] : memref<32x128xf32, #tpu.memory_space<vmem>>[vector<16xi32>, vector<16xi32>], vector<16xf32>,
    %gather3A_605 = arith.constant 2 : i32
    %gather3A_606 = arith.constant 0 : i32
    %gather3A_607 = arith.constant 0 : i32
    %gather3A_608 = tpu.memref_slice %arg10[%gather3A_605, %gather3A_606, %gather3A_607] : memref<8x32x128xf32, #tpu.memory_space<vmem>> -> memref<1x32x128xf32, #tpu.memory_space<vmem>>
    %gather3A_609 = tpu.memref_squeeze %gather3A_608 : memref<1x32x128xf32, #tpu.memory_space<vmem>> -> memref<32x128xf32, #tpu.memory_space<vmem>>
    %gather3A_610 = tpu.vector_load_idx %gather3A_609[%add3A_5, %broadcast_in_dim3A_583] : memref<32x128xf32, #tpu.memory_space<vmem>>[vector<16xi32>, vector<16xi32>], vector<16xf32>,
    %mul3A_611 = arith.mulf %gather3A_604, %gather3A_610 : vector<16xf32>
    tpu.vector_store_idx %arg11[%add3A_5, %broadcast_in_dim3A_585], %mul3A_611 : memref<32x512xf32, #tpu.memory_space<vmem>>[vector<16xi32>, vector<16xi32>], vector<16xf32>,
    %slice3A_612 = vector.extract_strided_slice %get3A_329 {offsets = [10], sizes = [1], strides = [1]} : vector<16xi32> to vector<1xi32>
    %squeeze3A_613 = vector.extract %slice3A_612[0] : i32 from vector<1xi32>
    %shift_right_arithmetic3A_614 = arith.constant 7 : i32
    %shift_right_arithmetic3A_615 = arith.shrsi %squeeze3A_613, %shift_right_arithmetic3A_614 : i32
    %shift_left3A_616 = arith.constant 7 : i32
    %shift_left3A_617 = arith.shli %shift_right_arithmetic3A_615, %shift_left3A_616 : i32
    %multiple_of3A_618 = tpu.assume_multiple %shift_left3A_617, 128 : i32
    %slice3A_619 = vector.extract_strided_slice %get3A_331 {offsets = [10], sizes = [1], strides = [1]} : vector<16xi32> to vector<1xi32>
    %squeeze3A_620 = vector.extract %slice3A_619[0] : i32 from vector<1xi32>
    %shift_right_arithmetic3A_621 = arith.constant 7 : i32
    %shift_right_arithmetic3A_622 = arith.shrsi %squeeze3A_620, %shift_right_arithmetic3A_621 : i32
    %shift_left3A_623 = arith.constant 7 : i32
    %shift_left3A_624 = arith.shli %shift_right_arithmetic3A_622, %shift_left3A_623 : i32
    %multiple_of3A_625 = tpu.assume_multiple %shift_left3A_624, 128 : i32
    %dma_start3A_626 = arith.constant 2 : i32
    %dma_start3A_627 = arith.constant 0 : i32
    %dma_start3A_628 = arith.constant 0 : i32
    %dma_start3A_629 = tpu.memref_slice %arg9[%dma_start3A_626, %dma_start3A_627, %dma_start3A_628] : memref<8x32x128xf32, #tpu.memory_space<vmem>> -> memref<1x32x128xf32, #tpu.memory_space<vmem>>
    %dma_start3A_630 = tpu.memref_squeeze %dma_start3A_629 : memref<1x32x128xf32, #tpu.memory_space<vmem>> -> memref<32x128xf32, #tpu.memory_space<vmem>>
    %dma_start3A_631 = arith.constant 0 : i32
    %dma_start3A_632 = tpu.memref_slice %arg4[%dma_start3A_631, %multiple_of3A_618] : memref<32x1000000xf32, #tpu.memory_space<hbm>> -> memref<32x128xf32, #tpu.memory_space<hbm>>
    %dma_start3A_633 = arith.constant 0 : i32
    %dma_start3A_634 = arith.constant 0 : i32
    %dma_start3A_635 = tpu.memref_slice %arg9[%dma_start3A_626, %dma_start3A_633, %dma_start3A_634] : memref<8x32x128xf32, #tpu.memory_space<vmem>> -> memref<1x32x128xf32, #tpu.memory_space<vmem>>
    %dma_start3A_636 = tpu.memref_squeeze %dma_start3A_635 : memref<1x32x128xf32, #tpu.memory_space<vmem>> -> memref<32x128xf32, #tpu.memory_space<vmem>>
    %dma_start3A_637 = arith.constant 0 : i32
    %dma_start3A_638 = tpu.memref_slice %arg4[%dma_start3A_637, %multiple_of3A_618] : memref<32x1000000xf32, #tpu.memory_space<hbm>> -> memref<32x128xf32, #tpu.memory_space<hbm>>
    tpu.enqueue_dma source(%dma_start3A_638 : memref<32x128xf32, #tpu.memory_space<hbm>>) target(%dma_start3A_636 : memref<32x128xf32, #tpu.memory_space<vmem>>) target_semaphore(%arg14 : memref<!tpu.dma_semaphore, #tpu.memory_space<semaphore_mem>>)
    %dma_start3A_639 = arith.constant 2 : i32
    %dma_start3A_640 = arith.constant 0 : i32
    %dma_start3A_641 = arith.constant 0 : i32
    %dma_start3A_642 = tpu.memref_slice %arg10[%dma_start3A_639, %dma_start3A_640, %dma_start3A_641] : memref<8x32x128xf32, #tpu.memory_space<vmem>> -> memref<1x32x128xf32, #tpu.memory_space<vmem>>
    %dma_start3A_643 = tpu.memref_squeeze %dma_start3A_642 : memref<1x32x128xf32, #tpu.memory_space<vmem>> -> memref<32x128xf32, #tpu.memory_space<vmem>>
    %dma_start3A_644 = arith.constant 0 : i32
    %dma_start3A_645 = tpu.memref_slice %arg5[%dma_start3A_644, %multiple_of3A_625] : memref<32x1000000xf32, #tpu.memory_space<hbm>> -> memref<32x128xf32, #tpu.memory_space<hbm>>
    %dma_start3A_646 = arith.constant 0 : i32
    %dma_start3A_647 = arith.constant 0 : i32
    %dma_start3A_648 = tpu.memref_slice %arg10[%dma_start3A_639, %dma_start3A_646, %dma_start3A_647] : memref<8x32x128xf32, #tpu.memory_space<vmem>> -> memref<1x32x128xf32, #tpu.memory_space<vmem>>
    %dma_start3A_649 = tpu.memref_squeeze %dma_start3A_648 : memref<1x32x128xf32, #tpu.memory_space<vmem>> -> memref<32x128xf32, #tpu.memory_space<vmem>>
    %dma_start3A_650 = arith.constant 0 : i32
    %dma_start3A_651 = tpu.memref_slice %arg5[%dma_start3A_650, %multiple_of3A_625] : memref<32x1000000xf32, #tpu.memory_space<hbm>> -> memref<32x128xf32, #tpu.memory_space<hbm>>
    tpu.enqueue_dma source(%dma_start3A_651 : memref<32x128xf32, #tpu.memory_space<hbm>>) target(%dma_start3A_649 : memref<32x128xf32, #tpu.memory_space<vmem>>) target_semaphore(%arg22 : memref<!tpu.dma_semaphore, #tpu.memory_space<semaphore_mem>>)
    %dma_wait3A_652 = arith.constant 3 : i32
    %dma_wait3A_653 = arith.constant 0 : i32
    %dma_wait3A_654 = arith.constant 0 : i32
    %dma_wait3A_655 = tpu.memref_slice %arg9[%dma_wait3A_652, %dma_wait3A_653, %dma_wait3A_654] : memref<8x32x128xf32, #tpu.memory_space<vmem>> -> memref<1x32x128xf32, #tpu.memory_space<vmem>>
    %dma_wait3A_656 = tpu.memref_squeeze %dma_wait3A_655 : memref<1x32x128xf32, #tpu.memory_space<vmem>> -> memref<32x128xf32, #tpu.memory_space<vmem>>
    %dma_wait3A_657 = arith.constant 0 : i32
    %dma_wait3A_658 = arith.constant 0 : i32
    %dma_wait3A_659 = tpu.memref_slice %arg4[%dma_wait3A_657, %dma_wait3A_658] : memref<32x1000000xf32, #tpu.memory_space<hbm>> -> memref<32x128xf32, #tpu.memory_space<hbm>>
    %dma_wait3A_660 = arith.constant 0 : i32
    %dma_wait3A_661 = arith.constant 0 : i32
    %dma_wait3A_662 = tpu.memref_slice %arg9[%dma_wait3A_652, %dma_wait3A_660, %dma_wait3A_661] : memref<8x32x128xf32, #tpu.memory_space<vmem>> -> memref<1x32x128xf32, #tpu.memory_space<vmem>>
    %dma_wait3A_663 = tpu.memref_squeeze %dma_wait3A_662 : memref<1x32x128xf32, #tpu.memory_space<vmem>> -> memref<32x128xf32, #tpu.memory_space<vmem>>
    %dma_wait3A_664 = arith.constant 0 : i32
    %dma_wait3A_665 = arith.constant 0 : i32
    %dma_wait3A_666 = tpu.memref_slice %arg4[%dma_wait3A_664, %dma_wait3A_665] : memref<32x1000000xf32, #tpu.memory_space<hbm>> -> memref<32x128xf32, #tpu.memory_space<hbm>>
    tpu.wait_dma2 semaphore(%arg15 : memref<!tpu.dma_semaphore, #tpu.memory_space<semaphore_mem>>) src(%dma_wait3A_666 : memref<32x128xf32, #tpu.memory_space<hbm>>) dst(%dma_wait3A_663 : memref<32x128xf32, #tpu.memory_space<vmem>>)
    %dma_wait3A_667 = arith.constant 3 : i32
    %dma_wait3A_668 = arith.constant 0 : i32
    %dma_wait3A_669 = arith.constant 0 : i32
    %dma_wait3A_670 = tpu.memref_slice %arg10[%dma_wait3A_667, %dma_wait3A_668, %dma_wait3A_669] : memref<8x32x128xf32, #tpu.memory_space<vmem>> -> memref<1x32x128xf32, #tpu.memory_space<vmem>>
    %dma_wait3A_671 = tpu.memref_squeeze %dma_wait3A_670 : memref<1x32x128xf32, #tpu.memory_space<vmem>> -> memref<32x128xf32, #tpu.memory_space<vmem>>
    %dma_wait3A_672 = arith.constant 0 : i32
    %dma_wait3A_673 = arith.constant 0 : i32
    %dma_wait3A_674 = tpu.memref_slice %arg5[%dma_wait3A_672, %dma_wait3A_673] : memref<32x1000000xf32, #tpu.memory_space<hbm>> -> memref<32x128xf32, #tpu.memory_space<hbm>>
    %dma_wait3A_675 = arith.constant 0 : i32
    %dma_wait3A_676 = arith.constant 0 : i32
    %dma_wait3A_677 = tpu.memref_slice %arg10[%dma_wait3A_667, %dma_wait3A_675, %dma_wait3A_676] : memref<8x32x128xf32, #tpu.memory_space<vmem>> -> memref<1x32x128xf32, #tpu.memory_space<vmem>>
    %dma_wait3A_678 = tpu.memref_squeeze %dma_wait3A_677 : memref<1x32x128xf32, #tpu.memory_space<vmem>> -> memref<32x128xf32, #tpu.memory_space<vmem>>
    %dma_wait3A_679 = arith.constant 0 : i32
    %dma_wait3A_680 = arith.constant 0 : i32
    %dma_wait3A_681 = tpu.memref_slice %arg5[%dma_wait3A_679, %dma_wait3A_680] : memref<32x1000000xf32, #tpu.memory_space<hbm>> -> memref<32x128xf32, #tpu.memory_space<hbm>>
    tpu.wait_dma2 semaphore(%arg23 : memref<!tpu.dma_semaphore, #tpu.memory_space<semaphore_mem>>) src(%dma_wait3A_681 : memref<32x128xf32, #tpu.memory_space<hbm>>) dst(%dma_wait3A_678 : memref<32x128xf32, #tpu.memory_space<vmem>>)
    %slice3A_682 = vector.extract_strided_slice %get3A_329 {offsets = [3], sizes = [1], strides = [1]} : vector<16xi32> to vector<1xi32>
    %squeeze3A_683 = vector.extract %slice3A_682[0] : i32 from vector<1xi32>
    %and3A_684 = arith.constant 127 : i32
    %and3A_685 = arith.andi %squeeze3A_683, %and3A_684 : i32
    %broadcast_in_dim3A_686 = vector.broadcast %and3A_685 : i32 to vector<16xi32>
    %slice3A_687 = vector.extract_strided_slice %get3A_331 {offsets = [3], sizes = [1], strides = [1]} : vector<16xi32> to vector<1xi32>
    %squeeze3A_688 = vector.extract %slice3A_687[0] : i32 from vector<1xi32>
    %and3A_689 = arith.constant 127 : i32
    %and3A_690 = arith.andi %squeeze3A_688, %and3A_689 : i32
    %broadcast_in_dim3A_691 = vector.broadcast %and3A_690 : i32 to vector<16xi32>
    %broadcast_in_dim3A_692 = arith.constant 499 : i32
    %broadcast_in_dim3A_693 = vector.broadcast %broadcast_in_dim3A_692 : i32 to vector<16xi32>
    %gather3A_694 = arith.constant 3 : i32
    %gather3A_695 = arith.constant 0 : i32
    %gather3A_696 = arith.constant 0 : i32
    %gather3A_697 = tpu.memref_slice %arg9[%gather3A_694, %gather3A_695, %gather3A_696] : memref<8x32x128xf32, #tpu.memory_space<vmem>> -> memref<1x32x128xf32, #tpu.memory_space<vmem>>
    %gather3A_698 = tpu.memref_squeeze %gather3A_697 : memref<1x32x128xf32, #tpu.memory_space<vmem>> -> memref<32x128xf32, #tpu.memory_space<vmem>>
    %gather3A_699 = tpu.vector_load_idx %gather3A_698[%iota3A, %broadcast_in_dim3A_686] : memref<32x128xf32, #tpu.memory_space<vmem>>[vector<16xi32>, vector<16xi32>], vector<16xf32>,
    %gather3A_700 = arith.constant 3 : i32
    %gather3A_701 = arith.constant 0 : i32
    %gather3A_702 = arith.constant 0 : i32
    %gather3A_703 = tpu.memref_slice %arg10[%gather3A_700, %gather3A_701, %gather3A_702] : memref<8x32x128xf32, #tpu.memory_space<vmem>> -> memref<1x32x128xf32, #tpu.memory_space<vmem>>
    %gather3A_704 = tpu.memref_squeeze %gather3A_703 : memref<1x32x128xf32, #tpu.memory_space<vmem>> -> memref<32x128xf32, #tpu.memory_space<vmem>>
    %gather3A_705 = tpu.vector_load_idx %gather3A_704[%iota3A, %broadcast_in_dim3A_691] : memref<32x128xf32, #tpu.memory_space<vmem>>[vector<16xi32>, vector<16xi32>], vector<16xf32>,
    %mul3A_706 = arith.mulf %gather3A_699, %gather3A_705 : vector<16xf32>
    tpu.vector_store_idx %arg11[%iota3A, %broadcast_in_dim3A_693], %mul3A_706 : memref<32x512xf32, #tpu.memory_space<vmem>>[vector<16xi32>, vector<16xi32>], vector<16xf32>,
    %gather3A_707 = arith.constant 3 : i32
    %gather3A_708 = arith.constant 0 : i32
    %gather3A_709 = arith.constant 0 : i32
    %gather3A_710 = tpu.memref_slice %arg9[%gather3A_707, %gather3A_708, %gather3A_709] : memref<8x32x128xf32, #tpu.memory_space<vmem>> -> memref<1x32x128xf32, #tpu.memory_space<vmem>>
    %gather3A_711 = tpu.memref_squeeze %gather3A_710 : memref<1x32x128xf32, #tpu.memory_space<vmem>> -> memref<32x128xf32, #tpu.memory_space<vmem>>
    %gather3A_712 = tpu.vector_load_idx %gather3A_711[%add3A_5, %broadcast_in_dim3A_686] : memref<32x128xf32, #tpu.memory_space<vmem>>[vector<16xi32>, vector<16xi32>], vector<16xf32>,
    %gather3A_713 = arith.constant 3 : i32
    %gather3A_714 = arith.constant 0 : i32
    %gather3A_715 = arith.constant 0 : i32
    %gather3A_716 = tpu.memref_slice %arg10[%gather3A_713, %gather3A_714, %gather3A_715] : memref<8x32x128xf32, #tpu.memory_space<vmem>> -> memref<1x32x128xf32, #tpu.memory_space<vmem>>
    %gather3A_717 = tpu.memref_squeeze %gather3A_716 : memref<1x32x128xf32, #tpu.memory_space<vmem>> -> memref<32x128xf32, #tpu.memory_space<vmem>>
    %gather3A_718 = tpu.vector_load_idx %gather3A_717[%add3A_5, %broadcast_in_dim3A_691] : memref<32x128xf32, #tpu.memory_space<vmem>>[vector<16xi32>, vector<16xi32>], vector<16xf32>,
    %mul3A_719 = arith.mulf %gather3A_712, %gather3A_718 : vector<16xf32>
    tpu.vector_store_idx %arg11[%add3A_5, %broadcast_in_dim3A_693], %mul3A_719 : memref<32x512xf32, #tpu.memory_space<vmem>>[vector<16xi32>, vector<16xi32>], vector<16xf32>,
    %slice3A_720 = vector.extract_strided_slice %get3A_329 {offsets = [11], sizes = [1], strides = [1]} : vector<16xi32> to vector<1xi32>
    %squeeze3A_721 = vector.extract %slice3A_720[0] : i32 from vector<1xi32>
    %shift_right_arithmetic3A_722 = arith.constant 7 : i32
    %shift_right_arithmetic3A_723 = arith.shrsi %squeeze3A_721, %shift_right_arithmetic3A_722 : i32
    %shift_left3A_724 = arith.constant 7 : i32
    %shift_left3A_725 = arith.shli %shift_right_arithmetic3A_723, %shift_left3A_724 : i32
    %multiple_of3A_726 = tpu.assume_multiple %shift_left3A_725, 128 : i32
    %slice3A_727 = vector.extract_strided_slice %get3A_331 {offsets = [11], sizes = [1], strides = [1]} : vector<16xi32> to vector<1xi32>
    %squeeze3A_728 = vector.extract %slice3A_727[0] : i32 from vector<1xi32>
    %shift_right_arithmetic3A_729 = arith.constant 7 : i32
    %shift_right_arithmetic3A_730 = arith.shrsi %squeeze3A_728, %shift_right_arithmetic3A_729 : i32
    %shift_left3A_731 = arith.constant 7 : i32
    %shift_left3A_732 = arith.shli %shift_right_arithmetic3A_730, %shift_left3A_731 : i32
    %multiple_of3A_733 = tpu.assume_multiple %shift_left3A_732, 128 : i32
    %dma_start3A_734 = arith.constant 3 : i32
    %dma_start3A_735 = arith.constant 0 : i32
    %dma_start3A_736 = arith.constant 0 : i32
    %dma_start3A_737 = tpu.memref_slice %arg9[%dma_start3A_734, %dma_start3A_735, %dma_start3A_736] : memref<8x32x128xf32, #tpu.memory_space<vmem>> -> memref<1x32x128xf32, #tpu.memory_space<vmem>>
    %dma_start3A_738 = tpu.memref_squeeze %dma_start3A_737 : memref<1x32x128xf32, #tpu.memory_space<vmem>> -> memref<32x128xf32, #tpu.memory_space<vmem>>
    %dma_start3A_739 = arith.constant 0 : i32
    %dma_start3A_740 = tpu.memref_slice %arg4[%dma_start3A_739, %multiple_of3A_726] : memref<32x1000000xf32, #tpu.memory_space<hbm>> -> memref<32x128xf32, #tpu.memory_space<hbm>>
    %dma_start3A_741 = arith.constant 0 : i32
    %dma_start3A_742 = arith.constant 0 : i32
    %dma_start3A_743 = tpu.memref_slice %arg9[%dma_start3A_734, %dma_start3A_741, %dma_start3A_742] : memref<8x32x128xf32, #tpu.memory_space<vmem>> -> memref<1x32x128xf32, #tpu.memory_space<vmem>>
    %dma_start3A_744 = tpu.memref_squeeze %dma_start3A_743 : memref<1x32x128xf32, #tpu.memory_space<vmem>> -> memref<32x128xf32, #tpu.memory_space<vmem>>
    %dma_start3A_745 = arith.constant 0 : i32
    %dma_start3A_746 = tpu.memref_slice %arg4[%dma_start3A_745, %multiple_of3A_726] : memref<32x1000000xf32, #tpu.memory_space<hbm>> -> memref<32x128xf32, #tpu.memory_space<hbm>>
    tpu.enqueue_dma source(%dma_start3A_746 : memref<32x128xf32, #tpu.memory_space<hbm>>) target(%dma_start3A_744 : memref<32x128xf32, #tpu.memory_space<vmem>>) target_semaphore(%arg15 : memref<!tpu.dma_semaphore, #tpu.memory_space<semaphore_mem>>)
    %dma_start3A_747 = arith.constant 3 : i32
    %dma_start3A_748 = arith.constant 0 : i32
    %dma_start3A_749 = arith.constant 0 : i32
    %dma_start3A_750 = tpu.memref_slice %arg10[%dma_start3A_747, %dma_start3A_748, %dma_start3A_749] : memref<8x32x128xf32, #tpu.memory_space<vmem>> -> memref<1x32x128xf32, #tpu.memory_space<vmem>>
    %dma_start3A_751 = tpu.memref_squeeze %dma_start3A_750 : memref<1x32x128xf32, #tpu.memory_space<vmem>> -> memref<32x128xf32, #tpu.memory_space<vmem>>
    %dma_start3A_752 = arith.constant 0 : i32
    %dma_start3A_753 = tpu.memref_slice %arg5[%dma_start3A_752, %multiple_of3A_733] : memref<32x1000000xf32, #tpu.memory_space<hbm>> -> memref<32x128xf32, #tpu.memory_space<hbm>>
    %dma_start3A_754 = arith.constant 0 : i32
    %dma_start3A_755 = arith.constant 0 : i32
    %dma_start3A_756 = tpu.memref_slice %arg10[%dma_start3A_747, %dma_start3A_754, %dma_start3A_755] : memref<8x32x128xf32, #tpu.memory_space<vmem>> -> memref<1x32x128xf32, #tpu.memory_space<vmem>>
    %dma_start3A_757 = tpu.memref_squeeze %dma_start3A_756 : memref<1x32x128xf32, #tpu.memory_space<vmem>> -> memref<32x128xf32, #tpu.memory_space<vmem>>
    %dma_start3A_758 = arith.constant 0 : i32
    %dma_start3A_759 = tpu.memref_slice %arg5[%dma_start3A_758, %multiple_of3A_733] : memref<32x1000000xf32, #tpu.memory_space<hbm>> -> memref<32x128xf32, #tpu.memory_space<hbm>>
    tpu.enqueue_dma source(%dma_start3A_759 : memref<32x128xf32, #tpu.memory_space<hbm>>) target(%dma_start3A_757 : memref<32x128xf32, #tpu.memory_space<vmem>>) target_semaphore(%arg23 : memref<!tpu.dma_semaphore, #tpu.memory_space<semaphore_mem>>)
    %dma_wait3A_760 = arith.constant 4 : i32
    %dma_wait3A_761 = arith.constant 0 : i32
    %dma_wait3A_762 = arith.constant 0 : i32
    %dma_wait3A_763 = tpu.memref_slice %arg9[%dma_wait3A_760, %dma_wait3A_761, %dma_wait3A_762] : memref<8x32x128xf32, #tpu.memory_space<vmem>> -> memref<1x32x128xf32, #tpu.memory_space<vmem>>
    %dma_wait3A_764 = tpu.memref_squeeze %dma_wait3A_763 : memref<1x32x128xf32, #tpu.memory_space<vmem>> -> memref<32x128xf32, #tpu.memory_space<vmem>>
    %dma_wait3A_765 = arith.constant 0 : i32
    %dma_wait3A_766 = arith.constant 0 : i32
    %dma_wait3A_767 = tpu.memref_slice %arg4[%dma_wait3A_765, %dma_wait3A_766] : memref<32x1000000xf32, #tpu.memory_space<hbm>> -> memref<32x128xf32, #tpu.memory_space<hbm>>
    %dma_wait3A_768 = arith.constant 0 : i32
    %dma_wait3A_769 = arith.constant 0 : i32
    %dma_wait3A_770 = tpu.memref_slice %arg9[%dma_wait3A_760, %dma_wait3A_768, %dma_wait3A_769] : memref<8x32x128xf32, #tpu.memory_space<vmem>> -> memref<1x32x128xf32, #tpu.memory_space<vmem>>
    %dma_wait3A_771 = tpu.memref_squeeze %dma_wait3A_770 : memref<1x32x128xf32, #tpu.memory_space<vmem>> -> memref<32x128xf32, #tpu.memory_space<vmem>>
    %dma_wait3A_772 = arith.constant 0 : i32
    %dma_wait3A_773 = arith.constant 0 : i32
    %dma_wait3A_774 = tpu.memref_slice %arg4[%dma_wait3A_772, %dma_wait3A_773] : memref<32x1000000xf32, #tpu.memory_space<hbm>> -> memref<32x128xf32, #tpu.memory_space<hbm>>
    tpu.wait_dma2 semaphore(%arg16 : memref<!tpu.dma_semaphore, #tpu.memory_space<semaphore_mem>>) src(%dma_wait3A_774 : memref<32x128xf32, #tpu.memory_space<hbm>>) dst(%dma_wait3A_771 : memref<32x128xf32, #tpu.memory_space<vmem>>)
    %dma_wait3A_775 = arith.constant 4 : i32
    %dma_wait3A_776 = arith.constant 0 : i32
    %dma_wait3A_777 = arith.constant 0 : i32
    %dma_wait3A_778 = tpu.memref_slice %arg10[%dma_wait3A_775, %dma_wait3A_776, %dma_wait3A_777] : memref<8x32x128xf32, #tpu.memory_space<vmem>> -> memref<1x32x128xf32, #tpu.memory_space<vmem>>
    %dma_wait3A_779 = tpu.memref_squeeze %dma_wait3A_778 : memref<1x32x128xf32, #tpu.memory_space<vmem>> -> memref<32x128xf32, #tpu.memory_space<vmem>>
    %dma_wait3A_780 = arith.constant 0 : i32
    %dma_wait3A_781 = arith.constant 0 : i32
    %dma_wait3A_782 = tpu.memref_slice %arg5[%dma_wait3A_780, %dma_wait3A_781] : memref<32x1000000xf32, #tpu.memory_space<hbm>> -> memref<32x128xf32, #tpu.memory_space<hbm>>
    %dma_wait3A_783 = arith.constant 0 : i32
    %dma_wait3A_784 = arith.constant 0 : i32
    %dma_wait3A_785 = tpu.memref_slice %arg10[%dma_wait3A_775, %dma_wait3A_783, %dma_wait3A_784] : memref<8x32x128xf32, #tpu.memory_space<vmem>> -> memref<1x32x128xf32, #tpu.memory_space<vmem>>
    %dma_wait3A_786 = tpu.memref_squeeze %dma_wait3A_785 : memref<1x32x128xf32, #tpu.memory_space<vmem>> -> memref<32x128xf32, #tpu.memory_space<vmem>>
    %dma_wait3A_787 = arith.constant 0 : i32
    %dma_wait3A_788 = arith.constant 0 : i32
    %dma_wait3A_789 = tpu.memref_slice %arg5[%dma_wait3A_787, %dma_wait3A_788] : memref<32x1000000xf32, #tpu.memory_space<hbm>> -> memref<32x128xf32, #tpu.memory_space<hbm>>
    tpu.wait_dma2 semaphore(%arg24 : memref<!tpu.dma_semaphore, #tpu.memory_space<semaphore_mem>>) src(%dma_wait3A_789 : memref<32x128xf32, #tpu.memory_space<hbm>>) dst(%dma_wait3A_786 : memref<32x128xf32, #tpu.memory_space<vmem>>)
    %slice3A_790 = vector.extract_strided_slice %get3A_329 {offsets = [4], sizes = [1], strides = [1]} : vector<16xi32> to vector<1xi32>
    %squeeze3A_791 = vector.extract %slice3A_790[0] : i32 from vector<1xi32>
    %and3A_792 = arith.constant 127 : i32
    %and3A_793 = arith.andi %squeeze3A_791, %and3A_792 : i32
    %broadcast_in_dim3A_794 = vector.broadcast %and3A_793 : i32 to vector<16xi32>
    %slice3A_795 = vector.extract_strided_slice %get3A_331 {offsets = [4], sizes = [1], strides = [1]} : vector<16xi32> to vector<1xi32>
    %squeeze3A_796 = vector.extract %slice3A_795[0] : i32 from vector<1xi32>
    %and3A_797 = arith.constant 127 : i32
    %and3A_798 = arith.andi %squeeze3A_796, %and3A_797 : i32
    %broadcast_in_dim3A_799 = vector.broadcast %and3A_798 : i32 to vector<16xi32>
    %broadcast_in_dim3A_800 = arith.constant 500 : i32
    %broadcast_in_dim3A_801 = vector.broadcast %broadcast_in_dim3A_800 : i32 to vector<16xi32>
    %gather3A_802 = arith.constant 4 : i32
    %gather3A_803 = arith.constant 0 : i32
    %gather3A_804 = arith.constant 0 : i32
    %gather3A_805 = tpu.memref_slice %arg9[%gather3A_802, %gather3A_803, %gather3A_804] : memref<8x32x128xf32, #tpu.memory_space<vmem>> -> memref<1x32x128xf32, #tpu.memory_space<vmem>>
    %gather3A_806 = tpu.memref_squeeze %gather3A_805 : memref<1x32x128xf32, #tpu.memory_space<vmem>> -> memref<32x128xf32, #tpu.memory_space<vmem>>
    %gather3A_807 = tpu.vector_load_idx %gather3A_806[%iota3A, %broadcast_in_dim3A_794] : memref<32x128xf32, #tpu.memory_space<vmem>>[vector<16xi32>, vector<16xi32>], vector<16xf32>,
    %gather3A_808 = arith.constant 4 : i32
    %gather3A_809 = arith.constant 0 : i32
    %gather3A_810 = arith.constant 0 : i32
    %gather3A_811 = tpu.memref_slice %arg10[%gather3A_808, %gather3A_809, %gather3A_810] : memref<8x32x128xf32, #tpu.memory_space<vmem>> -> memref<1x32x128xf32, #tpu.memory_space<vmem>>
    %gather3A_812 = tpu.memref_squeeze %gather3A_811 : memref<1x32x128xf32, #tpu.memory_space<vmem>> -> memref<32x128xf32, #tpu.memory_space<vmem>>
    %gather3A_813 = tpu.vector_load_idx %gather3A_812[%iota3A, %broadcast_in_dim3A_799] : memref<32x128xf32, #tpu.memory_space<vmem>>[vector<16xi32>, vector<16xi32>], vector<16xf32>,
    %mul3A_814 = arith.mulf %gather3A_807, %gather3A_813 : vector<16xf32>
    tpu.vector_store_idx %arg11[%iota3A, %broadcast_in_dim3A_801], %mul3A_814 : memref<32x512xf32, #tpu.memory_space<vmem>>[vector<16xi32>, vector<16xi32>], vector<16xf32>,
    %gather3A_815 = arith.constant 4 : i32
    %gather3A_816 = arith.constant 0 : i32
    %gather3A_817 = arith.constant 0 : i32
    %gather3A_818 = tpu.memref_slice %arg9[%gather3A_815, %gather3A_816, %gather3A_817] : memref<8x32x128xf32, #tpu.memory_space<vmem>> -> memref<1x32x128xf32, #tpu.memory_space<vmem>>
    %gather3A_819 = tpu.memref_squeeze %gather3A_818 : memref<1x32x128xf32, #tpu.memory_space<vmem>> -> memref<32x128xf32, #tpu.memory_space<vmem>>
    %gather3A_820 = tpu.vector_load_idx %gather3A_819[%add3A_5, %broadcast_in_dim3A_794] : memref<32x128xf32, #tpu.memory_space<vmem>>[vector<16xi32>, vector<16xi32>], vector<16xf32>,
    %gather3A_821 = arith.constant 4 : i32
    %gather3A_822 = arith.constant 0 : i32
    %gather3A_823 = arith.constant 0 : i32
    %gather3A_824 = tpu.memref_slice %arg10[%gather3A_821, %gather3A_822, %gather3A_823] : memref<8x32x128xf32, #tpu.memory_space<vmem>> -> memref<1x32x128xf32, #tpu.memory_space<vmem>>
    %gather3A_825 = tpu.memref_squeeze %gather3A_824 : memref<1x32x128xf32, #tpu.memory_space<vmem>> -> memref<32x128xf32, #tpu.memory_space<vmem>>
    %gather3A_826 = tpu.vector_load_idx %gather3A_825[%add3A_5, %broadcast_in_dim3A_799] : memref<32x128xf32, #tpu.memory_space<vmem>>[vector<16xi32>, vector<16xi32>], vector<16xf32>,
    %mul3A_827 = arith.mulf %gather3A_820, %gather3A_826 : vector<16xf32>
    tpu.vector_store_idx %arg11[%add3A_5, %broadcast_in_dim3A_801], %mul3A_827 : memref<32x512xf32, #tpu.memory_space<vmem>>[vector<16xi32>, vector<16xi32>], vector<16xf32>,
    %slice3A_828 = vector.extract_strided_slice %get3A_329 {offsets = [12], sizes = [1], strides = [1]} : vector<16xi32> to vector<1xi32>
    %squeeze3A_829 = vector.extract %slice3A_828[0] : i32 from vector<1xi32>
    %shift_right_arithmetic3A_830 = arith.constant 7 : i32
    %shift_right_arithmetic3A_831 = arith.shrsi %squeeze3A_829, %shift_right_arithmetic3A_830 : i32
    %shift_left3A_832 = arith.constant 7 : i32
    %shift_left3A_833 = arith.shli %shift_right_arithmetic3A_831, %shift_left3A_832 : i32
    %multiple_of3A_834 = tpu.assume_multiple %shift_left3A_833, 128 : i32
    %slice3A_835 = vector.extract_strided_slice %get3A_331 {offsets = [12], sizes = [1], strides = [1]} : vector<16xi32> to vector<1xi32>
    %squeeze3A_836 = vector.extract %slice3A_835[0] : i32 from vector<1xi32>
    %shift_right_arithmetic3A_837 = arith.constant 7 : i32
    %shift_right_arithmetic3A_838 = arith.shrsi %squeeze3A_836, %shift_right_arithmetic3A_837 : i32
    %shift_left3A_839 = arith.constant 7 : i32
    %shift_left3A_840 = arith.shli %shift_right_arithmetic3A_838, %shift_left3A_839 : i32
    %multiple_of3A_841 = tpu.assume_multiple %shift_left3A_840, 128 : i32
    %dma_start3A_842 = arith.constant 4 : i32
    %dma_start3A_843 = arith.constant 0 : i32
    %dma_start3A_844 = arith.constant 0 : i32
    %dma_start3A_845 = tpu.memref_slice %arg9[%dma_start3A_842, %dma_start3A_843, %dma_start3A_844] : memref<8x32x128xf32, #tpu.memory_space<vmem>> -> memref<1x32x128xf32, #tpu.memory_space<vmem>>
    %dma_start3A_846 = tpu.memref_squeeze %dma_start3A_845 : memref<1x32x128xf32, #tpu.memory_space<vmem>> -> memref<32x128xf32, #tpu.memory_space<vmem>>
    %dma_start3A_847 = arith.constant 0 : i32
    %dma_start3A_848 = tpu.memref_slice %arg4[%dma_start3A_847, %multiple_of3A_834] : memref<32x1000000xf32, #tpu.memory_space<hbm>> -> memref<32x128xf32, #tpu.memory_space<hbm>>
    %dma_start3A_849 = arith.constant 0 : i32
    %dma_start3A_850 = arith.constant 0 : i32
    %dma_start3A_851 = tpu.memref_slice %arg9[%dma_start3A_842, %dma_start3A_849, %dma_start3A_850] : memref<8x32x128xf32, #tpu.memory_space<vmem>> -> memref<1x32x128xf32, #tpu.memory_space<vmem>>
    %dma_start3A_852 = tpu.memref_squeeze %dma_start3A_851 : memref<1x32x128xf32, #tpu.memory_space<vmem>> -> memref<32x128xf32, #tpu.memory_space<vmem>>
    %dma_start3A_853 = arith.constant 0 : i32
    %dma_start3A_854 = tpu.memref_slice %arg4[%dma_start3A_853, %multiple_of3A_834] : memref<32x1000000xf32, #tpu.memory_space<hbm>> -> memref<32x128xf32, #tpu.memory_space<hbm>>
    tpu.enqueue_dma source(%dma_start3A_854 : memref<32x128xf32, #tpu.memory_space<hbm>>) target(%dma_start3A_852 : memref<32x128xf32, #tpu.memory_space<vmem>>) target_semaphore(%arg16 : memref<!tpu.dma_semaphore, #tpu.memory_space<semaphore_mem>>)
    %dma_start3A_855 = arith.constant 4 : i32
    %dma_start3A_856 = arith.constant 0 : i32
    %dma_start3A_857 = arith.constant 0 : i32
    %dma_start3A_858 = tpu.memref_slice %arg10[%dma_start3A_855, %dma_start3A_856, %dma_start3A_857] : memref<8x32x128xf32, #tpu.memory_space<vmem>> -> memref<1x32x128xf32, #tpu.memory_space<vmem>>
    %dma_start3A_859 = tpu.memref_squeeze %dma_start3A_858 : memref<1x32x128xf32, #tpu.memory_space<vmem>> -> memref<32x128xf32, #tpu.memory_space<vmem>>
    %dma_start3A_860 = arith.constant 0 : i32
    %dma_start3A_861 = tpu.memref_slice %arg5[%dma_start3A_860, %multiple_of3A_841] : memref<32x1000000xf32, #tpu.memory_space<hbm>> -> memref<32x128xf32, #tpu.memory_space<hbm>>
    %dma_start3A_862 = arith.constant 0 : i32
    %dma_start3A_863 = arith.constant 0 : i32
    %dma_start3A_864 = tpu.memref_slice %arg10[%dma_start3A_855, %dma_start3A_862, %dma_start3A_863] : memref<8x32x128xf32, #tpu.memory_space<vmem>> -> memref<1x32x128xf32, #tpu.memory_space<vmem>>
    %dma_start3A_865 = tpu.memref_squeeze %dma_start3A_864 : memref<1x32x128xf32, #tpu.memory_space<vmem>> -> memref<32x128xf32, #tpu.memory_space<vmem>>
    %dma_start3A_866 = arith.constant 0 : i32
    %dma_start3A_867 = tpu.memref_slice %arg5[%dma_start3A_866, %multiple_of3A_841] : memref<32x1000000xf32, #tpu.memory_space<hbm>> -> memref<32x128xf32, #tpu.memory_space<hbm>>
    tpu.enqueue_dma source(%dma_start3A_867 : memref<32x128xf32, #tpu.memory_space<hbm>>) target(%dma_start3A_865 : memref<32x128xf32, #tpu.memory_space<vmem>>) target_semaphore(%arg24 : memref<!tpu.dma_semaphore, #tpu.memory_space<semaphore_mem>>)
    %dma_wait3A_868 = arith.constant 5 : i32
    %dma_wait3A_869 = arith.constant 0 : i32
    %dma_wait3A_870 = arith.constant 0 : i32
    %dma_wait3A_871 = tpu.memref_slice %arg9[%dma_wait3A_868, %dma_wait3A_869, %dma_wait3A_870] : memref<8x32x128xf32, #tpu.memory_space<vmem>> -> memref<1x32x128xf32, #tpu.memory_space<vmem>>
    %dma_wait3A_872 = tpu.memref_squeeze %dma_wait3A_871 : memref<1x32x128xf32, #tpu.memory_space<vmem>> -> memref<32x128xf32, #tpu.memory_space<vmem>>
    %dma_wait3A_873 = arith.constant 0 : i32
    %dma_wait3A_874 = arith.constant 0 : i32
    %dma_wait3A_875 = tpu.memref_slice %arg4[%dma_wait3A_873, %dma_wait3A_874] : memref<32x1000000xf32, #tpu.memory_space<hbm>> -> memref<32x128xf32, #tpu.memory_space<hbm>>
    %dma_wait3A_876 = arith.constant 0 : i32
    %dma_wait3A_877 = arith.constant 0 : i32
    %dma_wait3A_878 = tpu.memref_slice %arg9[%dma_wait3A_868, %dma_wait3A_876, %dma_wait3A_877] : memref<8x32x128xf32, #tpu.memory_space<vmem>> -> memref<1x32x128xf32, #tpu.memory_space<vmem>>
    %dma_wait3A_879 = tpu.memref_squeeze %dma_wait3A_878 : memref<1x32x128xf32, #tpu.memory_space<vmem>> -> memref<32x128xf32, #tpu.memory_space<vmem>>
    %dma_wait3A_880 = arith.constant 0 : i32
    %dma_wait3A_881 = arith.constant 0 : i32
    %dma_wait3A_882 = tpu.memref_slice %arg4[%dma_wait3A_880, %dma_wait3A_881] : memref<32x1000000xf32, #tpu.memory_space<hbm>> -> memref<32x128xf32, #tpu.memory_space<hbm>>
    tpu.wait_dma2 semaphore(%arg17 : memref<!tpu.dma_semaphore, #tpu.memory_space<semaphore_mem>>) src(%dma_wait3A_882 : memref<32x128xf32, #tpu.memory_space<hbm>>) dst(%dma_wait3A_879 : memref<32x128xf32, #tpu.memory_space<vmem>>)
    %dma_wait3A_883 = arith.constant 5 : i32
    %dma_wait3A_884 = arith.constant 0 : i32
    %dma_wait3A_885 = arith.constant 0 : i32
    %dma_wait3A_886 = tpu.memref_slice %arg10[%dma_wait3A_883, %dma_wait3A_884, %dma_wait3A_885] : memref<8x32x128xf32, #tpu.memory_space<vmem>> -> memref<1x32x128xf32, #tpu.memory_space<vmem>>
    %dma_wait3A_887 = tpu.memref_squeeze %dma_wait3A_886 : memref<1x32x128xf32, #tpu.memory_space<vmem>> -> memref<32x128xf32, #tpu.memory_space<vmem>>
    %dma_wait3A_888 = arith.constant 0 : i32
    %dma_wait3A_889 = arith.constant 0 : i32
    %dma_wait3A_890 = tpu.memref_slice %arg5[%dma_wait3A_888, %dma_wait3A_889] : memref<32x1000000xf32, #tpu.memory_space<hbm>> -> memref<32x128xf32, #tpu.memory_space<hbm>>
    %dma_wait3A_891 = arith.constant 0 : i32
    %dma_wait3A_892 = arith.constant 0 : i32
    %dma_wait3A_893 = tpu.memref_slice %arg10[%dma_wait3A_883, %dma_wait3A_891, %dma_wait3A_892] : memref<8x32x128xf32, #tpu.memory_space<vmem>> -> memref<1x32x128xf32, #tpu.memory_space<vmem>>
    %dma_wait3A_894 = tpu.memref_squeeze %dma_wait3A_893 : memref<1x32x128xf32, #tpu.memory_space<vmem>> -> memref<32x128xf32, #tpu.memory_space<vmem>>
    %dma_wait3A_895 = arith.constant 0 : i32
    %dma_wait3A_896 = arith.constant 0 : i32
    %dma_wait3A_897 = tpu.memref_slice %arg5[%dma_wait3A_895, %dma_wait3A_896] : memref<32x1000000xf32, #tpu.memory_space<hbm>> -> memref<32x128xf32, #tpu.memory_space<hbm>>
    tpu.wait_dma2 semaphore(%arg25 : memref<!tpu.dma_semaphore, #tpu.memory_space<semaphore_mem>>) src(%dma_wait3A_897 : memref<32x128xf32, #tpu.memory_space<hbm>>) dst(%dma_wait3A_894 : memref<32x128xf32, #tpu.memory_space<vmem>>)
    %slice3A_898 = vector.extract_strided_slice %get3A_329 {offsets = [5], sizes = [1], strides = [1]} : vector<16xi32> to vector<1xi32>
    %squeeze3A_899 = vector.extract %slice3A_898[0] : i32 from vector<1xi32>
    %and3A_900 = arith.constant 127 : i32
    %and3A_901 = arith.andi %squeeze3A_899, %and3A_900 : i32
    %broadcast_in_dim3A_902 = vector.broadcast %and3A_901 : i32 to vector<16xi32>
    %slice3A_903 = vector.extract_strided_slice %get3A_331 {offsets = [5], sizes = [1], strides = [1]} : vector<16xi32> to vector<1xi32>
    %squeeze3A_904 = vector.extract %slice3A_903[0] : i32 from vector<1xi32>
    %and3A_905 = arith.constant 127 : i32
    %and3A_906 = arith.andi %squeeze3A_904, %and3A_905 : i32
    %broadcast_in_dim3A_907 = vector.broadcast %and3A_906 : i32 to vector<16xi32>
    %broadcast_in_dim3A_908 = arith.constant 501 : i32
    %broadcast_in_dim3A_909 = vector.broadcast %broadcast_in_dim3A_908 : i32 to vector<16xi32>
    %gather3A_910 = arith.constant 5 : i32
    %gather3A_911 = arith.constant 0 : i32
    %gather3A_912 = arith.constant 0 : i32
    %gather3A_913 = tpu.memref_slice %arg9[%gather3A_910, %gather3A_911, %gather3A_912] : memref<8x32x128xf32, #tpu.memory_space<vmem>> -> memref<1x32x128xf32, #tpu.memory_space<vmem>>
    %gather3A_914 = tpu.memref_squeeze %gather3A_913 : memref<1x32x128xf32, #tpu.memory_space<vmem>> -> memref<32x128xf32, #tpu.memory_space<vmem>>
    %gather3A_915 = tpu.vector_load_idx %gather3A_914[%iota3A, %broadcast_in_dim3A_902] : memref<32x128xf32, #tpu.memory_space<vmem>>[vector<16xi32>, vector<16xi32>], vector<16xf32>,
    %gather3A_916 = arith.constant 5 : i32
    %gather3A_917 = arith.constant 0 : i32
    %gather3A_918 = arith.constant 0 : i32
    %gather3A_919 = tpu.memref_slice %arg10[%gather3A_916, %gather3A_917, %gather3A_918] : memref<8x32x128xf32, #tpu.memory_space<vmem>> -> memref<1x32x128xf32, #tpu.memory_space<vmem>>
    %gather3A_920 = tpu.memref_squeeze %gather3A_919 : memref<1x32x128xf32, #tpu.memory_space<vmem>> -> memref<32x128xf32, #tpu.memory_space<vmem>>
    %gather3A_921 = tpu.vector_load_idx %gather3A_920[%iota3A, %broadcast_in_dim3A_907] : memref<32x128xf32, #tpu.memory_space<vmem>>[vector<16xi32>, vector<16xi32>], vector<16xf32>,
    %mul3A_922 = arith.mulf %gather3A_915, %gather3A_921 : vector<16xf32>
    tpu.vector_store_idx %arg11[%iota3A, %broadcast_in_dim3A_909], %mul3A_922 : memref<32x512xf32, #tpu.memory_space<vmem>>[vector<16xi32>, vector<16xi32>], vector<16xf32>,
    %gather3A_923 = arith.constant 5 : i32
    %gather3A_924 = arith.constant 0 : i32
    %gather3A_925 = arith.constant 0 : i32
    %gather3A_926 = tpu.memref_slice %arg9[%gather3A_923, %gather3A_924, %gather3A_925] : memref<8x32x128xf32, #tpu.memory_space<vmem>> -> memref<1x32x128xf32, #tpu.memory_space<vmem>>
    %gather3A_927 = tpu.memref_squeeze %gather3A_926 : memref<1x32x128xf32, #tpu.memory_space<vmem>> -> memref<32x128xf32, #tpu.memory_space<vmem>>
    %gather3A_928 = tpu.vector_load_idx %gather3A_927[%add3A_5, %broadcast_in_dim3A_902] : memref<32x128xf32, #tpu.memory_space<vmem>>[vector<16xi32>, vector<16xi32>], vector<16xf32>,
    %gather3A_929 = arith.constant 5 : i32
    %gather3A_930 = arith.constant 0 : i32
    %gather3A_931 = arith.constant 0 : i32
    %gather3A_932 = tpu.memref_slice %arg10[%gather3A_929, %gather3A_930, %gather3A_931] : memref<8x32x128xf32, #tpu.memory_space<vmem>> -> memref<1x32x128xf32, #tpu.memory_space<vmem>>
    %gather3A_933 = tpu.memref_squeeze %gather3A_932 : memref<1x32x128xf32, #tpu.memory_space<vmem>> -> memref<32x128xf32, #tpu.memory_space<vmem>>
    %gather3A_934 = tpu.vector_load_idx %gather3A_933[%add3A_5, %broadcast_in_dim3A_907] : memref<32x128xf32, #tpu.memory_space<vmem>>[vector<16xi32>, vector<16xi32>], vector<16xf32>,
    %mul3A_935 = arith.mulf %gather3A_928, %gather3A_934 : vector<16xf32>
    tpu.vector_store_idx %arg11[%add3A_5, %broadcast_in_dim3A_909], %mul3A_935 : memref<32x512xf32, #tpu.memory_space<vmem>>[vector<16xi32>, vector<16xi32>], vector<16xf32>,
    %slice3A_936 = vector.extract_strided_slice %get3A_329 {offsets = [13], sizes = [1], strides = [1]} : vector<16xi32> to vector<1xi32>
    %squeeze3A_937 = vector.extract %slice3A_936[0] : i32 from vector<1xi32>
    %shift_right_arithmetic3A_938 = arith.constant 7 : i32
    %shift_right_arithmetic3A_939 = arith.shrsi %squeeze3A_937, %shift_right_arithmetic3A_938 : i32
    %shift_left3A_940 = arith.constant 7 : i32
    %shift_left3A_941 = arith.shli %shift_right_arithmetic3A_939, %shift_left3A_940 : i32
    %multiple_of3A_942 = tpu.assume_multiple %shift_left3A_941, 128 : i32
    %slice3A_943 = vector.extract_strided_slice %get3A_331 {offsets = [13], sizes = [1], strides = [1]} : vector<16xi32> to vector<1xi32>
    %squeeze3A_944 = vector.extract %slice3A_943[0] : i32 from vector<1xi32>
    %shift_right_arithmetic3A_945 = arith.constant 7 : i32
    %shift_right_arithmetic3A_946 = arith.shrsi %squeeze3A_944, %shift_right_arithmetic3A_945 : i32
    %shift_left3A_947 = arith.constant 7 : i32
    %shift_left3A_948 = arith.shli %shift_right_arithmetic3A_946, %shift_left3A_947 : i32
    %multiple_of3A_949 = tpu.assume_multiple %shift_left3A_948, 128 : i32
    %dma_start3A_950 = arith.constant 5 : i32
    %dma_start3A_951 = arith.constant 0 : i32
    %dma_start3A_952 = arith.constant 0 : i32
    %dma_start3A_953 = tpu.memref_slice %arg9[%dma_start3A_950, %dma_start3A_951, %dma_start3A_952] : memref<8x32x128xf32, #tpu.memory_space<vmem>> -> memref<1x32x128xf32, #tpu.memory_space<vmem>>
    %dma_start3A_954 = tpu.memref_squeeze %dma_start3A_953 : memref<1x32x128xf32, #tpu.memory_space<vmem>> -> memref<32x128xf32, #tpu.memory_space<vmem>>
    %dma_start3A_955 = arith.constant 0 : i32
    %dma_start3A_956 = tpu.memref_slice %arg4[%dma_start3A_955, %multiple_of3A_942] : memref<32x1000000xf32, #tpu.memory_space<hbm>> -> memref<32x128xf32, #tpu.memory_space<hbm>>
    %dma_start3A_957 = arith.constant 0 : i32
    %dma_start3A_958 = arith.constant 0 : i32
    %dma_start3A_959 = tpu.memref_slice %arg9[%dma_start3A_950, %dma_start3A_957, %dma_start3A_958] : memref<8x32x128xf32, #tpu.memory_space<vmem>> -> memref<1x32x128xf32, #tpu.memory_space<vmem>>
    %dma_start3A_960 = tpu.memref_squeeze %dma_start3A_959 : memref<1x32x128xf32, #tpu.memory_space<vmem>> -> memref<32x128xf32, #tpu.memory_space<vmem>>
    %dma_start3A_961 = arith.constant 0 : i32
    %dma_start3A_962 = tpu.memref_slice %arg4[%dma_start3A_961, %multiple_of3A_942] : memref<32x1000000xf32, #tpu.memory_space<hbm>> -> memref<32x128xf32, #tpu.memory_space<hbm>>
    tpu.enqueue_dma source(%dma_start3A_962 : memref<32x128xf32, #tpu.memory_space<hbm>>) target(%dma_start3A_960 : memref<32x128xf32, #tpu.memory_space<vmem>>) target_semaphore(%arg17 : memref<!tpu.dma_semaphore, #tpu.memory_space<semaphore_mem>>)
    %dma_start3A_963 = arith.constant 5 : i32
    %dma_start3A_964 = arith.constant 0 : i32
    %dma_start3A_965 = arith.constant 0 : i32
    %dma_start3A_966 = tpu.memref_slice %arg10[%dma_start3A_963, %dma_start3A_964, %dma_start3A_965] : memref<8x32x128xf32, #tpu.memory_space<vmem>> -> memref<1x32x128xf32, #tpu.memory_space<vmem>>
    %dma_start3A_967 = tpu.memref_squeeze %dma_start3A_966 : memref<1x32x128xf32, #tpu.memory_space<vmem>> -> memref<32x128xf32, #tpu.memory_space<vmem>>
    %dma_start3A_968 = arith.constant 0 : i32
    %dma_start3A_969 = tpu.memref_slice %arg5[%dma_start3A_968, %multiple_of3A_949] : memref<32x1000000xf32, #tpu.memory_space<hbm>> -> memref<32x128xf32, #tpu.memory_space<hbm>>
    %dma_start3A_970 = arith.constant 0 : i32
    %dma_start3A_971 = arith.constant 0 : i32
    %dma_start3A_972 = tpu.memref_slice %arg10[%dma_start3A_963, %dma_start3A_970, %dma_start3A_971] : memref<8x32x128xf32, #tpu.memory_space<vmem>> -> memref<1x32x128xf32, #tpu.memory_space<vmem>>
    %dma_start3A_973 = tpu.memref_squeeze %dma_start3A_972 : memref<1x32x128xf32, #tpu.memory_space<vmem>> -> memref<32x128xf32, #tpu.memory_space<vmem>>
    %dma_start3A_974 = arith.constant 0 : i32
    %dma_start3A_975 = tpu.memref_slice %arg5[%dma_start3A_974, %multiple_of3A_949] : memref<32x1000000xf32, #tpu.memory_space<hbm>> -> memref<32x128xf32, #tpu.memory_space<hbm>>
    tpu.enqueue_dma source(%dma_start3A_975 : memref<32x128xf32, #tpu.memory_space<hbm>>) target(%dma_start3A_973 : memref<32x128xf32, #tpu.memory_space<vmem>>) target_semaphore(%arg25 : memref<!tpu.dma_semaphore, #tpu.memory_space<semaphore_mem>>)
    %dma_wait3A_976 = arith.constant 6 : i32
    %dma_wait3A_977 = arith.constant 0 : i32
    %dma_wait3A_978 = arith.constant 0 : i32
    %dma_wait3A_979 = tpu.memref_slice %arg9[%dma_wait3A_976, %dma_wait3A_977, %dma_wait3A_978] : memref<8x32x128xf32, #tpu.memory_space<vmem>> -> memref<1x32x128xf32, #tpu.memory_space<vmem>>
    %dma_wait3A_980 = tpu.memref_squeeze %dma_wait3A_979 : memref<1x32x128xf32, #tpu.memory_space<vmem>> -> memref<32x128xf32, #tpu.memory_space<vmem>>
    %dma_wait3A_981 = arith.constant 0 : i32
    %dma_wait3A_982 = arith.constant 0 : i32
    %dma_wait3A_983 = tpu.memref_slice %arg4[%dma_wait3A_981, %dma_wait3A_982] : memref<32x1000000xf32, #tpu.memory_space<hbm>> -> memref<32x128xf32, #tpu.memory_space<hbm>>
    %dma_wait3A_984 = arith.constant 0 : i32
    %dma_wait3A_985 = arith.constant 0 : i32
    %dma_wait3A_986 = tpu.memref_slice %arg9[%dma_wait3A_976, %dma_wait3A_984, %dma_wait3A_985] : memref<8x32x128xf32, #tpu.memory_space<vmem>> -> memref<1x32x128xf32, #tpu.memory_space<vmem>>
    %dma_wait3A_987 = tpu.memref_squeeze %dma_wait3A_986 : memref<1x32x128xf32, #tpu.memory_space<vmem>> -> memref<32x128xf32, #tpu.memory_space<vmem>>
    %dma_wait3A_988 = arith.constant 0 : i32
    %dma_wait3A_989 = arith.constant 0 : i32
    %dma_wait3A_990 = tpu.memref_slice %arg4[%dma_wait3A_988, %dma_wait3A_989] : memref<32x1000000xf32, #tpu.memory_space<hbm>> -> memref<32x128xf32, #tpu.memory_space<hbm>>
    tpu.wait_dma2 semaphore(%arg18 : memref<!tpu.dma_semaphore, #tpu.memory_space<semaphore_mem>>) src(%dma_wait3A_990 : memref<32x128xf32, #tpu.memory_space<hbm>>) dst(%dma_wait3A_987 : memref<32x128xf32, #tpu.memory_space<vmem>>)
    %dma_wait3A_991 = arith.constant 6 : i32
    %dma_wait3A_992 = arith.constant 0 : i32
    %dma_wait3A_993 = arith.constant 0 : i32
    %dma_wait3A_994 = tpu.memref_slice %arg10[%dma_wait3A_991, %dma_wait3A_992, %dma_wait3A_993] : memref<8x32x128xf32, #tpu.memory_space<vmem>> -> memref<1x32x128xf32, #tpu.memory_space<vmem>>
    %dma_wait3A_995 = tpu.memref_squeeze %dma_wait3A_994 : memref<1x32x128xf32, #tpu.memory_space<vmem>> -> memref<32x128xf32, #tpu.memory_space<vmem>>
    %dma_wait3A_996 = arith.constant 0 : i32
    %dma_wait3A_997 = arith.constant 0 : i32
    %dma_wait3A_998 = tpu.memref_slice %arg5[%dma_wait3A_996, %dma_wait3A_997] : memref<32x1000000xf32, #tpu.memory_space<hbm>> -> memref<32x128xf32, #tpu.memory_space<hbm>>
    %dma_wait3A_999 = arith.constant 0 : i32
    %dma_wait3A_1000 = arith.constant 0 : i32
    %dma_wait3A_1001 = tpu.memref_slice %arg10[%dma_wait3A_991, %dma_wait3A_999, %dma_wait3A_1000] : memref<8x32x128xf32, #tpu.memory_space<vmem>> -> memref<1x32x128xf32, #tpu.memory_space<vmem>>
    %dma_wait3A_1002 = tpu.memref_squeeze %dma_wait3A_1001 : memref<1x32x128xf32, #tpu.memory_space<vmem>> -> memref<32x128xf32, #tpu.memory_space<vmem>>
    %dma_wait3A_1003 = arith.constant 0 : i32
    %dma_wait3A_1004 = arith.constant 0 : i32
    %dma_wait3A_1005 = tpu.memref_slice %arg5[%dma_wait3A_1003, %dma_wait3A_1004] : memref<32x1000000xf32, #tpu.memory_space<hbm>> -> memref<32x128xf32, #tpu.memory_space<hbm>>
    tpu.wait_dma2 semaphore(%arg26 : memref<!tpu.dma_semaphore, #tpu.memory_space<semaphore_mem>>) src(%dma_wait3A_1005 : memref<32x128xf32, #tpu.memory_space<hbm>>) dst(%dma_wait3A_1002 : memref<32x128xf32, #tpu.memory_space<vmem>>)
    %slice3A_1006 = vector.extract_strided_slice %get3A_329 {offsets = [6], sizes = [1], strides = [1]} : vector<16xi32> to vector<1xi32>
    %squeeze3A_1007 = vector.extract %slice3A_1006[0] : i32 from vector<1xi32>
    %and3A_1008 = arith.constant 127 : i32
    %and3A_1009 = arith.andi %squeeze3A_1007, %and3A_1008 : i32
    %broadcast_in_dim3A_1010 = vector.broadcast %and3A_1009 : i32 to vector<16xi32>
    %slice3A_1011 = vector.extract_strided_slice %get3A_331 {offsets = [6], sizes = [1], strides = [1]} : vector<16xi32> to vector<1xi32>
    %squeeze3A_1012 = vector.extract %slice3A_1011[0] : i32 from vector<1xi32>
    %and3A_1013 = arith.constant 127 : i32
    %and3A_1014 = arith.andi %squeeze3A_1012, %and3A_1013 : i32
    %broadcast_in_dim3A_1015 = vector.broadcast %and3A_1014 : i32 to vector<16xi32>
    %broadcast_in_dim3A_1016 = arith.constant 502 : i32
    %broadcast_in_dim3A_1017 = vector.broadcast %broadcast_in_dim3A_1016 : i32 to vector<16xi32>
    %gather3A_1018 = arith.constant 6 : i32
    %gather3A_1019 = arith.constant 0 : i32
    %gather3A_1020 = arith.constant 0 : i32
    %gather3A_1021 = tpu.memref_slice %arg9[%gather3A_1018, %gather3A_1019, %gather3A_1020] : memref<8x32x128xf32, #tpu.memory_space<vmem>> -> memref<1x32x128xf32, #tpu.memory_space<vmem>>
    %gather3A_1022 = tpu.memref_squeeze %gather3A_1021 : memref<1x32x128xf32, #tpu.memory_space<vmem>> -> memref<32x128xf32, #tpu.memory_space<vmem>>
    %gather3A_1023 = tpu.vector_load_idx %gather3A_1022[%iota3A, %broadcast_in_dim3A_1010] : memref<32x128xf32, #tpu.memory_space<vmem>>[vector<16xi32>, vector<16xi32>], vector<16xf32>,
    %gather3A_1024 = arith.constant 6 : i32
    %gather3A_1025 = arith.constant 0 : i32
    %gather3A_1026 = arith.constant 0 : i32
    %gather3A_1027 = tpu.memref_slice %arg10[%gather3A_1024, %gather3A_1025, %gather3A_1026] : memref<8x32x128xf32, #tpu.memory_space<vmem>> -> memref<1x32x128xf32, #tpu.memory_space<vmem>>
    %gather3A_1028 = tpu.memref_squeeze %gather3A_1027 : memref<1x32x128xf32, #tpu.memory_space<vmem>> -> memref<32x128xf32, #tpu.memory_space<vmem>>
    %gather3A_1029 = tpu.vector_load_idx %gather3A_1028[%iota3A, %broadcast_in_dim3A_1015] : memref<32x128xf32, #tpu.memory_space<vmem>>[vector<16xi32>, vector<16xi32>], vector<16xf32>,
    %mul3A_1030 = arith.mulf %gather3A_1023, %gather3A_1029 : vector<16xf32>
    tpu.vector_store_idx %arg11[%iota3A, %broadcast_in_dim3A_1017], %mul3A_1030 : memref<32x512xf32, #tpu.memory_space<vmem>>[vector<16xi32>, vector<16xi32>], vector<16xf32>,
    %gather3A_1031 = arith.constant 6 : i32
    %gather3A_1032 = arith.constant 0 : i32
    %gather3A_1033 = arith.constant 0 : i32
    %gather3A_1034 = tpu.memref_slice %arg9[%gather3A_1031, %gather3A_1032, %gather3A_1033] : memref<8x32x128xf32, #tpu.memory_space<vmem>> -> memref<1x32x128xf32, #tpu.memory_space<vmem>>
    %gather3A_1035 = tpu.memref_squeeze %gather3A_1034 : memref<1x32x128xf32, #tpu.memory_space<vmem>> -> memref<32x128xf32, #tpu.memory_space<vmem>>
    %gather3A_1036 = tpu.vector_load_idx %gather3A_1035[%add3A_5, %broadcast_in_dim3A_1010] : memref<32x128xf32, #tpu.memory_space<vmem>>[vector<16xi32>, vector<16xi32>], vector<16xf32>,
    %gather3A_1037 = arith.constant 6 : i32
    %gather3A_1038 = arith.constant 0 : i32
    %gather3A_1039 = arith.constant 0 : i32
    %gather3A_1040 = tpu.memref_slice %arg10[%gather3A_1037, %gather3A_1038, %gather3A_1039] : memref<8x32x128xf32, #tpu.memory_space<vmem>> -> memref<1x32x128xf32, #tpu.memory_space<vmem>>
    %gather3A_1041 = tpu.memref_squeeze %gather3A_1040 : memref<1x32x128xf32, #tpu.memory_space<vmem>> -> memref<32x128xf32, #tpu.memory_space<vmem>>
    %gather3A_1042 = tpu.vector_load_idx %gather3A_1041[%add3A_5, %broadcast_in_dim3A_1015] : memref<32x128xf32, #tpu.memory_space<vmem>>[vector<16xi32>, vector<16xi32>], vector<16xf32>,
    %mul3A_1043 = arith.mulf %gather3A_1036, %gather3A_1042 : vector<16xf32>
    tpu.vector_store_idx %arg11[%add3A_5, %broadcast_in_dim3A_1017], %mul3A_1043 : memref<32x512xf32, #tpu.memory_space<vmem>>[vector<16xi32>, vector<16xi32>], vector<16xf32>,
    %slice3A_1044 = vector.extract_strided_slice %get3A_329 {offsets = [14], sizes = [1], strides = [1]} : vector<16xi32> to vector<1xi32>
    %squeeze3A_1045 = vector.extract %slice3A_1044[0] : i32 from vector<1xi32>
    %shift_right_arithmetic3A_1046 = arith.constant 7 : i32
    %shift_right_arithmetic3A_1047 = arith.shrsi %squeeze3A_1045, %shift_right_arithmetic3A_1046 : i32
    %shift_left3A_1048 = arith.constant 7 : i32
    %shift_left3A_1049 = arith.shli %shift_right_arithmetic3A_1047, %shift_left3A_1048 : i32
    %multiple_of3A_1050 = tpu.assume_multiple %shift_left3A_1049, 128 : i32
    %slice3A_1051 = vector.extract_strided_slice %get3A_331 {offsets = [14], sizes = [1], strides = [1]} : vector<16xi32> to vector<1xi32>
    %squeeze3A_1052 = vector.extract %slice3A_1051[0] : i32 from vector<1xi32>
    %shift_right_arithmetic3A_1053 = arith.constant 7 : i32
    %shift_right_arithmetic3A_1054 = arith.shrsi %squeeze3A_1052, %shift_right_arithmetic3A_1053 : i32
    %shift_left3A_1055 = arith.constant 7 : i32
    %shift_left3A_1056 = arith.shli %shift_right_arithmetic3A_1054, %shift_left3A_1055 : i32
    %multiple_of3A_1057 = tpu.assume_multiple %shift_left3A_1056, 128 : i32
    %dma_start3A_1058 = arith.constant 6 : i32
    %dma_start3A_1059 = arith.constant 0 : i32
    %dma_start3A_1060 = arith.constant 0 : i32
    %dma_start3A_1061 = tpu.memref_slice %arg9[%dma_start3A_1058, %dma_start3A_1059, %dma_start3A_1060] : memref<8x32x128xf32, #tpu.memory_space<vmem>> -> memref<1x32x128xf32, #tpu.memory_space<vmem>>
    %dma_start3A_1062 = tpu.memref_squeeze %dma_start3A_1061 : memref<1x32x128xf32, #tpu.memory_space<vmem>> -> memref<32x128xf32, #tpu.memory_space<vmem>>
    %dma_start3A_1063 = arith.constant 0 : i32
    %dma_start3A_1064 = tpu.memref_slice %arg4[%dma_start3A_1063, %multiple_of3A_1050] : memref<32x1000000xf32, #tpu.memory_space<hbm>> -> memref<32x128xf32, #tpu.memory_space<hbm>>
    %dma_start3A_1065 = arith.constant 0 : i32
    %dma_start3A_1066 = arith.constant 0 : i32
    %dma_start3A_1067 = tpu.memref_slice %arg9[%dma_start3A_1058, %dma_start3A_1065, %dma_start3A_1066] : memref<8x32x128xf32, #tpu.memory_space<vmem>> -> memref<1x32x128xf32, #tpu.memory_space<vmem>>
    %dma_start3A_1068 = tpu.memref_squeeze %dma_start3A_1067 : memref<1x32x128xf32, #tpu.memory_space<vmem>> -> memref<32x128xf32, #tpu.memory_space<vmem>>
    %dma_start3A_1069 = arith.constant 0 : i32
    %dma_start3A_1070 = tpu.memref_slice %arg4[%dma_start3A_1069, %multiple_of3A_1050] : memref<32x1000000xf32, #tpu.memory_space<hbm>> -> memref<32x128xf32, #tpu.memory_space<hbm>>
    tpu.enqueue_dma source(%dma_start3A_1070 : memref<32x128xf32, #tpu.memory_space<hbm>>) target(%dma_start3A_1068 : memref<32x128xf32, #tpu.memory_space<vmem>>) target_semaphore(%arg18 : memref<!tpu.dma_semaphore, #tpu.memory_space<semaphore_mem>>)
    %dma_start3A_1071 = arith.constant 6 : i32
    %dma_start3A_1072 = arith.constant 0 : i32
    %dma_start3A_1073 = arith.constant 0 : i32
    %dma_start3A_1074 = tpu.memref_slice %arg10[%dma_start3A_1071, %dma_start3A_1072, %dma_start3A_1073] : memref<8x32x128xf32, #tpu.memory_space<vmem>> -> memref<1x32x128xf32, #tpu.memory_space<vmem>>
    %dma_start3A_1075 = tpu.memref_squeeze %dma_start3A_1074 : memref<1x32x128xf32, #tpu.memory_space<vmem>> -> memref<32x128xf32, #tpu.memory_space<vmem>>
    %dma_start3A_1076 = arith.constant 0 : i32
    %dma_start3A_1077 = tpu.memref_slice %arg5[%dma_start3A_1076, %multiple_of3A_1057] : memref<32x1000000xf32, #tpu.memory_space<hbm>> -> memref<32x128xf32, #tpu.memory_space<hbm>>
    %dma_start3A_1078 = arith.constant 0 : i32
    %dma_start3A_1079 = arith.constant 0 : i32
    %dma_start3A_1080 = tpu.memref_slice %arg10[%dma_start3A_1071, %dma_start3A_1078, %dma_start3A_1079] : memref<8x32x128xf32, #tpu.memory_space<vmem>> -> memref<1x32x128xf32, #tpu.memory_space<vmem>>
    %dma_start3A_1081 = tpu.memref_squeeze %dma_start3A_1080 : memref<1x32x128xf32, #tpu.memory_space<vmem>> -> memref<32x128xf32, #tpu.memory_space<vmem>>
    %dma_start3A_1082 = arith.constant 0 : i32
    %dma_start3A_1083 = tpu.memref_slice %arg5[%dma_start3A_1082, %multiple_of3A_1057] : memref<32x1000000xf32, #tpu.memory_space<hbm>> -> memref<32x128xf32, #tpu.memory_space<hbm>>
    tpu.enqueue_dma source(%dma_start3A_1083 : memref<32x128xf32, #tpu.memory_space<hbm>>) target(%dma_start3A_1081 : memref<32x128xf32, #tpu.memory_space<vmem>>) target_semaphore(%arg26 : memref<!tpu.dma_semaphore, #tpu.memory_space<semaphore_mem>>)
    %dma_wait3A_1084 = arith.constant 7 : i32
    %dma_wait3A_1085 = arith.constant 0 : i32
    %dma_wait3A_1086 = arith.constant 0 : i32
    %dma_wait3A_1087 = tpu.memref_slice %arg9[%dma_wait3A_1084, %dma_wait3A_1085, %dma_wait3A_1086] : memref<8x32x128xf32, #tpu.memory_space<vmem>> -> memref<1x32x128xf32, #tpu.memory_space<vmem>>
    %dma_wait3A_1088 = tpu.memref_squeeze %dma_wait3A_1087 : memref<1x32x128xf32, #tpu.memory_space<vmem>> -> memref<32x128xf32, #tpu.memory_space<vmem>>
    %dma_wait3A_1089 = arith.constant 0 : i32
    %dma_wait3A_1090 = arith.constant 0 : i32
    %dma_wait3A_1091 = tpu.memref_slice %arg4[%dma_wait3A_1089, %dma_wait3A_1090] : memref<32x1000000xf32, #tpu.memory_space<hbm>> -> memref<32x128xf32, #tpu.memory_space<hbm>>
    %dma_wait3A_1092 = arith.constant 0 : i32
    %dma_wait3A_1093 = arith.constant 0 : i32
    %dma_wait3A_1094 = tpu.memref_slice %arg9[%dma_wait3A_1084, %dma_wait3A_1092, %dma_wait3A_1093] : memref<8x32x128xf32, #tpu.memory_space<vmem>> -> memref<1x32x128xf32, #tpu.memory_space<vmem>>
    %dma_wait3A_1095 = tpu.memref_squeeze %dma_wait3A_1094 : memref<1x32x128xf32, #tpu.memory_space<vmem>> -> memref<32x128xf32, #tpu.memory_space<vmem>>
    %dma_wait3A_1096 = arith.constant 0 : i32
    %dma_wait3A_1097 = arith.constant 0 : i32
    %dma_wait3A_1098 = tpu.memref_slice %arg4[%dma_wait3A_1096, %dma_wait3A_1097] : memref<32x1000000xf32, #tpu.memory_space<hbm>> -> memref<32x128xf32, #tpu.memory_space<hbm>>
    tpu.wait_dma2 semaphore(%arg19 : memref<!tpu.dma_semaphore, #tpu.memory_space<semaphore_mem>>) src(%dma_wait3A_1098 : memref<32x128xf32, #tpu.memory_space<hbm>>) dst(%dma_wait3A_1095 : memref<32x128xf32, #tpu.memory_space<vmem>>)
    %dma_wait3A_1099 = arith.constant 7 : i32
    %dma_wait3A_1100 = arith.constant 0 : i32
    %dma_wait3A_1101 = arith.constant 0 : i32
    %dma_wait3A_1102 = tpu.memref_slice %arg10[%dma_wait3A_1099, %dma_wait3A_1100, %dma_wait3A_1101] : memref<8x32x128xf32, #tpu.memory_space<vmem>> -> memref<1x32x128xf32, #tpu.memory_space<vmem>>
    %dma_wait3A_1103 = tpu.memref_squeeze %dma_wait3A_1102 : memref<1x32x128xf32, #tpu.memory_space<vmem>> -> memref<32x128xf32, #tpu.memory_space<vmem>>
    %dma_wait3A_1104 = arith.constant 0 : i32
    %dma_wait3A_1105 = arith.constant 0 : i32
    %dma_wait3A_1106 = tpu.memref_slice %arg5[%dma_wait3A_1104, %dma_wait3A_1105] : memref<32x1000000xf32, #tpu.memory_space<hbm>> -> memref<32x128xf32, #tpu.memory_space<hbm>>
    %dma_wait3A_1107 = arith.constant 0 : i32
    %dma_wait3A_1108 = arith.constant 0 : i32
    %dma_wait3A_1109 = tpu.memref_slice %arg10[%dma_wait3A_1099, %dma_wait3A_1107, %dma_wait3A_1108] : memref<8x32x128xf32, #tpu.memory_space<vmem>> -> memref<1x32x128xf32, #tpu.memory_space<vmem>>
    %dma_wait3A_1110 = tpu.memref_squeeze %dma_wait3A_1109 : memref<1x32x128xf32, #tpu.memory_space<vmem>> -> memref<32x128xf32, #tpu.memory_space<vmem>>
    %dma_wait3A_1111 = arith.constant 0 : i32
    %dma_wait3A_1112 = arith.constant 0 : i32
    %dma_wait3A_1113 = tpu.memref_slice %arg5[%dma_wait3A_1111, %dma_wait3A_1112] : memref<32x1000000xf32, #tpu.memory_space<hbm>> -> memref<32x128xf32, #tpu.memory_space<hbm>>
    tpu.wait_dma2 semaphore(%arg27 : memref<!tpu.dma_semaphore, #tpu.memory_space<semaphore_mem>>) src(%dma_wait3A_1113 : memref<32x128xf32, #tpu.memory_space<hbm>>) dst(%dma_wait3A_1110 : memref<32x128xf32, #tpu.memory_space<vmem>>)
    %slice3A_1114 = vector.extract_strided_slice %get3A_329 {offsets = [7], sizes = [1], strides = [1]} : vector<16xi32> to vector<1xi32>
    %squeeze3A_1115 = vector.extract %slice3A_1114[0] : i32 from vector<1xi32>
    %and3A_1116 = arith.constant 127 : i32
    %and3A_1117 = arith.andi %squeeze3A_1115, %and3A_1116 : i32
    %broadcast_in_dim3A_1118 = vector.broadcast %and3A_1117 : i32 to vector<16xi32>
    %slice3A_1119 = vector.extract_strided_slice %get3A_331 {offsets = [7], sizes = [1], strides = [1]} : vector<16xi32> to vector<1xi32>
    %squeeze3A_1120 = vector.extract %slice3A_1119[0] : i32 from vector<1xi32>
    %and3A_1121 = arith.constant 127 : i32
    %and3A_1122 = arith.andi %squeeze3A_1120, %and3A_1121 : i32
    %broadcast_in_dim3A_1123 = vector.broadcast %and3A_1122 : i32 to vector<16xi32>
    %broadcast_in_dim3A_1124 = arith.constant 503 : i32
    %broadcast_in_dim3A_1125 = vector.broadcast %broadcast_in_dim3A_1124 : i32 to vector<16xi32>
    %gather3A_1126 = arith.constant 7 : i32
    %gather3A_1127 = arith.constant 0 : i32
    %gather3A_1128 = arith.constant 0 : i32
    %gather3A_1129 = tpu.memref_slice %arg9[%gather3A_1126, %gather3A_1127, %gather3A_1128] : memref<8x32x128xf32, #tpu.memory_space<vmem>> -> memref<1x32x128xf32, #tpu.memory_space<vmem>>
    %gather3A_1130 = tpu.memref_squeeze %gather3A_1129 : memref<1x32x128xf32, #tpu.memory_space<vmem>> -> memref<32x128xf32, #tpu.memory_space<vmem>>
    %gather3A_1131 = tpu.vector_load_idx %gather3A_1130[%iota3A, %broadcast_in_dim3A_1118] : memref<32x128xf32, #tpu.memory_space<vmem>>[vector<16xi32>, vector<16xi32>], vector<16xf32>,
    %gather3A_1132 = arith.constant 7 : i32
    %gather3A_1133 = arith.constant 0 : i32
    %gather3A_1134 = arith.constant 0 : i32
    %gather3A_1135 = tpu.memref_slice %arg10[%gather3A_1132, %gather3A_1133, %gather3A_1134] : memref<8x32x128xf32, #tpu.memory_space<vmem>> -> memref<1x32x128xf32, #tpu.memory_space<vmem>>
    %gather3A_1136 = tpu.memref_squeeze %gather3A_1135 : memref<1x32x128xf32, #tpu.memory_space<vmem>> -> memref<32x128xf32, #tpu.memory_space<vmem>>
    %gather3A_1137 = tpu.vector_load_idx %gather3A_1136[%iota3A, %broadcast_in_dim3A_1123] : memref<32x128xf32, #tpu.memory_space<vmem>>[vector<16xi32>, vector<16xi32>], vector<16xf32>,
    %mul3A_1138 = arith.mulf %gather3A_1131, %gather3A_1137 : vector<16xf32>
    tpu.vector_store_idx %arg11[%iota3A, %broadcast_in_dim3A_1125], %mul3A_1138 : memref<32x512xf32, #tpu.memory_space<vmem>>[vector<16xi32>, vector<16xi32>], vector<16xf32>,
    %gather3A_1139 = arith.constant 7 : i32
    %gather3A_1140 = arith.constant 0 : i32
    %gather3A_1141 = arith.constant 0 : i32
    %gather3A_1142 = tpu.memref_slice %arg9[%gather3A_1139, %gather3A_1140, %gather3A_1141] : memref<8x32x128xf32, #tpu.memory_space<vmem>> -> memref<1x32x128xf32, #tpu.memory_space<vmem>>
    %gather3A_1143 = tpu.memref_squeeze %gather3A_1142 : memref<1x32x128xf32, #tpu.memory_space<vmem>> -> memref<32x128xf32, #tpu.memory_space<vmem>>
    %gather3A_1144 = tpu.vector_load_idx %gather3A_1143[%add3A_5, %broadcast_in_dim3A_1118] : memref<32x128xf32, #tpu.memory_space<vmem>>[vector<16xi32>, vector<16xi32>], vector<16xf32>,
    %gather3A_1145 = arith.constant 7 : i32
    %gather3A_1146 = arith.constant 0 : i32
    %gather3A_1147 = arith.constant 0 : i32
    %gather3A_1148 = tpu.memref_slice %arg10[%gather3A_1145, %gather3A_1146, %gather3A_1147] : memref<8x32x128xf32, #tpu.memory_space<vmem>> -> memref<1x32x128xf32, #tpu.memory_space<vmem>>
    %gather3A_1149 = tpu.memref_squeeze %gather3A_1148 : memref<1x32x128xf32, #tpu.memory_space<vmem>> -> memref<32x128xf32, #tpu.memory_space<vmem>>
    %gather3A_1150 = tpu.vector_load_idx %gather3A_1149[%add3A_5, %broadcast_in_dim3A_1123] : memref<32x128xf32, #tpu.memory_space<vmem>>[vector<16xi32>, vector<16xi32>], vector<16xf32>,
    %mul3A_1151 = arith.mulf %gather3A_1144, %gather3A_1150 : vector<16xf32>
    tpu.vector_store_idx %arg11[%add3A_5, %broadcast_in_dim3A_1125], %mul3A_1151 : memref<32x512xf32, #tpu.memory_space<vmem>>[vector<16xi32>, vector<16xi32>], vector<16xf32>,
    %slice3A_1152 = vector.extract_strided_slice %get3A_329 {offsets = [15], sizes = [1], strides = [1]} : vector<16xi32> to vector<1xi32>
    %squeeze3A_1153 = vector.extract %slice3A_1152[0] : i32 from vector<1xi32>
    %shift_right_arithmetic3A_1154 = arith.constant 7 : i32
    %shift_right_arithmetic3A_1155 = arith.shrsi %squeeze3A_1153, %shift_right_arithmetic3A_1154 : i32
    %shift_left3A_1156 = arith.constant 7 : i32
    %shift_left3A_1157 = arith.shli %shift_right_arithmetic3A_1155, %shift_left3A_1156 : i32
    %multiple_of3A_1158 = tpu.assume_multiple %shift_left3A_1157, 128 : i32
    %slice3A_1159 = vector.extract_strided_slice %get3A_331 {offsets = [15], sizes = [1], strides = [1]} : vector<16xi32> to vector<1xi32>
    %squeeze3A_1160 = vector.extract %slice3A_1159[0] : i32 from vector<1xi32>
    %shift_right_arithmetic3A_1161 = arith.constant 7 : i32
    %shift_right_arithmetic3A_1162 = arith.shrsi %squeeze3A_1160, %shift_right_arithmetic3A_1161 : i32
    %shift_left3A_1163 = arith.constant 7 : i32
    %shift_left3A_1164 = arith.shli %shift_right_arithmetic3A_1162, %shift_left3A_1163 : i32
    %multiple_of3A_1165 = tpu.assume_multiple %shift_left3A_1164, 128 : i32
    %dma_start3A_1166 = arith.constant 7 : i32
    %dma_start3A_1167 = arith.constant 0 : i32
    %dma_start3A_1168 = arith.constant 0 : i32
    %dma_start3A_1169 = tpu.memref_slice %arg9[%dma_start3A_1166, %dma_start3A_1167, %dma_start3A_1168] : memref<8x32x128xf32, #tpu.memory_space<vmem>> -> memref<1x32x128xf32, #tpu.memory_space<vmem>>
    %dma_start3A_1170 = tpu.memref_squeeze %dma_start3A_1169 : memref<1x32x128xf32, #tpu.memory_space<vmem>> -> memref<32x128xf32, #tpu.memory_space<vmem>>
    %dma_start3A_1171 = arith.constant 0 : i32
    %dma_start3A_1172 = tpu.memref_slice %arg4[%dma_start3A_1171, %multiple_of3A_1158] : memref<32x1000000xf32, #tpu.memory_space<hbm>> -> memref<32x128xf32, #tpu.memory_space<hbm>>
    %dma_start3A_1173 = arith.constant 0 : i32
    %dma_start3A_1174 = arith.constant 0 : i32
    %dma_start3A_1175 = tpu.memref_slice %arg9[%dma_start3A_1166, %dma_start3A_1173, %dma_start3A_1174] : memref<8x32x128xf32, #tpu.memory_space<vmem>> -> memref<1x32x128xf32, #tpu.memory_space<vmem>>
    %dma_start3A_1176 = tpu.memref_squeeze %dma_start3A_1175 : memref<1x32x128xf32, #tpu.memory_space<vmem>> -> memref<32x128xf32, #tpu.memory_space<vmem>>
    %dma_start3A_1177 = arith.constant 0 : i32
    %dma_start3A_1178 = tpu.memref_slice %arg4[%dma_start3A_1177, %multiple_of3A_1158] : memref<32x1000000xf32, #tpu.memory_space<hbm>> -> memref<32x128xf32, #tpu.memory_space<hbm>>
    tpu.enqueue_dma source(%dma_start3A_1178 : memref<32x128xf32, #tpu.memory_space<hbm>>) target(%dma_start3A_1176 : memref<32x128xf32, #tpu.memory_space<vmem>>) target_semaphore(%arg19 : memref<!tpu.dma_semaphore, #tpu.memory_space<semaphore_mem>>)
    %dma_start3A_1179 = arith.constant 7 : i32
    %dma_start3A_1180 = arith.constant 0 : i32
    %dma_start3A_1181 = arith.constant 0 : i32
    %dma_start3A_1182 = tpu.memref_slice %arg10[%dma_start3A_1179, %dma_start3A_1180, %dma_start3A_1181] : memref<8x32x128xf32, #tpu.memory_space<vmem>> -> memref<1x32x128xf32, #tpu.memory_space<vmem>>
    %dma_start3A_1183 = tpu.memref_squeeze %dma_start3A_1182 : memref<1x32x128xf32, #tpu.memory_space<vmem>> -> memref<32x128xf32, #tpu.memory_space<vmem>>
    %dma_start3A_1184 = arith.constant 0 : i32
    %dma_start3A_1185 = tpu.memref_slice %arg5[%dma_start3A_1184, %multiple_of3A_1165] : memref<32x1000000xf32, #tpu.memory_space<hbm>> -> memref<32x128xf32, #tpu.memory_space<hbm>>
    %dma_start3A_1186 = arith.constant 0 : i32
    %dma_start3A_1187 = arith.constant 0 : i32
    %dma_start3A_1188 = tpu.memref_slice %arg10[%dma_start3A_1179, %dma_start3A_1186, %dma_start3A_1187] : memref<8x32x128xf32, #tpu.memory_space<vmem>> -> memref<1x32x128xf32, #tpu.memory_space<vmem>>
    %dma_start3A_1189 = tpu.memref_squeeze %dma_start3A_1188 : memref<1x32x128xf32, #tpu.memory_space<vmem>> -> memref<32x128xf32, #tpu.memory_space<vmem>>
    %dma_start3A_1190 = arith.constant 0 : i32
    %dma_start3A_1191 = tpu.memref_slice %arg5[%dma_start3A_1190, %multiple_of3A_1165] : memref<32x1000000xf32, #tpu.memory_space<hbm>> -> memref<32x128xf32, #tpu.memory_space<hbm>>
    tpu.enqueue_dma source(%dma_start3A_1191 : memref<32x128xf32, #tpu.memory_space<hbm>>) target(%dma_start3A_1189 : memref<32x128xf32, #tpu.memory_space<vmem>>) target_semaphore(%arg27 : memref<!tpu.dma_semaphore, #tpu.memory_space<semaphore_mem>>)
    %dma_wait3A_1192 = arith.constant 0 : i32
    %dma_wait3A_1193 = arith.constant 0 : i32
    %dma_wait3A_1194 = arith.constant 0 : i32
    %dma_wait3A_1195 = tpu.memref_slice %arg9[%dma_wait3A_1192, %dma_wait3A_1193, %dma_wait3A_1194] : memref<8x32x128xf32, #tpu.memory_space<vmem>> -> memref<1x32x128xf32, #tpu.memory_space<vmem>>
    %dma_wait3A_1196 = tpu.memref_squeeze %dma_wait3A_1195 : memref<1x32x128xf32, #tpu.memory_space<vmem>> -> memref<32x128xf32, #tpu.memory_space<vmem>>
    %dma_wait3A_1197 = arith.constant 0 : i32
    %dma_wait3A_1198 = arith.constant 0 : i32
    %dma_wait3A_1199 = tpu.memref_slice %arg4[%dma_wait3A_1197, %dma_wait3A_1198] : memref<32x1000000xf32, #tpu.memory_space<hbm>> -> memref<32x128xf32, #tpu.memory_space<hbm>>
    %dma_wait3A_1200 = arith.constant 0 : i32
    %dma_wait3A_1201 = arith.constant 0 : i32
    %dma_wait3A_1202 = tpu.memref_slice %arg9[%dma_wait3A_1192, %dma_wait3A_1200, %dma_wait3A_1201] : memref<8x32x128xf32, #tpu.memory_space<vmem>> -> memref<1x32x128xf32, #tpu.memory_space<vmem>>
    %dma_wait3A_1203 = tpu.memref_squeeze %dma_wait3A_1202 : memref<1x32x128xf32, #tpu.memory_space<vmem>> -> memref<32x128xf32, #tpu.memory_space<vmem>>
    %dma_wait3A_1204 = arith.constant 0 : i32
    %dma_wait3A_1205 = arith.constant 0 : i32
    %dma_wait3A_1206 = tpu.memref_slice %arg4[%dma_wait3A_1204, %dma_wait3A_1205] : memref<32x1000000xf32, #tpu.memory_space<hbm>> -> memref<32x128xf32, #tpu.memory_space<hbm>>
    tpu.wait_dma2 semaphore(%arg12 : memref<!tpu.dma_semaphore, #tpu.memory_space<semaphore_mem>>) src(%dma_wait3A_1206 : memref<32x128xf32, #tpu.memory_space<hbm>>) dst(%dma_wait3A_1203 : memref<32x128xf32, #tpu.memory_space<vmem>>)
    %dma_wait3A_1207 = arith.constant 0 : i32
    %dma_wait3A_1208 = arith.constant 0 : i32
    %dma_wait3A_1209 = arith.constant 0 : i32
    %dma_wait3A_1210 = tpu.memref_slice %arg10[%dma_wait3A_1207, %dma_wait3A_1208, %dma_wait3A_1209] : memref<8x32x128xf32, #tpu.memory_space<vmem>> -> memref<1x32x128xf32, #tpu.memory_space<vmem>>
    %dma_wait3A_1211 = tpu.memref_squeeze %dma_wait3A_1210 : memref<1x32x128xf32, #tpu.memory_space<vmem>> -> memref<32x128xf32, #tpu.memory_space<vmem>>
    %dma_wait3A_1212 = arith.constant 0 : i32
    %dma_wait3A_1213 = arith.constant 0 : i32
    %dma_wait3A_1214 = tpu.memref_slice %arg5[%dma_wait3A_1212, %dma_wait3A_1213] : memref<32x1000000xf32, #tpu.memory_space<hbm>> -> memref<32x128xf32, #tpu.memory_space<hbm>>
    %dma_wait3A_1215 = arith.constant 0 : i32
    %dma_wait3A_1216 = arith.constant 0 : i32
    %dma_wait3A_1217 = tpu.memref_slice %arg10[%dma_wait3A_1207, %dma_wait3A_1215, %dma_wait3A_1216] : memref<8x32x128xf32, #tpu.memory_space<vmem>> -> memref<1x32x128xf32, #tpu.memory_space<vmem>>
    %dma_wait3A_1218 = tpu.memref_squeeze %dma_wait3A_1217 : memref<1x32x128xf32, #tpu.memory_space<vmem>> -> memref<32x128xf32, #tpu.memory_space<vmem>>
    %dma_wait3A_1219 = arith.constant 0 : i32
    %dma_wait3A_1220 = arith.constant 0 : i32
    %dma_wait3A_1221 = tpu.memref_slice %arg5[%dma_wait3A_1219, %dma_wait3A_1220] : memref<32x1000000xf32, #tpu.memory_space<hbm>> -> memref<32x128xf32, #tpu.memory_space<hbm>>
    tpu.wait_dma2 semaphore(%arg20 : memref<!tpu.dma_semaphore, #tpu.memory_space<semaphore_mem>>) src(%dma_wait3A_1221 : memref<32x128xf32, #tpu.memory_space<hbm>>) dst(%dma_wait3A_1218 : memref<32x128xf32, #tpu.memory_space<vmem>>)
    %slice3A_1222 = vector.extract_strided_slice %get3A_329 {offsets = [8], sizes = [1], strides = [1]} : vector<16xi32> to vector<1xi32>
    %squeeze3A_1223 = vector.extract %slice3A_1222[0] : i32 from vector<1xi32>
    %and3A_1224 = arith.constant 127 : i32
    %and3A_1225 = arith.andi %squeeze3A_1223, %and3A_1224 : i32
    %broadcast_in_dim3A_1226 = vector.broadcast %and3A_1225 : i32 to vector<16xi32>
    %slice3A_1227 = vector.extract_strided_slice %get3A_331 {offsets = [8], sizes = [1], strides = [1]} : vector<16xi32> to vector<1xi32>
    %squeeze3A_1228 = vector.extract %slice3A_1227[0] : i32 from vector<1xi32>
    %and3A_1229 = arith.constant 127 : i32
    %and3A_1230 = arith.andi %squeeze3A_1228, %and3A_1229 : i32
    %broadcast_in_dim3A_1231 = vector.broadcast %and3A_1230 : i32 to vector<16xi32>
    %broadcast_in_dim3A_1232 = arith.constant 504 : i32
    %broadcast_in_dim3A_1233 = vector.broadcast %broadcast_in_dim3A_1232 : i32 to vector<16xi32>
    %gather3A_1234 = arith.constant 0 : i32
    %gather3A_1235 = arith.constant 0 : i32
    %gather3A_1236 = arith.constant 0 : i32
    %gather3A_1237 = tpu.memref_slice %arg9[%gather3A_1234, %gather3A_1235, %gather3A_1236] : memref<8x32x128xf32, #tpu.memory_space<vmem>> -> memref<1x32x128xf32, #tpu.memory_space<vmem>>
    %gather3A_1238 = tpu.memref_squeeze %gather3A_1237 : memref<1x32x128xf32, #tpu.memory_space<vmem>> -> memref<32x128xf32, #tpu.memory_space<vmem>>
    %gather3A_1239 = tpu.vector_load_idx %gather3A_1238[%iota3A, %broadcast_in_dim3A_1226] : memref<32x128xf32, #tpu.memory_space<vmem>>[vector<16xi32>, vector<16xi32>], vector<16xf32>,
    %gather3A_1240 = arith.constant 0 : i32
    %gather3A_1241 = arith.constant 0 : i32
    %gather3A_1242 = arith.constant 0 : i32
    %gather3A_1243 = tpu.memref_slice %arg10[%gather3A_1240, %gather3A_1241, %gather3A_1242] : memref<8x32x128xf32, #tpu.memory_space<vmem>> -> memref<1x32x128xf32, #tpu.memory_space<vmem>>
    %gather3A_1244 = tpu.memref_squeeze %gather3A_1243 : memref<1x32x128xf32, #tpu.memory_space<vmem>> -> memref<32x128xf32, #tpu.memory_space<vmem>>
    %gather3A_1245 = tpu.vector_load_idx %gather3A_1244[%iota3A, %broadcast_in_dim3A_1231] : memref<32x128xf32, #tpu.memory_space<vmem>>[vector<16xi32>, vector<16xi32>], vector<16xf32>,
    %mul3A_1246 = arith.mulf %gather3A_1239, %gather3A_1245 : vector<16xf32>
    tpu.vector_store_idx %arg11[%iota3A, %broadcast_in_dim3A_1233], %mul3A_1246 : memref<32x512xf32, #tpu.memory_space<vmem>>[vector<16xi32>, vector<16xi32>], vector<16xf32>,
    %gather3A_1247 = arith.constant 0 : i32
    %gather3A_1248 = arith.constant 0 : i32
    %gather3A_1249 = arith.constant 0 : i32
    %gather3A_1250 = tpu.memref_slice %arg9[%gather3A_1247, %gather3A_1248, %gather3A_1249] : memref<8x32x128xf32, #tpu.memory_space<vmem>> -> memref<1x32x128xf32, #tpu.memory_space<vmem>>
    %gather3A_1251 = tpu.memref_squeeze %gather3A_1250 : memref<1x32x128xf32, #tpu.memory_space<vmem>> -> memref<32x128xf32, #tpu.memory_space<vmem>>
    %gather3A_1252 = tpu.vector_load_idx %gather3A_1251[%add3A_5, %broadcast_in_dim3A_1226] : memref<32x128xf32, #tpu.memory_space<vmem>>[vector<16xi32>, vector<16xi32>], vector<16xf32>,
    %gather3A_1253 = arith.constant 0 : i32
    %gather3A_1254 = arith.constant 0 : i32
    %gather3A_1255 = arith.constant 0 : i32
    %gather3A_1256 = tpu.memref_slice %arg10[%gather3A_1253, %gather3A_1254, %gather3A_1255] : memref<8x32x128xf32, #tpu.memory_space<vmem>> -> memref<1x32x128xf32, #tpu.memory_space<vmem>>
    %gather3A_1257 = tpu.memref_squeeze %gather3A_1256 : memref<1x32x128xf32, #tpu.memory_space<vmem>> -> memref<32x128xf32, #tpu.memory_space<vmem>>
    %gather3A_1258 = tpu.vector_load_idx %gather3A_1257[%add3A_5, %broadcast_in_dim3A_1231] : memref<32x128xf32, #tpu.memory_space<vmem>>[vector<16xi32>, vector<16xi32>], vector<16xf32>,
    %mul3A_1259 = arith.mulf %gather3A_1252, %gather3A_1258 : vector<16xf32>
    tpu.vector_store_idx %arg11[%add3A_5, %broadcast_in_dim3A_1233], %mul3A_1259 : memref<32x512xf32, #tpu.memory_space<vmem>>[vector<16xi32>, vector<16xi32>], vector<16xf32>,
    %dma_wait3A_1260 = arith.constant 1 : i32
    %dma_wait3A_1261 = arith.constant 0 : i32
    %dma_wait3A_1262 = arith.constant 0 : i32
    %dma_wait3A_1263 = tpu.memref_slice %arg9[%dma_wait3A_1260, %dma_wait3A_1261, %dma_wait3A_1262] : memref<8x32x128xf32, #tpu.memory_space<vmem>> -> memref<1x32x128xf32, #tpu.memory_space<vmem>>
    %dma_wait3A_1264 = tpu.memref_squeeze %dma_wait3A_1263 : memref<1x32x128xf32, #tpu.memory_space<vmem>> -> memref<32x128xf32, #tpu.memory_space<vmem>>
    %dma_wait3A_1265 = arith.constant 0 : i32
    %dma_wait3A_1266 = arith.constant 0 : i32
    %dma_wait3A_1267 = tpu.memref_slice %arg4[%dma_wait3A_1265, %dma_wait3A_1266] : memref<32x1000000xf32, #tpu.memory_space<hbm>> -> memref<32x128xf32, #tpu.memory_space<hbm>>
    %dma_wait3A_1268 = arith.constant 0 : i32
    %dma_wait3A_1269 = arith.constant 0 : i32
    %dma_wait3A_1270 = tpu.memref_slice %arg9[%dma_wait3A_1260, %dma_wait3A_1268, %dma_wait3A_1269] : memref<8x32x128xf32, #tpu.memory_space<vmem>> -> memref<1x32x128xf32, #tpu.memory_space<vmem>>
    %dma_wait3A_1271 = tpu.memref_squeeze %dma_wait3A_1270 : memref<1x32x128xf32, #tpu.memory_space<vmem>> -> memref<32x128xf32, #tpu.memory_space<vmem>>
    %dma_wait3A_1272 = arith.constant 0 : i32
    %dma_wait3A_1273 = arith.constant 0 : i32
    %dma_wait3A_1274 = tpu.memref_slice %arg4[%dma_wait3A_1272, %dma_wait3A_1273] : memref<32x1000000xf32, #tpu.memory_space<hbm>> -> memref<32x128xf32, #tpu.memory_space<hbm>>
    tpu.wait_dma2 semaphore(%arg13 : memref<!tpu.dma_semaphore, #tpu.memory_space<semaphore_mem>>) src(%dma_wait3A_1274 : memref<32x128xf32, #tpu.memory_space<hbm>>) dst(%dma_wait3A_1271 : memref<32x128xf32, #tpu.memory_space<vmem>>)
    %dma_wait3A_1275 = arith.constant 1 : i32
    %dma_wait3A_1276 = arith.constant 0 : i32
    %dma_wait3A_1277 = arith.constant 0 : i32
    %dma_wait3A_1278 = tpu.memref_slice %arg10[%dma_wait3A_1275, %dma_wait3A_1276, %dma_wait3A_1277] : memref<8x32x128xf32, #tpu.memory_space<vmem>> -> memref<1x32x128xf32, #tpu.memory_space<vmem>>
    %dma_wait3A_1279 = tpu.memref_squeeze %dma_wait3A_1278 : memref<1x32x128xf32, #tpu.memory_space<vmem>> -> memref<32x128xf32, #tpu.memory_space<vmem>>
    %dma_wait3A_1280 = arith.constant 0 : i32
    %dma_wait3A_1281 = arith.constant 0 : i32
    %dma_wait3A_1282 = tpu.memref_slice %arg5[%dma_wait3A_1280, %dma_wait3A_1281] : memref<32x1000000xf32, #tpu.memory_space<hbm>> -> memref<32x128xf32, #tpu.memory_space<hbm>>
    %dma_wait3A_1283 = arith.constant 0 : i32
    %dma_wait3A_1284 = arith.constant 0 : i32
    %dma_wait3A_1285 = tpu.memref_slice %arg10[%dma_wait3A_1275, %dma_wait3A_1283, %dma_wait3A_1284] : memref<8x32x128xf32, #tpu.memory_space<vmem>> -> memref<1x32x128xf32, #tpu.memory_space<vmem>>
    %dma_wait3A_1286 = tpu.memref_squeeze %dma_wait3A_1285 : memref<1x32x128xf32, #tpu.memory_space<vmem>> -> memref<32x128xf32, #tpu.memory_space<vmem>>
    %dma_wait3A_1287 = arith.constant 0 : i32
    %dma_wait3A_1288 = arith.constant 0 : i32
    %dma_wait3A_1289 = tpu.memref_slice %arg5[%dma_wait3A_1287, %dma_wait3A_1288] : memref<32x1000000xf32, #tpu.memory_space<hbm>> -> memref<32x128xf32, #tpu.memory_space<hbm>>
    tpu.wait_dma2 semaphore(%arg21 : memref<!tpu.dma_semaphore, #tpu.memory_space<semaphore_mem>>) src(%dma_wait3A_1289 : memref<32x128xf32, #tpu.memory_space<hbm>>) dst(%dma_wait3A_1286 : memref<32x128xf32, #tpu.memory_space<vmem>>)
    %slice3A_1290 = vector.extract_strided_slice %get3A_329 {offsets = [9], sizes = [1], strides = [1]} : vector<16xi32> to vector<1xi32>
    %squeeze3A_1291 = vector.extract %slice3A_1290[0] : i32 from vector<1xi32>
    %and3A_1292 = arith.constant 127 : i32
    %and3A_1293 = arith.andi %squeeze3A_1291, %and3A_1292 : i32
    %broadcast_in_dim3A_1294 = vector.broadcast %and3A_1293 : i32 to vector<16xi32>
    %slice3A_1295 = vector.extract_strided_slice %get3A_331 {offsets = [9], sizes = [1], strides = [1]} : vector<16xi32> to vector<1xi32>
    %squeeze3A_1296 = vector.extract %slice3A_1295[0] : i32 from vector<1xi32>
    %and3A_1297 = arith.constant 127 : i32
    %and3A_1298 = arith.andi %squeeze3A_1296, %and3A_1297 : i32
    %broadcast_in_dim3A_1299 = vector.broadcast %and3A_1298 : i32 to vector<16xi32>
    %broadcast_in_dim3A_1300 = arith.constant 505 : i32
    %broadcast_in_dim3A_1301 = vector.broadcast %broadcast_in_dim3A_1300 : i32 to vector<16xi32>
    %gather3A_1302 = arith.constant 1 : i32
    %gather3A_1303 = arith.constant 0 : i32
    %gather3A_1304 = arith.constant 0 : i32
    %gather3A_1305 = tpu.memref_slice %arg9[%gather3A_1302, %gather3A_1303, %gather3A_1304] : memref<8x32x128xf32, #tpu.memory_space<vmem>> -> memref<1x32x128xf32, #tpu.memory_space<vmem>>
    %gather3A_1306 = tpu.memref_squeeze %gather3A_1305 : memref<1x32x128xf32, #tpu.memory_space<vmem>> -> memref<32x128xf32, #tpu.memory_space<vmem>>
    %gather3A_1307 = tpu.vector_load_idx %gather3A_1306[%iota3A, %broadcast_in_dim3A_1294] : memref<32x128xf32, #tpu.memory_space<vmem>>[vector<16xi32>, vector<16xi32>], vector<16xf32>,
    %gather3A_1308 = arith.constant 1 : i32
    %gather3A_1309 = arith.constant 0 : i32
    %gather3A_1310 = arith.constant 0 : i32
    %gather3A_1311 = tpu.memref_slice %arg10[%gather3A_1308, %gather3A_1309, %gather3A_1310] : memref<8x32x128xf32, #tpu.memory_space<vmem>> -> memref<1x32x128xf32, #tpu.memory_space<vmem>>
    %gather3A_1312 = tpu.memref_squeeze %gather3A_1311 : memref<1x32x128xf32, #tpu.memory_space<vmem>> -> memref<32x128xf32, #tpu.memory_space<vmem>>
    %gather3A_1313 = tpu.vector_load_idx %gather3A_1312[%iota3A, %broadcast_in_dim3A_1299] : memref<32x128xf32, #tpu.memory_space<vmem>>[vector<16xi32>, vector<16xi32>], vector<16xf32>,
    %mul3A_1314 = arith.mulf %gather3A_1307, %gather3A_1313 : vector<16xf32>
    tpu.vector_store_idx %arg11[%iota3A, %broadcast_in_dim3A_1301], %mul3A_1314 : memref<32x512xf32, #tpu.memory_space<vmem>>[vector<16xi32>, vector<16xi32>], vector<16xf32>,
    %gather3A_1315 = arith.constant 1 : i32
    %gather3A_1316 = arith.constant 0 : i32
    %gather3A_1317 = arith.constant 0 : i32
    %gather3A_1318 = tpu.memref_slice %arg9[%gather3A_1315, %gather3A_1316, %gather3A_1317] : memref<8x32x128xf32, #tpu.memory_space<vmem>> -> memref<1x32x128xf32, #tpu.memory_space<vmem>>
    %gather3A_1319 = tpu.memref_squeeze %gather3A_1318 : memref<1x32x128xf32, #tpu.memory_space<vmem>> -> memref<32x128xf32, #tpu.memory_space<vmem>>
    %gather3A_1320 = tpu.vector_load_idx %gather3A_1319[%add3A_5, %broadcast_in_dim3A_1294] : memref<32x128xf32, #tpu.memory_space<vmem>>[vector<16xi32>, vector<16xi32>], vector<16xf32>,
    %gather3A_1321 = arith.constant 1 : i32
    %gather3A_1322 = arith.constant 0 : i32
    %gather3A_1323 = arith.constant 0 : i32
    %gather3A_1324 = tpu.memref_slice %arg10[%gather3A_1321, %gather3A_1322, %gather3A_1323] : memref<8x32x128xf32, #tpu.memory_space<vmem>> -> memref<1x32x128xf32, #tpu.memory_space<vmem>>
    %gather3A_1325 = tpu.memref_squeeze %gather3A_1324 : memref<1x32x128xf32, #tpu.memory_space<vmem>> -> memref<32x128xf32, #tpu.memory_space<vmem>>
    %gather3A_1326 = tpu.vector_load_idx %gather3A_1325[%add3A_5, %broadcast_in_dim3A_1299] : memref<32x128xf32, #tpu.memory_space<vmem>>[vector<16xi32>, vector<16xi32>], vector<16xf32>,
    %mul3A_1327 = arith.mulf %gather3A_1320, %gather3A_1326 : vector<16xf32>
    tpu.vector_store_idx %arg11[%add3A_5, %broadcast_in_dim3A_1301], %mul3A_1327 : memref<32x512xf32, #tpu.memory_space<vmem>>[vector<16xi32>, vector<16xi32>], vector<16xf32>,
    %dma_wait3A_1328 = arith.constant 2 : i32
    %dma_wait3A_1329 = arith.constant 0 : i32
    %dma_wait3A_1330 = arith.constant 0 : i32
    %dma_wait3A_1331 = tpu.memref_slice %arg9[%dma_wait3A_1328, %dma_wait3A_1329, %dma_wait3A_1330] : memref<8x32x128xf32, #tpu.memory_space<vmem>> -> memref<1x32x128xf32, #tpu.memory_space<vmem>>
    %dma_wait3A_1332 = tpu.memref_squeeze %dma_wait3A_1331 : memref<1x32x128xf32, #tpu.memory_space<vmem>> -> memref<32x128xf32, #tpu.memory_space<vmem>>
    %dma_wait3A_1333 = arith.constant 0 : i32
    %dma_wait3A_1334 = arith.constant 0 : i32
    %dma_wait3A_1335 = tpu.memref_slice %arg4[%dma_wait3A_1333, %dma_wait3A_1334] : memref<32x1000000xf32, #tpu.memory_space<hbm>> -> memref<32x128xf32, #tpu.memory_space<hbm>>
    %dma_wait3A_1336 = arith.constant 0 : i32
    %dma_wait3A_1337 = arith.constant 0 : i32
    %dma_wait3A_1338 = tpu.memref_slice %arg9[%dma_wait3A_1328, %dma_wait3A_1336, %dma_wait3A_1337] : memref<8x32x128xf32, #tpu.memory_space<vmem>> -> memref<1x32x128xf32, #tpu.memory_space<vmem>>
    %dma_wait3A_1339 = tpu.memref_squeeze %dma_wait3A_1338 : memref<1x32x128xf32, #tpu.memory_space<vmem>> -> memref<32x128xf32, #tpu.memory_space<vmem>>
    %dma_wait3A_1340 = arith.constant 0 : i32
    %dma_wait3A_1341 = arith.constant 0 : i32
    %dma_wait3A_1342 = tpu.memref_slice %arg4[%dma_wait3A_1340, %dma_wait3A_1341] : memref<32x1000000xf32, #tpu.memory_space<hbm>> -> memref<32x128xf32, #tpu.memory_space<hbm>>
    tpu.wait_dma2 semaphore(%arg14 : memref<!tpu.dma_semaphore, #tpu.memory_space<semaphore_mem>>) src(%dma_wait3A_1342 : memref<32x128xf32, #tpu.memory_space<hbm>>) dst(%dma_wait3A_1339 : memref<32x128xf32, #tpu.memory_space<vmem>>)
    %dma_wait3A_1343 = arith.constant 2 : i32
    %dma_wait3A_1344 = arith.constant 0 : i32
    %dma_wait3A_1345 = arith.constant 0 : i32
    %dma_wait3A_1346 = tpu.memref_slice %arg10[%dma_wait3A_1343, %dma_wait3A_1344, %dma_wait3A_1345] : memref<8x32x128xf32, #tpu.memory_space<vmem>> -> memref<1x32x128xf32, #tpu.memory_space<vmem>>
    %dma_wait3A_1347 = tpu.memref_squeeze %dma_wait3A_1346 : memref<1x32x128xf32, #tpu.memory_space<vmem>> -> memref<32x128xf32, #tpu.memory_space<vmem>>
    %dma_wait3A_1348 = arith.constant 0 : i32
    %dma_wait3A_1349 = arith.constant 0 : i32
    %dma_wait3A_1350 = tpu.memref_slice %arg5[%dma_wait3A_1348, %dma_wait3A_1349] : memref<32x1000000xf32, #tpu.memory_space<hbm>> -> memref<32x128xf32, #tpu.memory_space<hbm>>
    %dma_wait3A_1351 = arith.constant 0 : i32
    %dma_wait3A_1352 = arith.constant 0 : i32
    %dma_wait3A_1353 = tpu.memref_slice %arg10[%dma_wait3A_1343, %dma_wait3A_1351, %dma_wait3A_1352] : memref<8x32x128xf32, #tpu.memory_space<vmem>> -> memref<1x32x128xf32, #tpu.memory_space<vmem>>
    %dma_wait3A_1354 = tpu.memref_squeeze %dma_wait3A_1353 : memref<1x32x128xf32, #tpu.memory_space<vmem>> -> memref<32x128xf32, #tpu.memory_space<vmem>>
    %dma_wait3A_1355 = arith.constant 0 : i32
    %dma_wait3A_1356 = arith.constant 0 : i32
    %dma_wait3A_1357 = tpu.memref_slice %arg5[%dma_wait3A_1355, %dma_wait3A_1356] : memref<32x1000000xf32, #tpu.memory_space<hbm>> -> memref<32x128xf32, #tpu.memory_space<hbm>>
    tpu.wait_dma2 semaphore(%arg22 : memref<!tpu.dma_semaphore, #tpu.memory_space<semaphore_mem>>) src(%dma_wait3A_1357 : memref<32x128xf32, #tpu.memory_space<hbm>>) dst(%dma_wait3A_1354 : memref<32x128xf32, #tpu.memory_space<vmem>>)
    %slice3A_1358 = vector.extract_strided_slice %get3A_329 {offsets = [10], sizes = [1], strides = [1]} : vector<16xi32> to vector<1xi32>
    %squeeze3A_1359 = vector.extract %slice3A_1358[0] : i32 from vector<1xi32>
    %and3A_1360 = arith.constant 127 : i32
    %and3A_1361 = arith.andi %squeeze3A_1359, %and3A_1360 : i32
    %broadcast_in_dim3A_1362 = vector.broadcast %and3A_1361 : i32 to vector<16xi32>
    %slice3A_1363 = vector.extract_strided_slice %get3A_331 {offsets = [10], sizes = [1], strides = [1]} : vector<16xi32> to vector<1xi32>
    %squeeze3A_1364 = vector.extract %slice3A_1363[0] : i32 from vector<1xi32>
    %and3A_1365 = arith.constant 127 : i32
    %and3A_1366 = arith.andi %squeeze3A_1364, %and3A_1365 : i32
    %broadcast_in_dim3A_1367 = vector.broadcast %and3A_1366 : i32 to vector<16xi32>
    %broadcast_in_dim3A_1368 = arith.constant 506 : i32
    %broadcast_in_dim3A_1369 = vector.broadcast %broadcast_in_dim3A_1368 : i32 to vector<16xi32>
    %gather3A_1370 = arith.constant 2 : i32
    %gather3A_1371 = arith.constant 0 : i32
    %gather3A_1372 = arith.constant 0 : i32
    %gather3A_1373 = tpu.memref_slice %arg9[%gather3A_1370, %gather3A_1371, %gather3A_1372] : memref<8x32x128xf32, #tpu.memory_space<vmem>> -> memref<1x32x128xf32, #tpu.memory_space<vmem>>
    %gather3A_1374 = tpu.memref_squeeze %gather3A_1373 : memref<1x32x128xf32, #tpu.memory_space<vmem>> -> memref<32x128xf32, #tpu.memory_space<vmem>>
    %gather3A_1375 = tpu.vector_load_idx %gather3A_1374[%iota3A, %broadcast_in_dim3A_1362] : memref<32x128xf32, #tpu.memory_space<vmem>>[vector<16xi32>, vector<16xi32>], vector<16xf32>,
    %gather3A_1376 = arith.constant 2 : i32
    %gather3A_1377 = arith.constant 0 : i32
    %gather3A_1378 = arith.constant 0 : i32
    %gather3A_1379 = tpu.memref_slice %arg10[%gather3A_1376, %gather3A_1377, %gather3A_1378] : memref<8x32x128xf32, #tpu.memory_space<vmem>> -> memref<1x32x128xf32, #tpu.memory_space<vmem>>
    %gather3A_1380 = tpu.memref_squeeze %gather3A_1379 : memref<1x32x128xf32, #tpu.memory_space<vmem>> -> memref<32x128xf32, #tpu.memory_space<vmem>>
    %gather3A_1381 = tpu.vector_load_idx %gather3A_1380[%iota3A, %broadcast_in_dim3A_1367] : memref<32x128xf32, #tpu.memory_space<vmem>>[vector<16xi32>, vector<16xi32>], vector<16xf32>,
    %mul3A_1382 = arith.mulf %gather3A_1375, %gather3A_1381 : vector<16xf32>
    tpu.vector_store_idx %arg11[%iota3A, %broadcast_in_dim3A_1369], %mul3A_1382 : memref<32x512xf32, #tpu.memory_space<vmem>>[vector<16xi32>, vector<16xi32>], vector<16xf32>,
    %gather3A_1383 = arith.constant 2 : i32
    %gather3A_1384 = arith.constant 0 : i32
    %gather3A_1385 = arith.constant 0 : i32
    %gather3A_1386 = tpu.memref_slice %arg9[%gather3A_1383, %gather3A_1384, %gather3A_1385] : memref<8x32x128xf32, #tpu.memory_space<vmem>> -> memref<1x32x128xf32, #tpu.memory_space<vmem>>
    %gather3A_1387 = tpu.memref_squeeze %gather3A_1386 : memref<1x32x128xf32, #tpu.memory_space<vmem>> -> memref<32x128xf32, #tpu.memory_space<vmem>>
    %gather3A_1388 = tpu.vector_load_idx %gather3A_1387[%add3A_5, %broadcast_in_dim3A_1362] : memref<32x128xf32, #tpu.memory_space<vmem>>[vector<16xi32>, vector<16xi32>], vector<16xf32>,
    %gather3A_1389 = arith.constant 2 : i32
    %gather3A_1390 = arith.constant 0 : i32
    %gather3A_1391 = arith.constant 0 : i32
    %gather3A_1392 = tpu.memref_slice %arg10[%gather3A_1389, %gather3A_1390, %gather3A_1391] : memref<8x32x128xf32, #tpu.memory_space<vmem>> -> memref<1x32x128xf32, #tpu.memory_space<vmem>>
    %gather3A_1393 = tpu.memref_squeeze %gather3A_1392 : memref<1x32x128xf32, #tpu.memory_space<vmem>> -> memref<32x128xf32, #tpu.memory_space<vmem>>
    %gather3A_1394 = tpu.vector_load_idx %gather3A_1393[%add3A_5, %broadcast_in_dim3A_1367] : memref<32x128xf32, #tpu.memory_space<vmem>>[vector<16xi32>, vector<16xi32>], vector<16xf32>,
    %mul3A_1395 = arith.mulf %gather3A_1388, %gather3A_1394 : vector<16xf32>
    tpu.vector_store_idx %arg11[%add3A_5, %broadcast_in_dim3A_1369], %mul3A_1395 : memref<32x512xf32, #tpu.memory_space<vmem>>[vector<16xi32>, vector<16xi32>], vector<16xf32>,
    %dma_wait3A_1396 = arith.constant 3 : i32
    %dma_wait3A_1397 = arith.constant 0 : i32
    %dma_wait3A_1398 = arith.constant 0 : i32
    %dma_wait3A_1399 = tpu.memref_slice %arg9[%dma_wait3A_1396, %dma_wait3A_1397, %dma_wait3A_1398] : memref<8x32x128xf32, #tpu.memory_space<vmem>> -> memref<1x32x128xf32, #tpu.memory_space<vmem>>
    %dma_wait3A_1400 = tpu.memref_squeeze %dma_wait3A_1399 : memref<1x32x128xf32, #tpu.memory_space<vmem>> -> memref<32x128xf32, #tpu.memory_space<vmem>>
    %dma_wait3A_1401 = arith.constant 0 : i32
    %dma_wait3A_1402 = arith.constant 0 : i32
    %dma_wait3A_1403 = tpu.memref_slice %arg4[%dma_wait3A_1401, %dma_wait3A_1402] : memref<32x1000000xf32, #tpu.memory_space<hbm>> -> memref<32x128xf32, #tpu.memory_space<hbm>>
    %dma_wait3A_1404 = arith.constant 0 : i32
    %dma_wait3A_1405 = arith.constant 0 : i32
    %dma_wait3A_1406 = tpu.memref_slice %arg9[%dma_wait3A_1396, %dma_wait3A_1404, %dma_wait3A_1405] : memref<8x32x128xf32, #tpu.memory_space<vmem>> -> memref<1x32x128xf32, #tpu.memory_space<vmem>>
    %dma_wait3A_1407 = tpu.memref_squeeze %dma_wait3A_1406 : memref<1x32x128xf32, #tpu.memory_space<vmem>> -> memref<32x128xf32, #tpu.memory_space<vmem>>
    %dma_wait3A_1408 = arith.constant 0 : i32
    %dma_wait3A_1409 = arith.constant 0 : i32
    %dma_wait3A_1410 = tpu.memref_slice %arg4[%dma_wait3A_1408, %dma_wait3A_1409] : memref<32x1000000xf32, #tpu.memory_space<hbm>> -> memref<32x128xf32, #tpu.memory_space<hbm>>
    tpu.wait_dma2 semaphore(%arg15 : memref<!tpu.dma_semaphore, #tpu.memory_space<semaphore_mem>>) src(%dma_wait3A_1410 : memref<32x128xf32, #tpu.memory_space<hbm>>) dst(%dma_wait3A_1407 : memref<32x128xf32, #tpu.memory_space<vmem>>)
    %dma_wait3A_1411 = arith.constant 3 : i32
    %dma_wait3A_1412 = arith.constant 0 : i32
    %dma_wait3A_1413 = arith.constant 0 : i32
    %dma_wait3A_1414 = tpu.memref_slice %arg10[%dma_wait3A_1411, %dma_wait3A_1412, %dma_wait3A_1413] : memref<8x32x128xf32, #tpu.memory_space<vmem>> -> memref<1x32x128xf32, #tpu.memory_space<vmem>>
    %dma_wait3A_1415 = tpu.memref_squeeze %dma_wait3A_1414 : memref<1x32x128xf32, #tpu.memory_space<vmem>> -> memref<32x128xf32, #tpu.memory_space<vmem>>
    %dma_wait3A_1416 = arith.constant 0 : i32
    %dma_wait3A_1417 = arith.constant 0 : i32
    %dma_wait3A_1418 = tpu.memref_slice %arg5[%dma_wait3A_1416, %dma_wait3A_1417] : memref<32x1000000xf32, #tpu.memory_space<hbm>> -> memref<32x128xf32, #tpu.memory_space<hbm>>
    %dma_wait3A_1419 = arith.constant 0 : i32
    %dma_wait3A_1420 = arith.constant 0 : i32
    %dma_wait3A_1421 = tpu.memref_slice %arg10[%dma_wait3A_1411, %dma_wait3A_1419, %dma_wait3A_1420] : memref<8x32x128xf32, #tpu.memory_space<vmem>> -> memref<1x32x128xf32, #tpu.memory_space<vmem>>
    %dma_wait3A_1422 = tpu.memref_squeeze %dma_wait3A_1421 : memref<1x32x128xf32, #tpu.memory_space<vmem>> -> memref<32x128xf32, #tpu.memory_space<vmem>>
    %dma_wait3A_1423 = arith.constant 0 : i32
    %dma_wait3A_1424 = arith.constant 0 : i32
    %dma_wait3A_1425 = tpu.memref_slice %arg5[%dma_wait3A_1423, %dma_wait3A_1424] : memref<32x1000000xf32, #tpu.memory_space<hbm>> -> memref<32x128xf32, #tpu.memory_space<hbm>>
    tpu.wait_dma2 semaphore(%arg23 : memref<!tpu.dma_semaphore, #tpu.memory_space<semaphore_mem>>) src(%dma_wait3A_1425 : memref<32x128xf32, #tpu.memory_space<hbm>>) dst(%dma_wait3A_1422 : memref<32x128xf32, #tpu.memory_space<vmem>>)
    %slice3A_1426 = vector.extract_strided_slice %get3A_329 {offsets = [11], sizes = [1], strides = [1]} : vector<16xi32> to vector<1xi32>
    %squeeze3A_1427 = vector.extract %slice3A_1426[0] : i32 from vector<1xi32>
    %and3A_1428 = arith.constant 127 : i32
    %and3A_1429 = arith.andi %squeeze3A_1427, %and3A_1428 : i32
    %broadcast_in_dim3A_1430 = vector.broadcast %and3A_1429 : i32 to vector<16xi32>
    %slice3A_1431 = vector.extract_strided_slice %get3A_331 {offsets = [11], sizes = [1], strides = [1]} : vector<16xi32> to vector<1xi32>
    %squeeze3A_1432 = vector.extract %slice3A_1431[0] : i32 from vector<1xi32>
    %and3A_1433 = arith.constant 127 : i32
    %and3A_1434 = arith.andi %squeeze3A_1432, %and3A_1433 : i32
    %broadcast_in_dim3A_1435 = vector.broadcast %and3A_1434 : i32 to vector<16xi32>
    %broadcast_in_dim3A_1436 = arith.constant 507 : i32
    %broadcast_in_dim3A_1437 = vector.broadcast %broadcast_in_dim3A_1436 : i32 to vector<16xi32>
    %gather3A_1438 = arith.constant 3 : i32
    %gather3A_1439 = arith.constant 0 : i32
    %gather3A_1440 = arith.constant 0 : i32
    %gather3A_1441 = tpu.memref_slice %arg9[%gather3A_1438, %gather3A_1439, %gather3A_1440] : memref<8x32x128xf32, #tpu.memory_space<vmem>> -> memref<1x32x128xf32, #tpu.memory_space<vmem>>
    %gather3A_1442 = tpu.memref_squeeze %gather3A_1441 : memref<1x32x128xf32, #tpu.memory_space<vmem>> -> memref<32x128xf32, #tpu.memory_space<vmem>>
    %gather3A_1443 = tpu.vector_load_idx %gather3A_1442[%iota3A, %broadcast_in_dim3A_1430] : memref<32x128xf32, #tpu.memory_space<vmem>>[vector<16xi32>, vector<16xi32>], vector<16xf32>,
    %gather3A_1444 = arith.constant 3 : i32
    %gather3A_1445 = arith.constant 0 : i32
    %gather3A_1446 = arith.constant 0 : i32
    %gather3A_1447 = tpu.memref_slice %arg10[%gather3A_1444, %gather3A_1445, %gather3A_1446] : memref<8x32x128xf32, #tpu.memory_space<vmem>> -> memref<1x32x128xf32, #tpu.memory_space<vmem>>
    %gather3A_1448 = tpu.memref_squeeze %gather3A_1447 : memref<1x32x128xf32, #tpu.memory_space<vmem>> -> memref<32x128xf32, #tpu.memory_space<vmem>>
    %gather3A_1449 = tpu.vector_load_idx %gather3A_1448[%iota3A, %broadcast_in_dim3A_1435] : memref<32x128xf32, #tpu.memory_space<vmem>>[vector<16xi32>, vector<16xi32>], vector<16xf32>,
    %mul3A_1450 = arith.mulf %gather3A_1443, %gather3A_1449 : vector<16xf32>
    tpu.vector_store_idx %arg11[%iota3A, %broadcast_in_dim3A_1437], %mul3A_1450 : memref<32x512xf32, #tpu.memory_space<vmem>>[vector<16xi32>, vector<16xi32>], vector<16xf32>,
    %gather3A_1451 = arith.constant 3 : i32
    %gather3A_1452 = arith.constant 0 : i32
    %gather3A_1453 = arith.constant 0 : i32
    %gather3A_1454 = tpu.memref_slice %arg9[%gather3A_1451, %gather3A_1452, %gather3A_1453] : memref<8x32x128xf32, #tpu.memory_space<vmem>> -> memref<1x32x128xf32, #tpu.memory_space<vmem>>
    %gather3A_1455 = tpu.memref_squeeze %gather3A_1454 : memref<1x32x128xf32, #tpu.memory_space<vmem>> -> memref<32x128xf32, #tpu.memory_space<vmem>>
    %gather3A_1456 = tpu.vector_load_idx %gather3A_1455[%add3A_5, %broadcast_in_dim3A_1430] : memref<32x128xf32, #tpu.memory_space<vmem>>[vector<16xi32>, vector<16xi32>], vector<16xf32>,
    %gather3A_1457 = arith.constant 3 : i32
    %gather3A_1458 = arith.constant 0 : i32
    %gather3A_1459 = arith.constant 0 : i32
    %gather3A_1460 = tpu.memref_slice %arg10[%gather3A_1457, %gather3A_1458, %gather3A_1459] : memref<8x32x128xf32, #tpu.memory_space<vmem>> -> memref<1x32x128xf32, #tpu.memory_space<vmem>>
    %gather3A_1461 = tpu.memref_squeeze %gather3A_1460 : memref<1x32x128xf32, #tpu.memory_space<vmem>> -> memref<32x128xf32, #tpu.memory_space<vmem>>
    %gather3A_1462 = tpu.vector_load_idx %gather3A_1461[%add3A_5, %broadcast_in_dim3A_1435] : memref<32x128xf32, #tpu.memory_space<vmem>>[vector<16xi32>, vector<16xi32>], vector<16xf32>,
    %mul3A_1463 = arith.mulf %gather3A_1456, %gather3A_1462 : vector<16xf32>
    tpu.vector_store_idx %arg11[%add3A_5, %broadcast_in_dim3A_1437], %mul3A_1463 : memref<32x512xf32, #tpu.memory_space<vmem>>[vector<16xi32>, vector<16xi32>], vector<16xf32>,
    %dma_wait3A_1464 = arith.constant 4 : i32
    %dma_wait3A_1465 = arith.constant 0 : i32
    %dma_wait3A_1466 = arith.constant 0 : i32
    %dma_wait3A_1467 = tpu.memref_slice %arg9[%dma_wait3A_1464, %dma_wait3A_1465, %dma_wait3A_1466] : memref<8x32x128xf32, #tpu.memory_space<vmem>> -> memref<1x32x128xf32, #tpu.memory_space<vmem>>
    %dma_wait3A_1468 = tpu.memref_squeeze %dma_wait3A_1467 : memref<1x32x128xf32, #tpu.memory_space<vmem>> -> memref<32x128xf32, #tpu.memory_space<vmem>>
    %dma_wait3A_1469 = arith.constant 0 : i32
    %dma_wait3A_1470 = arith.constant 0 : i32
    %dma_wait3A_1471 = tpu.memref_slice %arg4[%dma_wait3A_1469, %dma_wait3A_1470] : memref<32x1000000xf32, #tpu.memory_space<hbm>> -> memref<32x128xf32, #tpu.memory_space<hbm>>
    %dma_wait3A_1472 = arith.constant 0 : i32
    %dma_wait3A_1473 = arith.constant 0 : i32
    %dma_wait3A_1474 = tpu.memref_slice %arg9[%dma_wait3A_1464, %dma_wait3A_1472, %dma_wait3A_1473] : memref<8x32x128xf32, #tpu.memory_space<vmem>> -> memref<1x32x128xf32, #tpu.memory_space<vmem>>
    %dma_wait3A_1475 = tpu.memref_squeeze %dma_wait3A_1474 : memref<1x32x128xf32, #tpu.memory_space<vmem>> -> memref<32x128xf32, #tpu.memory_space<vmem>>
    %dma_wait3A_1476 = arith.constant 0 : i32
    %dma_wait3A_1477 = arith.constant 0 : i32
    %dma_wait3A_1478 = tpu.memref_slice %arg4[%dma_wait3A_1476, %dma_wait3A_1477] : memref<32x1000000xf32, #tpu.memory_space<hbm>> -> memref<32x128xf32, #tpu.memory_space<hbm>>
    tpu.wait_dma2 semaphore(%arg16 : memref<!tpu.dma_semaphore, #tpu.memory_space<semaphore_mem>>) src(%dma_wait3A_1478 : memref<32x128xf32, #tpu.memory_space<hbm>>) dst(%dma_wait3A_1475 : memref<32x128xf32, #tpu.memory_space<vmem>>)
    %dma_wait3A_1479 = arith.constant 4 : i32
    %dma_wait3A_1480 = arith.constant 0 : i32
    %dma_wait3A_1481 = arith.constant 0 : i32
    %dma_wait3A_1482 = tpu.memref_slice %arg10[%dma_wait3A_1479, %dma_wait3A_1480, %dma_wait3A_1481] : memref<8x32x128xf32, #tpu.memory_space<vmem>> -> memref<1x32x128xf32, #tpu.memory_space<vmem>>
    %dma_wait3A_1483 = tpu.memref_squeeze %dma_wait3A_1482 : memref<1x32x128xf32, #tpu.memory_space<vmem>> -> memref<32x128xf32, #tpu.memory_space<vmem>>
    %dma_wait3A_1484 = arith.constant 0 : i32
    %dma_wait3A_1485 = arith.constant 0 : i32
    %dma_wait3A_1486 = tpu.memref_slice %arg5[%dma_wait3A_1484, %dma_wait3A_1485] : memref<32x1000000xf32, #tpu.memory_space<hbm>> -> memref<32x128xf32, #tpu.memory_space<hbm>>
    %dma_wait3A_1487 = arith.constant 0 : i32
    %dma_wait3A_1488 = arith.constant 0 : i32
    %dma_wait3A_1489 = tpu.memref_slice %arg10[%dma_wait3A_1479, %dma_wait3A_1487, %dma_wait3A_1488] : memref<8x32x128xf32, #tpu.memory_space<vmem>> -> memref<1x32x128xf32, #tpu.memory_space<vmem>>
    %dma_wait3A_1490 = tpu.memref_squeeze %dma_wait3A_1489 : memref<1x32x128xf32, #tpu.memory_space<vmem>> -> memref<32x128xf32, #tpu.memory_space<vmem>>
    %dma_wait3A_1491 = arith.constant 0 : i32
    %dma_wait3A_1492 = arith.constant 0 : i32
    %dma_wait3A_1493 = tpu.memref_slice %arg5[%dma_wait3A_1491, %dma_wait3A_1492] : memref<32x1000000xf32, #tpu.memory_space<hbm>> -> memref<32x128xf32, #tpu.memory_space<hbm>>
    tpu.wait_dma2 semaphore(%arg24 : memref<!tpu.dma_semaphore, #tpu.memory_space<semaphore_mem>>) src(%dma_wait3A_1493 : memref<32x128xf32, #tpu.memory_space<hbm>>) dst(%dma_wait3A_1490 : memref<32x128xf32, #tpu.memory_space<vmem>>)
    %slice3A_1494 = vector.extract_strided_slice %get3A_329 {offsets = [12], sizes = [1], strides = [1]} : vector<16xi32> to vector<1xi32>
    %squeeze3A_1495 = vector.extract %slice3A_1494[0] : i32 from vector<1xi32>
    %and3A_1496 = arith.constant 127 : i32
    %and3A_1497 = arith.andi %squeeze3A_1495, %and3A_1496 : i32
    %broadcast_in_dim3A_1498 = vector.broadcast %and3A_1497 : i32 to vector<16xi32>
    %slice3A_1499 = vector.extract_strided_slice %get3A_331 {offsets = [12], sizes = [1], strides = [1]} : vector<16xi32> to vector<1xi32>
    %squeeze3A_1500 = vector.extract %slice3A_1499[0] : i32 from vector<1xi32>
    %and3A_1501 = arith.constant 127 : i32
    %and3A_1502 = arith.andi %squeeze3A_1500, %and3A_1501 : i32
    %broadcast_in_dim3A_1503 = vector.broadcast %and3A_1502 : i32 to vector<16xi32>
    %broadcast_in_dim3A_1504 = arith.constant 508 : i32
    %broadcast_in_dim3A_1505 = vector.broadcast %broadcast_in_dim3A_1504 : i32 to vector<16xi32>
    %gather3A_1506 = arith.constant 4 : i32
    %gather3A_1507 = arith.constant 0 : i32
    %gather3A_1508 = arith.constant 0 : i32
    %gather3A_1509 = tpu.memref_slice %arg9[%gather3A_1506, %gather3A_1507, %gather3A_1508] : memref<8x32x128xf32, #tpu.memory_space<vmem>> -> memref<1x32x128xf32, #tpu.memory_space<vmem>>
    %gather3A_1510 = tpu.memref_squeeze %gather3A_1509 : memref<1x32x128xf32, #tpu.memory_space<vmem>> -> memref<32x128xf32, #tpu.memory_space<vmem>>
    %gather3A_1511 = tpu.vector_load_idx %gather3A_1510[%iota3A, %broadcast_in_dim3A_1498] : memref<32x128xf32, #tpu.memory_space<vmem>>[vector<16xi32>, vector<16xi32>], vector<16xf32>,
    %gather3A_1512 = arith.constant 4 : i32
    %gather3A_1513 = arith.constant 0 : i32
    %gather3A_1514 = arith.constant 0 : i32
    %gather3A_1515 = tpu.memref_slice %arg10[%gather3A_1512, %gather3A_1513, %gather3A_1514] : memref<8x32x128xf32, #tpu.memory_space<vmem>> -> memref<1x32x128xf32, #tpu.memory_space<vmem>>
    %gather3A_1516 = tpu.memref_squeeze %gather3A_1515 : memref<1x32x128xf32, #tpu.memory_space<vmem>> -> memref<32x128xf32, #tpu.memory_space<vmem>>
    %gather3A_1517 = tpu.vector_load_idx %gather3A_1516[%iota3A, %broadcast_in_dim3A_1503] : memref<32x128xf32, #tpu.memory_space<vmem>>[vector<16xi32>, vector<16xi32>], vector<16xf32>,
    %mul3A_1518 = arith.mulf %gather3A_1511, %gather3A_1517 : vector<16xf32>
    tpu.vector_store_idx %arg11[%iota3A, %broadcast_in_dim3A_1505], %mul3A_1518 : memref<32x512xf32, #tpu.memory_space<vmem>>[vector<16xi32>, vector<16xi32>], vector<16xf32>,
    %gather3A_1519 = arith.constant 4 : i32
    %gather3A_1520 = arith.constant 0 : i32
    %gather3A_1521 = arith.constant 0 : i32
    %gather3A_1522 = tpu.memref_slice %arg9[%gather3A_1519, %gather3A_1520, %gather3A_1521] : memref<8x32x128xf32, #tpu.memory_space<vmem>> -> memref<1x32x128xf32, #tpu.memory_space<vmem>>
    %gather3A_1523 = tpu.memref_squeeze %gather3A_1522 : memref<1x32x128xf32, #tpu.memory_space<vmem>> -> memref<32x128xf32, #tpu.memory_space<vmem>>
    %gather3A_1524 = tpu.vector_load_idx %gather3A_1523[%add3A_5, %broadcast_in_dim3A_1498] : memref<32x128xf32, #tpu.memory_space<vmem>>[vector<16xi32>, vector<16xi32>], vector<16xf32>,
    %gather3A_1525 = arith.constant 4 : i32
    %gather3A_1526 = arith.constant 0 : i32
    %gather3A_1527 = arith.constant 0 : i32
    %gather3A_1528 = tpu.memref_slice %arg10[%gather3A_1525, %gather3A_1526, %gather3A_1527] : memref<8x32x128xf32, #tpu.memory_space<vmem>> -> memref<1x32x128xf32, #tpu.memory_space<vmem>>
    %gather3A_1529 = tpu.memref_squeeze %gather3A_1528 : memref<1x32x128xf32, #tpu.memory_space<vmem>> -> memref<32x128xf32, #tpu.memory_space<vmem>>
    %gather3A_1530 = tpu.vector_load_idx %gather3A_1529[%add3A_5, %broadcast_in_dim3A_1503] : memref<32x128xf32, #tpu.memory_space<vmem>>[vector<16xi32>, vector<16xi32>], vector<16xf32>,
    %mul3A_1531 = arith.mulf %gather3A_1524, %gather3A_1530 : vector<16xf32>
    tpu.vector_store_idx %arg11[%add3A_5, %broadcast_in_dim3A_1505], %mul3A_1531 : memref<32x512xf32, #tpu.memory_space<vmem>>[vector<16xi32>, vector<16xi32>], vector<16xf32>,
    %dma_wait3A_1532 = arith.constant 5 : i32
    %dma_wait3A_1533 = arith.constant 0 : i32
    %dma_wait3A_1534 = arith.constant 0 : i32
    %dma_wait3A_1535 = tpu.memref_slice %arg9[%dma_wait3A_1532, %dma_wait3A_1533, %dma_wait3A_1534] : memref<8x32x128xf32, #tpu.memory_space<vmem>> -> memref<1x32x128xf32, #tpu.memory_space<vmem>>
    %dma_wait3A_1536 = tpu.memref_squeeze %dma_wait3A_1535 : memref<1x32x128xf32, #tpu.memory_space<vmem>> -> memref<32x128xf32, #tpu.memory_space<vmem>>
    %dma_wait3A_1537 = arith.constant 0 : i32
    %dma_wait3A_1538 = arith.constant 0 : i32
    %dma_wait3A_1539 = tpu.memref_slice %arg4[%dma_wait3A_1537, %dma_wait3A_1538] : memref<32x1000000xf32, #tpu.memory_space<hbm>> -> memref<32x128xf32, #tpu.memory_space<hbm>>
    %dma_wait3A_1540 = arith.constant 0 : i32
    %dma_wait3A_1541 = arith.constant 0 : i32
    %dma_wait3A_1542 = tpu.memref_slice %arg9[%dma_wait3A_1532, %dma_wait3A_1540, %dma_wait3A_1541] : memref<8x32x128xf32, #tpu.memory_space<vmem>> -> memref<1x32x128xf32, #tpu.memory_space<vmem>>
    %dma_wait3A_1543 = tpu.memref_squeeze %dma_wait3A_1542 : memref<1x32x128xf32, #tpu.memory_space<vmem>> -> memref<32x128xf32, #tpu.memory_space<vmem>>
    %dma_wait3A_1544 = arith.constant 0 : i32
    %dma_wait3A_1545 = arith.constant 0 : i32
    %dma_wait3A_1546 = tpu.memref_slice %arg4[%dma_wait3A_1544, %dma_wait3A_1545] : memref<32x1000000xf32, #tpu.memory_space<hbm>> -> memref<32x128xf32, #tpu.memory_space<hbm>>
    tpu.wait_dma2 semaphore(%arg17 : memref<!tpu.dma_semaphore, #tpu.memory_space<semaphore_mem>>) src(%dma_wait3A_1546 : memref<32x128xf32, #tpu.memory_space<hbm>>) dst(%dma_wait3A_1543 : memref<32x128xf32, #tpu.memory_space<vmem>>)
    %dma_wait3A_1547 = arith.constant 5 : i32
    %dma_wait3A_1548 = arith.constant 0 : i32
    %dma_wait3A_1549 = arith.constant 0 : i32
    %dma_wait3A_1550 = tpu.memref_slice %arg10[%dma_wait3A_1547, %dma_wait3A_1548, %dma_wait3A_1549] : memref<8x32x128xf32, #tpu.memory_space<vmem>> -> memref<1x32x128xf32, #tpu.memory_space<vmem>>
    %dma_wait3A_1551 = tpu.memref_squeeze %dma_wait3A_1550 : memref<1x32x128xf32, #tpu.memory_space<vmem>> -> memref<32x128xf32, #tpu.memory_space<vmem>>
    %dma_wait3A_1552 = arith.constant 0 : i32
    %dma_wait3A_1553 = arith.constant 0 : i32
    %dma_wait3A_1554 = tpu.memref_slice %arg5[%dma_wait3A_1552, %dma_wait3A_1553] : memref<32x1000000xf32, #tpu.memory_space<hbm>> -> memref<32x128xf32, #tpu.memory_space<hbm>>
    %dma_wait3A_1555 = arith.constant 0 : i32
    %dma_wait3A_1556 = arith.constant 0 : i32
    %dma_wait3A_1557 = tpu.memref_slice %arg10[%dma_wait3A_1547, %dma_wait3A_1555, %dma_wait3A_1556] : memref<8x32x128xf32, #tpu.memory_space<vmem>> -> memref<1x32x128xf32, #tpu.memory_space<vmem>>
    %dma_wait3A_1558 = tpu.memref_squeeze %dma_wait3A_1557 : memref<1x32x128xf32, #tpu.memory_space<vmem>> -> memref<32x128xf32, #tpu.memory_space<vmem>>
    %dma_wait3A_1559 = arith.constant 0 : i32
    %dma_wait3A_1560 = arith.constant 0 : i32
    %dma_wait3A_1561 = tpu.memref_slice %arg5[%dma_wait3A_1559, %dma_wait3A_1560] : memref<32x1000000xf32, #tpu.memory_space<hbm>> -> memref<32x128xf32, #tpu.memory_space<hbm>>
    tpu.wait_dma2 semaphore(%arg25 : memref<!tpu.dma_semaphore, #tpu.memory_space<semaphore_mem>>) src(%dma_wait3A_1561 : memref<32x128xf32, #tpu.memory_space<hbm>>) dst(%dma_wait3A_1558 : memref<32x128xf32, #tpu.memory_space<vmem>>)
    %slice3A_1562 = vector.extract_strided_slice %get3A_329 {offsets = [13], sizes = [1], strides = [1]} : vector<16xi32> to vector<1xi32>
    %squeeze3A_1563 = vector.extract %slice3A_1562[0] : i32 from vector<1xi32>
    %and3A_1564 = arith.constant 127 : i32
    %and3A_1565 = arith.andi %squeeze3A_1563, %and3A_1564 : i32
    %broadcast_in_dim3A_1566 = vector.broadcast %and3A_1565 : i32 to vector<16xi32>
    %slice3A_1567 = vector.extract_strided_slice %get3A_331 {offsets = [13], sizes = [1], strides = [1]} : vector<16xi32> to vector<1xi32>
    %squeeze3A_1568 = vector.extract %slice3A_1567[0] : i32 from vector<1xi32>
    %and3A_1569 = arith.constant 127 : i32
    %and3A_1570 = arith.andi %squeeze3A_1568, %and3A_1569 : i32
    %broadcast_in_dim3A_1571 = vector.broadcast %and3A_1570 : i32 to vector<16xi32>
    %broadcast_in_dim3A_1572 = arith.constant 509 : i32
    %broadcast_in_dim3A_1573 = vector.broadcast %broadcast_in_dim3A_1572 : i32 to vector<16xi32>
    %gather3A_1574 = arith.constant 5 : i32
    %gather3A_1575 = arith.constant 0 : i32
    %gather3A_1576 = arith.constant 0 : i32
    %gather3A_1577 = tpu.memref_slice %arg9[%gather3A_1574, %gather3A_1575, %gather3A_1576] : memref<8x32x128xf32, #tpu.memory_space<vmem>> -> memref<1x32x128xf32, #tpu.memory_space<vmem>>
    %gather3A_1578 = tpu.memref_squeeze %gather3A_1577 : memref<1x32x128xf32, #tpu.memory_space<vmem>> -> memref<32x128xf32, #tpu.memory_space<vmem>>
    %gather3A_1579 = tpu.vector_load_idx %gather3A_1578[%iota3A, %broadcast_in_dim3A_1566] : memref<32x128xf32, #tpu.memory_space<vmem>>[vector<16xi32>, vector<16xi32>], vector<16xf32>,
    %gather3A_1580 = arith.constant 5 : i32
    %gather3A_1581 = arith.constant 0 : i32
    %gather3A_1582 = arith.constant 0 : i32
    %gather3A_1583 = tpu.memref_slice %arg10[%gather3A_1580, %gather3A_1581, %gather3A_1582] : memref<8x32x128xf32, #tpu.memory_space<vmem>> -> memref<1x32x128xf32, #tpu.memory_space<vmem>>
    %gather3A_1584 = tpu.memref_squeeze %gather3A_1583 : memref<1x32x128xf32, #tpu.memory_space<vmem>> -> memref<32x128xf32, #tpu.memory_space<vmem>>
    %gather3A_1585 = tpu.vector_load_idx %gather3A_1584[%iota3A, %broadcast_in_dim3A_1571] : memref<32x128xf32, #tpu.memory_space<vmem>>[vector<16xi32>, vector<16xi32>], vector<16xf32>,
    %mul3A_1586 = arith.mulf %gather3A_1579, %gather3A_1585 : vector<16xf32>
    tpu.vector_store_idx %arg11[%iota3A, %broadcast_in_dim3A_1573], %mul3A_1586 : memref<32x512xf32, #tpu.memory_space<vmem>>[vector<16xi32>, vector<16xi32>], vector<16xf32>,
    %gather3A_1587 = arith.constant 5 : i32
    %gather3A_1588 = arith.constant 0 : i32
    %gather3A_1589 = arith.constant 0 : i32
    %gather3A_1590 = tpu.memref_slice %arg9[%gather3A_1587, %gather3A_1588, %gather3A_1589] : memref<8x32x128xf32, #tpu.memory_space<vmem>> -> memref<1x32x128xf32, #tpu.memory_space<vmem>>
    %gather3A_1591 = tpu.memref_squeeze %gather3A_1590 : memref<1x32x128xf32, #tpu.memory_space<vmem>> -> memref<32x128xf32, #tpu.memory_space<vmem>>
    %gather3A_1592 = tpu.vector_load_idx %gather3A_1591[%add3A_5, %broadcast_in_dim3A_1566] : memref<32x128xf32, #tpu.memory_space<vmem>>[vector<16xi32>, vector<16xi32>], vector<16xf32>,
    %gather3A_1593 = arith.constant 5 : i32
    %gather3A_1594 = arith.constant 0 : i32
    %gather3A_1595 = arith.constant 0 : i32
    %gather3A_1596 = tpu.memref_slice %arg10[%gather3A_1593, %gather3A_1594, %gather3A_1595] : memref<8x32x128xf32, #tpu.memory_space<vmem>> -> memref<1x32x128xf32, #tpu.memory_space<vmem>>
    %gather3A_1597 = tpu.memref_squeeze %gather3A_1596 : memref<1x32x128xf32, #tpu.memory_space<vmem>> -> memref<32x128xf32, #tpu.memory_space<vmem>>
    %gather3A_1598 = tpu.vector_load_idx %gather3A_1597[%add3A_5, %broadcast_in_dim3A_1571] : memref<32x128xf32, #tpu.memory_space<vmem>>[vector<16xi32>, vector<16xi32>], vector<16xf32>,
    %mul3A_1599 = arith.mulf %gather3A_1592, %gather3A_1598 : vector<16xf32>
    tpu.vector_store_idx %arg11[%add3A_5, %broadcast_in_dim3A_1573], %mul3A_1599 : memref<32x512xf32, #tpu.memory_space<vmem>>[vector<16xi32>, vector<16xi32>], vector<16xf32>,
    %dma_wait3A_1600 = arith.constant 6 : i32
    %dma_wait3A_1601 = arith.constant 0 : i32
    %dma_wait3A_1602 = arith.constant 0 : i32
    %dma_wait3A_1603 = tpu.memref_slice %arg9[%dma_wait3A_1600, %dma_wait3A_1601, %dma_wait3A_1602] : memref<8x32x128xf32, #tpu.memory_space<vmem>> -> memref<1x32x128xf32, #tpu.memory_space<vmem>>
    %dma_wait3A_1604 = tpu.memref_squeeze %dma_wait3A_1603 : memref<1x32x128xf32, #tpu.memory_space<vmem>> -> memref<32x128xf32, #tpu.memory_space<vmem>>
    %dma_wait3A_1605 = arith.constant 0 : i32
    %dma_wait3A_1606 = arith.constant 0 : i32
    %dma_wait3A_1607 = tpu.memref_slice %arg4[%dma_wait3A_1605, %dma_wait3A_1606] : memref<32x1000000xf32, #tpu.memory_space<hbm>> -> memref<32x128xf32, #tpu.memory_space<hbm>>
    %dma_wait3A_1608 = arith.constant 0 : i32
    %dma_wait3A_1609 = arith.constant 0 : i32
    %dma_wait3A_1610 = tpu.memref_slice %arg9[%dma_wait3A_1600, %dma_wait3A_1608, %dma_wait3A_1609] : memref<8x32x128xf32, #tpu.memory_space<vmem>> -> memref<1x32x128xf32, #tpu.memory_space<vmem>>
    %dma_wait3A_1611 = tpu.memref_squeeze %dma_wait3A_1610 : memref<1x32x128xf32, #tpu.memory_space<vmem>> -> memref<32x128xf32, #tpu.memory_space<vmem>>
    %dma_wait3A_1612 = arith.constant 0 : i32
    %dma_wait3A_1613 = arith.constant 0 : i32
    %dma_wait3A_1614 = tpu.memref_slice %arg4[%dma_wait3A_1612, %dma_wait3A_1613] : memref<32x1000000xf32, #tpu.memory_space<hbm>> -> memref<32x128xf32, #tpu.memory_space<hbm>>
    tpu.wait_dma2 semaphore(%arg18 : memref<!tpu.dma_semaphore, #tpu.memory_space<semaphore_mem>>) src(%dma_wait3A_1614 : memref<32x128xf32, #tpu.memory_space<hbm>>) dst(%dma_wait3A_1611 : memref<32x128xf32, #tpu.memory_space<vmem>>)
    %dma_wait3A_1615 = arith.constant 6 : i32
    %dma_wait3A_1616 = arith.constant 0 : i32
    %dma_wait3A_1617 = arith.constant 0 : i32
    %dma_wait3A_1618 = tpu.memref_slice %arg10[%dma_wait3A_1615, %dma_wait3A_1616, %dma_wait3A_1617] : memref<8x32x128xf32, #tpu.memory_space<vmem>> -> memref<1x32x128xf32, #tpu.memory_space<vmem>>
    %dma_wait3A_1619 = tpu.memref_squeeze %dma_wait3A_1618 : memref<1x32x128xf32, #tpu.memory_space<vmem>> -> memref<32x128xf32, #tpu.memory_space<vmem>>
    %dma_wait3A_1620 = arith.constant 0 : i32
    %dma_wait3A_1621 = arith.constant 0 : i32
    %dma_wait3A_1622 = tpu.memref_slice %arg5[%dma_wait3A_1620, %dma_wait3A_1621] : memref<32x1000000xf32, #tpu.memory_space<hbm>> -> memref<32x128xf32, #tpu.memory_space<hbm>>
    %dma_wait3A_1623 = arith.constant 0 : i32
    %dma_wait3A_1624 = arith.constant 0 : i32
    %dma_wait3A_1625 = tpu.memref_slice %arg10[%dma_wait3A_1615, %dma_wait3A_1623, %dma_wait3A_1624] : memref<8x32x128xf32, #tpu.memory_space<vmem>> -> memref<1x32x128xf32, #tpu.memory_space<vmem>>
    %dma_wait3A_1626 = tpu.memref_squeeze %dma_wait3A_1625 : memref<1x32x128xf32, #tpu.memory_space<vmem>> -> memref<32x128xf32, #tpu.memory_space<vmem>>
    %dma_wait3A_1627 = arith.constant 0 : i32
    %dma_wait3A_1628 = arith.constant 0 : i32
    %dma_wait3A_1629 = tpu.memref_slice %arg5[%dma_wait3A_1627, %dma_wait3A_1628] : memref<32x1000000xf32, #tpu.memory_space<hbm>> -> memref<32x128xf32, #tpu.memory_space<hbm>>
    tpu.wait_dma2 semaphore(%arg26 : memref<!tpu.dma_semaphore, #tpu.memory_space<semaphore_mem>>) src(%dma_wait3A_1629 : memref<32x128xf32, #tpu.memory_space<hbm>>) dst(%dma_wait3A_1626 : memref<32x128xf32, #tpu.memory_space<vmem>>)
    %slice3A_1630 = vector.extract_strided_slice %get3A_329 {offsets = [14], sizes = [1], strides = [1]} : vector<16xi32> to vector<1xi32>
    %squeeze3A_1631 = vector.extract %slice3A_1630[0] : i32 from vector<1xi32>
    %and3A_1632 = arith.constant 127 : i32
    %and3A_1633 = arith.andi %squeeze3A_1631, %and3A_1632 : i32
    %broadcast_in_dim3A_1634 = vector.broadcast %and3A_1633 : i32 to vector<16xi32>
    %slice3A_1635 = vector.extract_strided_slice %get3A_331 {offsets = [14], sizes = [1], strides = [1]} : vector<16xi32> to vector<1xi32>
    %squeeze3A_1636 = vector.extract %slice3A_1635[0] : i32 from vector<1xi32>
    %and3A_1637 = arith.constant 127 : i32
    %and3A_1638 = arith.andi %squeeze3A_1636, %and3A_1637 : i32
    %broadcast_in_dim3A_1639 = vector.broadcast %and3A_1638 : i32 to vector<16xi32>
    %broadcast_in_dim3A_1640 = arith.constant 510 : i32
    %broadcast_in_dim3A_1641 = vector.broadcast %broadcast_in_dim3A_1640 : i32 to vector<16xi32>
    %gather3A_1642 = arith.constant 6 : i32
    %gather3A_1643 = arith.constant 0 : i32
    %gather3A_1644 = arith.constant 0 : i32
    %gather3A_1645 = tpu.memref_slice %arg9[%gather3A_1642, %gather3A_1643, %gather3A_1644] : memref<8x32x128xf32, #tpu.memory_space<vmem>> -> memref<1x32x128xf32, #tpu.memory_space<vmem>>
    %gather3A_1646 = tpu.memref_squeeze %gather3A_1645 : memref<1x32x128xf32, #tpu.memory_space<vmem>> -> memref<32x128xf32, #tpu.memory_space<vmem>>
    %gather3A_1647 = tpu.vector_load_idx %gather3A_1646[%iota3A, %broadcast_in_dim3A_1634] : memref<32x128xf32, #tpu.memory_space<vmem>>[vector<16xi32>, vector<16xi32>], vector<16xf32>,
    %gather3A_1648 = arith.constant 6 : i32
    %gather3A_1649 = arith.constant 0 : i32
    %gather3A_1650 = arith.constant 0 : i32
    %gather3A_1651 = tpu.memref_slice %arg10[%gather3A_1648, %gather3A_1649, %gather3A_1650] : memref<8x32x128xf32, #tpu.memory_space<vmem>> -> memref<1x32x128xf32, #tpu.memory_space<vmem>>
    %gather3A_1652 = tpu.memref_squeeze %gather3A_1651 : memref<1x32x128xf32, #tpu.memory_space<vmem>> -> memref<32x128xf32, #tpu.memory_space<vmem>>
    %gather3A_1653 = tpu.vector_load_idx %gather3A_1652[%iota3A, %broadcast_in_dim3A_1639] : memref<32x128xf32, #tpu.memory_space<vmem>>[vector<16xi32>, vector<16xi32>], vector<16xf32>,
    %mul3A_1654 = arith.mulf %gather3A_1647, %gather3A_1653 : vector<16xf32>
    tpu.vector_store_idx %arg11[%iota3A, %broadcast_in_dim3A_1641], %mul3A_1654 : memref<32x512xf32, #tpu.memory_space<vmem>>[vector<16xi32>, vector<16xi32>], vector<16xf32>,
    %gather3A_1655 = arith.constant 6 : i32
    %gather3A_1656 = arith.constant 0 : i32
    %gather3A_1657 = arith.constant 0 : i32
    %gather3A_1658 = tpu.memref_slice %arg9[%gather3A_1655, %gather3A_1656, %gather3A_1657] : memref<8x32x128xf32, #tpu.memory_space<vmem>> -> memref<1x32x128xf32, #tpu.memory_space<vmem>>
    %gather3A_1659 = tpu.memref_squeeze %gather3A_1658 : memref<1x32x128xf32, #tpu.memory_space<vmem>> -> memref<32x128xf32, #tpu.memory_space<vmem>>
    %gather3A_1660 = tpu.vector_load_idx %gather3A_1659[%add3A_5, %broadcast_in_dim3A_1634] : memref<32x128xf32, #tpu.memory_space<vmem>>[vector<16xi32>, vector<16xi32>], vector<16xf32>,
    %gather3A_1661 = arith.constant 6 : i32
    %gather3A_1662 = arith.constant 0 : i32
    %gather3A_1663 = arith.constant 0 : i32
    %gather3A_1664 = tpu.memref_slice %arg10[%gather3A_1661, %gather3A_1662, %gather3A_1663] : memref<8x32x128xf32, #tpu.memory_space<vmem>> -> memref<1x32x128xf32, #tpu.memory_space<vmem>>
    %gather3A_1665 = tpu.memref_squeeze %gather3A_1664 : memref<1x32x128xf32, #tpu.memory_space<vmem>> -> memref<32x128xf32, #tpu.memory_space<vmem>>
    %gather3A_1666 = tpu.vector_load_idx %gather3A_1665[%add3A_5, %broadcast_in_dim3A_1639] : memref<32x128xf32, #tpu.memory_space<vmem>>[vector<16xi32>, vector<16xi32>], vector<16xf32>,
    %mul3A_1667 = arith.mulf %gather3A_1660, %gather3A_1666 : vector<16xf32>
    tpu.vector_store_idx %arg11[%add3A_5, %broadcast_in_dim3A_1641], %mul3A_1667 : memref<32x512xf32, #tpu.memory_space<vmem>>[vector<16xi32>, vector<16xi32>], vector<16xf32>,
    %dma_wait3A_1668 = arith.constant 7 : i32
    %dma_wait3A_1669 = arith.constant 0 : i32
    %dma_wait3A_1670 = arith.constant 0 : i32
    %dma_wait3A_1671 = tpu.memref_slice %arg9[%dma_wait3A_1668, %dma_wait3A_1669, %dma_wait3A_1670] : memref<8x32x128xf32, #tpu.memory_space<vmem>> -> memref<1x32x128xf32, #tpu.memory_space<vmem>>
    %dma_wait3A_1672 = tpu.memref_squeeze %dma_wait3A_1671 : memref<1x32x128xf32, #tpu.memory_space<vmem>> -> memref<32x128xf32, #tpu.memory_space<vmem>>
    %dma_wait3A_1673 = arith.constant 0 : i32
    %dma_wait3A_1674 = arith.constant 0 : i32
    %dma_wait3A_1675 = tpu.memref_slice %arg4[%dma_wait3A_1673, %dma_wait3A_1674] : memref<32x1000000xf32, #tpu.memory_space<hbm>> -> memref<32x128xf32, #tpu.memory_space<hbm>>
    %dma_wait3A_1676 = arith.constant 0 : i32
    %dma_wait3A_1677 = arith.constant 0 : i32
    %dma_wait3A_1678 = tpu.memref_slice %arg9[%dma_wait3A_1668, %dma_wait3A_1676, %dma_wait3A_1677] : memref<8x32x128xf32, #tpu.memory_space<vmem>> -> memref<1x32x128xf32, #tpu.memory_space<vmem>>
    %dma_wait3A_1679 = tpu.memref_squeeze %dma_wait3A_1678 : memref<1x32x128xf32, #tpu.memory_space<vmem>> -> memref<32x128xf32, #tpu.memory_space<vmem>>
    %dma_wait3A_1680 = arith.constant 0 : i32
    %dma_wait3A_1681 = arith.constant 0 : i32
    %dma_wait3A_1682 = tpu.memref_slice %arg4[%dma_wait3A_1680, %dma_wait3A_1681] : memref<32x1000000xf32, #tpu.memory_space<hbm>> -> memref<32x128xf32, #tpu.memory_space<hbm>>
    tpu.wait_dma2 semaphore(%arg19 : memref<!tpu.dma_semaphore, #tpu.memory_space<semaphore_mem>>) src(%dma_wait3A_1682 : memref<32x128xf32, #tpu.memory_space<hbm>>) dst(%dma_wait3A_1679 : memref<32x128xf32, #tpu.memory_space<vmem>>)
    %dma_wait3A_1683 = arith.constant 7 : i32
    %dma_wait3A_1684 = arith.constant 0 : i32
    %dma_wait3A_1685 = arith.constant 0 : i32
    %dma_wait3A_1686 = tpu.memref_slice %arg10[%dma_wait3A_1683, %dma_wait3A_1684, %dma_wait3A_1685] : memref<8x32x128xf32, #tpu.memory_space<vmem>> -> memref<1x32x128xf32, #tpu.memory_space<vmem>>
    %dma_wait3A_1687 = tpu.memref_squeeze %dma_wait3A_1686 : memref<1x32x128xf32, #tpu.memory_space<vmem>> -> memref<32x128xf32, #tpu.memory_space<vmem>>
    %dma_wait3A_1688 = arith.constant 0 : i32
    %dma_wait3A_1689 = arith.constant 0 : i32
    %dma_wait3A_1690 = tpu.memref_slice %arg5[%dma_wait3A_1688, %dma_wait3A_1689] : memref<32x1000000xf32, #tpu.memory_space<hbm>> -> memref<32x128xf32, #tpu.memory_space<hbm>>
    %dma_wait3A_1691 = arith.constant 0 : i32
    %dma_wait3A_1692 = arith.constant 0 : i32
    %dma_wait3A_1693 = tpu.memref_slice %arg10[%dma_wait3A_1683, %dma_wait3A_1691, %dma_wait3A_1692] : memref<8x32x128xf32, #tpu.memory_space<vmem>> -> memref<1x32x128xf32, #tpu.memory_space<vmem>>
    %dma_wait3A_1694 = tpu.memref_squeeze %dma_wait3A_1693 : memref<1x32x128xf32, #tpu.memory_space<vmem>> -> memref<32x128xf32, #tpu.memory_space<vmem>>
    %dma_wait3A_1695 = arith.constant 0 : i32
    %dma_wait3A_1696 = arith.constant 0 : i32
    %dma_wait3A_1697 = tpu.memref_slice %arg5[%dma_wait3A_1695, %dma_wait3A_1696] : memref<32x1000000xf32, #tpu.memory_space<hbm>> -> memref<32x128xf32, #tpu.memory_space<hbm>>
    tpu.wait_dma2 semaphore(%arg27 : memref<!tpu.dma_semaphore, #tpu.memory_space<semaphore_mem>>) src(%dma_wait3A_1697 : memref<32x128xf32, #tpu.memory_space<hbm>>) dst(%dma_wait3A_1694 : memref<32x128xf32, #tpu.memory_space<vmem>>)
    %slice3A_1698 = vector.extract_strided_slice %get3A_329 {offsets = [15], sizes = [1], strides = [1]} : vector<16xi32> to vector<1xi32>
    %squeeze3A_1699 = vector.extract %slice3A_1698[0] : i32 from vector<1xi32>
    %and3A_1700 = arith.constant 127 : i32
    %and3A_1701 = arith.andi %squeeze3A_1699, %and3A_1700 : i32
    %broadcast_in_dim3A_1702 = vector.broadcast %and3A_1701 : i32 to vector<16xi32>
    %slice3A_1703 = vector.extract_strided_slice %get3A_331 {offsets = [15], sizes = [1], strides = [1]} : vector<16xi32> to vector<1xi32>
    %squeeze3A_1704 = vector.extract %slice3A_1703[0] : i32 from vector<1xi32>
    %and3A_1705 = arith.constant 127 : i32
    %and3A_1706 = arith.andi %squeeze3A_1704, %and3A_1705 : i32
    %broadcast_in_dim3A_1707 = vector.broadcast %and3A_1706 : i32 to vector<16xi32>
    %broadcast_in_dim3A_1708 = arith.constant 511 : i32
    %broadcast_in_dim3A_1709 = vector.broadcast %broadcast_in_dim3A_1708 : i32 to vector<16xi32>
    %gather3A_1710 = arith.constant 7 : i32
    %gather3A_1711 = arith.constant 0 : i32
    %gather3A_1712 = arith.constant 0 : i32
    %gather3A_1713 = tpu.memref_slice %arg9[%gather3A_1710, %gather3A_1711, %gather3A_1712] : memref<8x32x128xf32, #tpu.memory_space<vmem>> -> memref<1x32x128xf32, #tpu.memory_space<vmem>>
    %gather3A_1714 = tpu.memref_squeeze %gather3A_1713 : memref<1x32x128xf32, #tpu.memory_space<vmem>> -> memref<32x128xf32, #tpu.memory_space<vmem>>
    %gather3A_1715 = tpu.vector_load_idx %gather3A_1714[%iota3A, %broadcast_in_dim3A_1702] : memref<32x128xf32, #tpu.memory_space<vmem>>[vector<16xi32>, vector<16xi32>], vector<16xf32>,
    %gather3A_1716 = arith.constant 7 : i32
    %gather3A_1717 = arith.constant 0 : i32
    %gather3A_1718 = arith.constant 0 : i32
    %gather3A_1719 = tpu.memref_slice %arg10[%gather3A_1716, %gather3A_1717, %gather3A_1718] : memref<8x32x128xf32, #tpu.memory_space<vmem>> -> memref<1x32x128xf32, #tpu.memory_space<vmem>>
    %gather3A_1720 = tpu.memref_squeeze %gather3A_1719 : memref<1x32x128xf32, #tpu.memory_space<vmem>> -> memref<32x128xf32, #tpu.memory_space<vmem>>
    %gather3A_1721 = tpu.vector_load_idx %gather3A_1720[%iota3A, %broadcast_in_dim3A_1707] : memref<32x128xf32, #tpu.memory_space<vmem>>[vector<16xi32>, vector<16xi32>], vector<16xf32>,
    %mul3A_1722 = arith.mulf %gather3A_1715, %gather3A_1721 : vector<16xf32>
    tpu.vector_store_idx %arg11[%iota3A, %broadcast_in_dim3A_1709], %mul3A_1722 : memref<32x512xf32, #tpu.memory_space<vmem>>[vector<16xi32>, vector<16xi32>], vector<16xf32>,
    %gather3A_1723 = arith.constant 7 : i32
    %gather3A_1724 = arith.constant 0 : i32
    %gather3A_1725 = arith.constant 0 : i32
    %gather3A_1726 = tpu.memref_slice %arg9[%gather3A_1723, %gather3A_1724, %gather3A_1725] : memref<8x32x128xf32, #tpu.memory_space<vmem>> -> memref<1x32x128xf32, #tpu.memory_space<vmem>>
    %gather3A_1727 = tpu.memref_squeeze %gather3A_1726 : memref<1x32x128xf32, #tpu.memory_space<vmem>> -> memref<32x128xf32, #tpu.memory_space<vmem>>
    %gather3A_1728 = tpu.vector_load_idx %gather3A_1727[%add3A_5, %broadcast_in_dim3A_1702] : memref<32x128xf32, #tpu.memory_space<vmem>>[vector<16xi32>, vector<16xi32>], vector<16xf32>,
    %gather3A_1729 = arith.constant 7 : i32
    %gather3A_1730 = arith.constant 0 : i32
    %gather3A_1731 = arith.constant 0 : i32
    %gather3A_1732 = tpu.memref_slice %arg10[%gather3A_1729, %gather3A_1730, %gather3A_1731] : memref<8x32x128xf32, #tpu.memory_space<vmem>> -> memref<1x32x128xf32, #tpu.memory_space<vmem>>
    %gather3A_1733 = tpu.memref_squeeze %gather3A_1732 : memref<1x32x128xf32, #tpu.memory_space<vmem>> -> memref<32x128xf32, #tpu.memory_space<vmem>>
    %gather3A_1734 = tpu.vector_load_idx %gather3A_1733[%add3A_5, %broadcast_in_dim3A_1707] : memref<32x128xf32, #tpu.memory_space<vmem>>[vector<16xi32>, vector<16xi32>], vector<16xf32>,
    %mul3A_1735 = arith.mulf %gather3A_1728, %gather3A_1734 : vector<16xf32>
    tpu.vector_store_idx %arg11[%add3A_5, %broadcast_in_dim3A_1709], %mul3A_1735 : memref<32x512xf32, #tpu.memory_space<vmem>>[vector<16xi32>, vector<16xi32>], vector<16xf32>,
    "tpu.region"() ({
      %run_scoped3A = tpu.sem_alloc : memref<!tpu.dma_semaphore, #tpu.memory_space<semaphore_mem>>
      %dma_start3A_1736 = arith.constant 0 : i32
      %dma_start3A_1737 = tpu.memref_slice %arg6[%dma_start3A_1736, %mul3A_2] : memref<32x16384xf32, #tpu.memory_space<hbm>> -> memref<32x512xf32, #tpu.memory_space<hbm>>
      %dma_start3A_1738 = arith.constant 0 : i32
      %dma_start3A_1739 = tpu.memref_slice %arg6[%dma_start3A_1738, %mul3A_2] : memref<32x16384xf32, #tpu.memory_space<hbm>> -> memref<32x512xf32, #tpu.memory_space<hbm>>
      tpu.enqueue_dma source(%arg11 : memref<32x512xf32, #tpu.memory_space<vmem>>) target(%dma_start3A_1739 : memref<32x512xf32, #tpu.memory_space<hbm>>) target_semaphore(%run_scoped3A : memref<!tpu.dma_semaphore, #tpu.memory_space<semaphore_mem>>)
      %dma_wait3A_1740 = arith.constant 0 : i32
      %dma_wait3A_1741 = tpu.memref_slice %arg6[%dma_wait3A_1740, %mul3A_2] : memref<32x16384xf32, #tpu.memory_space<hbm>> -> memref<32x512xf32, #tpu.memory_space<hbm>>
      %dma_wait3A_1742 = arith.constant 0 : i32
      %dma_wait3A_1743 = tpu.memref_slice %arg6[%dma_wait3A_1742, %mul3A_2] : memref<32x16384xf32, #tpu.memory_space<hbm>> -> memref<32x512xf32, #tpu.memory_space<hbm>>
      tpu.wait_dma2 semaphore(%run_scoped3A : memref<!tpu.dma_semaphore, #tpu.memory_space<semaphore_mem>>) src(%arg11 : memref<32x512xf32, #tpu.memory_space<vmem>>) dst(%dma_wait3A_1743 : memref<32x512xf32, #tpu.memory_space<hbm>>)
      tpu.yield
    }) : () -> ()
    return
  }
}

</mosaic_0001>

<sc_bundles>
// kernel: kernel.3.cloned.1.call-start
scs
__scs_entry_jumppad:
0x0: {  	(pc) =	sbr.rel $0x88, $3  }
0x1: {  	(tag) =	ssettag $0x0;
	lr =	simm.s32 $0x1  }
0x2: {  	[smem:$0x3F9D] =	sst lr;
	_ =	strace $0xD0000000  }
0x3: {  	_ = 	snop  }
0x4: {  	_ = 	snop  }
0x5: {  	_ = 	snop  }
0x6: {  	_ = 	snop  }
0x7: {  	_ = 	snop  }
__scs_overlays_trampoline_lowered:
0x8: {  	[smem:$0x3FAC] =	sst s0  }
0x9: {  	[smem:$0x3FAD] =	sst s1  }
0xa: {  	[smem:$0x3FAE] =	sst s2  }
0xb: {  	[smem:$0x3FAF] =	sst s3  }
0xc: {  	[smem:$0x3FB0] =	sst s4  }
0xd: {  	[smem:$0x3FB1] =	sst s5  }
0xe: {  	[smem:$0x3FB2] =	sst s6  }
0xf: {  	[smem:$0x3FB3] =	sst s7  }
0x10: {  	[smem:$0x3FB4] =	sst s8  }
0x11: {  	[smem:$0x3FB5] =	sst s9;
	s0 =	simm.s32 @!p0 $0x0  }
0x12: {  	s1 =	sld [smem:$0x3F9B];
	s0 =	simm.s32 @p0 $0x1  }
0x13: {  	[smem:$0x3FB6] =	sst s0;
	s0 =	simm.s32 @!p1 $0x0  }
0x14: {  	s2 =	sld [smem:$0x3F9A];
	s0 =	simm.s32 @p1 $0x1  }
0x15: {  	[smem:$0x3FB7] =	sst s0;
	s0 =	simm.s32 @!p2 $0x0  }
0x16: {  	s3 =	sld [smem:$0x3FDB];
	s0 =	simm.s32 @p2 $0x1  }
0x17: {  	s4 =	simm.s32 $0x1BF5;
	[smem:$0x3FB9] =	sst s0  }
0x18: {  	s0 =	sld [smem:$0x3F9C];
	_ =	swait.ge [sflag:s4], $0x0  }
0x19: {  	s7 =	sld [smem:$0x3F9D]  }
0x1a: {  	s8 =	sadd.s32 $0xFFFFE003, lr  }
0x1b: {  	s9 =	sadd.s32 $0xFFFFFEF7, lr;
	s5 =	simm.s32 $0xFFFFFFFF;
	p2 =	slt.u32 s8, $0xFFFFF086  }
0x1c: {  	p1 =	slt.u32 s9, $0xF7A;
	s5 =	simm.s32 @!p2 $0x0  }
0x1d: {  	s5 =	simm.s32 @p1 $0x1;
	p0 =	seq.s32 s7, s2  }
0x1e: {  	s7 =	smul.u32 @!p0 $0xF7A, s2;
	p2 =	seq.s32 @!p0 s5, $0x0  }
0x1f: {  	s9 =	smul.u32 $0xF7A, s1;
	s8 =	simm.s32 @!p0 $0x1BF5;
	p2 =	por !p2, p0  }
0x20: {  	[sflag:s8] =	ssyncset.s32 @!p0 $0xFFFFF086;
	s6 =	sadd.s32 @!p0 s3, s7;
	s7 =	simm.s32 @!p0 $0x108  }
0x21: {  	s3 =	sadd.s32 s3, s9;
	s6 =	sadd.s32 @!p0 $0x88, s6;
	s7 =	simm.s32 @p2 $0x1082  }
0x22: {  	[simem:s7], [sflag:s8] =	dma.local @!p0 [hbm:s6], $0xF7A  }
0x23: {  	s9 =	sor.u32 $0xD0000000, s2;
	s6 =	simm.s32 $0x108;
	_ =	swait.ge @!p0 [sflag:s8], $0x0  }
0x24: {  	s3 =	sadd.s32 $0x88, s3;
	s6 =	simm.s32 @!p1 $0x1082;
	[sflag:s4] =	ssyncset.s32 $0xFFFFF086  }
0x25: {  	[simem:s6], [sflag:s4] =	dma.local [hbm:s3], $0xF7A  }
0x26: {  	[smem:$0x3F9D] =	sst s1;
	(tag) =	ssettag s2;
	_ =	strace s9  }
0x27: {  	s1 =	sld [smem:$0x3FAD]  }
0x28: {  	s2 =	sld [smem:$0x3FAE]  }
0x29: {  	s4 =	sld [smem:$0x3FB0]  }
0x2a: {  	p0 =	seq.s32 s5, $0x0;
	s5 =	sld [smem:$0x3FB1]  }
0x2b: {  	s6 =	sld [smem:$0x3FB2]  }
0x2c: {  	s7 =	sld [smem:$0x3FB3]  }
0x2d: {  	s3 =	simm.s32 $0x108;
	s8 =	sld [smem:$0x3FB4]  }
0x2e: {  	s3 =	simm.s32 @!p0 $0x1082;
	s9 =	sld [smem:$0x3FB5]  }
0x2f: {  	lr =	sadd.s32 s0, s3;
	s0 =	sld [smem:$0x3FAC]  }
0x30: {  	s3 =	sld [smem:$0x3FAF]  }
0x31: {  	[smem:$0x3FB8] =	sst s10  }
0x32: {  	s10 =	sld [smem:$0x3FB6];
	_ =	sdelay $0x3  }
0x33: {  	p0 =	seq.s32 s10, $0x1;
	s10 =	sld [smem:$0x3FB8];
	_ =	sdelay $0x3  }
0x34: {  	[smem:$0x3FB8] =	sst s10  }
0x35: {  	s10 =	sld [smem:$0x3FB7];
	_ =	sdelay $0x3  }
0x36: {  	p1 =	seq.s32 s10, $0x1;
	s10 =	sld [smem:$0x3FB8];
	_ =	sdelay $0x3  }
0x37: {  	[smem:$0x3FB8] =	sst s10  }
0x38: {  	s10 =	sld [smem:$0x3FB9]  }
0x39: {  	_ = 	snop;
	(pc) =	sbr.ind lr, $3  }
0x3a: {  	_ = 	snop  }
0x3b: {  	_ = 	snop  }
0x3c: {  	p2 =	seq.s32 s10, $0x1;
	s10 =	sld [smem:$0x3FB8]  }
0x3d: {  	_ =	shalt  }
0x3e: {  	_ =	shalt  }
0x3f: {  	_ =	shalt  }
0x40: {  	_ =	shalt  }
0x41: {  	_ =	shalt  }
0x42: {  	_ =	shalt  }
0x43: {  	_ =	shalt  }
0x44: {  	_ =	shalt  }
0x45: {  	_ =	shalt  }
0x46: {  	_ =	shalt  }
0x47: {  	_ =	shalt  }
0x48: {  	_ =	shalt  }
0x49: {  	_ =	shalt  }
0x4a: {  	_ =	shalt  }
0x4b: {  	_ =	shalt  }
0x4c: {  	_ =	shalt  }
0x4d: {  	_ =	shalt  }
0x4e: {  	_ =	shalt  }
0x4f: {  	_ =	shalt  }
0x50: {  	_ =	shalt  }
0x51: {  	_ =	shalt  }
0x52: {  	_ =	shalt  }
0x53: {  	_ =	shalt  }
0x54: {  	_ =	shalt  }
0x55: {  	_ =	shalt  }
0x56: {  	_ =	shalt  }
0x57: {  	_ =	shalt  }
0x58: {  	_ =	shalt  }
0x59: {  	_ =	shalt  }
0x5a: {  	_ =	shalt  }
0x5b: {  	_ =	shalt  }
0x5c: {  	_ =	shalt  }
0x5d: {  	_ =	shalt  }
0x5e: {  	_ =	shalt  }
0x5f: {  	_ =	shalt  }
0x60: {  	_ =	shalt  }
0x61: {  	_ =	shalt  }
0x62: {  	_ =	shalt  }
0x63: {  	_ =	shalt  }
0x64: {  	_ =	shalt  }
0x65: {  	_ =	shalt  }
0x66: {  	_ =	shalt  }
0x67: {  	_ =	shalt  }
0x68: {  	_ =	shalt  }
0x69: {  	_ =	shalt  }
0x6a: {  	_ =	shalt  }
0x6b: {  	_ =	shalt  }
0x6c: {  	_ =	shalt  }
0x6d: {  	_ =	shalt  }
0x6e: {  	_ =	shalt  }
0x6f: {  	_ =	shalt  }
0x70: {  	_ =	shalt  }
0x71: {  	_ =	shalt  }
0x72: {  	_ =	shalt  }
0x73: {  	_ =	shalt  }
0x74: {  	_ =	shalt  }
0x75: {  	_ =	shalt  }
0x76: {  	_ =	shalt  }
0x77: {  	_ =	shalt  }
0x78: {  	_ =	shalt  }
0x79: {  	_ =	shalt  }
0x7a: {  	_ =	shalt  }
0x7b: {  	_ =	shalt  }
0x7c: {  	_ =	shalt  }
0x7d: {  	_ =	shalt  }
0x7e: {  	_ =	shalt  }
0x7f: {  	_ =	shalt  }
0x80: {  	_ =	shalt  }
0x81: {  	_ =	shalt  }
0x82: {  	_ =	shalt  }
0x83: {  	_ =	shalt  }
0x84: {  	_ =	shalt  }
0x85: {  	_ =	shalt  }
0x86: {  	_ =	shalt  }
0x87: {  	_ =	shalt  }
.Lfunc_end0:
.L_simem_size_0:
called_computation_lowered:
.L_overlay_start_0:
0x88: {  	s2 =	sld [smem:$0x3FD9]  }
0x89: {  	s3 =	sld [smem:$0x3FFE];
	_ =	sdelay $0x1  }
0x8a: {  	s1 =	srdreg.scid  }
0x8b: {  	s0 =	sand.u32 $0x1, s1  }
0x8c: {  	s18 =	sshll.u32 s0, $0xA;
	s2 =	sadd.s32 s3, s2  }
0x8d: {  	s2 =	sadd.s32 s2, s18  }
0x8e: {  	[smem:$0x3FC4] =	sst s2  }
0x8f: {  	_ = 	snop  }
0x90: {  	s2 =	sld [smem:$0x3FC9]  }
0x91: {  	s19 =	sld [smem:$0x3FC8]  }
0x92: {  	s4 =	sld [smem:$0x3FC7]  }
0x93: {  	s5 =	sld [smem:$0x3FC6]  }
0x94: {  	s6 =	sld [smem:$0x3FD0];
	(tm) =	ssettm $0x1  }
0x95: {  	s7 =	sld [smem:$0x3FFB];
	_ =	sdelay $0x3  }
0x96: {  	_ =	strace s7  }
0x97: {  	s7 =	sld [smem:$0x3FFC];
	_ =	sdelay $0x3  }
0x98: {  	_ =	strace s7  }
0x99: {  	s7 =	sld [smem:$0x3FFD];
	_ =	sdelay $0x3  }
0x9a: {  	_ =	strace s7  }
0x9b: {  	_ =	strace $0x8FFFFFFF  }
0x9c: {  	s20 =	sld [smem:$0x3FDB];
	_ =	sdelay $0x1  }
0x9d: {  	s8 =	simm.s32 $_scs_section_size  }
0x9e: {  	s9 =	simm.s32 $_size__tile_overlayer_lowered;
	s10 =	simm.s32 $_tile_overlayer_lowered  }
0x9f: {  	s23 =	simm.s32 $0x1BFF;
	s22 =	sshll.u32 s10, $0x1;
	s7 =	sadd.s32 s8, s20  }
0xa0: {  	s11 =	simm.s32 $0x0;
	s21 =	sshll.u32 s9, $0x1;
	s9 =	sadd.s32 s22, s7  }
0xa1: {  	[timem:s11], [sflag:s23] =	dma.local [hbm:s9], s21  }
0xa2: {  	_ =	swait.ge [sflag:s23], s21  }
0xa3: {  	s8 =	ssub.s32 $0x0, s21;
	[sflag:s23] =	ssyncset.done $0x0  }
0xa4: {  	[sflag:s23] =	ssyncadd.s32 s8;
	_ =	sdelay $0x1  }
0xa5: {  	s24 =	simm.s32 $0x1B8B  }
0xa6: {  	_ =	swait.ge [sflag:s24], $0x1  }
0xa7: {  	[sflag:s24] =	ssyncset.done $0x0  }
0xa8: {  	s25 =	simm.s32 $0x1B8E;
	[sflag:s24] =	ssyncadd.s32 $0xFFFFFFFF  }
0xa9: {  	s26 =	simm.s32 $execute0_lowered;
	[smem:$0x3FD2] =	sst s25  }
0xaa: {  	s8 =	sshll.u32 s26, $0x1;
	_ =	strace $0x80000046;
	[dreg:$0x1] =	wrdreg $0xFFFFFFFF  }
0xab: {  	s28 =	simm.s32 $_size_execute0_lowered;
	s7 =	sadd.s32 s7, s8;
	[dreg:$0x0] =	wrdreg $0x0  }
0xac: {  	s8 =	sshll.u32 s28, $0x1;
	[dreg:$0x2] =	wrdreg s7  }
0xad: {  	[dreg:$0x3] =	wrdreg s8  }
0xae: {  	[dreg:$0x4] =	wrdreg $0xC0  }
0xaf: {  	_ =	task [dreg:s11], $0x5FFFF  }
0xb0: {  	[dreg:$0x1] =	wrdreg $0xFFFFFFFF  }
0xb1: {  	[dreg:$0x0] =	wrdreg $0x60  }
0xb2: {  	[dreg:$0x2] =	wrdreg s2  }
0xb3: {  	[dreg:$0x3] =	wrdreg s19  }
0xb4: {  	[dreg:$0x4] =	wrdreg s4  }
0xb5: {  	[dreg:$0x5] =	wrdreg s5  }
0xb6: {  	[dreg:$0x6] =	wrdreg s6  }
0xb7: {  	[dreg:$0x7] =	wrdreg $0x9  }
0xb8: {  	_ =	task.clear_ibuf [dreg:s11], $0x8FFFF;
	_ =	strace $0x90000046  }
0xb9: {  	s29 =	simm.s32 $0x9;
	_ =	strace $0x80000048  }
0xba: {  	_ =	swait.ge [sflag:s29], $0x1  }
0xbb: {  	[sflag:s29] =	ssyncadd.s32 $0xFFFFFFFF  }
0xbc: {  	_ =	strace $0x90000048  }
0xbd: {  	_ =	sfence  }
0xbe: {  	s30 =	sld [smem:$0x0];
	_ =	sdelay $0x2  }
0xbf: {  	s31 =	sshll.u32 s1, $0xD;
	s1 =	sshrl.u32 s1, $0x2  }
0xc0: {  	s3 =	sand.u32 $0x4000, s31;
	s1 =	sadd.s32 s1, s30  }
0xc1: {  	s0 =	sor.u32 s3, s0;
	s1 =	sshll.u32 s1, $0x11  }
0xc2: {  	s0 =	sor.u32 s1, s0  }
0xc3: {  	s0 =	sadd.s32 $0x8F2B, s0  }
0xc4: {  	[sflag:s0] =	ssyncadd.remote.s32 $0x1  }
0xc5: {  	_ =	sfence.sel $0xFFFF  }
0xc6: {  	[dreg:$0x0] =	wrdreg $0xFFFFFFFF;
	(pc) =	sbr.abs _section_cstart, $3  }
0xc7: {  	[dreg:$0x1] =	wrdreg $0xFFFFFFFF  }
0xc8: {  	_ =	task.clear_ibuf [dreg:s11], $0x2FFFF;
	_ =	strace $0x9FFFFFFF  }
0xc9: {  	(tm) =	ssettm $0x7FFFFFFF  }
tec
execute0_lowered:
.L_overlay_start_1:
0x0: {  	(tag) =	ssettag $0x1  }
0x1: {  	v0 =	vimm.s32 $0x1380  }
0x2: {  	vm14 =	vcmask $0x300;
	vm13 =	vcmask $0x704;
	vm12 =	vcmask $0xB08  }
0x3: {  	vm11 =	vcmask $0xF0C;
	vm10 =	vcmask $0x1310;
	vm9 =	vcmask $0x1714  }
0x4: {  	vm8 =	vcmask $0x1B18;
	vm7 =	vcmask $0x1F1C;
	vm6 =	vcmask $0x2320  }
0x5: {  	vm5 =	vcmask $0x2724;
	vm4 =	vcmask $0x2B28;
	vm3 =	vcmask $0x2F2C  }
0x6: {  	v1 =	vlaneseq.u32;
	vm2 =	vcmask $0x3330;
	vm1 =	vcmask $0x3734  }
0x7: {  	vm0 =	vcmask $0x3B38;
	v3 =	vimm.s32 $0x3380;
	v4 =	vimm.s32 $0x1FF0  }
0x8: {  	v5 =	vimm.s32 $0x3FF0;
	v6 =	vimm.s32 $0x1FF1;
	v7 =	vimm.s32 $0x3FF1  }
0x9: {  	v8 =	vimm.s32 $0x1FF2;
	v9 =	vimm.s32 $0x3FF2;
	v10 =	vimm.s32 $0x1FF3  }
0xa: {  	v11 =	vimm.s32 $0x3FF3;
	v12 =	vimm.s32 $0x1FF4;
	v13 =	vimm.s32 $0x3FF4  }
0xb: {  	v14 =	vimm.s32 $0x1FF5;
	v15 =	vimm.s32 $0x3FF5;
	v16 =	vimm.s32 $0x1FF6  }
0xc: {  	v17 =	vimm.s32 $0x3FF6;
	v18 =	vimm.s32 $0x1FF7;
	v19 =	vimm.s32 $0x3FF7  }
0xd: {  	v20 =	vimm.s32 $0x1FF8;
	v21 =	vimm.s32 $0x3FF8;
	v22 =	vimm.s32 $0x1FF9  }
0xe: {  	v23 =	vimm.s32 $0x3FF9;
	v24 =	vimm.s32 $0x1FFA;
	v25 =	vimm.s32 $0x3FFA  }
0xf: {  	v26 =	vimm.s32 $0x1FFB;
	v27 =	vimm.s32 $0x3FFB;
	v28 =	vimm.s32 $0x1FFC  }
0x10: {  	v29 =	vimm.s32 $0x3FFC;
	v30 =	vimm.s32 $0x1FFD;
	v31 =	vimm.s32 $0x3FFD  }
0x11: {  	v32 =	vimm.s32 $0x1FFE;
	v33 =	vimm.s32 $0x3FFE;
	v34 =	vimm.s32 $0x1FFF  }
0x12: {  	v35 =	vimm.s32 $0x3FFF;
	v0 =	vsel vm14, $0x0, v0;
	v3 =	vsel vm14, $0x2000, v3  }
0x13: {  	v4 =	vsel vm14, $0xC70, v4;
	v5 =	vsel vm14, $0x2C70, v5;
	v6 =	vsel vm14, $0xC71, v6  }
0x14: {  	v7 =	vsel vm14, $0x2C71, v7;
	v8 =	vsel vm14, $0xC72, v8;
	v9 =	vsel vm14, $0x2C72, v9  }
0x15: {  	v10 =	vsel vm14, $0xC73, v10;
	v11 =	vsel vm14, $0x2C73, v11;
	v12 =	vsel vm14, $0xC74, v12  }
0x16: {  	v13 =	vsel vm14, $0x2C74, v13;
	v14 =	vsel vm14, $0xC75, v14;
	v15 =	vsel vm14, $0x2C75, v15  }
0x17: {  	v16 =	vsel vm14, $0xC76, v16;
	v17 =	vsel vm14, $0x2C76, v17;
	v18 =	vsel vm14, $0xC77, v18  }
0x18: {  	v19 =	vsel vm14, $0x2C77, v19;
	v20 =	vsel vm14, $0xC78, v20;
	v21 =	vsel vm14, $0x2C78, v21  }
0x19: {  	v22 =	vsel vm14, $0xC79, v22;
	v23 =	vsel vm14, $0x2C79, v23;
	v24 =	vsel vm14, $0xC7A, v24  }
0x1a: {  	v25 =	vsel vm14, $0x2C7A, v25;
	v26 =	vsel vm14, $0xC7B, v26;
	v27 =	vsel vm14, $0x2C7B, v27  }
0x1b: {  	v28 =	vsel vm14, $0xC7C, v28;
	v29 =	vsel vm14, $0x2C7C, v29;
	v30 =	vsel vm14, $0xC7D, v30  }
0x1c: {  	v31 =	vsel vm14, $0x2C7D, v31;
	v32 =	vsel vm14, $0xC7E, v32;
	v33 =	vsel vm14, $0x2C7E, v33  }
0x1d: {  	v34 =	vsel vm14, $0xC7F, v34;
	v35 =	vsel vm14, $0x2C7F, v35;
	v0 =	vsel vm13, $0x80, v0  }
0x1e: {  	v3 =	vsel vm13, $0x2080, v3;
	v4 =	vsel vm13, $0xCF0, v4;
	v5 =	vsel vm13, $0x2CF0, v5  }
0x1f: {  	v6 =	vsel vm13, $0xCF1, v6;
	v7 =	vsel vm13, $0x2CF1, v7;
	v8 =	vsel vm13, $0xCF2, v8  }
0x20: {  	v9 =	vsel vm13, $0x2CF2, v9;
	v10 =	vsel vm13, $0xCF3, v10;
	v11 =	vsel vm13, $0x2CF3, v11  }
0x21: {  	v12 =	vsel vm13, $0xCF4, v12;
	v13 =	vsel vm13, $0x2CF4, v13;
	v14 =	vsel vm13, $0xCF5, v14  }
0x22: {  	v15 =	vsel vm13, $0x2CF5, v15;
	v16 =	vsel vm13, $0xCF6, v16;
	v17 =	vsel vm13, $0x2CF6, v17  }
0x23: {  	v18 =	vsel vm13, $0xCF7, v18;
	v19 =	vsel vm13, $0x2CF7, v19;
	v20 =	vsel vm13, $0xCF8, v20  }
0x24: {  	v21 =	vsel vm13, $0x2CF8, v21;
	v22 =	vsel vm13, $0xCF9, v22;
	v23 =	vsel vm13, $0x2CF9, v23  }
0x25: {  	v24 =	vsel vm13, $0xCFA, v24;
	v25 =	vsel vm13, $0x2CFA, v25;
	v26 =	vsel vm13, $0xCFB, v26  }
0x26: {  	v27 =	vsel vm13, $0x2CFB, v27;
	v28 =	vsel vm13, $0xCFC, v28;
	v29 =	vsel vm13, $0x2CFC, v29  }
0x27: {  	v30 =	vsel vm13, $0xCFD, v30;
	v31 =	vsel vm13, $0x2CFD, v31;
	v32 =	vsel vm13, $0xCFE, v32  }
0x28: {  	v33 =	vsel vm13, $0x2CFE, v33;
	v34 =	vsel vm13, $0xCFF, v34;
	v35 =	vsel vm13, $0x2CFF, v35  }
0x29: {  	v0 =	vsel vm12, $0x100, v0;
	v3 =	vsel vm12, $0x2100, v3;
	v4 =	vsel vm12, $0xD70, v4  }
0x2a: {  	v5 =	vsel vm12, $0x2D70, v5;
	v6 =	vsel vm12, $0xD71, v6;
	v7 =	vsel vm12, $0x2D71, v7  }
0x2b: {  	v8 =	vsel vm12, $0xD72, v8;
	v9 =	vsel vm12, $0x2D72, v9;
	v10 =	vsel vm12, $0xD73, v10  }
0x2c: {  	v11 =	vsel vm12, $0x2D73, v11;
	v12 =	vsel vm12, $0xD74, v12;
	v13 =	vsel vm12, $0x2D74, v13  }
0x2d: {  	v14 =	vsel vm12, $0xD75, v14;
	v15 =	vsel vm12, $0x2D75, v15;
	v16 =	vsel vm12, $0xD76, v16  }
0x2e: {  	v17 =	vsel vm12, $0x2D76, v17;
	v18 =	vsel vm12, $0xD77, v18;
	v19 =	vsel vm12, $0x2D77, v19  }
0x2f: {  	v20 =	vsel vm12, $0xD78, v20;
	v21 =	vsel vm12, $0x2D78, v21;
	v22 =	vsel vm12, $0xD79, v22  }
0x30: {  	v23 =	vsel vm12, $0x2D79, v23;
	v24 =	vsel vm12, $0xD7A, v24;
	v25 =	vsel vm12, $0x2D7A, v25  }
0x31: {  	v26 =	vsel vm12, $0xD7B, v26;
	v27 =	vsel vm12, $0x2D7B, v27;
	v28 =	vsel vm12, $0xD7C, v28  }
0x32: {  	v29 =	vsel vm12, $0x2D7C, v29;
	v30 =	vsel vm12, $0xD7D, v30;
	v31 =	vsel vm12, $0x2D7D, v31  }
0x33: {  	v32 =	vsel vm12, $0xD7E, v32;
	v33 =	vsel vm12, $0x2D7E, v33;
	v34 =	vsel vm12, $0xD7F, v34  }
0x34: {  	v35 =	vsel vm12, $0x2D7F, v35;
	v0 =	vsel vm11, $0x180, v0;
	v3 =	vsel vm11, $0x2180, v3  }
0x35: {  	v4 =	vsel vm11, $0xDF0, v4;
	v5 =	vsel vm11, $0x2DF0, v5;
	v6 =	vsel vm11, $0xDF1, v6  }
0x36: {  	v7 =	vsel vm11, $0x2DF1, v7;
	v8 =	vsel vm11, $0xDF2, v8;
	v9 =	vsel vm11, $0x2DF2, v9  }
0x37: {  	v10 =	vsel vm11, $0xDF3, v10;
	v11 =	vsel vm11, $0x2DF3, v11;
	v12 =	vsel vm11, $0xDF4, v12  }
0x38: {  	v13 =	vsel vm11, $0x2DF4, v13;
	v14 =	vsel vm11, $0xDF5, v14;
	v15 =	vsel vm11, $0x2DF5, v15  }
0x39: {  	v16 =	vsel vm11, $0xDF6, v16;
	v17 =	vsel vm11, $0x2DF6, v17;
	v18 =	vsel vm11, $0xDF7, v18  }
0x3a: {  	v19 =	vsel vm11, $0x2DF7, v19;
	v20 =	vsel vm11, $0xDF8, v20;
	v21 =	vsel vm11, $0x2DF8, v21  }
0x3b: {  	v22 =	vsel vm11, $0xDF9, v22;
	v23 =	vsel vm11, $0x2DF9, v23;
	v24 =	vsel vm11, $0xDFA, v24  }
0x3c: {  	v25 =	vsel vm11, $0x2DFA, v25;
	v26 =	vsel vm11, $0xDFB, v26;
	v27 =	vsel vm11, $0x2DFB, v27  }
0x3d: {  	v28 =	vsel vm11, $0xDFC, v28;
	v29 =	vsel vm11, $0x2DFC, v29;
	v30 =	vsel vm11, $0xDFD, v30  }
0x3e: {  	v31 =	vsel vm11, $0x2DFD, v31;
	v32 =	vsel vm11, $0xDFE, v32;
	v33 =	vsel vm11, $0x2DFE, v33  }
0x3f: {  	v34 =	vsel vm11, $0xDFF, v34;
	v35 =	vsel vm11, $0x2DFF, v35;
	v0 =	vsel vm10, $0x200, v0  }
0x40: {  	v3 =	vsel vm10, $0x2200, v3;
	v4 =	vsel vm10, $0xE70, v4;
	v5 =	vsel vm10, $0x2E70, v5  }
0x41: {  	v6 =	vsel vm10, $0xE71, v6;
	v7 =	vsel vm10, $0x2E71, v7;
	v8 =	vsel vm10, $0xE72, v8  }
0x42: {  	v9 =	vsel vm10, $0x2E72, v9;
	v10 =	vsel vm10, $0xE73, v10;
	v11 =	vsel vm10, $0x2E73, v11  }
0x43: {  	v12 =	vsel vm10, $0xE74, v12;
	v13 =	vsel vm10, $0x2E74, v13;
	v14 =	vsel vm10, $0xE75, v14  }
0x44: {  	v15 =	vsel vm10, $0x2E75, v15;
	v16 =	vsel vm10, $0xE76, v16;
	v17 =	vsel vm10, $0x2E76, v17  }
0x45: {  	v18 =	vsel vm10, $0xE77, v18;
	v19 =	vsel vm10, $0x2E77, v19;
	v20 =	vsel vm10, $0xE78, v20  }
0x46: {  	v21 =	vsel vm10, $0x2E78, v21;
	v22 =	vsel vm10, $0xE79, v22;
	v23 =	vsel vm10, $0x2E79, v23  }
0x47: {  	v24 =	vsel vm10, $0xE7A, v24;
	v25 =	vsel vm10, $0x2E7A, v25;
	v26 =	vsel vm10, $0xE7B, v26  }
0x48: {  	v27 =	vsel vm10, $0x2E7B, v27;
	v28 =	vsel vm10, $0xE7C, v28;
	v29 =	vsel vm10, $0x2E7C, v29  }
0x49: {  	v30 =	vsel vm10, $0xE7D, v30;
	v31 =	vsel vm10, $0x2E7D, v31;
	v32 =	vsel vm10, $0xE7E, v32  }
0x4a: {  	v33 =	vsel vm10, $0x2E7E, v33;
	v34 =	vsel vm10, $0xE7F, v34;
	v35 =	vsel vm10, $0x2E7F, v35  }
0x4b: {  	v0 =	vsel vm9, $0x280, v0;
	v3 =	vsel vm9, $0x2280, v3;
	v4 =	vsel vm9, $0xEF0, v4  }
0x4c: {  	v5 =	vsel vm9, $0x2EF0, v5;
	v6 =	vsel vm9, $0xEF1, v6;
	v7 =	vsel vm9, $0x2EF1, v7  }
0x4d: {  	v8 =	vsel vm9, $0xEF2, v8;
	v9 =	vsel vm9, $0x2EF2, v9;
	v10 =	vsel vm9, $0xEF3, v10  }
0x4e: {  	v11 =	vsel vm9, $0x2EF3, v11;
	v12 =	vsel vm9, $0xEF4, v12;
	v13 =	vsel vm9, $0x2EF4, v13  }
0x4f: {  	v14 =	vsel vm9, $0xEF5, v14;
	v15 =	vsel vm9, $0x2EF5, v15;
	v16 =	vsel vm9, $0xEF6, v16  }
0x50: {  	v17 =	vsel vm9, $0x2EF6, v17;
	v18 =	vsel vm9, $0xEF7, v18;
	v19 =	vsel vm9, $0x2EF7, v19  }
0x51: {  	v20 =	vsel vm9, $0xEF8, v20;
	v21 =	vsel vm9, $0x2EF8, v21;
	v22 =	vsel vm9, $0xEF9, v22  }
0x52: {  	v23 =	vsel vm9, $0x2EF9, v23;
	v24 =	vsel vm9, $0xEFA, v24;
	v25 =	vsel vm9, $0x2EFA, v25  }
0x53: {  	v26 =	vsel vm9, $0xEFB, v26;
	v27 =	vsel vm9, $0x2EFB, v27;
	v28 =	vsel vm9, $0xEFC, v28  }
0x54: {  	v29 =	vsel vm9, $0x2EFC, v29;
	v30 =	vsel vm9, $0xEFD, v30;
	v31 =	vsel vm9, $0x2EFD, v31  }
0x55: {  	v32 =	vsel vm9, $0xEFE, v32;
	v33 =	vsel vm9, $0x2EFE, v33;
	v34 =	vsel vm9, $0xEFF, v34  }
0x56: {  	v35 =	vsel vm9, $0x2EFF, v35;
	v0 =	vsel vm8, $0x300, v0;
	v3 =	vsel vm8, $0x2300, v3  }
0x57: {  	v4 =	vsel vm8, $0xF70, v4;
	v5 =	vsel vm8, $0x2F70, v5;
	v6 =	vsel vm8, $0xF71, v6  }
0x58: {  	v7 =	vsel vm8, $0x2F71, v7;
	v8 =	vsel vm8, $0xF72, v8;
	v9 =	vsel vm8, $0x2F72, v9  }
0x59: {  	v10 =	vsel vm8, $0xF73, v10;
	v11 =	vsel vm8, $0x2F73, v11;
	v12 =	vsel vm8, $0xF74, v12  }
0x5a: {  	v13 =	vsel vm8, $0x2F74, v13;
	v14 =	vsel vm8, $0xF75, v14;
	v15 =	vsel vm8, $0x2F75, v15  }
0x5b: {  	v16 =	vsel vm8, $0xF76, v16;
	v17 =	vsel vm8, $0x2F76, v17;
	v18 =	vsel vm8, $0xF77, v18  }
0x5c: {  	v19 =	vsel vm8, $0x2F77, v19;
	v20 =	vsel vm8, $0xF78, v20;
	v21 =	vsel vm8, $0x2F78, v21  }
0x5d: {  	v22 =	vsel vm8, $0xF79, v22;
	v23 =	vsel vm8, $0x2F79, v23;
	v24 =	vsel vm8, $0xF7A, v24  }
0x5e: {  	v25 =	vsel vm8, $0x2F7A, v25;
	v26 =	vsel vm8, $0xF7B, v26;
	v27 =	vsel vm8, $0x2F7B, v27  }
0x5f: {  	v28 =	vsel vm8, $0xF7C, v28;
	v29 =	vsel vm8, $0x2F7C, v29;
	v30 =	vsel vm8, $0xF7D, v30  }
0x60: {  	v31 =	vsel vm8, $0x2F7D, v31;
	v32 =	vsel vm8, $0xF7E, v32;
	v33 =	vsel vm8, $0x2F7E, v33  }
0x61: {  	v34 =	vsel vm8, $0xF7F, v34;
	v35 =	vsel vm8, $0x2F7F, v35;
	v0 =	vsel vm7, $0x380, v0  }
0x62: {  	v3 =	vsel vm7, $0x2380, v3;
	v4 =	vsel vm7, $0xFF0, v4;
	v5 =	vsel vm7, $0x2FF0, v5  }
0x63: {  	v6 =	vsel vm7, $0xFF1, v6;
	v7 =	vsel vm7, $0x2FF1, v7;
	v8 =	vsel vm7, $0xFF2, v8  }
0x64: {  	v9 =	vsel vm7, $0x2FF2, v9;
	v10 =	vsel vm7, $0xFF3, v10;
	v11 =	vsel vm7, $0x2FF3, v11  }
0x65: {  	v12 =	vsel vm7, $0xFF4, v12;
	v13 =	vsel vm7, $0x2FF4, v13;
	v14 =	vsel vm7, $0xFF5, v14  }
0x66: {  	v15 =	vsel vm7, $0x2FF5, v15;
	v16 =	vsel vm7, $0xFF6, v16;
	v17 =	vsel vm7, $0x2FF6, v17  }
0x67: {  	v18 =	vsel vm7, $0xFF7, v18;
	v19 =	vsel vm7, $0x2FF7, v19;
	v20 =	vsel vm7, $0xFF8, v20  }
0x68: {  	v21 =	vsel vm7, $0x2FF8, v21;
	v22 =	vsel vm7, $0xFF9, v22;
	v23 =	vsel vm7, $0x2FF9, v23  }
0x69: {  	v24 =	vsel vm7, $0xFFA, v24;
	v25 =	vsel vm7, $0x2FFA, v25;
	v26 =	vsel vm7, $0xFFB, v26  }
0x6a: {  	v27 =	vsel vm7, $0x2FFB, v27;
	v28 =	vsel vm7, $0xFFC, v28;
	v29 =	vsel vm7, $0x2FFC, v29  }
0x6b: {  	v30 =	vsel vm7, $0xFFD, v30;
	v31 =	vsel vm7, $0x2FFD, v31;
	v32 =	vsel vm7, $0xFFE, v32  }
0x6c: {  	v33 =	vsel vm7, $0x2FFE, v33;
	v34 =	vsel vm7, $0xFFF, v34;
	v35 =	vsel vm7, $0x2FFF, v35  }
0x6d: {  	v0 =	vsel vm6, $0x1000, v0;
	v3 =	vsel vm6, $0x3000, v3;
	v4 =	vsel vm6, $0x1C70, v4  }
0x6e: {  	v5 =	vsel vm6, $0x3C70, v5;
	v6 =	vsel vm6, $0x1C71, v6;
	v7 =	vsel vm6, $0x3C71, v7  }
0x6f: {  	v8 =	vsel vm6, $0x1C72, v8;
	v9 =	vsel vm6, $0x3C72, v9;
	v10 =	vsel vm6, $0x1C73, v10  }
0x70: {  	v11 =	vsel vm6, $0x3C73, v11;
	v12 =	vsel vm6, $0x1C74, v12;
	v13 =	vsel vm6, $0x3C74, v13  }
0x71: {  	v14 =	vsel vm6, $0x1C75, v14;
	v15 =	vsel vm6, $0x3C75, v15;
	v16 =	vsel vm6, $0x1C76, v16  }
0x72: {  	v17 =	vsel vm6, $0x3C76, v17;
	v18 =	vsel vm6, $0x1C77, v18;
	v19 =	vsel vm6, $0x3C77, v19  }
0x73: {  	v20 =	vsel vm6, $0x1C78, v20;
	v21 =	vsel vm6, $0x3C78, v21;
	v22 =	vsel vm6, $0x1C79, v22  }
0x74: {  	v23 =	vsel vm6, $0x3C79, v23;
	v24 =	vsel vm6, $0x1C7A, v24;
	v25 =	vsel vm6, $0x3C7A, v25  }
0x75: {  	v26 =	vsel vm6, $0x1C7B, v26;
	v27 =	vsel vm6, $0x3C7B, v27;
	v28 =	vsel vm6, $0x1C7C, v28  }
0x76: {  	v29 =	vsel vm6, $0x3C7C, v29;
	v30 =	vsel vm6, $0x1C7D, v30;
	v31 =	vsel vm6, $0x3C7D, v31  }
0x77: {  	v32 =	vsel vm6, $0x1C7E, v32;
	v33 =	vsel vm6, $0x3C7E, v33;
	v34 =	vsel vm6, $0x1C7F, v34  }
0x78: {  	v35 =	vsel vm6, $0x3C7F, v35;
	v0 =	vsel vm5, $0x1080, v0;
	v3 =	vsel vm5, $0x3080, v3  }
0x79: {  	v4 =	vsel vm5, $0x1CF0, v4;
	v5 =	vsel vm5, $0x3CF0, v5;
	v6 =	vsel vm5, $0x1CF1, v6  }
0x7a: {  	v7 =	vsel vm5, $0x3CF1, v7;
	v8 =	vsel vm5, $0x1CF2, v8;
	v9 =	vsel vm5, $0x3CF2, v9  }
0x7b: {  	v10 =	vsel vm5, $0x1CF3, v10;
	v11 =	vsel vm5, $0x3CF3, v11;
	v12 =	vsel vm5, $0x1CF4, v12  }
0x7c: {  	v13 =	vsel vm5, $0x3CF4, v13;
	v14 =	vsel vm5, $0x1CF5, v14;
	v15 =	vsel vm5, $0x3CF5, v15  }
0x7d: {  	v16 =	vsel vm5, $0x1CF6, v16;
	v17 =	vsel vm5, $0x3CF6, v17;
	v18 =	vsel vm5, $0x1CF7, v18  }
0x7e: {  	v19 =	vsel vm5, $0x3CF7, v19;
	v20 =	vsel vm5, $0x1CF8, v20;
	v21 =	vsel vm5, $0x3CF8, v21  }
0x7f: {  	v22 =	vsel vm5, $0x1CF9, v22;
	v23 =	vsel vm5, $0x3CF9, v23;
	v24 =	vsel vm5, $0x1CFA, v24  }
0x80: {  	v25 =	vsel vm5, $0x3CFA, v25;
	v26 =	vsel vm5, $0x1CFB, v26;
	v27 =	vsel vm5, $0x3CFB, v27  }
0x81: {  	v28 =	vsel vm5, $0x1CFC, v28;
	v29 =	vsel vm5, $0x3CFC, v29;
	v30 =	vsel vm5, $0x1CFD, v30  }
0x82: {  	v31 =	vsel vm5, $0x3CFD, v31;
	v32 =	vsel vm5, $0x1CFE, v32;
	v33 =	vsel vm5, $0x3CFE, v33  }
0x83: {  	v34 =	vsel vm5, $0x1CFF, v34;
	v35 =	vsel vm5, $0x3CFF, v35;
	v0 =	vsel vm4, $0x1100, v0  }
0x84: {  	v3 =	vsel vm4, $0x3100, v3;
	v4 =	vsel vm4, $0x1D70, v4;
	v5 =	vsel vm4, $0x3D70, v5  }
0x85: {  	v6 =	vsel vm4, $0x1D71, v6;
	v7 =	vsel vm4, $0x3D71, v7;
	v8 =	vsel vm4, $0x1D72, v8  }
0x86: {  	v9 =	vsel vm4, $0x3D72, v9;
	v10 =	vsel vm4, $0x1D73, v10;
	v11 =	vsel vm4, $0x3D73, v11  }
0x87: {  	v12 =	vsel vm4, $0x1D74, v12;
	v13 =	vsel vm4, $0x3D74, v13;
	v14 =	vsel vm4, $0x1D75, v14  }
0x88: {  	v15 =	vsel vm4, $0x3D75, v15;
	v16 =	vsel vm4, $0x1D76, v16;
	v17 =	vsel vm4, $0x3D76, v17  }
0x89: {  	v18 =	vsel vm4, $0x1D77, v18;
	v19 =	vsel vm4, $0x3D77, v19;
	v20 =	vsel vm4, $0x1D78, v20  }
0x8a: {  	v21 =	vsel vm4, $0x3D78, v21;
	v22 =	vsel vm4, $0x1D79, v22;
	v23 =	vsel vm4, $0x3D79, v23  }
0x8b: {  	v24 =	vsel vm4, $0x1D7A, v24;
	v25 =	vsel vm4, $0x3D7A, v25;
	v26 =	vsel vm4, $0x1D7B, v26  }
0x8c: {  	v27 =	vsel vm4, $0x3D7B, v27;
	v28 =	vsel vm4, $0x1D7C, v28;
	v29 =	vsel vm4, $0x3D7C, v29  }
0x8d: {  	v30 =	vsel vm4, $0x1D7D, v30;
	v31 =	vsel vm4, $0x3D7D, v31;
	v32 =	vsel vm4, $0x1D7E, v32  }
0x8e: {  	v33 =	vsel vm4, $0x3D7E, v33;
	v34 =	vsel vm4, $0x1D7F, v34;
	v35 =	vsel vm4, $0x3D7F, v35  }
0x8f: {  	v2 =	vsel vm3, $0x1180, v0;
	v0 =	vmul.u32 $0x80, v1;
	v3 =	vsel vm3, $0x3180, v3  }
0x90: {  	v4 =	vsel vm3, $0x1DF0, v4;
	v5 =	vsel vm3, $0x3DF0, v5;
	v6 =	vsel vm3, $0x1DF1, v6  }
0x91: {  	v7 =	vsel vm3, $0x3DF1, v7;
	v8 =	vsel vm3, $0x1DF2, v8;
	v9 =	vsel vm3, $0x3DF2, v9  }
0x92: {  	v10 =	vsel vm3, $0x1DF3, v10;
	v11 =	vsel vm3, $0x3DF3, v11;
	v12 =	vsel vm3, $0x1DF4, v12  }
0x93: {  	v13 =	vsel vm3, $0x3DF4, v13;
	v14 =	vsel vm3, $0x1DF5, v14;
	v15 =	vsel vm3, $0x3DF5, v15  }
0x94: {  	v16 =	vsel vm3, $0x1DF6, v16;
	v17 =	vsel vm3, $0x3DF6, v17;
	v18 =	vsel vm3, $0x1DF7, v18  }
0x95: {  	v19 =	vsel vm3, $0x3DF7, v19;
	v20 =	vsel vm3, $0x1DF8, v20;
	v21 =	vsel vm3, $0x3DF8, v21  }
0x96: {  	v22 =	vsel vm3, $0x1DF9, v22;
	v23 =	vsel vm3, $0x3DF9, v23;
	v24 =	vsel vm3, $0x1DFA, v24  }
0x97: {  	v25 =	vsel vm3, $0x3DFA, v25;
	v26 =	vsel vm3, $0x1DFB, v26;
	v27 =	vsel vm3, $0x3DFB, v27  }
0x98: {  	v28 =	vsel vm3, $0x1DFC, v28;
	v29 =	vsel vm3, $0x3DFC, v29;
	v30 =	vsel vm3, $0x1DFD, v30  }
0x99: {  	v31 =	vsel vm3, $0x3DFD, v31;
	v32 =	vsel vm3, $0x1DFE, v32;
	v33 =	vsel vm3, $0x3DFE, v33  }
0x9a: {  	v34 =	vsel vm3, $0x1DFF, v34;
	v35 =	vsel vm3, $0x3DFF, v35;
	v1 =	vsel vm2, $0x1200, v2  }
0x9b: {  	v3 =	vsel vm2, $0x3200, v3;
	v4 =	vsel vm2, $0x1E70, v4;
	v5 =	vsel vm2, $0x3E70, v5  }
0x9c: {  	v6 =	vsel vm2, $0x1E71, v6;
	v7 =	vsel vm2, $0x3E71, v7;
	v8 =	vsel vm2, $0x1E72, v8  }
0x9d: {  	v9 =	vsel vm2, $0x3E72, v9;
	v10 =	vsel vm2, $0x1E73, v10;
	v11 =	vsel vm2, $0x3E73, v11  }
0x9e: {  	v12 =	vsel vm2, $0x1E74, v12;
	v13 =	vsel vm2, $0x3E74, v13;
	v14 =	vsel vm2, $0x1E75, v14  }
0x9f: {  	v15 =	vsel vm2, $0x3E75, v15;
	v16 =	vsel vm2, $0x1E76, v16;
	v17 =	vsel vm2, $0x3E76, v17  }
0xa0: {  	v18 =	vsel vm2, $0x1E77, v18;
	v19 =	vsel vm2, $0x3E77, v19;
	v20 =	vsel vm2, $0x1E78, v20  }
0xa1: {  	v21 =	vsel vm2, $0x3E78, v21;
	v22 =	vsel vm2, $0x1E79, v22;
	v23 =	vsel vm2, $0x3E79, v23  }
0xa2: {  	v24 =	vsel vm2, $0x1E7A, v24;
	v25 =	vsel vm2, $0x3E7A, v25;
	v26 =	vsel vm2, $0x1E7B, v26  }
0xa3: {  	v27 =	vsel vm2, $0x3E7B, v27;
	v28 =	vsel vm2, $0x1E7C, v28;
	v29 =	vsel vm2, $0x3E7C, v29  }
0xa4: {  	v30 =	vsel vm2, $0x1E7D, v30;
	v31 =	vsel vm2, $0x3E7D, v31;
	v32 =	vsel vm2, $0x1E7E, v32  }
0xa5: {  	v33 =	vsel vm2, $0x3E7E, v33;
	v34 =	vsel vm2, $0x1E7F, v34;
	v35 =	vsel vm2, $0x3E7F, v35  }
0xa6: {  	v1 =	vsel vm1, $0x1280, v1;
	v2 =	vor.u32 $0x800, v0;
	v3 =	vsel vm1, $0x3280, v3  }
0xa7: {  	v4 =	vsel vm1, $0x1EF0, v4;
	v5 =	vsel vm1, $0x3EF0, v5;
	v6 =	vsel vm1, $0x1EF1, v6  }
0xa8: {  	v7 =	vsel vm1, $0x3EF1, v7;
	v8 =	vsel vm1, $0x1EF2, v8;
	v9 =	vsel vm1, $0x3EF2, v9  }
0xa9: {  	v10 =	vsel vm1, $0x1EF3, v10;
	v11 =	vsel vm1, $0x3EF3, v11;
	v12 =	vsel vm1, $0x1EF4, v12  }
0xaa: {  	v13 =	vsel vm1, $0x3EF4, v13;
	v14 =	vsel vm1, $0x1EF5, v14;
	v15 =	vsel vm1, $0x3EF5, v15  }
0xab: {  	v16 =	vsel vm1, $0x1EF6, v16;
	v17 =	vsel vm1, $0x3EF6, v17;
	v18 =	vsel vm1, $0x1EF7, v18  }
0xac: {  	v19 =	vsel vm1, $0x3EF7, v19;
	v20 =	vsel vm1, $0x1EF8, v20;
	v21 =	vsel vm1, $0x3EF8, v21  }
0xad: {  	s2 =	rddreg [dreg:$0x0];
	v22 =	vsel vm1, $0x1EF9, v22;
	v23 =	vsel vm1, $0x3EF9, v23;
	v24 =	vsel vm1, $0x1EFA, v24  }
0xae: {  	s3 =	rddreg [dreg:$0x1];
	s4 =	srdreg.scid;
	v25 =	vsel vm1, $0x3EFA, v25;
	v26 =	vsel vm1, $0x1EFB, v26;
	v27 =	vsel vm1, $0x3EFB, v27  }
0xaf: {  	s5 =	rddreg [dreg:$0x4];
	s6 =	stileid.u32;
	s11 =	simm.s32 $0x7A1400;
	v28 =	vsel vm1, $0x1EFC, v28;
	v29 =	vsel vm1, $0x3EFC, v29;
	v30 =	vsel vm1, $0x1EFD, v30  }
0xb0: {  	s8 =	simm.s32 $0x0;
	s12 =	simm.s32 $0x400;
	s9 =	simm.s32 $0x8400;
	v31 =	vsel vm1, $0x3EFD, v31;
	v32 =	vsel vm1, $0x1EFE, v32;
	v33 =	vsel vm1, $0x3EFE, v33  }
0xb1: {  	s30 =	simm.s32 $0x1400;
	s13 =	simm.s32 $0x9400;
	s10 =	simm.s32 $0x3400;
	v34 =	vsel vm1, $0x1EFF, v34;
	v35 =	vsel vm1, $0x3EFF, v35;
	v1 =	vsel vm0, $0x1300, v1  }
0xb2: {  	s14 =	simm.s32 $0xB400;
	s15 =	simm.s32 $0x4400;
	s16 =	simm.s32 $0xC400;
	v3 =	vsel vm0, $0x3300, v3;
	v4 =	vsel vm0, $0x1F70, v4;
	v5 =	vsel vm0, $0x3F70, v5  }
0xb3: {  	s17 =	simm.s32 $0x5400;
	s18 =	simm.s32 $0xD400;
	s19 =	simm.s32 $0x6400;
	v6 =	vsel vm0, $0x1F71, v6;
	v7 =	vsel vm0, $0x3F71, v7;
	v8 =	vsel vm0, $0x1F72, v8  }
0xb4: {  	s20 =	simm.s32 $0xE400;
	s21 =	simm.s32 $0x7400;
	s22 =	simm.s32 $0xF400;
	v9 =	vsel vm0, $0x3F72, v9;
	v10 =	vsel vm0, $0x1F73, v10;
	v11 =	vsel vm0, $0x3F73, v11  }
0xb5: {  	s28 =	simm.s32 $0x1;
	s31 =	simm.s32 $0x10400;
	s4 =	sand.u32 $0x1, s4;
	v12 =	vsel vm0, $0x1F74, v12;
	v13 =	vsel vm0, $0x3F74, v13;
	v14 =	vsel vm0, $0x1F75, v14  }
0xb6: {  	s0 =	simm.s32 $0x0;
	s6 =	sshll.u32 s6, $0xA;
	s7 =	sshll.u32 s4, $0x9;
	v15 =	vsel vm0, $0x3F75, v15;
	v16 =	vsel vm0, $0x1F76, v16;
	v17 =	vsel vm0, $0x3F76, v17  }
0xb7: {  	[smem:$0x7FF] =	sst s8;
	s4 =	ssub.s32 $0x2, s4;
	s6 =	sor.u32 s7, s6;
	v18 =	vsel vm0, $0x1F77, v18;
	v19 =	vsel vm0, $0x3F77, v19;
	v20 =	vsel vm0, $0x1F78, v20  }
0xb8: {  	_ =	strace $0x80000047;
	s24 =	sshrl.u32 s6, $0x3;
	s26 =	sadd.s32 s5, s6;
	v21 =	vsel vm0, $0x3F78, v21;
	v22 =	vsel vm0, $0x1F79, v22;
	v23 =	vsel vm0, $0x3F79, v23  }
0xb9: {  	s23 =	sshrl.u32 s4, $0x1;
	s2 =	sadd.s32 s2, s24;
	[dreg:$0x8] =	wrdreg s26;
	v24 =	vsel vm0, $0x1F7A, v24;
	v25 =	vsel vm0, $0x3F7A, v25;
	v26 =	vsel vm0, $0x1F7B, v26  }
0xba: {  	s4 =	ssub.s32 s4, s23;
	s25 =	sadd.s32 s3, s24;
	[dreg:$0x6] =	wrdreg s2;
	v27 =	vsel vm0, $0x3F7B, v27;
	v28 =	vsel vm0, $0x1F7C, v28;
	v29 =	vsel vm0, $0x3F7C, v29  }
0xbb: {  	s7 =	simm.s32 $0xA400;
	s29 =	smax.u32 s4, $0x1;
	[dreg:$0x7] =	wrdreg s25;
	v30 =	vsel vm0, $0x1F7D, v30;
	v31 =	vsel vm0, $0x3F7D, v31;
	v32 =	vsel vm0, $0x1F7E, v32  }
0xbc: {  	s5 =	simm.s32 $0x11;
	s6 =	simm.s32 $0x2400;
	[dreg:$0x9] =	wrdreg s29;
	v33 =	vsel vm0, $0x3F7E, v33;
	v34 =	vsel vm0, $0x1F7F, v34;
	v35 =	vsel vm0, $0x3F7F, v35  }
.LBB2_1:
0xbd: {  	[dreg:$0xa] =	wrdreg s0  }
0xbe: {  	s2 =	simm.s32 $0x0;
	s3 =	rddreg [dreg:$0x6]  }
0xbf: {  	[tilespmem:s2], [sflag:$0x11] =	stream.linear.gather [hbm4b:s3+s2], $0x200, $0x38;
	[tilespmem:$0x14400] =	vst v63  }
0xc0: {  	_ =	swait.ge [sflag:s5], $0x200  }
0xc1: {  	[sflag:s5] =	ssyncset.done $0x0  }
0xc2: {  	s4 =	simm.s32 $0x200;
	s25 =	rddreg [dreg:$0x7];
	[sflag:s5] =	ssyncadd.s32 $0xFFFFFE00  }
0xc3: {  	[tilespmem:s4], [sflag:$0x11] =	stream.linear.gather [hbm4b:s25+s2], $0x200, $0x38;
	[tilespmem:$0x14400] =	vst v63  }
0xc4: {  	_ =	swait.ge [sflag:s5], $0x200  }
0xc5: {  	[sflag:s5] =	ssyncset.done $0x0  }
0xc6: {  	[sflag:s5] =	ssyncadd.s32 $0xFFFFFE00  }
0xc7: {  	v36 =	vld [tilespmem:$0x0];
	_ =	sdelay $0x3  }
0xc8: {  	v37 =	vld [tilespmem:$0x200]  }
0xc9: {  	(v2sf) =	vpush v36, $0x0;
	_ =	sdelay $0x3  }
0xca: {  	(v2sf) =	vpush v37, $0x0;
	_ =	sdelay $0x2  }
0xcb: {  	(v2sf) =	vpush v36, $0x1;
	_ =	sdelay $0x2  }
0xcc: {  	(v2sf) =	vpush v37, $0x1;
	_ =	sdelay $0x4  }
0xcd: {  	s26 =	spop (v2sf);
	(v2sf) =	vpush v36, $0x2;
	_ =	sdelay $0x2  }
0xce: {  	s29 =	rddreg [dreg:$0x2];
	s2 =	sand.u32 $0xFFFFF80, s26  }
0xcf: {  	s1 =	spop (v2sf);
	(v2sf) =	vpush v37, $0x2;
	s2 =	sadd.s32 s29, s2  }
0xd0: {  	[tilespmem:s12], [sflag:$0x1] =	stream.strided.gather [hbm4b:s2+s12], $0x1000, s11, s12, $0x38;
	[tilespmem:$0x14400] =	vst v63  }
0xd1: {  	s2 =	sand.u32 $0xFFFFF80, s1;
	s1 =	rddreg [dreg:$0x3]  }
0xd2: {  	s3 =	spop (v2sf);
	s2 =	sadd.s32 s1, s2  }
0xd3: {  	[tilespmem:s9], [sflag:$0x9] =	stream.strided.gather [hbm4b:s2+s12], $0x1000, s11, s12, $0x38;
	[tilespmem:$0x14400] =	vst v63  }
0xd4: {  	(v2sf) =	vpush v36, $0x3;
	s2 =	sand.u32 $0xFFFFF80, s3  }
0xd5: {  	s4 =	spop (v2sf);
	s2 =	sadd.s32 s29, s2  }
0xd6: {  	[tilespmem:s30], [sflag:$0x2] =	stream.strided.gather [hbm4b:s2+s12], $0x1000, s11, s12, $0x38;
	[tilespmem:$0x14400] =	vst v63  }
0xd7: {  	(v2sf) =	vpush v37, $0x3;
	s2 =	sand.u32 $0xFFFFF80, s4  }
0xd8: {  	s2 =	sadd.s32 s1, s2  }
0xd9: {  	[tilespmem:s13], [sflag:$0xA] =	stream.strided.gather [hbm4b:s2+s12], $0x1000, s11, s12, $0x38;
	[tilespmem:$0x14400] =	vst v63  }
0xda: {  	s5 =	spop (v2sf)  }
0xdb: {  	s2 =	sand.u32 $0xFFFFF80, s5  }
0xdc: {  	(v2sf) =	vpush v36, $0x4;
	s2 =	sadd.s32 s29, s2  }
0xdd: {  	[tilespmem:s6], [sflag:$0x3] =	stream.strided.gather [hbm4b:s2+s12], $0x1000, s11, s12, $0x38;
	[tilespmem:$0x14400] =	vst v63  }
0xde: {  	s6 =	spop (v2sf);
	(v2sf) =	vpush v37, $0x4;
	_ =	sdelay $0x2  }
0xdf: {  	(v2sf) =	vpush v36, $0x5  }
0xe0: {  	s2 =	sand.u32 $0xFFFFF80, s6  }
0xe1: {  	s8 =	spop (v2sf);
	s2 =	sadd.s32 s1, s2;
	(v2sf) =	vpush v37, $0x5  }
0xe2: {  	[tilespmem:s7], [sflag:$0xB] =	stream.strided.gather [hbm4b:s2+s12], $0x1000, s11, s12, $0x38;
	[tilespmem:$0x14400] =	vst v63  }
0xe3: {  	s2 =	sand.u32 $0xFFFFF80, s8  }
0xe4: {  	s9 =	spop (v2sf);
	(v2sf) =	vpush v36, $0x6;
	s2 =	sadd.s32 s29, s2  }
0xe5: {  	[tilespmem:s10], [sflag:$0x4] =	stream.strided.gather [hbm4b:s2+s12], $0x1000, s11, s12, $0x38;
	[tilespmem:$0x14400] =	vst v63  }
0xe6: {  	s2 =	sand.u32 $0xFFFFF80, s9  }
0xe7: {  	s2 =	sadd.s32 s1, s2  }
0xe8: {  	[tilespmem:s14], [sflag:$0xC] =	stream.strided.gather [hbm4b:s2+s12], $0x1000, s11, s12, $0x38;
	[tilespmem:$0x14400] =	vst v63  }
0xe9: {  	s10 =	spop (v2sf);
	(v2sf) =	vpush v37, $0x6  }
0xea: {  	s2 =	sand.u32 $0xFFFFF80, s10  }
0xeb: {  	s2 =	sadd.s32 s29, s2;
	s13 =	spop (v2sf);
	(v2sf) =	vpush v36, $0x7  }
0xec: {  	[tilespmem:s15], [sflag:$0x5] =	stream.strided.gather [hbm4b:s2+s12], $0x1000, s11, s12, $0x38;
	[tilespmem:$0x14400] =	vst v63  }
0xed: {  	s2 =	sand.u32 $0xFFFFF80, s13  }
0xee: {  	s14 =	spop (v2sf);
	(v2sf) =	vpush v37, $0x7;
	s2 =	sadd.s32 s1, s2  }
0xef: {  	[tilespmem:s16], [sflag:$0xD] =	stream.strided.gather [hbm4b:s2+s12], $0x1000, s11, s12, $0x38;
	[tilespmem:$0x14400] =	vst v63  }
0xf0: {  	s15 =	spop (v2sf);
	s2 =	sand.u32 $0xFFFFF80, s14  }
0xf1: {  	s16 =	sand.u32 $0xFFFFF80, s15;
	s2 =	sadd.s32 s29, s2  }
0xf2: {  	[tilespmem:s17], [sflag:$0x6] =	stream.strided.gather [hbm4b:s2+s12], $0x1000, s11, s12, $0x38;
	[tilespmem:$0x14400] =	vst v63  }
0xf3: {  	s17 =	spop (v2sf);
	s2 =	sadd.s32 s1, s16  }
0xf4: {  	[tilespmem:s18], [sflag:$0xE] =	stream.strided.gather [hbm4b:s2+s12], $0x1000, s11, s12, $0x38;
	[tilespmem:$0x14400] =	vst v63  }
0xf5: {  	s18 =	sand.u32 $0xFFFFF80, s17  }
0xf6: {  	s2 =	sadd.s32 s29, s18  }
0xf7: {  	[tilespmem:s19], [sflag:$0x7] =	stream.strided.gather [hbm4b:s2+s12], $0x1000, s11, s12, $0x38;
	[tilespmem:$0x14400] =	vst v63  }
0xf8: {  	s23 =	spop (v2sf)  }
0xf9: {  	s24 =	sand.u32 $0xFFFFF80, s23  }
0xfa: {  	s2 =	sadd.s32 s1, s24;
	s25 =	spop (v2sf)  }
0xfb: {  	[tilespmem:s20], [sflag:$0xF] =	stream.strided.gather [hbm4b:s2+s12], $0x1000, s11, s12, $0x38;
	[tilespmem:$0x14400] =	vst v63  }
0xfc: {  	s26 =	sand.u32 $0xFFFFF80, s25  }
0xfd: {  	s2 =	sadd.s32 s29, s26;
	s29 =	spop (v2sf)  }
0xfe: {  	[tilespmem:s21], [sflag:$0x8] =	stream.strided.gather [hbm4b:s2+s12], $0x1000, s11, s12, $0x38;
	[tilespmem:$0x14400] =	vst v63  }
0xff: {  	s30 =	simm.s32 $0x210;
	s2 =	sand.u32 $0xFFFFF80, s29  }
0x100: {  	s19 =	simm.s32 $0x10;
	s20 =	simm.s32 $0xF;
	s2 =	sadd.s32 s1, s2  }
0x101: {  	[tilespmem:s22], [sflag:$0x10] =	stream.strided.gather [hbm4b:s2+s12], $0x1000, s11, s12, $0x38;
	[tilespmem:$0x14400] =	vst v63  }
.LBB2_2:
0x102: {  	v39 =	vld [tilespmem:s19+$0xFFFFFFF0]  }
0x103: {  	v38 =	vld [tilespmem:s30+$0xFFFFFFF0]  }
0x104: {  	v37 =	vld [tilespmem:s19+$0x0]  }
0x105: {  	v36 =	vld [tilespmem:s30+$0x0];
	_ =	swait.ge [sflag:s28], $0x1000  }
0x106: {  	[sflag:s28] =	ssyncset.done $0x0  }
0x107: {  	s18 =	simm.s32 $0x9;
	[sflag:s28] =	ssyncadd.s32 $0xFFFFF000  }
0x108: {  	_ =	swait.ge [sflag:s18], $0x1000  }
0x109: {  	(v2sf) =	vpush v39, $0x0  }
0x10a: {  	(v2sf) =	vpush v38, $0x0;
	_ =	sdelay $0xd  }
0x10b: {  	s2 =	spop (v2sf)  }
0x10c: {  	s2 =	sand.u32 $0x7F, s2;
	s3 =	spop (v2sf)  }
0x10d: {  	s3 =	sand.u32 $0x7F, s3;
	v40 =	vor.u32 s2, v0  }
0x10e: {  	v41 =	vor.u32 s3, v0;
	_ =	sdelay $0x1  }
0x10f: {  	s4 =	sadd.s32 $0xFFFFFFF1, s20;
	[sflag:s18] =	ssyncset.done $0x0  }
0x110: {  	v42 =	vmov s4;
	[sflag:s18] =	ssyncadd.s32 $0xFFFFF000  }
0x111: {  	s0 =	simm.s32 $0x8400;
	v43 =	vshll.u32 v42, $0x3;
	(v2sf) =	vpush v39, $0x8;
	v40 =	vld.idx.msk [tilespmem:v40+s12+$0x0], $0xffff  }
0x112: {  	v42 =	vand.u32 $0x70, v42;
	v43 =	vand.u32 $0xC00, v43;
	(v2sf) =	vpush v38, $0x8;
	v41 =	vld.idx.msk [tilespmem:v41+s0+$0x0], $0xffff  }
0x113: {  	v42 =	vor.u32 v42, v43  }
0x114: {  	v43 =	vor.u32 v1, v42  }
0x115: {  	v44 =	vor.u32 s2, v2  }
0x116: {  	v45 =	vor.u32 s3, v2  }
0x117: {  	v40 =	vmul.f32 v41, v40;
	_ =	sdelay $0x1  }
0x118: {  	[tilespmem:v43+s31+$0x0] =	vst.idx.msk $0xffff, v40  }
0x119: {  	s29 =	simm.s32 $0x8400;
	v40 =	vld.idx.msk [tilespmem:v44+s12+$0x0], $0xffff  }
0x11a: {  	v48 =	vld.idx.msk [tilespmem:v45+s29+$0x0], $0xffff;
	_ =	sdelay $0x1  }
0x11b: {  	v42 =	vor.u32 v3, v42;
	_ =	sdelay $0x2  }
0x11c: {  	s3 =	spop (v2sf);
	v40 =	vmul.f32 v48, v40  }
0x11d: {  	s1 =	rddreg [dreg:$0x2];
	s5 =	sand.u32 $0xFFFFF80, s3;
	s21 =	spop (v2sf)  }
0x11e: {  	s0 =	rddreg [dreg:$0x3];
	s2 =	sadd.s32 s1, s5;
	s6 =	sand.u32 $0xFFFFF80, s21;
	[tilespmem:v42+s31+$0x0] =	vst.idx.msk $0xffff, v40  }
0x11f: {  	[tilespmem:s12], [sflag:$0x1] =	stream.strided.gather [hbm4b:s2+s12], $0x1000, s11, s12, $0x38;
	[tilespmem:$0x14400] =	vst v63  }
0x120: {  	s7 =	simm.s32 $0x2;
	[dreg:$0xb] =	wrdreg s3;
	s2 =	sadd.s32 s0, s6  }
0x121: {  	[tilespmem:s29], [sflag:$0x9] =	stream.strided.gather [hbm4b:s2+s12], $0x1000, s11, s12, $0x38;
	[tilespmem:$0x14400] =	vst v63  }
0x122: {  	_ =	swait.ge [sflag:s7], $0x1000  }
0x123: {  	[sflag:s7] =	ssyncset.done $0x0  }
0x124: {  	s5 =	simm.s32 $0xA;
	[sflag:s7] =	ssyncadd.s32 $0xFFFFF000  }
0x125: {  	_ =	swait.ge [sflag:s5], $0x1000  }
0x126: {  	(v2sf) =	vpush v39, $0x1  }
0x127: {  	(v2sf) =	vpush v38, $0x1;
	_ =	sdelay $0xd  }
0x128: {  	s8 =	spop (v2sf)  }
0x129: {  	s2 =	sand.u32 $0x7F, s8;
	s9 =	spop (v2sf)  }
0x12a: {  	s3 =	sand.u32 $0x7F, s9;
	v49 =	vor.u32 s2, v0  }
0x12b: {  	v50 =	vor.u32 s3, v0;
	_ =	sdelay $0x1  }
0x12c: {  	s10 =	sadd.s32 $0xFFFFFFF2, s20;
	[sflag:s5] =	ssyncset.done $0x0  }
0x12d: {  	s13 =	simm.s32 $0x1400;
	v51 =	vmov s10;
	[sflag:s5] =	ssyncadd.s32 $0xFFFFF000  }
0x12e: {  	s15 =	simm.s32 $0x9400;
	v52 =	vshll.u32 v51, $0x3;
	(v2sf) =	vpush v39, $0x9;
	v40 =	vld.idx.msk [tilespmem:v49+s13+$0x0], $0xffff  }
0x12f: {  	v43 =	vand.u32 $0xC00, v52;
	v42 =	vand.u32 $0x71, v51;
	(v2sf) =	vpush v38, $0x9;
	v41 =	vld.idx.msk [tilespmem:v50+s15+$0x0], $0xffff  }
0x130: {  	v42 =	vor.u32 v42, v43  }
0x131: {  	v43 =	vor.u32 v1, v42  }
0x132: {  	v53 =	vor.u32 s2, v2  }
0x133: {  	v54 =	vor.u32 s3, v2  }
0x134: {  	v40 =	vmul.f32 v41, v40;
	_ =	sdelay $0x1  }
0x135: {  	s14 =	simm.s32 $0x1400;
	[tilespmem:v43+s31+$0x0] =	vst.idx.msk $0xffff, v40  }
0x136: {  	s16 =	simm.s32 $0x9400;
	v40 =	vld.idx.msk [tilespmem:v53+s14+$0x0], $0xffff  }
0x137: {  	v55 =	vld.idx.msk [tilespmem:v54+s16+$0x0], $0xffff;
	_ =	sdelay $0x1  }
0x138: {  	v42 =	vor.u32 v3, v42;
	_ =	sdelay $0x2  }
0x139: {  	s17 =	spop (v2sf);
	v40 =	vmul.f32 v55, v40  }
0x13a: {  	s2 =	sand.u32 $0xFFFFF80, s17;
	s22 =	spop (v2sf)  }
0x13b: {  	[dreg:$0xc] =	wrdreg s17;
	s2 =	sadd.s32 s1, s2;
	s23 =	sand.u32 $0xFFFFF80, s22;
	[tilespmem:v42+s31+$0x0] =	vst.idx.msk $0xffff, v40  }
0x13c: {  	[tilespmem:s14], [sflag:$0x2] =	stream.strided.gather [hbm4b:s2+s12], $0x1000, s11, s12, $0x38;
	[tilespmem:$0x14400] =	vst v63  }
0x13d: {  	s28 =	simm.s32 $0x3;
	[dreg:$0xd] =	wrdreg s22;
	s2 =	sadd.s32 s0, s23  }
0x13e: {  	[tilespmem:s16], [sflag:$0xA] =	stream.strided.gather [hbm4b:s2+s12], $0x1000, s11, s12, $0x38;
	[tilespmem:$0x14400] =	vst v63  }
0x13f: {  	_ =	swait.ge [sflag:s28], $0x1000  }
0x140: {  	[sflag:s28] =	ssyncset.done $0x0  }
0x141: {  	s24 =	simm.s32 $0xB;
	[sflag:s28] =	ssyncadd.s32 $0xFFFFF000  }
0x142: {  	_ =	swait.ge [sflag:s24], $0x1000  }
0x143: {  	(v2sf) =	vpush v39, $0x2  }
0x144: {  	(v2sf) =	vpush v38, $0x2;
	_ =	sdelay $0xd  }
0x145: {  	s25 =	spop (v2sf)  }
0x146: {  	s2 =	sand.u32 $0x7F, s25;
	s26 =	spop (v2sf)  }
0x147: {  	s3 =	sand.u32 $0x7F, s26;
	v56 =	vor.u32 s2, v0  }
0x148: {  	v57 =	vor.u32 s3, v0;
	_ =	sdelay $0x1  }
0x149: {  	s29 =	sadd.s32 $0xFFFFFFF3, s20;
	[sflag:s24] =	ssyncset.done $0x0  }
0x14a: {  	s6 =	simm.s32 $0x2400;
	v58 =	vmov s29;
	[sflag:s24] =	ssyncadd.s32 $0xFFFFF000  }
0x14b: {  	v59 =	vshll.u32 v58, $0x3;
	s8 =	simm.s32 $0xA400;
	(v2sf) =	vpush v39, $0xA;
	v40 =	vld.idx.msk [tilespmem:v56+s6+$0x0], $0xffff  }
0x14c: {  	v43 =	vand.u32 $0xC00, v59;
	v42 =	vand.u32 $0x72, v58;
	(v2sf) =	vpush v38, $0xA;
	v41 =	vld.idx.msk [tilespmem:v57+s8+$0x0], $0xffff  }
0x14d: {  	v42 =	vor.u32 v42, v43  }
0x14e: {  	v43 =	vor.u32 v1, v42  }
0x14f: {  	v60 =	vor.u32 s2, v2  }
0x150: {  	v61 =	vor.u32 s3, v2  }
0x151: {  	v40 =	vmul.f32 v41, v40;
	_ =	sdelay $0x1  }
0x152: {  	s7 =	simm.s32 $0x2400;
	[tilespmem:v43+s31+$0x0] =	vst.idx.msk $0xffff, v40  }
0x153: {  	s9 =	simm.s32 $0xA400;
	v40 =	vld.idx.msk [tilespmem:v60+s7+$0x0], $0xffff  }
0x154: {  	v62 =	vld.idx.msk [tilespmem:v61+s9+$0x0], $0xffff;
	_ =	sdelay $0x1  }
0x155: {  	v42 =	vor.u32 v3, v42;
	_ =	sdelay $0x2  }
0x156: {  	s10 =	spop (v2sf);
	v40 =	vmul.f32 v62, v40  }
0x157: {  	s2 =	sand.u32 $0xFFFFF80, s10;
	s13 =	spop (v2sf)  }
0x158: {  	[dreg:$0xe] =	wrdreg s10;
	s2 =	sadd.s32 s1, s2;
	s14 =	sand.u32 $0xFFFFF80, s13;
	[tilespmem:v42+s31+$0x0] =	vst.idx.msk $0xffff, v40  }
0x159: {  	[tilespmem:s7], [sflag:$0x3] =	stream.strided.gather [hbm4b:s2+s12], $0x1000, s11, s12, $0x38;
	[tilespmem:$0x14400] =	vst v63  }
0x15a: {  	s26 =	simm.s32 $0x4;
	[dreg:$0xf] =	wrdreg s13;
	s2 =	sadd.s32 s0, s14  }
0x15b: {  	[tilespmem:s9], [sflag:$0xB] =	stream.strided.gather [hbm4b:s2+s12], $0x1000, s11, s12, $0x38;
	[tilespmem:$0x14400] =	vst v63  }
0x15c: {  	_ =	swait.ge [sflag:s26], $0x1000  }
0x15d: {  	[sflag:s26] =	ssyncset.done $0x0  }
0x15e: {  	s15 =	simm.s32 $0xC;
	[sflag:s26] =	ssyncadd.s32 $0xFFFFF000  }
0x15f: {  	_ =	swait.ge [sflag:s15], $0x1000  }
0x160: {  	(v2sf) =	vpush v39, $0x3  }
0x161: {  	(v2sf) =	vpush v38, $0x3;
	_ =	sdelay $0xd  }
0x162: {  	s16 =	spop (v2sf)  }
0x163: {  	s2 =	sand.u32 $0x7F, s16;
	s17 =	spop (v2sf)  }
0x164: {  	s3 =	sand.u32 $0x7F, s17;
	v63 =	vor.u32 s2, v0  }
0x165: {  	v45 =	vor.u32 s3, v0;
	_ =	sdelay $0x1  }
0x166: {  	s22 =	sadd.s32 $0xFFFFFFF4, s20;
	[sflag:s15] =	ssyncset.done $0x0  }
0x167: {  	v46 =	vmov s22;
	s23 =	simm.s32 $0x3400;
	[sflag:s15] =	ssyncadd.s32 $0xFFFFF000  }
0x168: {  	v47 =	vshll.u32 v46, $0x3;
	s25 =	simm.s32 $0xB400;
	(v2sf) =	vpush v39, $0xB;
	v40 =	vld.idx.msk [tilespmem:v63+s23+$0x0], $0xffff  }
0x169: {  	v43 =	vand.u32 $0xC00, v47;
	v42 =	vand.u32 $0x73, v46;
	(v2sf) =	vpush v38, $0xB;
	v41 =	vld.idx.msk [tilespmem:v45+s25+$0x0], $0xffff  }
0x16a: {  	v42 =	vor.u32 v42, v43  }
0x16b: {  	v43 =	vor.u32 v1, v42  }
0x16c: {  	v48 =	vor.u32 s2, v2  }
0x16d: {  	v49 =	vor.u32 s3, v2  }
0x16e: {  	v40 =	vmul.f32 v41, v40;
	_ =	sdelay $0x1  }
0x16f: {  	s24 =	simm.s32 $0x3400;
	[tilespmem:v43+s31+$0x0] =	vst.idx.msk $0xffff, v40  }
0x170: {  	s29 =	simm.s32 $0xB400;
	v40 =	vld.idx.msk [tilespmem:v48+s24+$0x0], $0xffff  }
0x171: {  	v50 =	vld.idx.msk [tilespmem:v49+s29+$0x0], $0xffff;
	_ =	sdelay $0x1  }
0x172: {  	v42 =	vor.u32 v3, v42;
	_ =	sdelay $0x2  }
0x173: {  	s6 =	spop (v2sf);
	v40 =	vmul.f32 v50, v40  }
0x174: {  	s2 =	sand.u32 $0xFFFFF80, s6;
	s7 =	spop (v2sf)  }
0x175: {  	[dreg:$0x10] =	wrdreg s6;
	s2 =	sadd.s32 s1, s2;
	s8 =	sand.u32 $0xFFFFF80, s7;
	[tilespmem:v42+s31+$0x0] =	vst.idx.msk $0xffff, v40  }
0x176: {  	[tilespmem:s24], [sflag:$0x4] =	stream.strided.gather [hbm4b:s2+s12], $0x1000, s11, s12, $0x38;
	[tilespmem:$0x14400] =	vst v63  }
0x177: {  	s23 =	simm.s32 $0x5;
	[dreg:$0x11] =	wrdreg s7;
	s2 =	sadd.s32 s0, s8  }
0x178: {  	[tilespmem:s29], [sflag:$0xC] =	stream.strided.gather [hbm4b:s2+s12], $0x1000, s11, s12, $0x38;
	[tilespmem:$0x14400] =	vst v63  }
0x179: {  	_ =	swait.ge [sflag:s23], $0x1000  }
0x17a: {  	[sflag:s23] =	ssyncset.done $0x0  }
0x17b: {  	s24 =	simm.s32 $0xD;
	[sflag:s23] =	ssyncadd.s32 $0xFFFFF000  }
0x17c: {  	_ =	swait.ge [sflag:s24], $0x1000  }
0x17d: {  	(v2sf) =	vpush v39, $0x4  }
0x17e: {  	(v2sf) =	vpush v38, $0x4;
	_ =	sdelay $0xd  }
0x17f: {  	s9 =	spop (v2sf)  }
0x180: {  	s2 =	sand.u32 $0x7F, s9;
	s10 =	spop (v2sf)  }
0x181: {  	s3 =	sand.u32 $0x7F, s10;
	v51 =	vor.u32 s2, v0  }
0x182: {  	v52 =	vor.u32 s3, v0;
	_ =	sdelay $0x1  }
0x183: {  	s13 =	sadd.s32 $0xFFFFFFF5, s20;
	[sflag:s24] =	ssyncset.done $0x0  }
0x184: {  	v53 =	vmov s13;
	s14 =	simm.s32 $0x4400;
	[sflag:s24] =	ssyncadd.s32 $0xFFFFF000  }
0x185: {  	v54 =	vshll.u32 v53, $0x3;
	s16 =	simm.s32 $0xC400;
	(v2sf) =	vpush v39, $0xC;
	v40 =	vld.idx.msk [tilespmem:v51+s14+$0x0], $0xffff  }
0x186: {  	v43 =	vand.u32 $0xC00, v54;
	v42 =	vand.u32 $0x74, v53;
	(v2sf) =	vpush v38, $0xC;
	v41 =	vld.idx.msk [tilespmem:v52+s16+$0x0], $0xffff  }
0x187: {  	v42 =	vor.u32 v42, v43  }
0x188: {  	v43 =	vor.u32 v1, v42  }
0x189: {  	v55 =	vor.u32 s2, v2  }
0x18a: {  	v56 =	vor.u32 s3, v2  }
0x18b: {  	v40 =	vmul.f32 v41, v40;
	_ =	sdelay $0x1  }
0x18c: {  	s15 =	simm.s32 $0x4400;
	[tilespmem:v43+s31+$0x0] =	vst.idx.msk $0xffff, v40  }
0x18d: {  	s17 =	simm.s32 $0xC400;
	v40 =	vld.idx.msk [tilespmem:v55+s15+$0x0], $0xffff  }
0x18e: {  	v57 =	vld.idx.msk [tilespmem:v56+s17+$0x0], $0xffff;
	_ =	sdelay $0x1  }
0x18f: {  	v42 =	vor.u32 v3, v42;
	_ =	sdelay $0x2  }
0x190: {  	s25 =	spop (v2sf);
	v40 =	vmul.f32 v57, v40  }
0x191: {  	s2 =	sand.u32 $0xFFFFF80, s25;
	s3 =	spop (v2sf)  }
0x192: {  	s2 =	sadd.s32 s1, s2;
	s29 =	sand.u32 $0xFFFFF80, s3;
	[tilespmem:v42+s31+$0x0] =	vst.idx.msk $0xffff, v40  }
0x193: {  	[tilespmem:s15], [sflag:$0x5] =	stream.strided.gather [hbm4b:s2+s12], $0x1000, s11, s12, $0x38;
	[tilespmem:$0x14400] =	vst v63  }
0x194: {  	s14 =	simm.s32 $0x6;
	[dreg:$0x12] =	wrdreg s25;
	s2 =	sadd.s32 s0, s29  }
0x195: {  	[tilespmem:s17], [sflag:$0xD] =	stream.strided.gather [hbm4b:s2+s12], $0x1000, s11, s12, $0x38;
	[tilespmem:$0x14400] =	vst v63  }
0x196: {  	_ =	swait.ge [sflag:s14], $0x1000  }
0x197: {  	[sflag:s14] =	ssyncset.done $0x0  }
0x198: {  	s15 =	simm.s32 $0xE;
	[sflag:s14] =	ssyncadd.s32 $0xFFFFF000  }
0x199: {  	_ =	swait.ge [sflag:s15], $0x1000  }
0x19a: {  	(v2sf) =	vpush v39, $0x5  }
0x19b: {  	(v2sf) =	vpush v38, $0x5;
	_ =	sdelay $0xd  }
0x19c: {  	s5 =	spop (v2sf)  }
0x19d: {  	s2 =	sand.u32 $0x7F, s5;
	s6 =	spop (v2sf)  }
0x19e: {  	s4 =	sand.u32 $0x7F, s6;
	v58 =	vor.u32 s2, v0  }
0x19f: {  	v59 =	vor.u32 s4, v0;
	_ =	sdelay $0x1  }
0x1a0: {  	s7 =	sadd.s32 $0xFFFFFFF6, s20;
	[sflag:s15] =	ssyncset.done $0x0  }
0x1a1: {  	v60 =	vmov s7;
	s8 =	simm.s32 $0x5400;
	[sflag:s15] =	ssyncadd.s32 $0xFFFFF000  }
0x1a2: {  	v61 =	vshll.u32 v60, $0x3;
	s9 =	simm.s32 $0xD400;
	(v2sf) =	vpush v39, $0xD;
	v40 =	vld.idx.msk [tilespmem:v58+s8+$0x0], $0xffff  }
0x1a3: {  	v43 =	vand.u32 $0xC00, v61;
	v42 =	vand.u32 $0x75, v60;
	(v2sf) =	vpush v38, $0xD;
	v41 =	vld.idx.msk [tilespmem:v59+s9+$0x0], $0xffff  }
0x1a4: {  	v42 =	vor.u32 v42, v43  }
0x1a5: {  	v43 =	vor.u32 v1, v42  }
0x1a6: {  	v62 =	vor.u32 s2, v2  }
0x1a7: {  	v63 =	vor.u32 s4, v2  }
0x1a8: {  	v40 =	vmul.f32 v41, v40;
	_ =	sdelay $0x1  }
0x1a9: {  	s6 =	simm.s32 $0x5400;
	[tilespmem:v43+s31+$0x0] =	vst.idx.msk $0xffff, v40  }
0x1aa: {  	s10 =	simm.s32 $0xD400;
	v40 =	vld.idx.msk [tilespmem:v62+s6+$0x0], $0xffff  }
0x1ab: {  	v45 =	vld.idx.msk [tilespmem:v63+s10+$0x0], $0xffff;
	_ =	sdelay $0x1  }
0x1ac: {  	v42 =	vor.u32 v3, v42;
	_ =	sdelay $0x2  }
0x1ad: {  	s2 =	spop (v2sf);
	v40 =	vmul.f32 v45, v40  }
0x1ae: {  	s13 =	sand.u32 $0xFFFFF80, s2;
	s7 =	spop (v2sf)  }
0x1af: {  	s4 =	sadd.s32 s1, s13;
	s16 =	sand.u32 $0xFFFFF80, s7;
	[tilespmem:v42+s31+$0x0] =	vst.idx.msk $0xffff, v40  }
0x1b0: {  	[tilespmem:s6], [sflag:$0x6] =	stream.strided.gather [hbm4b:s4+s12], $0x1000, s11, s12, $0x38;
	[tilespmem:$0x14400] =	vst v63  }
0x1b1: {  	s4 =	sadd.s32 s0, s16  }
0x1b2: {  	[tilespmem:s10], [sflag:$0xE] =	stream.strided.gather [hbm4b:s4+s12], $0x1000, s11, s12, $0x38;
	[tilespmem:$0x14400] =	vst v63  }
0x1b3: {  	[dreg:$0x13] =	wrdreg s7;
	s10 =	simm.s32 $0x7  }
0x1b4: {  	_ =	swait.ge [sflag:s10], $0x1000  }
0x1b5: {  	[sflag:s10] =	ssyncset.done $0x0  }
0x1b6: {  	s13 =	simm.s32 $0xF;
	[sflag:s10] =	ssyncadd.s32 $0xFFFFF000  }
0x1b7: {  	_ =	swait.ge [sflag:s13], $0x1000  }
0x1b8: {  	(v2sf) =	vpush v39, $0x6  }
0x1b9: {  	(v2sf) =	vpush v38, $0x6;
	_ =	sdelay $0xd  }
0x1ba: {  	s17 =	spop (v2sf)  }
0x1bb: {  	s4 =	sand.u32 $0x7F, s17;
	s25 =	spop (v2sf)  }
0x1bc: {  	s5 =	sand.u32 $0x7F, s25;
	v46 =	vor.u32 s4, v0  }
0x1bd: {  	v47 =	vor.u32 s5, v0;
	_ =	sdelay $0x1  }
0x1be: {  	s29 =	sadd.s32 $0xFFFFFFF7, s20;
	[sflag:s13] =	ssyncset.done $0x0  }
0x1bf: {  	v48 =	vmov s29;
	[sflag:s13] =	ssyncadd.s32 $0xFFFFF000;
	s25 =	simm.s32 $0x6400  }
0x1c0: {  	s29 =	simm.s32 $0xE400;
	v49 =	vshll.u32 v48, $0x3;
	(v2sf) =	vpush v39, $0xE;
	v40 =	vld.idx.msk [tilespmem:v46+s25+$0x0], $0xffff  }
0x1c1: {  	v43 =	vand.u32 $0xC00, v49;
	v42 =	vand.u32 $0x76, v48;
	(v2sf) =	vpush v38, $0xE;
	v41 =	vld.idx.msk [tilespmem:v47+s29+$0x0], $0xffff  }
0x1c2: {  	v42 =	vor.u32 v42, v43  }
0x1c3: {  	v43 =	vor.u32 v1, v42  }
0x1c4: {  	v50 =	vor.u32 s4, v2  }
0x1c5: {  	v51 =	vor.u32 s5, v2  }
0x1c6: {  	v40 =	vmul.f32 v41, v40;
	_ =	sdelay $0x1  }
0x1c7: {  	[tilespmem:v43+s31+$0x0] =	vst.idx.msk $0xffff, v40  }
0x1c8: {  	v40 =	vld.idx.msk [tilespmem:v50+s25+$0x0], $0xffff  }
0x1c9: {  	v52 =	vld.idx.msk [tilespmem:v51+s29+$0x0], $0xffff;
	_ =	sdelay $0x1  }
0x1ca: {  	v42 =	vor.u32 v3, v42;
	_ =	sdelay $0x2  }
0x1cb: {  	s7 =	spop (v2sf);
	v40 =	vmul.f32 v52, v40  }
0x1cc: {  	s8 =	sand.u32 $0xFFFFF80, s7;
	s4 =	spop (v2sf)  }
0x1cd: {  	s6 =	sadd.s32 s1, s8;
	s9 =	sand.u32 $0xFFFFF80, s4;
	[tilespmem:v42+s31+$0x0] =	vst.idx.msk $0xffff, v40  }
0x1ce: {  	[tilespmem:s25], [sflag:$0x7] =	stream.strided.gather [hbm4b:s6+s12], $0x1000, s11, s12, $0x38;
	[tilespmem:$0x14400] =	vst v63  }
0x1cf: {  	s5 =	simm.s32 $0x8;
	[dreg:$0x14] =	wrdreg s7;
	s6 =	sadd.s32 s0, s9  }
0x1d0: {  	[tilespmem:s29], [sflag:$0xF] =	stream.strided.gather [hbm4b:s6+s12], $0x1000, s11, s12, $0x38;
	[tilespmem:$0x14400] =	vst v63  }
0x1d1: {  	_ =	swait.ge [sflag:s5], $0x1000  }
0x1d2: {  	[sflag:s5] =	ssyncset.done $0x0  }
0x1d3: {  	s8 =	simm.s32 $0x10;
	[sflag:s5] =	ssyncadd.s32 $0xFFFFF000  }
0x1d4: {  	_ =	swait.ge [sflag:s8], $0x1000  }
0x1d5: {  	(v2sf) =	vpush v39, $0x7  }
0x1d6: {  	(v2sf) =	vpush v38, $0x7;
	_ =	sdelay $0xd  }
0x1d7: {  	s16 =	spop (v2sf)  }
0x1d8: {  	s6 =	sand.u32 $0x7F, s16;
	s17 =	spop (v2sf)  }
0x1d9: {  	s7 =	sand.u32 $0x7F, s17;
	v53 =	vor.u32 s6, v0  }
0x1da: {  	v54 =	vor.u32 s7, v0;
	_ =	sdelay $0x1  }
0x1db: {  	s9 =	sadd.s32 $0xFFFFFFF8, s20;
	[sflag:s8] =	ssyncset.done $0x0  }
0x1dc: {  	v55 =	vmov s9;
	[sflag:s8] =	ssyncadd.s32 $0xFFFFF000;
	s16 =	simm.s32 $0x7400  }
0x1dd: {  	v56 =	vshll.u32 v55, $0x3;
	(v2sf) =	vpush v39, $0xF;
	s17 =	simm.s32 $0xF400;
	v40 =	vld.idx.msk [tilespmem:v53+s16+$0x0], $0xffff  }
0x1de: {  	v58 =	vand.u32 $0x77, v55;
	v59 =	vand.u32 $0xC00, v56;
	v57 =	vld.idx.msk [tilespmem:v54+s17+$0x0], $0xffff  }
0x1df: {  	v41 =	vor.u32 v58, v59;
	(v2sf) =	vpush v38, $0xF  }
0x1e0: {  	v60 =	vor.u32 v1, v41  }
0x1e1: {  	v61 =	vor.u32 s6, v2  }
0x1e2: {  	v62 =	vor.u32 s7, v2  }
0x1e3: {  	v39 =	vmul.f32 v57, v40;
	_ =	sdelay $0x1  }
0x1e4: {  	[tilespmem:v60+s31+$0x0] =	vst.idx.msk $0xffff, v39  }
0x1e5: {  	v38 =	vld.idx.msk [tilespmem:v61+s16+$0x0], $0xffff  }
0x1e6: {  	v39 =	vld.idx.msk [tilespmem:v62+s17+$0x0], $0xffff;
	_ =	sdelay $0x1  }
0x1e7: {  	v63 =	vor.u32 v3, v41;
	_ =	sdelay $0x2  }
0x1e8: {  	s6 =	spop (v2sf);
	v38 =	vmul.f32 v39, v38  }
0x1e9: {  	s9 =	sand.u32 $0xFFFFF80, s6  }
0x1ea: {  	s7 =	spop (v2sf);
	s9 =	sadd.s32 s1, s9;
	[tilespmem:v63+s31+$0x0] =	vst.idx.msk $0xffff, v38  }
0x1eb: {  	[tilespmem:s16], [sflag:$0x8] =	stream.strided.gather [hbm4b:s9+s12], $0x1000, s11, s12, $0x38;
	[tilespmem:$0x14400] =	vst v63  }
0x1ec: {  	s9 =	sand.u32 $0xFFFFF80, s7  }
0x1ed: {  	s22 =	simm.s32 $0x1;
	s9 =	sadd.s32 s0, s9  }
0x1ee: {  	[tilespmem:s17], [sflag:$0x10] =	stream.strided.gather [hbm4b:s9+s12], $0x1000, s11, s12, $0x38;
	[tilespmem:$0x14400] =	vst v63  }
0x1ef: {  	_ =	swait.ge [sflag:s22], $0x1000  }
0x1f0: {  	s21 =	sand.u32 $0x7F, s21;
	s9 =	rddreg [dreg:$0xb]  }
0x1f1: {  	v45 =	vor.u32 s21, v0;
	[sflag:s22] =	ssyncset.done $0x0;
	s9 =	sand.u32 $0x7F, s9  }
0x1f2: {  	[sflag:s22] =	ssyncadd.s32 $0xFFFFF000;
	v44 =	vor.u32 s9, v0  }
0x1f3: {  	_ =	swait.ge [sflag:s18], $0x1000  }
0x1f4: {  	s22 =	sadd.s32 $0xFFFFFFF9, s20;
	[sflag:s18] =	ssyncset.done $0x0  }
0x1f5: {  	v46 =	vmov s22;
	[sflag:s18] =	ssyncadd.s32 $0xFFFFF000;
	s18 =	simm.s32 $0x8400  }
0x1f6: {  	v47 =	vshll.u32 v46, $0x3;
	(v2sf) =	vpush v37, $0x0;
	v39 =	vld.idx.msk [tilespmem:v45+s18+$0x0], $0xffff  }
0x1f7: {  	v40 =	vand.u32 $0x78, v46;
	v41 =	vand.u32 $0xC00, v47;
	v38 =	vld.idx.msk [tilespmem:v44+s12+$0x0], $0xffff  }
0x1f8: {  	(v2sf) =	vpush v36, $0x0;
	v40 =	vor.u32 v40, v41  }
0x1f9: {  	v41 =	vor.u32 v1, v40  }
0x1fa: {  	v48 =	vor.u32 s9, v2  }
0x1fb: {  	v49 =	vor.u32 s21, v2  }
0x1fc: {  	v38 =	vmul.f32 v39, v38;
	_ =	sdelay $0x1  }
0x1fd: {  	[tilespmem:v41+s31+$0x0] =	vst.idx.msk $0xffff, v38  }
0x1fe: {  	v38 =	vld.idx.msk [tilespmem:v48+s12+$0x0], $0xffff  }
0x1ff: {  	v50 =	vld.idx.msk [tilespmem:v49+s18+$0x0], $0xffff;
	_ =	sdelay $0x1  }
0x200: {  	v40 =	vor.u32 v3, v40;
	_ =	sdelay $0x2  }
0x201: {  	s22 =	spop (v2sf);
	v38 =	vmul.f32 v50, v38  }
0x202: {  	s9 =	sand.u32 $0xFFFFF80, s22  }
0x203: {  	s18 =	spop (v2sf);
	s9 =	sadd.s32 s1, s9;
	[tilespmem:v40+s31+$0x0] =	vst.idx.msk $0xffff, v38  }
0x204: {  	[tilespmem:s12], [sflag:$0x1] =	stream.strided.gather [hbm4b:s9+s12], $0x1000, s11, s12, $0x38;
	[tilespmem:$0x14400] =	vst v63  }
0x205: {  	s9 =	sand.u32 $0xFFFFF80, s18  }
0x206: {  	s21 =	simm.s32 $0x8400;
	s22 =	simm.s32 $0x2;
	s9 =	sadd.s32 s0, s9  }
0x207: {  	[tilespmem:s21], [sflag:$0x9] =	stream.strided.gather [hbm4b:s9+s12], $0x1000, s11, s12, $0x38;
	[tilespmem:$0x14400] =	vst v63  }
0x208: {  	_ =	swait.ge [sflag:s22], $0x1000  }
0x209: {  	s21 =	rddreg [dreg:$0xc]  }
0x20a: {  	[sflag:s22] =	ssyncset.done $0x0;
	s22 =	rddreg [dreg:$0xd];
	s9 =	sand.u32 $0x7F, s21  }
0x20b: {  	s18 =	simm.s32 $0x2;
	s21 =	sand.u32 $0x7F, s22;
	v51 =	vor.u32 s9, v0  }
0x20c: {  	[sflag:s18] =	ssyncadd.s32 $0xFFFFF000;
	s18 =	simm.s32 $0xA;
	v52 =	vor.u32 s21, v0  }
0x20d: {  	_ =	swait.ge [sflag:s18], $0x1000  }
0x20e: {  	s22 =	sadd.s32 $0xFFFFFFFA, s20;
	[sflag:s18] =	ssyncset.done $0x0;
	s18 =	simm.s32 $0xA  }
0x20f: {  	v53 =	vmov s22;
	[sflag:s18] =	ssyncadd.s32 $0xFFFFF000;
	s18 =	simm.s32 $0x1400  }
0x210: {  	s22 =	simm.s32 $0x9400;
	v54 =	vshll.u32 v53, $0x3;
	(v2sf) =	vpush v37, $0x1;
	v38 =	vld.idx.msk [tilespmem:v51+s18+$0x0], $0xffff  }
0x211: {  	v40 =	vand.u32 $0x79, v53;
	v41 =	vand.u32 $0xC00, v54;
	v39 =	vld.idx.msk [tilespmem:v52+s22+$0x0], $0xffff  }
0x212: {  	(v2sf) =	vpush v36, $0x1;
	v40 =	vor.u32 v40, v41  }
0x213: {  	v41 =	vor.u32 v1, v40  }
0x214: {  	v55 =	vor.u32 s9, v2  }
0x215: {  	v56 =	vor.u32 s21, v2  }
0x216: {  	v38 =	vmul.f32 v39, v38;
	_ =	sdelay $0x1  }
0x217: {  	[tilespmem:v41+s31+$0x0] =	vst.idx.msk $0xffff, v38  }
0x218: {  	v38 =	vld.idx.msk [tilespmem:v55+s18+$0x0], $0xffff  }
0x219: {  	v57 =	vld.idx.msk [tilespmem:v56+s22+$0x0], $0xffff;
	_ =	sdelay $0x1  }
0x21a: {  	v40 =	vor.u32 v3, v40;
	_ =	sdelay $0x2  }
0x21b: {  	s22 =	spop (v2sf);
	v38 =	vmul.f32 v57, v38  }
0x21c: {  	s9 =	sand.u32 $0xFFFFF80, s22  }
0x21d: {  	s18 =	simm.s32 $0x1400;
	s22 =	spop (v2sf);
	s9 =	sadd.s32 s1, s9;
	[tilespmem:v40+s31+$0x0] =	vst.idx.msk $0xffff, v38  }
0x21e: {  	[tilespmem:s18], [sflag:$0x2] =	stream.strided.gather [hbm4b:s9+s12], $0x1000, s11, s12, $0x38;
	[tilespmem:$0x14400] =	vst v63  }
0x21f: {  	s9 =	sand.u32 $0xFFFFF80, s22  }
0x220: {  	s21 =	simm.s32 $0x9400;
	s9 =	sadd.s32 s0, s9  }
0x221: {  	[tilespmem:s21], [sflag:$0xA] =	stream.strided.gather [hbm4b:s9+s12], $0x1000, s11, s12, $0x38;
	[tilespmem:$0x14400] =	vst v63  }
0x222: {  	_ =	swait.ge [sflag:s28], $0x1000  }
0x223: {  	s18 =	rddreg [dreg:$0xe]  }
0x224: {  	s21 =	rddreg [dreg:$0xf];
	s9 =	sand.u32 $0x7F, s18  }
0x225: {  	[sflag:s28] =	ssyncset.done $0x0;
	s21 =	sand.u32 $0x7F, s21;
	v58 =	vor.u32 s9, v0  }
0x226: {  	[sflag:s28] =	ssyncadd.s32 $0xFFFFF000;
	s18 =	simm.s32 $0xB;
	v59 =	vor.u32 s21, v0  }
0x227: {  	_ =	swait.ge [sflag:s18], $0x1000  }
0x228: {  	s22 =	sadd.s32 $0xFFFFFFFB, s20;
	[sflag:s18] =	ssyncset.done $0x0;
	s18 =	simm.s32 $0xB  }
0x229: {  	v60 =	vmov s22;
	s22 =	simm.s32 $0x2400;
	[sflag:s18] =	ssyncadd.s32 $0xFFFFF000  }
0x22a: {  	v61 =	vshll.u32 v60, $0x3;
	(v2sf) =	vpush v37, $0x2;
	s18 =	simm.s32 $0xA400;
	v38 =	vld.idx.msk [tilespmem:v58+s22+$0x0], $0xffff  }
0x22b: {  	v40 =	vand.u32 $0x7A, v60;
	v41 =	vand.u32 $0xC00, v61;
	v39 =	vld.idx.msk [tilespmem:v59+s18+$0x0], $0xffff  }
0x22c: {  	v40 =	vor.u32 v40, v41;
	(v2sf) =	vpush v36, $0x2  }
0x22d: {  	v41 =	vor.u32 v1, v40  }
0x22e: {  	v62 =	vor.u32 s9, v2  }
0x22f: {  	v63 =	vor.u32 s21, v2  }
0x230: {  	v38 =	vmul.f32 v39, v38;
	_ =	sdelay $0x1  }
0x231: {  	[tilespmem:v41+s31+$0x0] =	vst.idx.msk $0xffff, v38  }
0x232: {  	v38 =	vld.idx.msk [tilespmem:v62+s22+$0x0], $0xffff  }
0x233: {  	v44 =	vld.idx.msk [tilespmem:v63+s18+$0x0], $0xffff;
	_ =	sdelay $0x1  }
0x234: {  	v40 =	vor.u32 v3, v40;
	_ =	sdelay $0x2  }
0x235: {  	s22 =	spop (v2sf);
	v38 =	vmul.f32 v44, v38  }
0x236: {  	s9 =	sand.u32 $0xFFFFF80, s22  }
0x237: {  	s21 =	simm.s32 $0x2400;
	s22 =	spop (v2sf);
	s9 =	sadd.s32 s1, s9;
	[tilespmem:v40+s31+$0x0] =	vst.idx.msk $0xffff, v38  }
0x238: {  	[tilespmem:s21], [sflag:$0x3] =	stream.strided.gather [hbm4b:s9+s12], $0x1000, s11, s12, $0x38;
	[tilespmem:$0x14400] =	vst v63  }
0x239: {  	s9 =	sand.u32 $0xFFFFF80, s22  }
0x23a: {  	s18 =	simm.s32 $0xA400;
	s9 =	sadd.s32 s0, s9  }
0x23b: {  	[tilespmem:s18], [sflag:$0xB] =	stream.strided.gather [hbm4b:s9+s12], $0x1000, s11, s12, $0x38;
	[tilespmem:$0x14400] =	vst v63  }
0x23c: {  	_ =	swait.ge [sflag:s26], $0x1000  }
0x23d: {  	s21 =	rddreg [dreg:$0x10]  }
0x23e: {  	s22 =	rddreg [dreg:$0x11];
	s9 =	sand.u32 $0x7F, s21  }
0x23f: {  	[sflag:s26] =	ssyncset.done $0x0;
	s21 =	sand.u32 $0x7F, s22;
	v45 =	vor.u32 s9, v0  }
0x240: {  	[sflag:s26] =	ssyncadd.s32 $0xFFFFF000;
	s26 =	simm.s32 $0xC;
	v46 =	vor.u32 s21, v0  }
0x241: {  	_ =	swait.ge [sflag:s26], $0x1000  }
0x242: {  	s22 =	sadd.s32 $0xFFFFFFFC, s20;
	[sflag:s26] =	ssyncset.done $0x0;
	s26 =	simm.s32 $0xC  }
0x243: {  	s18 =	simm.s32 $0x3400;
	v47 =	vmov s22;
	[sflag:s26] =	ssyncadd.s32 $0xFFFFF000  }
0x244: {  	v48 =	vshll.u32 v47, $0x3;
	(v2sf) =	vpush v37, $0x3;
	s26 =	simm.s32 $0xB400;
	v38 =	vld.idx.msk [tilespmem:v45+s18+$0x0], $0xffff  }
0x245: {  	v40 =	vand.u32 $0x7B, v47;
	v41 =	vand.u32 $0xC00, v48;
	v39 =	vld.idx.msk [tilespmem:v46+s26+$0x0], $0xffff  }
0x246: {  	v40 =	vor.u32 v40, v41  }
0x247: {  	v41 =	vor.u32 v1, v40  }
0x248: {  	v49 =	vor.u32 s9, v2;
	(v2sf) =	vpush v36, $0x3  }
0x249: {  	v50 =	vor.u32 s21, v2  }
0x24a: {  	v38 =	vmul.f32 v39, v38;
	_ =	sdelay $0x1  }
0x24b: {  	[tilespmem:v41+s31+$0x0] =	vst.idx.msk $0xffff, v38  }
0x24c: {  	v38 =	vld.idx.msk [tilespmem:v49+s18+$0x0], $0xffff  }
0x24d: {  	v51 =	vld.idx.msk [tilespmem:v50+s26+$0x0], $0xffff;
	_ =	sdelay $0x1  }
0x24e: {  	v40 =	vor.u32 v3, v40;
	_ =	sdelay $0x2  }
0x24f: {  	s26 =	spop (v2sf);
	v38 =	vmul.f32 v51, v38  }
0x250: {  	s9 =	sand.u32 $0xFFFFF80, s26  }
0x251: {  	s21 =	simm.s32 $0x3400;
	s9 =	sadd.s32 s1, s9;
	[tilespmem:v40+s31+$0x0] =	vst.idx.msk $0xffff, v38  }
0x252: {  	[tilespmem:s21], [sflag:$0x4] =	stream.strided.gather [hbm4b:s9+s12], $0x1000, s11, s12, $0x38;
	[tilespmem:$0x14400] =	vst v63  }
0x253: {  	s21 =	spop (v2sf)  }
0x254: {  	s9 =	sand.u32 $0xFFFFF80, s21  }
0x255: {  	s22 =	simm.s32 $0xB400;
	s9 =	sadd.s32 s0, s9  }
0x256: {  	[tilespmem:s22], [sflag:$0xC] =	stream.strided.gather [hbm4b:s9+s12], $0x1000, s11, s12, $0x38;
	[tilespmem:$0x14400] =	vst v63  }
0x257: {  	_ =	swait.ge [sflag:s23], $0x1000  }
0x258: {  	s3 =	sand.u32 $0x7F, s3;
	s22 =	rddreg [dreg:$0x12]  }
0x259: {  	v53 =	vor.u32 s3, v0;
	[sflag:s23] =	ssyncset.done $0x0;
	s9 =	sand.u32 $0x7F, s22  }
0x25a: {  	[sflag:s23] =	ssyncadd.s32 $0xFFFFF000;
	v52 =	vor.u32 s9, v0  }
0x25b: {  	_ =	swait.ge [sflag:s24], $0x1000  }
0x25c: {  	s23 =	sadd.s32 $0xFFFFFFFD, s20;
	[sflag:s24] =	ssyncset.done $0x0  }
0x25d: {  	s26 =	simm.s32 $0xC400;
	v54 =	vmov s23;
	[sflag:s24] =	ssyncadd.s32 $0xFFFFF000  }
0x25e: {  	v55 =	vshll.u32 v54, $0x3;
	(v2sf) =	vpush v37, $0x4;
	s24 =	simm.s32 $0x4400;
	v39 =	vld.idx.msk [tilespmem:v53+s26+$0x0], $0xffff  }
0x25f: {  	v40 =	vand.u32 $0x7C, v54;
	v41 =	vand.u32 $0xC00, v55;
	v38 =	vld.idx.msk [tilespmem:v52+s24+$0x0], $0xffff  }
0x260: {  	(v2sf) =	vpush v36, $0x4;
	v40 =	vor.u32 v40, v41  }
0x261: {  	v41 =	vor.u32 v1, v40  }
0x262: {  	v56 =	vor.u32 s9, v2  }
0x263: {  	v57 =	vor.u32 s3, v2  }
0x264: {  	v38 =	vmul.f32 v39, v38;
	_ =	sdelay $0x1  }
0x265: {  	[tilespmem:v41+s31+$0x0] =	vst.idx.msk $0xffff, v38  }
0x266: {  	v38 =	vld.idx.msk [tilespmem:v56+s24+$0x0], $0xffff  }
0x267: {  	v58 =	vld.idx.msk [tilespmem:v57+s26+$0x0], $0xffff;
	_ =	sdelay $0x1  }
0x268: {  	v40 =	vor.u32 v3, v40;
	_ =	sdelay $0x2  }
0x269: {  	s24 =	spop (v2sf);
	v38 =	vmul.f32 v58, v38  }
0x26a: {  	s3 =	sand.u32 $0xFFFFF80, s24  }
0x26b: {  	s22 =	simm.s32 $0x4400;
	s26 =	spop (v2sf);
	s3 =	sadd.s32 s1, s3;
	[tilespmem:v40+s31+$0x0] =	vst.idx.msk $0xffff, v38  }
0x26c: {  	[tilespmem:s22], [sflag:$0x5] =	stream.strided.gather [hbm4b:s3+s12], $0x1000, s11, s12, $0x38;
	[tilespmem:$0x14400] =	vst v63  }
0x26d: {  	s3 =	sand.u32 $0xFFFFF80, s26  }
0x26e: {  	s23 =	simm.s32 $0xC400;
	s3 =	sadd.s32 s0, s3  }
0x26f: {  	[tilespmem:s23], [sflag:$0xD] =	stream.strided.gather [hbm4b:s3+s12], $0x1000, s11, s12, $0x38;
	[tilespmem:$0x14400] =	vst v63  }
0x270: {  	_ =	swait.ge [sflag:s14], $0x1000  }
0x271: {  	s2 =	sand.u32 $0x7F, s2;
	s18 =	rddreg [dreg:$0x13]  }
0x272: {  	v59 =	vor.u32 s2, v0;
	[sflag:s14] =	ssyncset.done $0x0;
	s3 =	sand.u32 $0x7F, s18  }
0x273: {  	[sflag:s14] =	ssyncadd.s32 $0xFFFFF000;
	v60 =	vor.u32 s3, v0  }
0x274: {  	_ =	swait.ge [sflag:s15], $0x1000  }
0x275: {  	s21 =	sadd.s32 $0xFFFFFFFE, s20;
	[sflag:s15] =	ssyncset.done $0x0  }
0x276: {  	v61 =	vmov s21;
	s22 =	simm.s32 $0x5400;
	[sflag:s15] =	ssyncadd.s32 $0xFFFFF000  }
0x277: {  	v62 =	vshll.u32 v61, $0x3;
	s23 =	simm.s32 $0xD400;
	(v2sf) =	vpush v37, $0x5;
	v38 =	vld.idx.msk [tilespmem:v59+s22+$0x0], $0xffff  }
0x278: {  	v41 =	vand.u32 $0xC00, v62;
	v40 =	vand.u32 $0x7D, v61;
	v39 =	vld.idx.msk [tilespmem:v60+s23+$0x0], $0xffff  }
0x279: {  	v40 =	vor.u32 v40, v41;
	(v2sf) =	vpush v36, $0x5  }
0x27a: {  	v41 =	vor.u32 v1, v40  }
0x27b: {  	v63 =	vor.u32 s2, v2  }
0x27c: {  	v45 =	vor.u32 s3, v2  }
0x27d: {  	v38 =	vmul.f32 v39, v38;
	_ =	sdelay $0x1  }
0x27e: {  	[tilespmem:v41+s31+$0x0] =	vst.idx.msk $0xffff, v38  }
0x27f: {  	v38 =	vld.idx.msk [tilespmem:v63+s22+$0x0], $0xffff  }
0x280: {  	v46 =	vld.idx.msk [tilespmem:v45+s23+$0x0], $0xffff;
	_ =	sdelay $0x1  }
0x281: {  	v40 =	vor.u32 v3, v40;
	_ =	sdelay $0x2  }
0x282: {  	s9 =	spop (v2sf);
	v38 =	vmul.f32 v46, v38  }
0x283: {  	s2 =	sand.u32 $0xFFFFF80, s9  }
0x284: {  	s24 =	simm.s32 $0x5400;
	s14 =	spop (v2sf);
	s2 =	sadd.s32 s1, s2;
	[tilespmem:v40+s31+$0x0] =	vst.idx.msk $0xffff, v38  }
0x285: {  	[tilespmem:s24], [sflag:$0x6] =	stream.strided.gather [hbm4b:s2+s12], $0x1000, s11, s12, $0x38;
	[tilespmem:$0x14400] =	vst v63  }
0x286: {  	s2 =	sand.u32 $0xFFFFF80, s14  }
0x287: {  	s26 =	simm.s32 $0xD400;
	s2 =	sadd.s32 s0, s2  }
0x288: {  	[tilespmem:s26], [sflag:$0xE] =	stream.strided.gather [hbm4b:s2+s12], $0x1000, s11, s12, $0x38;
	[tilespmem:$0x14400] =	vst v63  }
0x289: {  	_ =	swait.ge [sflag:s10], $0x1000  }
0x28a: {  	s18 =	sand.u32 $0x7F, s4;
	s15 =	rddreg [dreg:$0x14]  }
0x28b: {  	v48 =	vor.u32 s18, v0;
	[sflag:s10] =	ssyncset.done $0x0;
	s2 =	sand.u32 $0x7F, s15  }
0x28c: {  	[sflag:s10] =	ssyncadd.s32 $0xFFFFF000;
	v47 =	vor.u32 s2, v0  }
0x28d: {  	_ =	swait.ge [sflag:s13], $0x1000  }
0x28e: {  	s21 =	sadd.s32 $0xFFFFFFFF, s20;
	[sflag:s13] =	ssyncset.done $0x0  }
0x28f: {  	v49 =	vmov s21;
	[sflag:s13] =	ssyncadd.s32 $0xFFFFF000  }
0x290: {  	v50 =	vshll.u32 v49, $0x3;
	(v2sf) =	vpush v37, $0x6;
	v39 =	vld.idx.msk [tilespmem:v48+s29+$0x0], $0xffff  }
0x291: {  	v41 =	vand.u32 $0xC00, v50;
	v40 =	vand.u32 $0x7E, v49;
	v38 =	vld.idx.msk [tilespmem:v47+s25+$0x0], $0xffff  }
0x292: {  	v40 =	vor.u32 v40, v41;
	(v2sf) =	vpush v36, $0x6  }
0x293: {  	v41 =	vor.u32 v1, v40  }
0x294: {  	v51 =	vor.u32 s2, v2  }
0x295: {  	v52 =	vor.u32 s18, v2  }
0x296: {  	v38 =	vmul.f32 v39, v38;
	_ =	sdelay $0x1  }
0x297: {  	[tilespmem:v41+s31+$0x0] =	vst.idx.msk $0xffff, v38  }
0x298: {  	v38 =	vld.idx.msk [tilespmem:v51+s25+$0x0], $0xffff  }
0x299: {  	v53 =	vld.idx.msk [tilespmem:v52+s29+$0x0], $0xffff;
	_ =	sdelay $0x1  }
0x29a: {  	v40 =	vor.u32 v3, v40;
	_ =	sdelay $0x2  }
0x29b: {  	s22 =	spop (v2sf);
	v38 =	vmul.f32 v53, v38  }
0x29c: {  	s2 =	sand.u32 $0xFFFFF80, s22  }
0x29d: {  	s23 =	spop (v2sf);
	s2 =	sadd.s32 s1, s2;
	[tilespmem:v40+s31+$0x0] =	vst.idx.msk $0xffff, v38  }
0x29e: {  	[tilespmem:s25], [sflag:$0x7] =	stream.strided.gather [hbm4b:s2+s12], $0x1000, s11, s12, $0x38;
	[tilespmem:$0x14400] =	vst v63  }
0x29f: {  	s2 =	sand.u32 $0xFFFFF80, s23  }
0x2a0: {  	s2 =	sadd.s32 s0, s2  }
0x2a1: {  	[tilespmem:s29], [sflag:$0xF] =	stream.strided.gather [hbm4b:s2+s12], $0x1000, s11, s12, $0x38;
	[tilespmem:$0x14400] =	vst v63  }
0x2a2: {  	s24 =	sand.u32 $0x7F, s6;
	_ =	swait.ge [sflag:s5], $0x1000  }
0x2a3: {  	v54 =	vor.u32 s24, v0;
	s25 =	sand.u32 $0x7F, s7;
	[sflag:s5] =	ssyncset.done $0x0  }
0x2a4: {  	v55 =	vor.u32 s25, v0;
	[sflag:s5] =	ssyncadd.s32 $0xFFFFF000  }
0x2a5: {  	_ =	swait.ge [sflag:s8], $0x1000  }
0x2a6: {  	[sflag:s8] =	ssyncset.done $0x0  }
0x2a7: {  	v56 =	vmov s20;
	[sflag:s8] =	ssyncadd.s32 $0xFFFFF000  }
0x2a8: {  	v57 =	vshll.u32 v56, $0x3;
	(v2sf) =	vpush v37, $0x7;
	v38 =	vld.idx.msk [tilespmem:v54+s16+$0x0], $0xffff  }
0x2a9: {  	v59 =	vand.u32 $0x7F, v56;
	v60 =	vand.u32 $0xC00, v57;
	v58 =	vld.idx.msk [tilespmem:v55+s17+$0x0], $0xffff  }
0x2aa: {  	v39 =	vor.u32 v59, v60;
	(v2sf) =	vpush v36, $0x7  }
0x2ab: {  	v40 =	vor.u32 v1, v39  }
0x2ac: {  	v61 =	vor.u32 s24, v2  }
0x2ad: {  	v62 =	vor.u32 s25, v2  }
0x2ae: {  	v37 =	vmul.f32 v58, v38;
	_ =	sdelay $0x1  }
0x2af: {  	[tilespmem:v40+s31+$0x0] =	vst.idx.msk $0xffff, v37  }
0x2b0: {  	v37 =	vld.idx.msk [tilespmem:v61+s16+$0x0], $0xffff  }
0x2b1: {  	v36 =	vld.idx.msk [tilespmem:v62+s17+$0x0], $0xffff;
	_ =	sdelay $0x1  }
0x2b2: {  	v63 =	vor.u32 v3, v39;
	_ =	sdelay $0x2  }
0x2b3: {  	s26 =	spop (v2sf);
	v36 =	vmul.f32 v36, v37  }
0x2b4: {  	p0 =	sne.s32 s20, $0x1EF;
	s2 =	sand.u32 $0xFFFFF80, s26  }
.Ltmp0:
0x2b5: {  	s29 =	spop (v2sf);
	[tilespmem:v63+s31+$0x0] =	vst.idx.msk $0xffff, v36;
	s2 =	sadd.s32 s1, s2;
	(pc) =	sbr.rel @p0 .LBB2_2-.Ltmp0, $4  }
0x2b6: {  	[tilespmem:s16], [sflag:$0x8] =	stream.strided.gather [hbm4b:s2+s12], $0x1000, s11, s12, $0x38;
	[tilespmem:$0x14400] =	vst v63  }
0x2b7: {  	s30 =	sadd.s32 $0x10, s30;
	s19 =	sadd.s32 $0x10, s19;
	s2 =	sand.u32 $0xFFFFF80, s29  }
0x2b8: {  	s28 =	simm.s32 $0x1;
	s20 =	sadd.s32 $0x10, s20;
	s2 =	sadd.s32 s0, s2  }
0x2b9: {  	[tilespmem:s17], [sflag:$0x10] =	stream.strided.gather [hbm4b:s2+s12], $0x1000, s11, s12, $0x38;
	[tilespmem:$0x14400] =	vst v63  }
0x2ba: {  	v37 =	vld [tilespmem:$0x1F0]  }
0x2bb: {  	v36 =	vld [tilespmem:$0x3F0];
	_ =	swait.ge [sflag:s28], $0x1000  }
0x2bc: {  	[sflag:s28] =	ssyncset.done $0x0  }
0x2bd: {  	s0 =	simm.s32 $0x9;
	[sflag:s28] =	ssyncadd.s32 $0xFFFFF000  }
0x2be: {  	_ =	swait.ge [sflag:s0], $0x1000  }
0x2bf: {  	(v2sf) =	vpush v37, $0x0  }
0x2c0: {  	(v2sf) =	vpush v36, $0x0;
	_ =	sdelay $0xd  }
0x2c1: {  	s2 =	spop (v2sf)  }
0x2c2: {  	s2 =	sand.u32 $0x7F, s2;
	s3 =	spop (v2sf)  }
0x2c3: {  	s3 =	sand.u32 $0x7F, s3;
	v38 =	vor.u32 s2, v0  }
0x2c4: {  	v39 =	vor.u32 s3, v0;
	_ =	sdelay $0x1  }
0x2c5: {  	[sflag:s0] =	ssyncset.done $0x0  }
0x2c6: {  	[sflag:s0] =	ssyncadd.s32 $0xFFFFF000  }
0x2c7: {  	s19 =	simm.s32 $0x8400;
	(v2sf) =	vpush v37, $0x8;
	v38 =	vld.idx.msk [tilespmem:v38+s12+$0x0], $0xffff  }
0x2c8: {  	(v2sf) =	vpush v36, $0x8;
	v39 =	vld.idx.msk [tilespmem:v39+s19+$0x0], $0xffff;
	_ =	sdelay $0x2  }
0x2c9: {  	v40 =	vor.u32 s2, v2  }
0x2ca: {  	v41 =	vor.u32 s3, v2  }
0x2cb: {  	v38 =	vmul.f32 v39, v38;
	_ =	sdelay $0x1  }
0x2cc: {  	[tilespmem:v4+s31+$0x0] =	vst.idx.msk $0xffff, v38  }
0x2cd: {  	v38 =	vld.idx.msk [tilespmem:v40+s12+$0x0], $0xffff  }
0x2ce: {  	v54 =	vld.idx.msk [tilespmem:v41+s19+$0x0], $0xffff;
	_ =	sdelay $0x4  }
0x2cf: {  	s2 =	spop (v2sf);
	v38 =	vmul.f32 v54, v38  }
0x2d0: {  	s1 =	rddreg [dreg:$0x2];
	s4 =	sand.u32 $0xFFFFF80, s2;
	s3 =	spop (v2sf)  }
0x2d1: {  	s28 =	rddreg [dreg:$0x3];
	s4 =	sadd.s32 s1, s4;
	s21 =	sand.u32 $0xFFFFF80, s3;
	[tilespmem:v5+s31+$0x0] =	vst.idx.msk $0xffff, v38  }
0x2d2: {  	[tilespmem:s12], [sflag:$0x1] =	stream.strided.gather [hbm4b:s4+s12], $0x1000, s11, s12, $0x38;
	[tilespmem:$0x14400] =	vst v63  }
0x2d3: {  	s20 =	simm.s32 $0x8400;
	s13 =	simm.s32 $0x2;
	s4 =	sadd.s32 s28, s21  }
0x2d4: {  	[tilespmem:s20], [sflag:$0x9] =	stream.strided.gather [hbm4b:s4+s12], $0x1000, s11, s12, $0x38;
	[tilespmem:$0x14400] =	vst v63  }
0x2d5: {  	_ =	swait.ge [sflag:s13], $0x1000  }
0x2d6: {  	[sflag:s13] =	ssyncset.done $0x0  }
0x2d7: {  	s30 =	simm.s32 $0xA;
	[sflag:s13] =	ssyncadd.s32 $0xFFFFF000  }
0x2d8: {  	_ =	swait.ge [sflag:s30], $0x1000  }
0x2d9: {  	(v2sf) =	vpush v37, $0x1  }
0x2da: {  	(v2sf) =	vpush v36, $0x1;
	_ =	sdelay $0xd  }
0x2db: {  	s22 =	spop (v2sf)  }
0x2dc: {  	s4 =	sand.u32 $0x7F, s22;
	s5 =	spop (v2sf)  }
0x2dd: {  	s5 =	sand.u32 $0x7F, s5;
	v55 =	vor.u32 s4, v0  }
0x2de: {  	v56 =	vor.u32 s5, v0;
	_ =	sdelay $0x1  }
0x2df: {  	[sflag:s30] =	ssyncset.done $0x0  }
0x2e0: {  	s23 =	simm.s32 $0x1400;
	[sflag:s30] =	ssyncadd.s32 $0xFFFFF000  }
0x2e1: {  	s6 =	simm.s32 $0x9400;
	(v2sf) =	vpush v37, $0x9;
	v38 =	vld.idx.msk [tilespmem:v55+s23+$0x0], $0xffff  }
0x2e2: {  	(v2sf) =	vpush v36, $0x9;
	v39 =	vld.idx.msk [tilespmem:v56+s6+$0x0], $0xffff;
	_ =	sdelay $0x2  }
0x2e3: {  	v57 =	vor.u32 s4, v2  }
0x2e4: {  	v58 =	vor.u32 s5, v2  }
0x2e5: {  	v38 =	vmul.f32 v39, v38;
	_ =	sdelay $0x1  }
0x2e6: {  	[tilespmem:v6+s31+$0x0] =	vst.idx.msk $0xffff, v38  }
0x2e7: {  	v38 =	vld.idx.msk [tilespmem:v57+s23+$0x0], $0xffff  }
0x2e8: {  	v59 =	vld.idx.msk [tilespmem:v58+s6+$0x0], $0xffff;
	_ =	sdelay $0x4  }
0x2e9: {  	s25 =	spop (v2sf);
	v38 =	vmul.f32 v59, v38  }
0x2ea: {  	s24 =	simm.s32 $0x9400;
	s26 =	sand.u32 $0xFFFFF80, s25;
	s29 =	spop (v2sf)  }
0x2eb: {  	[dreg:$0x15] =	wrdreg s25;
	s6 =	sadd.s32 s1, s26;
	s7 =	sand.u32 $0xFFFFF80, s29;
	[tilespmem:v7+s31+$0x0] =	vst.idx.msk $0xffff, v38  }
0x2ec: {  	[tilespmem:s23], [sflag:$0x2] =	stream.strided.gather [hbm4b:s6+s12], $0x1000, s11, s12, $0x38;
	[tilespmem:$0x14400] =	vst v63  }
0x2ed: {  	s8 =	simm.s32 $0x3;
	[dreg:$0x16] =	wrdreg s29;
	s6 =	sadd.s32 s28, s7  }
0x2ee: {  	[tilespmem:s24], [sflag:$0xA] =	stream.strided.gather [hbm4b:s6+s12], $0x1000, s11, s12, $0x38;
	[tilespmem:$0x14400] =	vst v63  }
0x2ef: {  	_ =	swait.ge [sflag:s8], $0x1000  }
0x2f0: {  	[sflag:s8] =	ssyncset.done $0x0  }
0x2f1: {  	s9 =	simm.s32 $0xB;
	[sflag:s8] =	ssyncadd.s32 $0xFFFFF000  }
0x2f2: {  	_ =	swait.ge [sflag:s9], $0x1000  }
0x2f3: {  	(v2sf) =	vpush v37, $0x2  }
0x2f4: {  	(v2sf) =	vpush v36, $0x2;
	_ =	sdelay $0xd  }
0x2f5: {  	s10 =	spop (v2sf)  }
0x2f6: {  	s6 =	sand.u32 $0x7F, s10;
	s7 =	spop (v2sf)  }
0x2f7: {  	s7 =	sand.u32 $0x7F, s7;
	v60 =	vor.u32 s6, v0  }
0x2f8: {  	v61 =	vor.u32 s7, v0;
	_ =	sdelay $0x1  }
0x2f9: {  	[sflag:s9] =	ssyncset.done $0x0  }
0x2fa: {  	s14 =	simm.s32 $0x2400;
	[sflag:s9] =	ssyncadd.s32 $0xFFFFF000  }
0x2fb: {  	s15 =	simm.s32 $0xA400;
	(v2sf) =	vpush v37, $0xA;
	v38 =	vld.idx.msk [tilespmem:v60+s14+$0x0], $0xffff  }
0x2fc: {  	(v2sf) =	vpush v36, $0xA;
	v39 =	vld.idx.msk [tilespmem:v61+s15+$0x0], $0xffff;
	_ =	sdelay $0x2  }
0x2fd: {  	v62 =	vor.u32 s6, v2  }
0x2fe: {  	v63 =	vor.u32 s7, v2  }
0x2ff: {  	v38 =	vmul.f32 v39, v38;
	_ =	sdelay $0x1  }
0x300: {  	[tilespmem:v8+s31+$0x0] =	vst.idx.msk $0xffff, v38  }
0x301: {  	v38 =	vld.idx.msk [tilespmem:v62+s14+$0x0], $0xffff  }
0x302: {  	v42 =	vld.idx.msk [tilespmem:v63+s15+$0x0], $0xffff;
	_ =	sdelay $0x4  }
0x303: {  	s6 =	spop (v2sf);
	v38 =	vmul.f32 v42, v38  }
0x304: {  	s9 =	sand.u32 $0xFFFFF80, s6;
	s7 =	spop (v2sf)  }
0x305: {  	s9 =	sadd.s32 s1, s9;
	s17 =	sand.u32 $0xFFFFF80, s7;
	[tilespmem:v9+s31+$0x0] =	vst.idx.msk $0xffff, v38  }
0x306: {  	[tilespmem:s14], [sflag:$0x3] =	stream.strided.gather [hbm4b:s9+s12], $0x1000, s11, s12, $0x38;
	[tilespmem:$0x14400] =	vst v63  }
0x307: {  	s16 =	simm.s32 $0xA400;
	s9 =	sadd.s32 s28, s17;
	s14 =	simm.s32 $0x4  }
0x308: {  	[tilespmem:s16], [sflag:$0xB] =	stream.strided.gather [hbm4b:s9+s12], $0x1000, s11, s12, $0x38;
	[tilespmem:$0x14400] =	vst v63  }
0x309: {  	_ =	swait.ge [sflag:s14], $0x1000  }
0x30a: {  	[sflag:s14] =	ssyncset.done $0x0  }
0x30b: {  	s18 =	simm.s32 $0xC;
	[sflag:s14] =	ssyncadd.s32 $0xFFFFF000  }
0x30c: {  	_ =	swait.ge [sflag:s18], $0x1000  }
0x30d: {  	(v2sf) =	vpush v37, $0x3  }
0x30e: {  	(v2sf) =	vpush v36, $0x3;
	_ =	sdelay $0xd  }
0x30f: {  	s19 =	spop (v2sf)  }
0x310: {  	s9 =	sand.u32 $0x7F, s19;
	s10 =	spop (v2sf)  }
0x311: {  	s10 =	sand.u32 $0x7F, s10;
	v43 =	vor.u32 s9, v0  }
0x312: {  	v44 =	vor.u32 s10, v0;
	_ =	sdelay $0x1  }
0x313: {  	[sflag:s18] =	ssyncset.done $0x0  }
0x314: {  	s20 =	simm.s32 $0x3400;
	[sflag:s18] =	ssyncadd.s32 $0xFFFFF000  }
0x315: {  	s21 =	simm.s32 $0xB400;
	(v2sf) =	vpush v37, $0xB;
	v38 =	vld.idx.msk [tilespmem:v43+s20+$0x0], $0xffff  }
0x316: {  	(v2sf) =	vpush v36, $0xB;
	v39 =	vld.idx.msk [tilespmem:v44+s21+$0x0], $0xffff;
	_ =	sdelay $0x2  }
0x317: {  	v45 =	vor.u32 s9, v2  }
0x318: {  	v46 =	vor.u32 s10, v2  }
0x319: {  	v38 =	vmul.f32 v39, v38;
	_ =	sdelay $0x1  }
0x31a: {  	[tilespmem:v10+s31+$0x0] =	vst.idx.msk $0xffff, v38  }
0x31b: {  	v38 =	vld.idx.msk [tilespmem:v45+s20+$0x0], $0xffff  }
0x31c: {  	v47 =	vld.idx.msk [tilespmem:v46+s21+$0x0], $0xffff;
	_ =	sdelay $0x4  }
0x31d: {  	s23 =	spop (v2sf);
	v38 =	vmul.f32 v47, v38  }
0x31e: {  	s24 =	sand.u32 $0xFFFFF80, s23;
	s10 =	spop (v2sf)  }
0x31f: {  	s22 =	simm.s32 $0xB400;
	s9 =	sadd.s32 s1, s24;
	s25 =	sand.u32 $0xFFFFF80, s10;
	[tilespmem:v11+s31+$0x0] =	vst.idx.msk $0xffff, v38  }
0x320: {  	[tilespmem:s20], [sflag:$0x4] =	stream.strided.gather [hbm4b:s9+s12], $0x1000, s11, s12, $0x38;
	[tilespmem:$0x14400] =	vst v63  }
0x321: {  	s15 =	simm.s32 $0x5;
	[dreg:$0x17] =	wrdreg s23;
	s9 =	sadd.s32 s28, s25  }
0x322: {  	[tilespmem:s22], [sflag:$0xC] =	stream.strided.gather [hbm4b:s9+s12], $0x1000, s11, s12, $0x38;
	[tilespmem:$0x14400] =	vst v63  }
0x323: {  	_ =	swait.ge [sflag:s15], $0x1000  }
0x324: {  	[sflag:s15] =	ssyncset.done $0x0  }
0x325: {  	s16 =	simm.s32 $0xD;
	[sflag:s15] =	ssyncadd.s32 $0xFFFFF000  }
0x326: {  	_ =	swait.ge [sflag:s16], $0x1000  }
0x327: {  	(v2sf) =	vpush v37, $0x4  }
0x328: {  	(v2sf) =	vpush v36, $0x4;
	_ =	sdelay $0xd  }
0x329: {  	s26 =	spop (v2sf)  }
0x32a: {  	s9 =	sand.u32 $0x7F, s26;
	s19 =	spop (v2sf)  }
0x32b: {  	s19 =	sand.u32 $0x7F, s19;
	v48 =	vor.u32 s9, v0  }
0x32c: {  	v49 =	vor.u32 s19, v0;
	_ =	sdelay $0x1  }
0x32d: {  	[sflag:s16] =	ssyncset.done $0x0  }
0x32e: {  	s29 =	simm.s32 $0x4400;
	[sflag:s16] =	ssyncadd.s32 $0xFFFFF000  }
0x32f: {  	s8 =	simm.s32 $0xC400;
	(v2sf) =	vpush v37, $0xC;
	v38 =	vld.idx.msk [tilespmem:v48+s29+$0x0], $0xffff  }
0x330: {  	(v2sf) =	vpush v36, $0xC;
	v39 =	vld.idx.msk [tilespmem:v49+s8+$0x0], $0xffff;
	_ =	sdelay $0x2  }
0x331: {  	v50 =	vor.u32 s9, v2  }
0x332: {  	v51 =	vor.u32 s19, v2  }
0x333: {  	v38 =	vmul.f32 v39, v38;
	_ =	sdelay $0x1  }
0x334: {  	[tilespmem:v12+s31+$0x0] =	vst.idx.msk $0xffff, v38  }
0x335: {  	v38 =	vld.idx.msk [tilespmem:v50+s29+$0x0], $0xffff  }
0x336: {  	v52 =	vld.idx.msk [tilespmem:v51+s8+$0x0], $0xffff;
	_ =	sdelay $0x4  }
0x337: {  	s18 =	spop (v2sf);
	v38 =	vmul.f32 v52, v38  }
0x338: {  	s19 =	sand.u32 $0xFFFFF80, s18;
	s20 =	spop (v2sf)  }
0x339: {  	s9 =	sadd.s32 s1, s19;
	s21 =	sand.u32 $0xFFFFF80, s20;
	[tilespmem:v13+s31+$0x0] =	vst.idx.msk $0xffff, v38  }
0x33a: {  	[tilespmem:s29], [sflag:$0x5] =	stream.strided.gather [hbm4b:s9+s12], $0x1000, s11, s12, $0x38;
	[tilespmem:$0x14400] =	vst v63  }
0x33b: {  	s17 =	simm.s32 $0xC400;
	[dreg:$0x18] =	wrdreg s18;
	s9 =	sadd.s32 s28, s21  }
0x33c: {  	[tilespmem:s17], [sflag:$0xD] =	stream.strided.gather [hbm4b:s9+s12], $0x1000, s11, s12, $0x38;
	[tilespmem:$0x14400] =	vst v63  }
0x33d: {  	[dreg:$0x19] =	wrdreg s20;
	s17 =	simm.s32 $0x6  }
0x33e: {  	_ =	swait.ge [sflag:s17], $0x1000  }
0x33f: {  	[sflag:s17] =	ssyncset.done $0x0  }
0x340: {  	s18 =	simm.s32 $0xE;
	[sflag:s17] =	ssyncadd.s32 $0xFFFFF000  }
0x341: {  	_ =	swait.ge [sflag:s18], $0x1000  }
0x342: {  	(v2sf) =	vpush v37, $0x5  }
0x343: {  	(v2sf) =	vpush v36, $0x5;
	_ =	sdelay $0xd  }
0x344: {  	s22 =	spop (v2sf)  }
0x345: {  	s9 =	sand.u32 $0x7F, s22;
	s21 =	spop (v2sf)  }
0x346: {  	s21 =	sand.u32 $0x7F, s21;
	v53 =	vor.u32 s9, v0  }
0x347: {  	v54 =	vor.u32 s21, v0;
	_ =	sdelay $0x1  }
0x348: {  	[sflag:s18] =	ssyncset.done $0x0  }
0x349: {  	s23 =	simm.s32 $0x5400;
	[sflag:s18] =	ssyncadd.s32 $0xFFFFF000  }
0x34a: {  	s24 =	simm.s32 $0xD400;
	(v2sf) =	vpush v37, $0xD;
	v38 =	vld.idx.msk [tilespmem:v53+s23+$0x0], $0xffff  }
0x34b: {  	(v2sf) =	vpush v36, $0xD;
	v39 =	vld.idx.msk [tilespmem:v54+s24+$0x0], $0xffff;
	_ =	sdelay $0x2  }
0x34c: {  	v55 =	vor.u32 s9, v2  }
0x34d: {  	v56 =	vor.u32 s21, v2  }
0x34e: {  	v38 =	vmul.f32 v39, v38;
	_ =	sdelay $0x1  }
0x34f: {  	[tilespmem:v14+s31+$0x0] =	vst.idx.msk $0xffff, v38  }
0x350: {  	v38 =	vld.idx.msk [tilespmem:v55+s23+$0x0], $0xffff  }
0x351: {  	v57 =	vld.idx.msk [tilespmem:v56+s24+$0x0], $0xffff;
	_ =	sdelay $0x4  }
0x352: {  	s21 =	spop (v2sf);
	v38 =	vmul.f32 v57, v38  }
0x353: {  	s26 =	sand.u32 $0xFFFFF80, s21;
	s19 =	spop (v2sf)  }
0x354: {  	s9 =	sadd.s32 s1, s26;
	s29 =	sand.u32 $0xFFFFF80, s19;
	[tilespmem:v15+s31+$0x0] =	vst.idx.msk $0xffff, v38  }
0x355: {  	[tilespmem:s23], [sflag:$0x6] =	stream.strided.gather [hbm4b:s9+s12], $0x1000, s11, s12, $0x38;
	[tilespmem:$0x14400] =	vst v63  }
0x356: {  	s5 =	simm.s32 $0x7;
	s25 =	simm.s32 $0xD400;
	s9 =	sadd.s32 s28, s29  }
0x357: {  	[tilespmem:s25], [sflag:$0xE] =	stream.strided.gather [hbm4b:s9+s12], $0x1000, s11, s12, $0x38;
	[tilespmem:$0x14400] =	vst v63  }
0x358: {  	_ =	swait.ge [sflag:s5], $0x1000  }
0x359: {  	[sflag:s5] =	ssyncset.done $0x0  }
0x35a: {  	s8 =	simm.s32 $0xF;
	[sflag:s5] =	ssyncadd.s32 $0xFFFFF000  }
0x35b: {  	_ =	swait.ge [sflag:s8], $0x1000  }
0x35c: {  	(v2sf) =	vpush v37, $0x6  }
0x35d: {  	(v2sf) =	vpush v36, $0x6;
	_ =	sdelay $0xd  }
0x35e: {  	s0 =	spop (v2sf)  }
0x35f: {  	s9 =	sand.u32 $0x7F, s0;
	s23 =	spop (v2sf)  }
0x360: {  	s23 =	sand.u32 $0x7F, s23;
	v58 =	vor.u32 s9, v0  }
0x361: {  	v59 =	vor.u32 s23, v0;
	_ =	sdelay $0x1  }
0x362: {  	[sflag:s8] =	ssyncset.done $0x0  }
0x363: {  	s20 =	simm.s32 $0x6400;
	[sflag:s8] =	ssyncadd.s32 $0xFFFFF000  }
0x364: {  	s4 =	simm.s32 $0xE400;
	(v2sf) =	vpush v37, $0xE;
	v38 =	vld.idx.msk [tilespmem:v58+s20+$0x0], $0xffff  }
0x365: {  	(v2sf) =	vpush v36, $0xE;
	v39 =	vld.idx.msk [tilespmem:v59+s4+$0x0], $0xffff;
	_ =	sdelay $0x2  }
0x366: {  	v60 =	vor.u32 s9, v2  }
0x367: {  	v61 =	vor.u32 s23, v2  }
0x368: {  	v38 =	vmul.f32 v39, v38;
	_ =	sdelay $0x1  }
0x369: {  	[tilespmem:v16+s31+$0x0] =	vst.idx.msk $0xffff, v38  }
0x36a: {  	v38 =	vld.idx.msk [tilespmem:v60+s20+$0x0], $0xffff  }
0x36b: {  	v62 =	vld.idx.msk [tilespmem:v61+s4+$0x0], $0xffff;
	_ =	sdelay $0x4  }
0x36c: {  	s23 =	spop (v2sf);
	v38 =	vmul.f32 v62, v38  }
0x36d: {  	s25 =	sand.u32 $0xFFFFF80, s23;
	s24 =	spop (v2sf)  }
0x36e: {  	s9 =	sadd.s32 s1, s25;
	s26 =	sand.u32 $0xFFFFF80, s24;
	[tilespmem:v17+s31+$0x0] =	vst.idx.msk $0xffff, v38  }
0x36f: {  	[tilespmem:s20], [sflag:$0x7] =	stream.strided.gather [hbm4b:s9+s12], $0x1000, s11, s12, $0x38;
	[tilespmem:$0x14400] =	vst v63  }
0x370: {  	s22 =	simm.s32 $0xE400;
	s0 =	simm.s32 $0x8;
	s9 =	sadd.s32 s28, s26  }
0x371: {  	[tilespmem:s22], [sflag:$0xF] =	stream.strided.gather [hbm4b:s9+s12], $0x1000, s11, s12, $0x38;
	[tilespmem:$0x14400] =	vst v63  }
0x372: {  	_ =	swait.ge [sflag:s0], $0x1000  }
0x373: {  	[sflag:s0] =	ssyncset.done $0x0  }
0x374: {  	s4 =	simm.s32 $0x10;
	[sflag:s0] =	ssyncadd.s32 $0xFFFFF000  }
0x375: {  	_ =	swait.ge [sflag:s4], $0x1000  }
0x376: {  	(v2sf) =	vpush v37, $0x7  }
0x377: {  	(v2sf) =	vpush v36, $0x7;
	_ =	sdelay $0xd  }
0x378: {  	s29 =	spop (v2sf)  }
0x379: {  	s9 =	sand.u32 $0x7F, s29;
	s25 =	spop (v2sf)  }
0x37a: {  	s25 =	sand.u32 $0x7F, s25;
	v63 =	vor.u32 s9, v0  }
0x37b: {  	v42 =	vor.u32 s25, v0;
	_ =	sdelay $0x1  }
0x37c: {  	[sflag:s4] =	ssyncset.done $0x0  }
0x37d: {  	s22 =	simm.s32 $0x7400;
	[sflag:s4] =	ssyncadd.s32 $0xFFFFF000  }
0x37e: {  	(v2sf) =	vpush v37, $0xF;
	s29 =	simm.s32 $0xF400;
	v38 =	vld.idx.msk [tilespmem:v63+s22+$0x0], $0xffff  }
0x37f: {  	(v2sf) =	vpush v36, $0xF;
	v43 =	vld.idx.msk [tilespmem:v42+s29+$0x0], $0xffff;
	_ =	sdelay $0x2  }
0x380: {  	v44 =	vor.u32 s9, v2  }
0x381: {  	v45 =	vor.u32 s25, v2  }
0x382: {  	v37 =	vmul.f32 v43, v38;
	_ =	sdelay $0x1  }
0x383: {  	[tilespmem:v18+s31+$0x0] =	vst.idx.msk $0xffff, v37  }
0x384: {  	v36 =	vld.idx.msk [tilespmem:v44+s22+$0x0], $0xffff  }
0x385: {  	v37 =	vld.idx.msk [tilespmem:v45+s29+$0x0], $0xffff;
	_ =	sdelay $0x4  }
0x386: {  	s25 =	spop (v2sf);
	v36 =	vmul.f32 v37, v36  }
0x387: {  	s9 =	sand.u32 $0xFFFFF80, s25;
	s26 =	spop (v2sf)  }
0x388: {  	s9 =	sadd.s32 s1, s9;
	s1 =	sand.u32 $0xFFFFF80, s26;
	[tilespmem:v19+s31+$0x0] =	vst.idx.msk $0xffff, v36  }
0x389: {  	[tilespmem:s22], [sflag:$0x8] =	stream.strided.gather [hbm4b:s9+s12], $0x1000, s11, s12, $0x38;
	[tilespmem:$0x14400] =	vst v63  }
0x38a: {  	s9 =	sadd.s32 s28, s1;
	s28 =	simm.s32 $0x1  }
0x38b: {  	[tilespmem:s29], [sflag:$0x10] =	stream.strided.gather [hbm4b:s9+s12], $0x1000, s11, s12, $0x38;
	[tilespmem:$0x14400] =	vst v63  }
0x38c: {  	s2 =	sand.u32 $0x7F, s2;
	_ =	swait.ge [sflag:s28], $0x1000  }
0x38d: {  	s3 =	sand.u32 $0x7F, s3;
	v46 =	vor.u32 s2, v0;
	[sflag:s28] =	ssyncset.done $0x0  }
0x38e: {  	v47 =	vor.u32 s3, v0;
	s9 =	simm.s32 $0x9;
	[sflag:s28] =	ssyncadd.s32 $0xFFFFF000  }
0x38f: {  	_ =	swait.ge [sflag:s9], $0x1000  }
0x390: {  	[sflag:s9] =	ssyncset.done $0x0  }
0x391: {  	[sflag:s9] =	ssyncadd.s32 $0xFFFFF000  }
0x392: {  	s1 =	simm.s32 $0x8400;
	v36 =	vld.idx.msk [tilespmem:v46+s12+$0x0], $0xffff  }
0x393: {  	v37 =	vld.idx.msk [tilespmem:v47+s1+$0x0], $0xffff;
	_ =	sdelay $0x2  }
0x394: {  	v48 =	vor.u32 s2, v2  }
0x395: {  	v49 =	vor.u32 s3, v2  }
0x396: {  	v36 =	vmul.f32 v37, v36;
	_ =	sdelay $0x1  }
0x397: {  	[tilespmem:v20+s31+$0x0] =	vst.idx.msk $0xffff, v36  }
0x398: {  	v36 =	vld.idx.msk [tilespmem:v48+s12+$0x0], $0xffff  }
0x399: {  	v50 =	vld.idx.msk [tilespmem:v49+s1+$0x0], $0xffff;
	_ =	sdelay $0x4  }
0x39a: {  	v36 =	vmul.f32 v50, v36;
	_ =	sdelay $0x1  }
0x39b: {  	[tilespmem:v21+s31+$0x0] =	vst.idx.msk $0xffff, v36  }
0x39c: {  	_ =	swait.ge [sflag:s13], $0x1000  }
0x39d: {  	s2 =	rddreg [dreg:$0x15]  }
0x39e: {  	s3 =	rddreg [dreg:$0x16];
	s2 =	sand.u32 $0x7F, s2  }
0x39f: {  	[sflag:s13] =	ssyncset.done $0x0;
	s3 =	sand.u32 $0x7F, s3;
	v51 =	vor.u32 s2, v0  }
0x3a0: {  	[sflag:s13] =	ssyncadd.s32 $0xFFFFF000;
	v52 =	vor.u32 s3, v0  }
0x3a1: {  	_ =	swait.ge [sflag:s30], $0x1000  }
0x3a2: {  	[sflag:s30] =	ssyncset.done $0x0  }
0x3a3: {  	s13 =	simm.s32 $0x1400;
	[sflag:s30] =	ssyncadd.s32 $0xFFFFF000  }
0x3a4: {  	s1 =	simm.s32 $0x9400;
	v36 =	vld.idx.msk [tilespmem:v51+s13+$0x0], $0xffff  }
0x3a5: {  	v37 =	vld.idx.msk [tilespmem:v52+s1+$0x0], $0xffff;
	_ =	sdelay $0x2  }
0x3a6: {  	v53 =	vor.u32 s2, v2  }
0x3a7: {  	v54 =	vor.u32 s3, v2  }
0x3a8: {  	v36 =	vmul.f32 v37, v36;
	_ =	sdelay $0x1  }
0x3a9: {  	[tilespmem:v22+s31+$0x0] =	vst.idx.msk $0xffff, v36  }
0x3aa: {  	v36 =	vld.idx.msk [tilespmem:v53+s13+$0x0], $0xffff  }
0x3ab: {  	v55 =	vld.idx.msk [tilespmem:v54+s1+$0x0], $0xffff;
	_ =	sdelay $0x4  }
0x3ac: {  	v36 =	vmul.f32 v55, v36;
	_ =	sdelay $0x1  }
0x3ad: {  	s3 =	simm.s32 $0x3;
	[tilespmem:v23+s31+$0x0] =	vst.idx.msk $0xffff, v36  }
0x3ae: {  	s2 =	sand.u32 $0x7F, s6;
	_ =	swait.ge [sflag:s3], $0x1000  }
0x3af: {  	s6 =	sand.u32 $0x7F, s7;
	v56 =	vor.u32 s2, v0;
	[sflag:s3] =	ssyncset.done $0x0;
	s3 =	simm.s32 $0x3  }
0x3b0: {  	s7 =	simm.s32 $0xB;
	v57 =	vor.u32 s6, v0;
	[sflag:s3] =	ssyncadd.s32 $0xFFFFF000  }
0x3b1: {  	_ =	swait.ge [sflag:s7], $0x1000  }
0x3b2: {  	[sflag:s7] =	ssyncset.done $0x0  }
0x3b3: {  	[sflag:s7] =	ssyncadd.s32 $0xFFFFF000;
	s7 =	simm.s32 $0x2400  }
0x3b4: {  	s1 =	simm.s32 $0xA400;
	v36 =	vld.idx.msk [tilespmem:v56+s7+$0x0], $0xffff  }
0x3b5: {  	v37 =	vld.idx.msk [tilespmem:v57+s1+$0x0], $0xffff;
	_ =	sdelay $0x2  }
0x3b6: {  	v58 =	vor.u32 s2, v2  }
0x3b7: {  	v59 =	vor.u32 s6, v2  }
0x3b8: {  	v36 =	vmul.f32 v37, v36;
	_ =	sdelay $0x1  }
0x3b9: {  	[tilespmem:v24+s31+$0x0] =	vst.idx.msk $0xffff, v36  }
0x3ba: {  	v36 =	vld.idx.msk [tilespmem:v58+s7+$0x0], $0xffff  }
0x3bb: {  	v60 =	vld.idx.msk [tilespmem:v59+s1+$0x0], $0xffff;
	_ =	sdelay $0x4  }
0x3bc: {  	v36 =	vmul.f32 v60, v36;
	_ =	sdelay $0x1  }
0x3bd: {  	[tilespmem:v25+s31+$0x0] =	vst.idx.msk $0xffff, v36  }
0x3be: {  	_ =	swait.ge [sflag:s14], $0x1000  }
0x3bf: {  	s10 =	sand.u32 $0x7F, s10;
	s2 =	rddreg [dreg:$0x17]  }
0x3c0: {  	v62 =	vor.u32 s10, v0;
	[sflag:s14] =	ssyncset.done $0x0;
	s3 =	sand.u32 $0x7F, s2  }
0x3c1: {  	[sflag:s14] =	ssyncadd.s32 $0xFFFFF000;
	s14 =	simm.s32 $0xC;
	v61 =	vor.u32 s3, v0  }
0x3c2: {  	_ =	swait.ge [sflag:s14], $0x1000  }
0x3c3: {  	[sflag:s14] =	ssyncset.done $0x0  }
0x3c4: {  	s1 =	simm.s32 $0xB400;
	[sflag:s14] =	ssyncadd.s32 $0xFFFFF000  }
0x3c5: {  	s14 =	simm.s32 $0x3400;
	v37 =	vld.idx.msk [tilespmem:v62+s1+$0x0], $0xffff  }
0x3c6: {  	v36 =	vld.idx.msk [tilespmem:v61+s14+$0x0], $0xffff;
	_ =	sdelay $0x2  }
0x3c7: {  	v63 =	vor.u32 s3, v2  }
0x3c8: {  	v42 =	vor.u32 s10, v2  }
0x3c9: {  	v36 =	vmul.f32 v37, v36;
	_ =	sdelay $0x1  }
0x3ca: {  	[tilespmem:v26+s31+$0x0] =	vst.idx.msk $0xffff, v36  }
0x3cb: {  	v36 =	vld.idx.msk [tilespmem:v63+s14+$0x0], $0xffff  }
0x3cc: {  	v43 =	vld.idx.msk [tilespmem:v42+s1+$0x0], $0xffff;
	_ =	sdelay $0x4  }
0x3cd: {  	v36 =	vmul.f32 v43, v36;
	_ =	sdelay $0x1  }
0x3ce: {  	[tilespmem:v27+s31+$0x0] =	vst.idx.msk $0xffff, v36  }
0x3cf: {  	_ =	swait.ge [sflag:s15], $0x1000  }
0x3d0: {  	s2 =	rddreg [dreg:$0x18]  }
0x3d1: {  	s3 =	rddreg [dreg:$0x19];
	s2 =	sand.u32 $0x7F, s2  }
0x3d2: {  	[sflag:s15] =	ssyncset.done $0x0;
	s3 =	sand.u32 $0x7F, s3;
	v44 =	vor.u32 s2, v0  }
0x3d3: {  	[sflag:s15] =	ssyncadd.s32 $0xFFFFF000;
	v45 =	vor.u32 s3, v0  }
0x3d4: {  	_ =	swait.ge [sflag:s16], $0x1000  }
0x3d5: {  	[sflag:s16] =	ssyncset.done $0x0  }
0x3d6: {  	[sflag:s16] =	ssyncadd.s32 $0xFFFFF000;
	s16 =	simm.s32 $0x4400  }
0x3d7: {  	s1 =	simm.s32 $0xC400;
	v36 =	vld.idx.msk [tilespmem:v44+s16+$0x0], $0xffff  }
0x3d8: {  	v37 =	vld.idx.msk [tilespmem:v45+s1+$0x0], $0xffff;
	_ =	sdelay $0x2  }
0x3d9: {  	v46 =	vor.u32 s2, v2  }
0x3da: {  	v47 =	vor.u32 s3, v2  }
0x3db: {  	v36 =	vmul.f32 v37, v36;
	_ =	sdelay $0x1  }
0x3dc: {  	[tilespmem:v28+s31+$0x0] =	vst.idx.msk $0xffff, v36  }
0x3dd: {  	v36 =	vld.idx.msk [tilespmem:v46+s16+$0x0], $0xffff  }
0x3de: {  	v48 =	vld.idx.msk [tilespmem:v47+s1+$0x0], $0xffff;
	_ =	sdelay $0x4  }
0x3df: {  	v36 =	vmul.f32 v48, v36;
	_ =	sdelay $0x1  }
0x3e0: {  	[tilespmem:v29+s31+$0x0] =	vst.idx.msk $0xffff, v36  }
0x3e1: {  	s3 =	sand.u32 $0x7F, s21;
	_ =	swait.ge [sflag:s17], $0x1000  }
0x3e2: {  	v49 =	vor.u32 s3, v0;
	s1 =	sand.u32 $0x7F, s19;
	[sflag:s17] =	ssyncset.done $0x0  }
0x3e3: {  	v50 =	vor.u32 s1, v0;
	[sflag:s17] =	ssyncadd.s32 $0xFFFFF000  }
0x3e4: {  	_ =	swait.ge [sflag:s18], $0x1000  }
0x3e5: {  	[sflag:s18] =	ssyncset.done $0x0  }
0x3e6: {  	s19 =	simm.s32 $0x5400;
	[sflag:s18] =	ssyncadd.s32 $0xFFFFF000  }
0x3e7: {  	s21 =	simm.s32 $0xD400;
	v36 =	vld.idx.msk [tilespmem:v49+s19+$0x0], $0xffff  }
0x3e8: {  	v37 =	vld.idx.msk [tilespmem:v50+s21+$0x0], $0xffff;
	_ =	sdelay $0x2  }
0x3e9: {  	v51 =	vor.u32 s3, v2  }
0x3ea: {  	v52 =	vor.u32 s1, v2  }
0x3eb: {  	v36 =	vmul.f32 v37, v36;
	_ =	sdelay $0x1  }
0x3ec: {  	[tilespmem:v30+s31+$0x0] =	vst.idx.msk $0xffff, v36  }
0x3ed: {  	v36 =	vld.idx.msk [tilespmem:v51+s19+$0x0], $0xffff  }
0x3ee: {  	v53 =	vld.idx.msk [tilespmem:v52+s21+$0x0], $0xffff;
	_ =	sdelay $0x4  }
0x3ef: {  	v36 =	vmul.f32 v53, v36;
	_ =	sdelay $0x1  }
0x3f0: {  	[tilespmem:v31+s31+$0x0] =	vst.idx.msk $0xffff, v36  }
0x3f1: {  	s23 =	sand.u32 $0x7F, s23;
	_ =	swait.ge [sflag:s5], $0x1000  }
0x3f2: {  	v54 =	vor.u32 s23, v0;
	s1 =	sand.u32 $0x7F, s24;
	[sflag:s5] =	ssyncset.done $0x0  }
0x3f3: {  	v55 =	vor.u32 s1, v0;
	[sflag:s5] =	ssyncadd.s32 $0xFFFFF000  }
0x3f4: {  	_ =	swait.ge [sflag:s8], $0x1000  }
0x3f5: {  	[sflag:s8] =	ssyncset.done $0x0  }
0x3f6: {  	[sflag:s8] =	ssyncadd.s32 $0xFFFFF000  }
0x3f7: {  	s5 =	simm.s32 $0xE400;
	v36 =	vld.idx.msk [tilespmem:v54+s20+$0x0], $0xffff  }
0x3f8: {  	v37 =	vld.idx.msk [tilespmem:v55+s5+$0x0], $0xffff;
	_ =	sdelay $0x2  }
0x3f9: {  	v56 =	vor.u32 s23, v2  }
0x3fa: {  	v57 =	vor.u32 s1, v2  }
0x3fb: {  	v36 =	vmul.f32 v37, v36;
	_ =	sdelay $0x1  }
0x3fc: {  	[tilespmem:v32+s31+$0x0] =	vst.idx.msk $0xffff, v36  }
0x3fd: {  	v36 =	vld.idx.msk [tilespmem:v56+s20+$0x0], $0xffff  }
0x3fe: {  	v58 =	vld.idx.msk [tilespmem:v57+s5+$0x0], $0xffff;
	_ =	sdelay $0x4  }
0x3ff: {  	v36 =	vmul.f32 v58, v36;
	_ =	sdelay $0x1  }
0x400: {  	[tilespmem:v33+s31+$0x0] =	vst.idx.msk $0xffff, v36  }
0x401: {  	s8 =	sand.u32 $0x7F, s25;
	_ =	swait.ge [sflag:s0], $0x1000  }
0x402: {  	s21 =	sand.u32 $0x7F, s26;
	v59 =	vor.u32 s8, v0;
	[sflag:s0] =	ssyncset.done $0x0  }
0x403: {  	v60 =	vor.u32 s21, v0;
	[sflag:s0] =	ssyncadd.s32 $0xFFFFF000  }
0x404: {  	_ =	swait.ge [sflag:s4], $0x1000  }
0x405: {  	[sflag:s4] =	ssyncset.done $0x0  }
0x406: {  	[sflag:s4] =	ssyncadd.s32 $0xFFFFF000  }
0x407: {  	v36 =	vld.idx.msk [tilespmem:v59+s22+$0x0], $0xffff  }
0x408: {  	v37 =	vld.idx.msk [tilespmem:v60+s29+$0x0], $0xffff;
	_ =	sdelay $0x2  }
0x409: {  	v61 =	vor.u32 s8, v2  }
0x40a: {  	v62 =	vor.u32 s21, v2  }
0x40b: {  	v36 =	vmul.f32 v37, v36;
	_ =	sdelay $0x1  }
0x40c: {  	[tilespmem:v34+s31+$0x0] =	vst.idx.msk $0xffff, v36  }
0x40d: {  	v36 =	vld.idx.msk [tilespmem:v61+s22+$0x0], $0xffff  }
0x40e: {  	v63 =	vld.idx.msk [tilespmem:v62+s29+$0x0], $0xffff;
	_ =	sdelay $0x4  }
0x40f: {  	v36 =	vmul.f32 v63, v36  }
0x410: {  	s24 =	simm.s32 $0x1000  }
0x411: {  	s25 =	simm.s32 $0x20000;
	s5 =	simm.s32 $0x11;
	s23 =	rddreg [dreg:$0x8];
	[tilespmem:v35+s31+$0x0] =	vst.idx.msk $0xffff, v36  }
0x412: {  	[hbm4b:s23+s24] =	stream.strided.scatter [tilespmem:s31], [sflag:$0x11], $0x4000, s25, s24, $0x38;
	[tilespmem:$0x14400] =	vst v63  }
0x413: {  	_ =	swait.ge [sflag:s5], $0x4000  }
0x414: {  	s26 =	rddreg [dreg:$0xa]  }
0x415: {  	s10 =	simm.s32 $0x3400;
	s29 =	rddreg [dreg:$0x9];
	s0 =	sadd.s32 $0x1, s26  }
0x416: {  	s9 =	simm.s32 $0x8400;
	s6 =	simm.s32 $0x2400;
	p0 =	sne.s32 s0, s29  }
.Ltmp1:
0x417: {  	s30 =	simm.s32 $0x1400;
	s13 =	simm.s32 $0x9400;
	(pc) =	sbr.rel @p0 .LBB2_1-.Ltmp1, $4  }
0x418: {  	s7 =	simm.s32 $0xA400;
	s14 =	simm.s32 $0xB400;
	s15 =	simm.s32 $0x4400  }
0x419: {  	s16 =	simm.s32 $0xC400;
	s17 =	simm.s32 $0x5400;
	s18 =	simm.s32 $0xD400  }
0x41a: {  	s19 =	simm.s32 $0x6400;
	s21 =	simm.s32 $0x7400;
	[sflag:s5] =	ssyncset.done $0x0  }
0x41b: {  	s20 =	simm.s32 $0xE400;
	s22 =	simm.s32 $0xF400;
	[sflag:s5] =	ssyncadd.s32 $0xFFFFC000  }
0x41c: {  	_ =	sfence.sel $0x180000  }
0x41d: {  	[bflag:$0x0] =	sbarrier.arrive $0xFFFF  }
0x41e: {  	_ =	strace $0x90000047  }
0x41f: {  	s0 =	stileid.u32;
	[bflag:$0x2] =	sbarrier.arrive $0xFFFF  }
0x420: {  	p0 =	sne.s32 s0, $0x0;
	s0 =	rddreg [dreg:$0x5]  }
0x421: {  	s0 =	sadd.s32 @!p0 $0x100000, s0  }
0x422: {  	[sflag:s0] =	ssyncadd.tile.s32 @!p0 $0x1;
	_ =	shalt  }
.Lfunc_end2:
_tile_overlayer_lowered:
.L_overlay_start_2:
0x423: {  	(tag) =	ssettag $0x2  }
0x424: {  	s0 =	rddreg [dreg:$0x0];
	s2 =	stileid.u32  }
0x425: {  	s1 =	rddreg [dreg:$0x1];
	p0 =	sne.s32 s2, $0x0  }
0x426: {  	s3 =	rddreg [dreg:$0x2];
	[bflag:$0x3] =	sbarrier.arrive $0xFFFF;
	s2 =	simm.s32 @!p0 $0x1C11  }
0x427: {  	[timem:s3], [sflag:s2] =	dma.local @!p0 [hbm:s0], s1  }
0x428: {  	s0 =	simm.s32 @!p0 $0x11  }
0x429: {  	_ =	swait.ge @!p0 [sflag:s0], s1  }
0x42a: {  	s1 =	ssub.s32 @!p0 $0x0, s1;
	[sflag:s0] =	ssyncset.done @!p0 $0x0  }
0x42b: {  	[sflag:s0] =	ssyncadd.s32 @!p0 s1  }
0x42c: {  	[bflag:$0x3] =	sbarrier.arrive $0xFFFF  }
0x42d: {  	_ =	shalt  }

</sc_bundles>
